<compile_context>
chip_gen: v7x
topology: tpu7x:2x2x1
jax: 0.10.2.dev20260603
libtpu: 0.0.44.dev20260713+nightly
codegen_flags: <defaults>
</compile_context>

<pallas_src>
import functools

import jax
import jax.numpy as jnp
from jax import lax
from jax.experimental import pallas as pl
from jax.experimental.pallas import tpu as pltpu
from jax.experimental.pallas import tpu_sc as plsc

N = 10000
E = 320000
D = 128
M = 8192

NC = 2
NS = 16
NW = NC * NS
NPAD = 10240

EW = E // NW
CHUNK = 80
KC = EW // CHUNK
KC2 = 128
GR = 32
CHUNKB = 128
KCB = 80
GRB = 16
TRASH = NPAD
ACC = NPAD + 16
TROWS = NPAD // NS

_f32 = jnp.float32
_i32 = jnp.int32


def _sc_mesh():
    return plsc.VectorSubcoreMesh(core_axis_name="c", subcore_axis_name="s")


def _agg_core(src_hbm, dst_hbm, eprev_hbm, agg_hbm, deg_hbm,
              srcg_v, dstg_v, rows, deg_v, agg_sh, sg, ss, chunk, gr, kc2):
    c = lax.axis_index("c")
    s = lax.axis_index("s")
    wid = c * NS + s

    zero16 = jnp.zeros((16,), _f32)
    one16 = jnp.ones((16,), _f32)

    def _fill_rows(k, _):
        for j in range(D // 16):
            rows[0][k, pl.ds(j * 16, 16)] = zero16
        return 0
    lax.fori_loop(0, chunk, _fill_rows, 0)

    if deg_v is not None:
        def _fill_deg(k, _):
            deg_v[pl.ds(k * 16, 16)] = zero16
            return 0
        lax.fori_loop(0, ACC // 16, _fill_deg, 0)

    nt = TROWS // chunk
    zcps = [pltpu.async_copy(
        rows[0], agg_sh.at[pl.ds(s * TROWS + t * chunk, chunk)], sg[0])
        for t in range(nt)]

    @pl.when(s == NS - 1)
    def _zero_trash():
        pltpu.sync_copy(rows[0].at[pl.ds(0, 16)], agg_sh.at[pl.ds(NPAD, 16)])

    for cp in zcps:
        cp.wait()
    plsc.subcore_barrier()

    def _group(g, _):
        pltpu.sync_copy(src_hbm.at[wid, pl.ds(g * gr, gr)], srcg_v)
        pltpu.sync_copy(dst_hbm.at[wid, pl.ds(g * gr, gr)], dstg_v)
        cp0 = pltpu.async_copy(eprev_hbm.at[srcg_v.at[0]], rows[0], sg[0])
        cp1 = pltpu.async_copy(eprev_hbm.at[srcg_v.at[1]], rows[1], sg[1])
        del cp0, cp1

        def _pair(i, _):
            for b in (0, 1):
                j = 2 * i + b
                pltpu.make_async_copy(eprev_hbm.at[srcg_v.at[j]],
                                      rows[b], sg[b]).wait()
                if deg_v is not None:
                    for l in range(chunk // 16):
                        dvec = dstg_v[j, pl.ds(l * 16, 16)]
                        plsc.addupdate_scatter(deg_v, [dvec], one16)
                pltpu.async_copy(rows[b], agg_sh.at[dstg_v.at[j]], ss[b],
                                 add=True).wait()

                @pl.when(i < gr // 2 - 1)
                def _issue_next():
                    pltpu.async_copy(eprev_hbm.at[srcg_v.at[j + 2]],
                                     rows[b], sg[b])
            return 0
        lax.fori_loop(0, gr // 2, _pair, 0)
        return 0
    lax.fori_loop(0, kc2 // gr, _group, 0)
    if deg_v is not None:
        pltpu.sync_copy(deg_v.at[pl.ds(0, NPAD)], deg_hbm.at[wid])
    plsc.subcore_barrier()

    def _slab(t):
        return pl.ds(s * TROWS + t * chunk, chunk)

    h_in = {t: pltpu.async_copy(agg_sh.at[_slab(t)], rows[t % 2], sg[t % 2])
            for t in range(min(2, nt))}
    h_out = {}
    for t in range(nt):
        b = t % 2
        h_in[t].wait()
        h_out[t] = pltpu.async_copy(rows[b], agg_hbm.at[c, _slab(t)], ss[b])
        if t + 2 < nt:
            h_out[t].wait()
            h_in[t + 2] = pltpu.async_copy(agg_sh.at[_slab(t + 2)],
                                           rows[b], sg[b])
    for t in range(max(0, nt - 2), nt):
        h_out[t].wait()


def _agg_body_deg(src_hbm, dst_hbm, eprev_hbm, agg_hbm, deg_hbm,
                  srcg_v, dstg_v, rows0_v, rows1_v, deg_v, agg_sh,
                  sg0, sg1, ss0, ss1):
    _agg_core(src_hbm, dst_hbm, eprev_hbm, agg_hbm, deg_hbm,
              srcg_v, dstg_v, (rows0_v, rows1_v), deg_v, agg_sh,
              (sg0, sg1), (ss0, ss1), CHUNK, GR, KC2)


def _agg_body_nodeg(src_hbm, dst_hbm, eprev_hbm, agg_hbm,
                    srcg_v, dstg_v, rows0_v, rows1_v, agg_sh,
                    sg0, sg1, ss0, ss1):
    _agg_core(src_hbm, dst_hbm, eprev_hbm, agg_hbm, None,
              srcg_v, dstg_v, (rows0_v, rows1_v), None, agg_sh,
              (sg0, sg1), (ss0, ss1), CHUNKB, GRB, KCB)


@functools.lru_cache(maxsize=None)
def _make_aggregate(with_deg):
    out_type = [jax.ShapeDtypeStruct((NC, NPAD, D), _f32)]
    chunk, gr = (CHUNK, GR) if with_deg else (CHUNKB, GRB)
    scratch = [
        pltpu.VMEM((gr, chunk), _i32),
        pltpu.VMEM((gr, chunk), _i32),
        pltpu.VMEM((chunk, D), _f32),
        pltpu.VMEM((chunk, D), _f32),
    ]
    if with_deg:
        out_type.append(jax.ShapeDtypeStruct((NW, NPAD), _f32))
        scratch.append(pltpu.VMEM((ACC,), _f32))
    scratch += [
        pltpu.VMEM_SHARED((ACC, D), _f32),
        pltpu.SemaphoreType.DMA,
        pltpu.SemaphoreType.DMA,
        pltpu.SemaphoreType.DMA,
        pltpu.SemaphoreType.DMA,
    ]
    return functools.partial(
        pl.kernel,
        mesh=_sc_mesh(),
        out_type=out_type,
        scratch_types=scratch,
        compiler_params=pltpu.CompilerParams(needs_layout_passes=False),
    )(_agg_body_deg if with_deg else _agg_body_nodeg)


R = 1024
JT = 512
NJ = M // JT


def _vq_body(p_ref, deg_ref, w1_ref, b1_ref, w2_ref, b2_ref, cb_ref, csq_ref,
             cbhi_ref, cbmid_ref, cblo_ref, idx_ref, q_ref):
    agg = (p_ref[0] + p_ref[1]) / deg_ref[...]
    h1 = jnp.maximum(
        jnp.dot(agg, w1_ref[...], preferred_element_type=_f32) + b1_ref[...],
        0.0)
    h = jnp.dot(h1, w2_ref[...], preferred_element_type=_f32) + b2_ref[...]
    hsq = jnp.sum(h * h, axis=1, keepdims=True)
    best_d = jnp.full((R, 1), jnp.inf, dtype=_f32)
    best_i = jnp.zeros((R, 1), _i32)
    lane0 = lax.broadcasted_iota(_i32, (R, JT), 1)
    for j in range(NJ):
        cbt = cb_ref[j * JT:(j + 1) * JT, :]
        sc = lax.dot_general(h, cbt, (((1,), (1,)), ((), ())),
                             preferred_element_type=_f32)
        d2 = (hsq - 2.0 * sc) + csq_ref[:, j * JT:(j + 1) * JT]
        tmin = jnp.min(d2, axis=1, keepdims=True)
        targ = jnp.min(jnp.where(d2 <= tmin, lane0, jnp.int32(2 ** 30)),
                       axis=1, keepdims=True) + j * JT
        upd = tmin < best_d
        best_d = jnp.where(upd, tmin, best_d)
        best_i = jnp.where(upd, targ, best_i)
    idx_ref[...] = best_i
    q = jnp.zeros((R, D), _f32)
    nn = (((1,), (0,)), ((), ()))
    for j in range(NJ):
        sl = pl.ds(j * JT, JT)
        onehot = (best_i - j * JT == lane0).astype(jnp.bfloat16)
        qh = lax.dot_general(onehot, cbhi_ref[sl, :], nn,
                             preferred_element_type=_f32)
        qm = lax.dot_general(onehot, cbmid_ref[sl, :], nn,
                             preferred_element_type=_f32)
        ql = lax.dot_general(onehot, cblo_ref[sl, :], nn,
                             preferred_element_type=_f32)
        q = q + ((qh + qm) + ql)
    q_ref[...] = q


def _split3(cb):
    hi = cb.astype(jnp.bfloat16)
    r1 = cb - hi.astype(_f32)
    mid = r1.astype(jnp.bfloat16)
    lo = (r1 - mid.astype(_f32)).astype(jnp.bfloat16)
    return hi, mid, lo


def _mlp_vq(p, degb, w1, b1, w2, b2, cb, csq):
    cbhi, cbmid, cblo = _split3(cb)
    return pl.pallas_call(
        _vq_body,
        grid=(NPAD // R,),
        in_specs=[
            pl.BlockSpec((NC, R, D), lambda i: (0, i, 0)),
            pl.BlockSpec((R, 1), lambda i: (i, 0)),
            pl.BlockSpec((D, D), lambda i: (0, 0)),
            pl.BlockSpec((1, D), lambda i: (0, 0)),
            pl.BlockSpec((D, D), lambda i: (0, 0)),
            pl.BlockSpec((1, D), lambda i: (0, 0)),
            pl.BlockSpec((M, D), lambda i: (0, 0)),
            pl.BlockSpec((1, M), lambda i: (0, 0)),
            pl.BlockSpec((M, D), lambda i: (0, 0)),
            pl.BlockSpec((M, D), lambda i: (0, 0)),
            pl.BlockSpec((M, D), lambda i: (0, 0)),
        ],
        out_specs=[
            pl.BlockSpec((R, 1), lambda i: (i, 0)),
            pl.BlockSpec((R, D), lambda i: (i, 0)),
        ],
        out_shape=[
            jax.ShapeDtypeStruct((NPAD, 1), _i32),
            jax.ShapeDtypeStruct((NPAD, D), _f32),
        ],
        compiler_params=pltpu.CompilerParams(
            dimension_semantics=("parallel",)),
    )(p, degb, w1, b1, w2, b2, cb, csq, cbhi, cbmid, cblo)


def kernel(X, edge_index, W1_0, b1_0, W2_0, b2_0, W1_1, b1_1, W2_1, b2_1,
           codebooks):
    srcw = edge_index[0].reshape(NW, EW)
    dstw = edge_index[1].reshape(NW, EW)
    src2 = jnp.pad(srcw.reshape(NW, KC, CHUNK),
                   ((0, 0), (0, KC2 - KC), (0, 0)))
    dst2 = jnp.pad(dstw.reshape(NW, KC, CHUNK),
                   ((0, 0), (0, KC2 - KC), (0, 0)), constant_values=TRASH)
    padb = KCB * CHUNKB - EW
    src2b = jnp.pad(srcw, ((0, 0), (0, padb))).reshape(NW, KCB, CHUNKB)
    dst2b = jnp.pad(dstw, ((0, 0), (0, padb)),
                    constant_values=TRASH).reshape(NW, KCB, CHUNKB)
    cb0 = codebooks[0]
    cb1 = codebooks[1]
    csq0 = jnp.sum(cb0 * cb0, axis=1)[None, :]
    csq1 = jnp.sum(cb1 * cb1, axis=1)[None, :]
    b1_0r = b1_0.reshape(1, D)
    b2_0r = b2_0.reshape(1, D)
    b1_1r = b1_1.reshape(1, D)
    b2_1r = b2_1.reshape(1, D)

    _aggregate0 = _make_aggregate(True)
    _aggregate1 = _make_aggregate(False)

    aggp0, degp = _aggregate0(src2, dst2, X)
    degb = jnp.maximum(jnp.sum(degp, axis=0), 1.0)[:, None]
    idx0, q0 = _mlp_vq(aggp0, degb, W1_0, b1_0r, W2_0, b2_0r, cb0, csq0)

    (aggp1,) = _aggregate1(src2b, dst2b, q0)
    idx1, q1 = _mlp_vq(aggp1, degb, W1_1, b1_1r, W2_1, b2_1r, cb1, csq1)

    return (idx0[:N, 0], idx1[:N, 0], q1[:N])

# --- scband reference (transcript-rebuilt; emitter-appended) ---
"""Pipeline reference for scband-graph-tokenizer-47055661695548 (READ-ONLY COPY).

The authoritative reference and input builder live on the scoring server;
editing this copy changes nothing except your own understanding.
"""

import jax, jax.numpy as jnp
import numpy as np

N = 10000
E_EDGES = 320000
D = 128
H = 128
K = 2
M = 8192


def setup_inputs(seed: int = 0) -> dict:
    key = jax.random.key(seed)
    ks = jax.random.split(key, 12)
    X = jax.random.normal(ks[0], (N, D), dtype=jnp.float32)
    edge_index = jax.random.randint(ks[1], (2, E_EDGES), 0, N)
    s = 0.02
    W1_0 = jax.random.normal(ks[2], (D, H), dtype=jnp.float32) * s
    b1_0 = jnp.zeros((H,), jnp.float32)
    W2_0 = jax.random.normal(ks[3], (H, H), dtype=jnp.float32) * s
    b2_0 = jnp.zeros((H,), jnp.float32)
    W1_1 = jax.random.normal(ks[4], (H, H), dtype=jnp.float32) * s
    b1_1 = jnp.zeros((H,), jnp.float32)
    W2_1 = jax.random.normal(ks[5], (H, H), dtype=jnp.float32) * s
    b2_1 = jnp.zeros((H,), jnp.float32)
    codebooks = jax.random.normal(ks[6], (K, M, H), dtype=jnp.float32)
    return {"X": X, "edge_index": edge_index,
            "W1_0": W1_0, "b1_0": b1_0, "W2_0": W2_0, "b2_0": b2_0,
            "W1_1": W1_1, "b1_1": b1_1, "W2_1": W2_1, "b2_1": b2_1,
            "codebooks": codebooks}


def _gnn_encoder(e_prev, edge_index, W1, b1, W2, b2):
    # mean aggregation over (sampled) neighbors, then 2-layer MLP
    src = edge_index[0]
    dst = edge_index[1]
    msgs = jnp.take(e_prev, src, axis=0)                      # gather [E, d]
    agg = jax.ops.segment_sum(msgs, dst, num_segments=N)      # scatter-add
    deg = jax.ops.segment_sum(jnp.ones((edge_index.shape[1],), jnp.float32), dst, num_segments=N)
    agg = agg / jnp.clip(deg, 1.0)[:, None]
    h = jnp.maximum(agg @ W1 + b1, 0.0) @ W2 + b2
    return h


def _assign_nearest(h, cb):
    # torch.cdist + argmin + index_select
    d2 = jnp.sum(h * h, axis=1, keepdims=True) - 2.0 * (h @ cb.T) + jnp.sum(cb * cb, axis=1)[None, :]
    idx = jnp.argmin(d2, axis=1)
    quant = jnp.take(cb, idx, axis=0)
    return quant, idx


def reference(X, edge_index, W1_0, b1_0, W2_0, b2_0, W1_1, b1_1, W2_1, b2_1, codebooks):
    # encode_graph: hierarchical VQ over K hops
    layers = [(W1_0, b1_0, W2_0, b2_0), (W1_1, b1_1, W2_1, b2_1)]
    Ecur = X
    Zs = []
    for k in range(K):
        W1, b1, W2, b2 = layers[k]
        h_k = _gnn_encoder(Ecur, edge_index, W1, b1, W2, b2)
        quant, idx = _assign_nearest(h_k, codebooks[k])
        Zs.append(idx)
        Ecur = quant
    return (Zs[0], Zs[1], Ecur)

if __name__ == "__main__":
    import jax
    _d = setup_inputs()
    print(jax.jit(kernel)(*tuple(_d.values())))

</pallas_src>

<mosaic_0001>
#map = affine_map<(d0, d1) -> (0, 0, 0)>
#map1 = affine_map<(d0, d1) -> (0, 0)>
module attributes {stable_mosaic.version = 14 : i64} {
  func.func @_agg_body_nodeg(%arg0: i32, %arg1: i32, %arg2: memref<32x80x128xi32, #tpu.memory_space<hbm>>, %arg3: memref<32x80x128xi32, #tpu.memory_space<hbm>>, %arg4: memref<10240x128xf32, #tpu.memory_space<hbm>>, %arg5: memref<2x10240x128xf32, #tpu.memory_space<hbm>>, %arg6: memref<16x128xi32, #tpu.memory_space<vmem>>, %arg7: memref<16x128xi32, #tpu.memory_space<vmem>>, %arg8: memref<128x128xf32, #tpu.memory_space<vmem>>, %arg9: memref<128x128xf32, #tpu.memory_space<vmem>>, %arg10: memref<10256x128xf32, #tpu.memory_space<vmem_shared>>, %arg11: memref<!tpu.dma_semaphore, #tpu.memory_space<semaphore_mem>>, %arg12: memref<!tpu.dma_semaphore, #tpu.memory_space<semaphore_mem>>, %arg13: memref<!tpu.dma_semaphore, #tpu.memory_space<semaphore_mem>>, %arg14: memref<!tpu.dma_semaphore, #tpu.memory_space<semaphore_mem>>) attributes {dimension_semantics = [#tpu.dimension_semantics<core_parallel>, #tpu.dimension_semantics<subcore_parallel>], iteration_bounds = array<i64: 2, 16>, scalar_prefetch = 0 : i64, scratch_operands = 9 : i64, tpu.core_type = #tpu.core_type<sc_vector_subcore>, window_params = [{transform_indices = #map}, {transform_indices = #map}, {transform_indices = #map1}, {transform_indices = #map}]} {
    %mul3A = arith.constant 16 : i32
    %mul3A_0 = arith.muli %arg0, %mul3A : i32
    %add3A = arith.addi %mul3A_0, %arg1 : i32
    %broadcast_in_dim3A = arith.constant 0.000000e+00 : f32
    %broadcast_in_dim3A_1 = vector.broadcast %broadcast_in_dim3A : f32 to vector<16xf32>
    %broadcast_in_dim3A_2 = arith.constant 1.000000e+00 : f32
    %broadcast_in_dim3A_3 = vector.broadcast %broadcast_in_dim3A_2 : f32 to vector<16xf32>
    %scan3A = arith.constant 0 : i32
    %scan3A_4 = arith.constant 0 : i32
    %scan3A_5 = arith.constant 128 : i32
    %scan3A_6 = arith.addi %scan3A_4, %scan3A_5 : i32
    %scan3A_7 = arith.constant 1 : i32
    %scan3A_8 = scf.for %scan3A_218 = %scan3A_4 to %scan3A_6 step %scan3A_7 iter_args(%scan3A_219 = %scan3A) -> (i32)  : i32 {
      %swap3A = arith.index_cast %scan3A_218 : i32 to index
      %swap3A_220 = arith.constant 0 : index
      %swap3A_221 = tpu.vector_load %arg8[%swap3A, %swap3A_220] {strides = array<i32>} : memref<128x128xf32, #tpu.memory_space<vmem>>, vector<16xf32>,
      tpu.vector_store %arg8[%swap3A, %swap3A_220], %broadcast_in_dim3A_1 {strides = array<i32>} : memref<128x128xf32, #tpu.memory_space<vmem>>, vector<16xf32>,
      %swap3A_222 = arith.index_cast %scan3A_218 : i32 to index
      %swap3A_223 = arith.constant 16 : index
      %swap3A_224 = tpu.vector_load %arg8[%swap3A_222, %swap3A_223] {strides = array<i32>} : memref<128x128xf32, #tpu.memory_space<vmem>>, vector<16xf32>,
      tpu.vector_store %arg8[%swap3A_222, %swap3A_223], %broadcast_in_dim3A_1 {strides = array<i32>} : memref<128x128xf32, #tpu.memory_space<vmem>>, vector<16xf32>,
      %swap3A_225 = arith.index_cast %scan3A_218 : i32 to index
      %swap3A_226 = arith.constant 32 : index
      %swap3A_227 = tpu.vector_load %arg8[%swap3A_225, %swap3A_226] {strides = array<i32>} : memref<128x128xf32, #tpu.memory_space<vmem>>, vector<16xf32>,
      tpu.vector_store %arg8[%swap3A_225, %swap3A_226], %broadcast_in_dim3A_1 {strides = array<i32>} : memref<128x128xf32, #tpu.memory_space<vmem>>, vector<16xf32>,
      %swap3A_228 = arith.index_cast %scan3A_218 : i32 to index
      %swap3A_229 = arith.constant 48 : index
      %swap3A_230 = tpu.vector_load %arg8[%swap3A_228, %swap3A_229] {strides = array<i32>} : memref<128x128xf32, #tpu.memory_space<vmem>>, vector<16xf32>,
      tpu.vector_store %arg8[%swap3A_228, %swap3A_229], %broadcast_in_dim3A_1 {strides = array<i32>} : memref<128x128xf32, #tpu.memory_space<vmem>>, vector<16xf32>,
      %swap3A_231 = arith.index_cast %scan3A_218 : i32 to index
      %swap3A_232 = arith.constant 64 : index
      %swap3A_233 = tpu.vector_load %arg8[%swap3A_231, %swap3A_232] {strides = array<i32>} : memref<128x128xf32, #tpu.memory_space<vmem>>, vector<16xf32>,
      tpu.vector_store %arg8[%swap3A_231, %swap3A_232], %broadcast_in_dim3A_1 {strides = array<i32>} : memref<128x128xf32, #tpu.memory_space<vmem>>, vector<16xf32>,
      %swap3A_234 = arith.index_cast %scan3A_218 : i32 to index
      %swap3A_235 = arith.constant 80 : index
      %swap3A_236 = tpu.vector_load %arg8[%swap3A_234, %swap3A_235] {strides = array<i32>} : memref<128x128xf32, #tpu.memory_space<vmem>>, vector<16xf32>,
      tpu.vector_store %arg8[%swap3A_234, %swap3A_235], %broadcast_in_dim3A_1 {strides = array<i32>} : memref<128x128xf32, #tpu.memory_space<vmem>>, vector<16xf32>,
      %swap3A_237 = arith.index_cast %scan3A_218 : i32 to index
      %swap3A_238 = arith.constant 96 : index
      %swap3A_239 = tpu.vector_load %arg8[%swap3A_237, %swap3A_238] {strides = array<i32>} : memref<128x128xf32, #tpu.memory_space<vmem>>, vector<16xf32>,
      tpu.vector_store %arg8[%swap3A_237, %swap3A_238], %broadcast_in_dim3A_1 {strides = array<i32>} : memref<128x128xf32, #tpu.memory_space<vmem>>, vector<16xf32>,
      %swap3A_240 = arith.index_cast %scan3A_218 : i32 to index
      %swap3A_241 = arith.constant 112 : index
      %swap3A_242 = tpu.vector_load %arg8[%swap3A_240, %swap3A_241] {strides = array<i32>} : memref<128x128xf32, #tpu.memory_space<vmem>>, vector<16xf32>,
      tpu.vector_store %arg8[%swap3A_240, %swap3A_241], %broadcast_in_dim3A_1 {strides = array<i32>} : memref<128x128xf32, #tpu.memory_space<vmem>>, vector<16xf32>,
      %scan3A_243 = arith.constant 0 : i32
      scf.yield %scan3A_243 : i32
    }
    %scan3A_9 = arith.constant 128 : i32
    %mul3A_10 = arith.constant 640 : i32
    %mul3A_11 = arith.muli %arg1, %mul3A_10 : i32
    %add3A_12 = arith.constant 0 : i32
    %add3A_13 = arith.addi %mul3A_11, %add3A_12 : i32
    %dma_start3A = arith.constant 0 : i32
    %dma_start3A_14 = tpu.memref_slice %arg10[%add3A_13, %dma_start3A] : memref<10256x128xf32, #tpu.memory_space<vmem_shared>> -> memref<128x128xf32, #tpu.memory_space<vmem_shared>>
    %dma_start3A_15 = arith.constant 0 : i32
    %dma_start3A_16 = tpu.memref_slice %arg10[%add3A_13, %dma_start3A_15] : memref<10256x128xf32, #tpu.memory_space<vmem_shared>> -> memref<128x128xf32, #tpu.memory_space<vmem_shared>>
    tpu.enqueue_dma source(%arg8 : memref<128x128xf32, #tpu.memory_space<vmem>>) target(%dma_start3A_16 : memref<128x128xf32, #tpu.memory_space<vmem_shared>>) target_semaphore(%arg11 : memref<!tpu.dma_semaphore, #tpu.memory_space<semaphore_mem>>)
    %mul3A_17 = arith.constant 640 : i32
    %mul3A_18 = arith.muli %arg1, %mul3A_17 : i32
    %add3A_19 = arith.constant 128 : i32
    %add3A_20 = arith.addi %mul3A_18, %add3A_19 : i32
    %dma_start3A_21 = arith.constant 0 : i32
    %dma_start3A_22 = tpu.memref_slice %arg10[%add3A_20, %dma_start3A_21] : memref<10256x128xf32, #tpu.memory_space<vmem_shared>> -> memref<128x128xf32, #tpu.memory_space<vmem_shared>>
    %dma_start3A_23 = arith.constant 0 : i32
    %dma_start3A_24 = tpu.memref_slice %arg10[%add3A_20, %dma_start3A_23] : memref<10256x128xf32, #tpu.memory_space<vmem_shared>> -> memref<128x128xf32, #tpu.memory_space<vmem_shared>>
    tpu.enqueue_dma source(%arg8 : memref<128x128xf32, #tpu.memory_space<vmem>>) target(%dma_start3A_24 : memref<128x128xf32, #tpu.memory_space<vmem_shared>>) target_semaphore(%arg11 : memref<!tpu.dma_semaphore, #tpu.memory_space<semaphore_mem>>)
    %mul3A_25 = arith.constant 640 : i32
    %mul3A_26 = arith.muli %arg1, %mul3A_25 : i32
    %add3A_27 = arith.constant 256 : i32
    %add3A_28 = arith.addi %mul3A_26, %add3A_27 : i32
    %dma_start3A_29 = arith.constant 0 : i32
    %dma_start3A_30 = tpu.memref_slice %arg10[%add3A_28, %dma_start3A_29] : memref<10256x128xf32, #tpu.memory_space<vmem_shared>> -> memref<128x128xf32, #tpu.memory_space<vmem_shared>>
    %dma_start3A_31 = arith.constant 0 : i32
    %dma_start3A_32 = tpu.memref_slice %arg10[%add3A_28, %dma_start3A_31] : memref<10256x128xf32, #tpu.memory_space<vmem_shared>> -> memref<128x128xf32, #tpu.memory_space<vmem_shared>>
    tpu.enqueue_dma source(%arg8 : memref<128x128xf32, #tpu.memory_space<vmem>>) target(%dma_start3A_32 : memref<128x128xf32, #tpu.memory_space<vmem_shared>>) target_semaphore(%arg11 : memref<!tpu.dma_semaphore, #tpu.memory_space<semaphore_mem>>)
    %mul3A_33 = arith.constant 640 : i32
    %mul3A_34 = arith.muli %arg1, %mul3A_33 : i32
    %add3A_35 = arith.constant 384 : i32
    %add3A_36 = arith.addi %mul3A_34, %add3A_35 : i32
    %dma_start3A_37 = arith.constant 0 : i32
    %dma_start3A_38 = tpu.memref_slice %arg10[%add3A_36, %dma_start3A_37] : memref<10256x128xf32, #tpu.memory_space<vmem_shared>> -> memref<128x128xf32, #tpu.memory_space<vmem_shared>>
    %dma_start3A_39 = arith.constant 0 : i32
    %dma_start3A_40 = tpu.memref_slice %arg10[%add3A_36, %dma_start3A_39] : memref<10256x128xf32, #tpu.memory_space<vmem_shared>> -> memref<128x128xf32, #tpu.memory_space<vmem_shared>>
    tpu.enqueue_dma source(%arg8 : memref<128x128xf32, #tpu.memory_space<vmem>>) target(%dma_start3A_40 : memref<128x128xf32, #tpu.memory_space<vmem_shared>>) target_semaphore(%arg11 : memref<!tpu.dma_semaphore, #tpu.memory_space<semaphore_mem>>)
    %mul3A_41 = arith.constant 640 : i32
    %mul3A_42 = arith.muli %arg1, %mul3A_41 : i32
    %add3A_43 = arith.constant 512 : i32
    %add3A_44 = arith.addi %mul3A_42, %add3A_43 : i32
    %dma_start3A_45 = arith.constant 0 : i32
    %dma_start3A_46 = tpu.memref_slice %arg10[%add3A_44, %dma_start3A_45] : memref<10256x128xf32, #tpu.memory_space<vmem_shared>> -> memref<128x128xf32, #tpu.memory_space<vmem_shared>>
    %dma_start3A_47 = arith.constant 0 : i32
    %dma_start3A_48 = tpu.memref_slice %arg10[%add3A_44, %dma_start3A_47] : memref<10256x128xf32, #tpu.memory_space<vmem_shared>> -> memref<128x128xf32, #tpu.memory_space<vmem_shared>>
    tpu.enqueue_dma source(%arg8 : memref<128x128xf32, #tpu.memory_space<vmem>>) target(%dma_start3A_48 : memref<128x128xf32, #tpu.memory_space<vmem_shared>>) target_semaphore(%arg11 : memref<!tpu.dma_semaphore, #tpu.memory_space<semaphore_mem>>)
    %eq3A = arith.constant 15 : i32
    %eq3A_49 = arith.cmpi eq, %arg1, %eq3A : i32
    %convert_element_type3A = arith.extui %eq3A_49 : i1 to i32
    %cond3A = arith.constant 0 : i32
    %cond3A_50 = arith.cmpi ne, %convert_element_type3A, %cond3A : i32
    scf.if %cond3A_50 {
      "tpu.region"() ({
        %run_scoped3A = tpu.sem_alloc : memref<!tpu.dma_semaphore, #tpu.memory_space<semaphore_mem>>
        %dma_start3A_218 = arith.constant 0 : i32
        %dma_start3A_219 = arith.constant 0 : i32
        %dma_start3A_220 = tpu.memref_slice %arg8[%dma_start3A_218, %dma_start3A_219] : memref<128x128xf32, #tpu.memory_space<vmem>> -> memref<16x128xf32, #tpu.memory_space<vmem>>
        %dma_start3A_221 = arith.constant 10240 : i32
        %dma_start3A_222 = arith.constant 0 : i32
        %dma_start3A_223 = tpu.memref_slice %arg10[%dma_start3A_221, %dma_start3A_222] : memref<10256x128xf32, #tpu.memory_space<vmem_shared>> -> memref<16x128xf32, #tpu.memory_space<vmem_shared>>
        %dma_start3A_224 = arith.constant 10240 : i32
        %dma_start3A_225 = arith.constant 0 : i32
        %dma_start3A_226 = tpu.memref_slice %arg10[%dma_start3A_224, %dma_start3A_225] : memref<10256x128xf32, #tpu.memory_space<vmem_shared>> -> memref<16x128xf32, #tpu.memory_space<vmem_shared>>
        %dma_start3A_227 = arith.constant 0 : i32
        %dma_start3A_228 = arith.constant 0 : i32
        %dma_start3A_229 = tpu.memref_slice %arg8[%dma_start3A_227, %dma_start3A_228] : memref<128x128xf32, #tpu.memory_space<vmem>> -> memref<16x128xf32, #tpu.memory_space<vmem>>
        tpu.enqueue_dma source(%dma_start3A_229 : memref<16x128xf32, #tpu.memory_space<vmem>>) target(%dma_start3A_226 : memref<16x128xf32, #tpu.memory_space<vmem_shared>>) target_semaphore(%run_scoped3A : memref<!tpu.dma_semaphore, #tpu.memory_space<semaphore_mem>>)
        %dma_wait3A_230 = arith.constant 0 : i32
        %dma_wait3A_231 = arith.constant 0 : i32
        %dma_wait3A_232 = tpu.memref_slice %arg8[%dma_wait3A_230, %dma_wait3A_231] : memref<128x128xf32, #tpu.memory_space<vmem>> -> memref<16x128xf32, #tpu.memory_space<vmem>>
        %dma_wait3A_233 = arith.constant 10240 : i32
        %dma_wait3A_234 = arith.constant 0 : i32
        %dma_wait3A_235 = tpu.memref_slice %arg10[%dma_wait3A_233, %dma_wait3A_234] : memref<10256x128xf32, #tpu.memory_space<vmem_shared>> -> memref<16x128xf32, #tpu.memory_space<vmem_shared>>
        %dma_wait3A_236 = arith.constant 10240 : i32
        %dma_wait3A_237 = arith.constant 0 : i32
        %dma_wait3A_238 = tpu.memref_slice %arg10[%dma_wait3A_236, %dma_wait3A_237] : memref<10256x128xf32, #tpu.memory_space<vmem_shared>> -> memref<16x128xf32, #tpu.memory_space<vmem_shared>>
        %dma_wait3A_239 = arith.constant 0 : i32
        %dma_wait3A_240 = arith.constant 0 : i32
        %dma_wait3A_241 = tpu.memref_slice %arg8[%dma_wait3A_239, %dma_wait3A_240] : memref<128x128xf32, #tpu.memory_space<vmem>> -> memref<16x128xf32, #tpu.memory_space<vmem>>
        tpu.wait_dma2 semaphore(%run_scoped3A : memref<!tpu.dma_semaphore, #tpu.memory_space<semaphore_mem>>) src(%dma_wait3A_241 : memref<16x128xf32, #tpu.memory_space<vmem>>) dst(%dma_wait3A_238 : memref<16x128xf32, #tpu.memory_space<vmem_shared>>)
        tpu.yield
      }) : () -> ()
    } else {
    }
    %dma_wait3A = arith.constant 0 : i32
    %dma_wait3A_51 = tpu.memref_slice %arg10[%add3A_13, %dma_wait3A] : memref<10256x128xf32, #tpu.memory_space<vmem_shared>> -> memref<128x128xf32, #tpu.memory_space<vmem_shared>>
    %dma_wait3A_52 = arith.constant 0 : i32
    %dma_wait3A_53 = tpu.memref_slice %arg10[%add3A_13, %dma_wait3A_52] : memref<10256x128xf32, #tpu.memory_space<vmem_shared>> -> memref<128x128xf32, #tpu.memory_space<vmem_shared>>
    tpu.wait_dma2 semaphore(%arg11 : memref<!tpu.dma_semaphore, #tpu.memory_space<semaphore_mem>>) src(%arg8 : memref<128x128xf32, #tpu.memory_space<vmem>>) dst(%dma_wait3A_53 : memref<128x128xf32, #tpu.memory_space<vmem_shared>>)
    %dma_wait3A_54 = arith.constant 0 : i32
    %dma_wait3A_55 = tpu.memref_slice %arg10[%add3A_20, %dma_wait3A_54] : memref<10256x128xf32, #tpu.memory_space<vmem_shared>> -> memref<128x128xf32, #tpu.memory_space<vmem_shared>>
    %dma_wait3A_56 = arith.constant 0 : i32
    %dma_wait3A_57 = tpu.memref_slice %arg10[%add3A_20, %dma_wait3A_56] : memref<10256x128xf32, #tpu.memory_space<vmem_shared>> -> memref<128x128xf32, #tpu.memory_space<vmem_shared>>
    tpu.wait_dma2 semaphore(%arg11 : memref<!tpu.dma_semaphore, #tpu.memory_space<semaphore_mem>>) src(%arg8 : memref<128x128xf32, #tpu.memory_space<vmem>>) dst(%dma_wait3A_57 : memref<128x128xf32, #tpu.memory_space<vmem_shared>>)
    %dma_wait3A_58 = arith.constant 0 : i32
    %dma_wait3A_59 = tpu.memref_slice %arg10[%add3A_28, %dma_wait3A_58] : memref<10256x128xf32, #tpu.memory_space<vmem_shared>> -> memref<128x128xf32, #tpu.memory_space<vmem_shared>>
    %dma_wait3A_60 = arith.constant 0 : i32
    %dma_wait3A_61 = tpu.memref_slice %arg10[%add3A_28, %dma_wait3A_60] : memref<10256x128xf32, #tpu.memory_space<vmem_shared>> -> memref<128x128xf32, #tpu.memory_space<vmem_shared>>
    tpu.wait_dma2 semaphore(%arg11 : memref<!tpu.dma_semaphore, #tpu.memory_space<semaphore_mem>>) src(%arg8 : memref<128x128xf32, #tpu.memory_space<vmem>>) dst(%dma_wait3A_61 : memref<128x128xf32, #tpu.memory_space<vmem_shared>>)
    %dma_wait3A_62 = arith.constant 0 : i32
    %dma_wait3A_63 = tpu.memref_slice %arg10[%add3A_36, %dma_wait3A_62] : memref<10256x128xf32, #tpu.memory_space<vmem_shared>> -> memref<128x128xf32, #tpu.memory_space<vmem_shared>>
    %dma_wait3A_64 = arith.constant 0 : i32
    %dma_wait3A_65 = tpu.memref_slice %arg10[%add3A_36, %dma_wait3A_64] : memref<10256x128xf32, #tpu.memory_space<vmem_shared>> -> memref<128x128xf32, #tpu.memory_space<vmem_shared>>
    tpu.wait_dma2 semaphore(%arg11 : memref<!tpu.dma_semaphore, #tpu.memory_space<semaphore_mem>>) src(%arg8 : memref<128x128xf32, #tpu.memory_space<vmem>>) dst(%dma_wait3A_65 : memref<128x128xf32, #tpu.memory_space<vmem_shared>>)
    %dma_wait3A_66 = arith.constant 0 : i32
    %dma_wait3A_67 = tpu.memref_slice %arg10[%add3A_44, %dma_wait3A_66] : memref<10256x128xf32, #tpu.memory_space<vmem_shared>> -> memref<128x128xf32, #tpu.memory_space<vmem_shared>>
    %dma_wait3A_68 = arith.constant 0 : i32
    %dma_wait3A_69 = tpu.memref_slice %arg10[%add3A_44, %dma_wait3A_68] : memref<10256x128xf32, #tpu.memory_space<vmem_shared>> -> memref<128x128xf32, #tpu.memory_space<vmem_shared>>
    tpu.wait_dma2 semaphore(%arg11 : memref<!tpu.dma_semaphore, #tpu.memory_space<semaphore_mem>>) src(%arg8 : memref<128x128xf32, #tpu.memory_space<vmem>>) dst(%dma_wait3A_69 : memref<128x128xf32, #tpu.memory_space<vmem_shared>>)
    %barrier3A = arith.constant 0 : index
    tpu.barrier barrier_id(%barrier3A)
    %scan3A_70 = arith.constant 0 : i32
    %scan3A_71 = arith.constant 0 : i32
    %scan3A_72 = arith.constant 5 : i32
    %scan3A_73 = arith.addi %scan3A_71, %scan3A_72 : i32
    %scan3A_74 = arith.constant 1 : i32
    %scan3A_75 = scf.for %scan3A_218 = %scan3A_71 to %scan3A_73 step %scan3A_74 iter_args(%scan3A_219 = %scan3A_70) -> (i32)  : i32 {
      %mul3A_220 = arith.constant 16 : i32
      %mul3A_221 = arith.muli %scan3A_218, %mul3A_220 : i32
      "tpu.region"() ({
        %run_scoped3A = tpu.sem_alloc : memref<!tpu.dma_semaphore, #tpu.memory_space<semaphore_mem>>
        %dma_start3A_246 = arith.constant 0 : i32
        %dma_start3A_247 = tpu.memref_slice %arg2[%add3A, %mul3A_221, %dma_start3A_246] : memref<32x80x128xi32, #tpu.memory_space<hbm>> -> memref<1x16x128xi32, #tpu.memory_space<hbm>>
        %dma_start3A_248 = tpu.memref_squeeze %dma_start3A_247 : memref<1x16x128xi32, #tpu.memory_space<hbm>> -> memref<16x128xi32, #tpu.memory_space<hbm>>
        %dma_start3A_249 = arith.constant 0 : i32
        %dma_start3A_250 = tpu.memref_slice %arg2[%add3A, %mul3A_221, %dma_start3A_249] : memref<32x80x128xi32, #tpu.memory_space<hbm>> -> memref<1x16x128xi32, #tpu.memory_space<hbm>>
        %dma_start3A_251 = tpu.memref_squeeze %dma_start3A_250 : memref<1x16x128xi32, #tpu.memory_space<hbm>> -> memref<16x128xi32, #tpu.memory_space<hbm>>
        tpu.enqueue_dma source(%dma_start3A_251 : memref<16x128xi32, #tpu.memory_space<hbm>>) target(%arg6 : memref<16x128xi32, #tpu.memory_space<vmem>>) target_semaphore(%run_scoped3A : memref<!tpu.dma_semaphore, #tpu.memory_space<semaphore_mem>>)
        %dma_wait3A_252 = arith.constant 0 : i32
        %dma_wait3A_253 = tpu.memref_slice %arg2[%add3A, %mul3A_221, %dma_wait3A_252] : memref<32x80x128xi32, #tpu.memory_space<hbm>> -> memref<1x16x128xi32, #tpu.memory_space<hbm>>
        %dma_wait3A_254 = tpu.memref_squeeze %dma_wait3A_253 : memref<1x16x128xi32, #tpu.memory_space<hbm>> -> memref<16x128xi32, #tpu.memory_space<hbm>>
        %dma_wait3A_255 = arith.constant 0 : i32
        %dma_wait3A_256 = tpu.memref_slice %arg2[%add3A, %mul3A_221, %dma_wait3A_255] : memref<32x80x128xi32, #tpu.memory_space<hbm>> -> memref<1x16x128xi32, #tpu.memory_space<hbm>>
        %dma_wait3A_257 = tpu.memref_squeeze %dma_wait3A_256 : memref<1x16x128xi32, #tpu.memory_space<hbm>> -> memref<16x128xi32, #tpu.memory_space<hbm>>
        tpu.wait_dma2 semaphore(%run_scoped3A : memref<!tpu.dma_semaphore, #tpu.memory_space<semaphore_mem>>) src(%dma_wait3A_257 : memref<16x128xi32, #tpu.memory_space<hbm>>) dst(%arg6 : memref<16x128xi32, #tpu.memory_space<vmem>>)
        tpu.yield
      }) : () -> ()
      %mul3A_222 = arith.constant 16 : i32
      %mul3A_223 = arith.muli %scan3A_218, %mul3A_222 : i32
      "tpu.region"() ({
        %run_scoped3A = tpu.sem_alloc : memref<!tpu.dma_semaphore, #tpu.memory_space<semaphore_mem>>
        %dma_start3A_246 = arith.constant 0 : i32
        %dma_start3A_247 = tpu.memref_slice %arg3[%add3A, %mul3A_223, %dma_start3A_246] : memref<32x80x128xi32, #tpu.memory_space<hbm>> -> memref<1x16x128xi32, #tpu.memory_space<hbm>>
        %dma_start3A_248 = tpu.memref_squeeze %dma_start3A_247 : memref<1x16x128xi32, #tpu.memory_space<hbm>> -> memref<16x128xi32, #tpu.memory_space<hbm>>
        %dma_start3A_249 = arith.constant 0 : i32
        %dma_start3A_250 = tpu.memref_slice %arg3[%add3A, %mul3A_223, %dma_start3A_249] : memref<32x80x128xi32, #tpu.memory_space<hbm>> -> memref<1x16x128xi32, #tpu.memory_space<hbm>>
        %dma_start3A_251 = tpu.memref_squeeze %dma_start3A_250 : memref<1x16x128xi32, #tpu.memory_space<hbm>> -> memref<16x128xi32, #tpu.memory_space<hbm>>
        tpu.enqueue_dma source(%dma_start3A_251 : memref<16x128xi32, #tpu.memory_space<hbm>>) target(%arg7 : memref<16x128xi32, #tpu.memory_space<vmem>>) target_semaphore(%run_scoped3A : memref<!tpu.dma_semaphore, #tpu.memory_space<semaphore_mem>>)
        %dma_wait3A_252 = arith.constant 0 : i32
        %dma_wait3A_253 = tpu.memref_slice %arg3[%add3A, %mul3A_223, %dma_wait3A_252] : memref<32x80x128xi32, #tpu.memory_space<hbm>> -> memref<1x16x128xi32, #tpu.memory_space<hbm>>
        %dma_wait3A_254 = tpu.memref_squeeze %dma_wait3A_253 : memref<1x16x128xi32, #tpu.memory_space<hbm>> -> memref<16x128xi32, #tpu.memory_space<hbm>>
        %dma_wait3A_255 = arith.constant 0 : i32
        %dma_wait3A_256 = tpu.memref_slice %arg3[%add3A, %mul3A_223, %dma_wait3A_255] : memref<32x80x128xi32, #tpu.memory_space<hbm>> -> memref<1x16x128xi32, #tpu.memory_space<hbm>>
        %dma_wait3A_257 = tpu.memref_squeeze %dma_wait3A_256 : memref<1x16x128xi32, #tpu.memory_space<hbm>> -> memref<16x128xi32, #tpu.memory_space<hbm>>
        tpu.wait_dma2 semaphore(%run_scoped3A : memref<!tpu.dma_semaphore, #tpu.memory_space<semaphore_mem>>) src(%dma_wait3A_257 : memref<16x128xi32, #tpu.memory_space<hbm>>) dst(%arg7 : memref<16x128xi32, #tpu.memory_space<vmem>>)
        tpu.yield
      }) : () -> ()
      %dma_start3A_224 = arith.constant 0 : i32
      %dma_start3A_225 = arith.constant 0 : i32
      %dma_start3A_226 = tpu.memref_slice %arg6[%dma_start3A_224, %dma_start3A_225] : memref<16x128xi32, #tpu.memory_space<vmem>> -> memref<1x128xi32, #tpu.memory_space<vmem>>
      %dma_start3A_227 = tpu.memref_squeeze %dma_start3A_226 : memref<1x128xi32, #tpu.memory_space<vmem>> -> memref<128xi32, #tpu.memory_space<vmem>>
      %dma_start3A_228 = arith.constant 0 : i32
      %dma_start3A_229 = arith.constant 0 : i32
      %dma_start3A_230 = tpu.memref_slice %arg4[%dma_start3A_228, %dma_start3A_229] : memref<10240x128xf32, #tpu.memory_space<hbm>> -> memref<10240x128xf32, #tpu.memory_space<hbm>>
      tpu.enqueue_indirect_dma source(%dma_start3A_230 : memref<10240x128xf32, #tpu.memory_space<hbm>>) target(%arg8 : memref<128x128xf32, #tpu.memory_space<vmem>>) offsets(%dma_start3A_227 : memref<128xi32, #tpu.memory_space<vmem>>) semaphore(%arg11 : memref<!tpu.dma_semaphore, #tpu.memory_space<semaphore_mem>>)
      %dma_start3A_231 = arith.constant 1 : i32
      %dma_start3A_232 = arith.constant 0 : i32
      %dma_start3A_233 = tpu.memref_slice %arg6[%dma_start3A_231, %dma_start3A_232] : memref<16x128xi32, #tpu.memory_space<vmem>> -> memref<1x128xi32, #tpu.memory_space<vmem>>
      %dma_start3A_234 = tpu.memref_squeeze %dma_start3A_233 : memref<1x128xi32, #tpu.memory_space<vmem>> -> memref<128xi32, #tpu.memory_space<vmem>>
      %dma_start3A_235 = arith.constant 0 : i32
      %dma_start3A_236 = arith.constant 0 : i32
      %dma_start3A_237 = tpu.memref_slice %arg4[%dma_start3A_235, %dma_start3A_236] : memref<10240x128xf32, #tpu.memory_space<hbm>> -> memref<10240x128xf32, #tpu.memory_space<hbm>>
      tpu.enqueue_indirect_dma source(%dma_start3A_237 : memref<10240x128xf32, #tpu.memory_space<hbm>>) target(%arg9 : memref<128x128xf32, #tpu.memory_space<vmem>>) offsets(%dma_start3A_234 : memref<128xi32, #tpu.memory_space<vmem>>) semaphore(%arg12 : memref<!tpu.dma_semaphore, #tpu.memory_space<semaphore_mem>>)
      %scan3A_238 = arith.constant 0 : i32
      %scan3A_239 = arith.constant 0 : i32
      %scan3A_240 = arith.constant 8 : i32
      %scan3A_241 = arith.addi %scan3A_239, %scan3A_240 : i32
      %scan3A_242 = arith.constant 1 : i32
      %scan3A_243 = scf.for %scan3A_246 = %scan3A_239 to %scan3A_241 step %scan3A_242 iter_args(%scan3A_247 = %scan3A_238) -> (i32)  : i32 {
        %mul3A_248 = arith.constant 2 : i32
        %mul3A_249 = arith.muli %mul3A_248, %scan3A_246 : i32
        %add3A_250 = arith.constant 0 : i32
        %add3A_251 = arith.addi %mul3A_249, %add3A_250 : i32
        %dma_wait3A_252 = arith.constant 0 : i32
        %dma_wait3A_253 = tpu.memref_slice %arg6[%add3A_251, %dma_wait3A_252] : memref<16x128xi32, #tpu.memory_space<vmem>> -> memref<1x128xi32, #tpu.memory_space<vmem>>
        %dma_wait3A_254 = tpu.memref_squeeze %dma_wait3A_253 : memref<1x128xi32, #tpu.memory_space<vmem>> -> memref<128xi32, #tpu.memory_space<vmem>>
        %dma_wait3A_255 = arith.constant 0 : i32
        %dma_wait3A_256 = arith.constant 0 : i32
        %dma_wait3A_257 = tpu.memref_slice %arg4[%dma_wait3A_255, %dma_wait3A_256] : memref<10240x128xf32, #tpu.memory_space<hbm>> -> memref<10240x128xf32, #tpu.memory_space<hbm>>
        tpu.wait_indirect_dma semaphore(%arg11 : memref<!tpu.dma_semaphore, #tpu.memory_space<semaphore_mem>>) src(%dma_wait3A_257 : memref<10240x128xf32, #tpu.memory_space<hbm>>) dst(%arg8 : memref<128x128xf32, #tpu.memory_space<vmem>>)
        %dma_start3A_258 = arith.constant 0 : i32
        %dma_start3A_259 = tpu.memref_slice %arg7[%add3A_251, %dma_start3A_258] : memref<16x128xi32, #tpu.memory_space<vmem>> -> memref<1x128xi32, #tpu.memory_space<vmem>>
        %dma_start3A_260 = tpu.memref_squeeze %dma_start3A_259 : memref<1x128xi32, #tpu.memory_space<vmem>> -> memref<128xi32, #tpu.memory_space<vmem>>
        %dma_start3A_261 = arith.constant 0 : i32
        %dma_start3A_262 = arith.constant 0 : i32
        %dma_start3A_263 = tpu.memref_slice %arg10[%dma_start3A_261, %dma_start3A_262] : memref<10256x128xf32, #tpu.memory_space<vmem_shared>> -> memref<10256x128xf32, #tpu.memory_space<vmem_shared>>
        tpu.enqueue_indirect_dma source(%arg8 : memref<128x128xf32, #tpu.memory_space<vmem>>) target(%dma_start3A_263 : memref<10256x128xf32, #tpu.memory_space<vmem_shared>>) offsets(%dma_start3A_260 : memref<128xi32, #tpu.memory_space<vmem>>) semaphore(%arg13 : memref<!tpu.dma_semaphore, #tpu.memory_space<semaphore_mem>>) {add = true}
        %dma_wait3A_264 = arith.constant 0 : i32
        %dma_wait3A_265 = tpu.memref_slice %arg7[%add3A_251, %dma_wait3A_264] : memref<16x128xi32, #tpu.memory_space<vmem>> -> memref<1x128xi32, #tpu.memory_space<vmem>>
        %dma_wait3A_266 = tpu.memref_squeeze %dma_wait3A_265 : memref<1x128xi32, #tpu.memory_space<vmem>> -> memref<128xi32, #tpu.memory_space<vmem>>
        %dma_wait3A_267 = arith.constant 0 : i32
        %dma_wait3A_268 = arith.constant 0 : i32
        %dma_wait3A_269 = tpu.memref_slice %arg10[%dma_wait3A_267, %dma_wait3A_268] : memref<10256x128xf32, #tpu.memory_space<vmem_shared>> -> memref<10256x128xf32, #tpu.memory_space<vmem_shared>>
        tpu.wait_indirect_dma semaphore(%arg13 : memref<!tpu.dma_semaphore, #tpu.memory_space<semaphore_mem>>) src(%arg8 : memref<128x128xf32, #tpu.memory_space<vmem>>) dst(%dma_wait3A_269 : memref<10256x128xf32, #tpu.memory_space<vmem_shared>>)
        %lt3A = arith.constant 7 : i32
        %lt3A_270 = arith.cmpi slt, %scan3A_246, %lt3A : i32
        %convert_element_type3A_271 = arith.extui %lt3A_270 : i1 to i32
        %cond3A_272 = arith.constant 0 : i32
        %cond3A_273 = arith.cmpi ne, %convert_element_type3A_271, %cond3A_272 : i32
        scf.if %cond3A_273 {
          %add3A_302 = arith.constant 2 : i32
          %add3A_303 = arith.addi %add3A_251, %add3A_302 : i32
          %dma_start3A_304 = arith.constant 0 : i32
          %dma_start3A_305 = tpu.memref_slice %arg6[%add3A_303, %dma_start3A_304] : memref<16x128xi32, #tpu.memory_space<vmem>> -> memref<1x128xi32, #tpu.memory_space<vmem>>
          %dma_start3A_306 = tpu.memref_squeeze %dma_start3A_305 : memref<1x128xi32, #tpu.memory_space<vmem>> -> memref<128xi32, #tpu.memory_space<vmem>>
          %dma_start3A_307 = arith.constant 0 : i32
          %dma_start3A_308 = arith.constant 0 : i32
          %dma_start3A_309 = tpu.memref_slice %arg4[%dma_start3A_307, %dma_start3A_308] : memref<10240x128xf32, #tpu.memory_space<hbm>> -> memref<10240x128xf32, #tpu.memory_space<hbm>>
          tpu.enqueue_indirect_dma source(%dma_start3A_309 : memref<10240x128xf32, #tpu.memory_space<hbm>>) target(%arg8 : memref<128x128xf32, #tpu.memory_space<vmem>>) offsets(%dma_start3A_306 : memref<128xi32, #tpu.memory_space<vmem>>) semaphore(%arg11 : memref<!tpu.dma_semaphore, #tpu.memory_space<semaphore_mem>>)
        } else {
        }
        %mul3A_274 = arith.constant 2 : i32
        %mul3A_275 = arith.muli %mul3A_274, %scan3A_246 : i32
        %add3A_276 = arith.constant 1 : i32
        %add3A_277 = arith.addi %mul3A_275, %add3A_276 : i32
        %dma_wait3A_278 = arith.constant 0 : i32
        %dma_wait3A_279 = tpu.memref_slice %arg6[%add3A_277, %dma_wait3A_278] : memref<16x128xi32, #tpu.memory_space<vmem>> -> memref<1x128xi32, #tpu.memory_space<vmem>>
        %dma_wait3A_280 = tpu.memref_squeeze %dma_wait3A_279 : memref<1x128xi32, #tpu.memory_space<vmem>> -> memref<128xi32, #tpu.memory_space<vmem>>
        %dma_wait3A_281 = arith.constant 0 : i32
        %dma_wait3A_282 = arith.constant 0 : i32
        %dma_wait3A_283 = tpu.memref_slice %arg4[%dma_wait3A_281, %dma_wait3A_282] : memref<10240x128xf32, #tpu.memory_space<hbm>> -> memref<10240x128xf32, #tpu.memory_space<hbm>>
        tpu.wait_indirect_dma semaphore(%arg12 : memref<!tpu.dma_semaphore, #tpu.memory_space<semaphore_mem>>) src(%dma_wait3A_283 : memref<10240x128xf32, #tpu.memory_space<hbm>>) dst(%arg9 : memref<128x128xf32, #tpu.memory_space<vmem>>)
        %dma_start3A_284 = arith.constant 0 : i32
        %dma_start3A_285 = tpu.memref_slice %arg7[%add3A_277, %dma_start3A_284] : memref<16x128xi32, #tpu.memory_space<vmem>> -> memref<1x128xi32, #tpu.memory_space<vmem>>
        %dma_start3A_286 = tpu.memref_squeeze %dma_start3A_285 : memref<1x128xi32, #tpu.memory_space<vmem>> -> memref<128xi32, #tpu.memory_space<vmem>>
        %dma_start3A_287 = arith.constant 0 : i32
        %dma_start3A_288 = arith.constant 0 : i32
        %dma_start3A_289 = tpu.memref_slice %arg10[%dma_start3A_287, %dma_start3A_288] : memref<10256x128xf32, #tpu.memory_space<vmem_shared>> -> memref<10256x128xf32, #tpu.memory_space<vmem_shared>>
        tpu.enqueue_indirect_dma source(%arg9 : memref<128x128xf32, #tpu.memory_space<vmem>>) target(%dma_start3A_289 : memref<10256x128xf32, #tpu.memory_space<vmem_shared>>) offsets(%dma_start3A_286 : memref<128xi32, #tpu.memory_space<vmem>>) semaphore(%arg14 : memref<!tpu.dma_semaphore, #tpu.memory_space<semaphore_mem>>) {add = true}
        %dma_wait3A_290 = arith.constant 0 : i32
        %dma_wait3A_291 = tpu.memref_slice %arg7[%add3A_277, %dma_wait3A_290] : memref<16x128xi32, #tpu.memory_space<vmem>> -> memref<1x128xi32, #tpu.memory_space<vmem>>
        %dma_wait3A_292 = tpu.memref_squeeze %dma_wait3A_291 : memref<1x128xi32, #tpu.memory_space<vmem>> -> memref<128xi32, #tpu.memory_space<vmem>>
        %dma_wait3A_293 = arith.constant 0 : i32
        %dma_wait3A_294 = arith.constant 0 : i32
        %dma_wait3A_295 = tpu.memref_slice %arg10[%dma_wait3A_293, %dma_wait3A_294] : memref<10256x128xf32, #tpu.memory_space<vmem_shared>> -> memref<10256x128xf32, #tpu.memory_space<vmem_shared>>
        tpu.wait_indirect_dma semaphore(%arg14 : memref<!tpu.dma_semaphore, #tpu.memory_space<semaphore_mem>>) src(%arg9 : memref<128x128xf32, #tpu.memory_space<vmem>>) dst(%dma_wait3A_295 : memref<10256x128xf32, #tpu.memory_space<vmem_shared>>)
        %lt3A_296 = arith.constant 7 : i32
        %lt3A_297 = arith.cmpi slt, %scan3A_246, %lt3A_296 : i32
        %convert_element_type3A_298 = arith.extui %lt3A_297 : i1 to i32
        %cond3A_299 = arith.constant 0 : i32
        %cond3A_300 = arith.cmpi ne, %convert_element_type3A_298, %cond3A_299 : i32
        scf.if %cond3A_300 {
          %add3A_302 = arith.constant 2 : i32
          %add3A_303 = arith.addi %add3A_277, %add3A_302 : i32
          %dma_start3A_304 = arith.constant 0 : i32
          %dma_start3A_305 = tpu.memref_slice %arg6[%add3A_303, %dma_start3A_304] : memref<16x128xi32, #tpu.memory_space<vmem>> -> memref<1x128xi32, #tpu.memory_space<vmem>>
          %dma_start3A_306 = tpu.memref_squeeze %dma_start3A_305 : memref<1x128xi32, #tpu.memory_space<vmem>> -> memref<128xi32, #tpu.memory_space<vmem>>
          %dma_start3A_307 = arith.constant 0 : i32
          %dma_start3A_308 = arith.constant 0 : i32
          %dma_start3A_309 = tpu.memref_slice %arg4[%dma_start3A_307, %dma_start3A_308] : memref<10240x128xf32, #tpu.memory_space<hbm>> -> memref<10240x128xf32, #tpu.memory_space<hbm>>
          tpu.enqueue_indirect_dma source(%dma_start3A_309 : memref<10240x128xf32, #tpu.memory_space<hbm>>) target(%arg9 : memref<128x128xf32, #tpu.memory_space<vmem>>) offsets(%dma_start3A_306 : memref<128xi32, #tpu.memory_space<vmem>>) semaphore(%arg12 : memref<!tpu.dma_semaphore, #tpu.memory_space<semaphore_mem>>)
        } else {
        }
        %scan3A_301 = arith.constant 0 : i32
        scf.yield %scan3A_301 : i32
      }
      %scan3A_244 = arith.constant 8 : i32
      %scan3A_245 = arith.constant 0 : i32
      scf.yield %scan3A_245 : i32
    }
    %scan3A_76 = arith.constant 5 : i32
    %barrier3A_77 = arith.constant 0 : index
    tpu.barrier barrier_id(%barrier3A_77)
    %mul3A_78 = arith.constant 640 : i32
    %mul3A_79 = arith.muli %arg1, %mul3A_78 : i32
    %add3A_80 = arith.constant 0 : i32
    %add3A_81 = arith.addi %mul3A_79, %add3A_80 : i32
    %dma_start3A_82 = arith.constant 0 : i32
    %dma_start3A_83 = tpu.memref_slice %arg10[%add3A_81, %dma_start3A_82] : memref<10256x128xf32, #tpu.memory_space<vmem_shared>> -> memref<128x128xf32, #tpu.memory_space<vmem_shared>>
    %dma_start3A_84 = arith.constant 0 : i32
    %dma_start3A_85 = tpu.memref_slice %arg10[%add3A_81, %dma_start3A_84] : memref<10256x128xf32, #tpu.memory_space<vmem_shared>> -> memref<128x128xf32, #tpu.memory_space<vmem_shared>>
    tpu.enqueue_dma source(%dma_start3A_85 : memref<128x128xf32, #tpu.memory_space<vmem_shared>>) target(%arg8 : memref<128x128xf32, #tpu.memory_space<vmem>>) target_semaphore(%arg11 : memref<!tpu.dma_semaphore, #tpu.memory_space<semaphore_mem>>)
    %mul3A_86 = arith.constant 640 : i32
    %mul3A_87 = arith.muli %arg1, %mul3A_86 : i32
    %add3A_88 = arith.constant 128 : i32
    %add3A_89 = arith.addi %mul3A_87, %add3A_88 : i32
    %dma_start3A_90 = arith.constant 0 : i32
    %dma_start3A_91 = tpu.memref_slice %arg10[%add3A_89, %dma_start3A_90] : memref<10256x128xf32, #tpu.memory_space<vmem_shared>> -> memref<128x128xf32, #tpu.memory_space<vmem_shared>>
    %dma_start3A_92 = arith.constant 0 : i32
    %dma_start3A_93 = tpu.memref_slice %arg10[%add3A_89, %dma_start3A_92] : memref<10256x128xf32, #tpu.memory_space<vmem_shared>> -> memref<128x128xf32, #tpu.memory_space<vmem_shared>>
    tpu.enqueue_dma source(%dma_start3A_93 : memref<128x128xf32, #tpu.memory_space<vmem_shared>>) target(%arg9 : memref<128x128xf32, #tpu.memory_space<vmem>>) target_semaphore(%arg12 : memref<!tpu.dma_semaphore, #tpu.memory_space<semaphore_mem>>)
    %dma_wait3A_94 = arith.constant 0 : i32
    %dma_wait3A_95 = tpu.memref_slice %arg10[%add3A_81, %dma_wait3A_94] : memref<10256x128xf32, #tpu.memory_space<vmem_shared>> -> memref<128x128xf32, #tpu.memory_space<vmem_shared>>
    %dma_wait3A_96 = arith.constant 0 : i32
    %dma_wait3A_97 = tpu.memref_slice %arg10[%add3A_81, %dma_wait3A_96] : memref<10256x128xf32, #tpu.memory_space<vmem_shared>> -> memref<128x128xf32, #tpu.memory_space<vmem_shared>>
    tpu.wait_dma2 semaphore(%arg11 : memref<!tpu.dma_semaphore, #tpu.memory_space<semaphore_mem>>) src(%dma_wait3A_97 : memref<128x128xf32, #tpu.memory_space<vmem_shared>>) dst(%arg8 : memref<128x128xf32, #tpu.memory_space<vmem>>)
    %mul3A_98 = arith.constant 640 : i32
    %mul3A_99 = arith.muli %arg1, %mul3A_98 : i32
    %add3A_100 = arith.constant 0 : i32
    %add3A_101 = arith.addi %mul3A_99, %add3A_100 : i32
    %dma_start3A_102 = arith.constant 0 : i32
    %dma_start3A_103 = tpu.memref_slice %arg5[%arg0, %add3A_101, %dma_start3A_102] : memref<2x10240x128xf32, #tpu.memory_space<hbm>> -> memref<1x128x128xf32, #tpu.memory_space<hbm>>
    %dma_start3A_104 = tpu.memref_squeeze %dma_start3A_103 : memref<1x128x128xf32, #tpu.memory_space<hbm>> -> memref<128x128xf32, #tpu.memory_space<hbm>>
    %dma_start3A_105 = arith.constant 0 : i32
    %dma_start3A_106 = tpu.memref_slice %arg5[%arg0, %add3A_101, %dma_start3A_105] : memref<2x10240x128xf32, #tpu.memory_space<hbm>> -> memref<1x128x128xf32, #tpu.memory_space<hbm>>
    %dma_start3A_107 = tpu.memref_squeeze %dma_start3A_106 : memref<1x128x128xf32, #tpu.memory_space<hbm>> -> memref<128x128xf32, #tpu.memory_space<hbm>>
    tpu.enqueue_dma source(%arg8 : memref<128x128xf32, #tpu.memory_space<vmem>>) target(%dma_start3A_107 : memref<128x128xf32, #tpu.memory_space<hbm>>) target_semaphore(%arg13 : memref<!tpu.dma_semaphore, #tpu.memory_space<semaphore_mem>>)
    %dma_wait3A_108 = arith.constant 0 : i32
    %dma_wait3A_109 = tpu.memref_slice %arg5[%arg0, %add3A_101, %dma_wait3A_108] : memref<2x10240x128xf32, #tpu.memory_space<hbm>> -> memref<1x128x128xf32, #tpu.memory_space<hbm>>
    %dma_wait3A_110 = tpu.memref_squeeze %dma_wait3A_109 : memref<1x128x128xf32, #tpu.memory_space<hbm>> -> memref<128x128xf32, #tpu.memory_space<hbm>>
    %dma_wait3A_111 = arith.constant 0 : i32
    %dma_wait3A_112 = tpu.memref_slice %arg5[%arg0, %add3A_101, %dma_wait3A_111] : memref<2x10240x128xf32, #tpu.memory_space<hbm>> -> memref<1x128x128xf32, #tpu.memory_space<hbm>>
    %dma_wait3A_113 = tpu.memref_squeeze %dma_wait3A_112 : memref<1x128x128xf32, #tpu.memory_space<hbm>> -> memref<128x128xf32, #tpu.memory_space<hbm>>
    tpu.wait_dma2 semaphore(%arg13 : memref<!tpu.dma_semaphore, #tpu.memory_space<semaphore_mem>>) src(%arg8 : memref<128x128xf32, #tpu.memory_space<vmem>>) dst(%dma_wait3A_113 : memref<128x128xf32, #tpu.memory_space<hbm>>)
    %mul3A_114 = arith.constant 640 : i32
    %mul3A_115 = arith.muli %arg1, %mul3A_114 : i32
    %add3A_116 = arith.constant 256 : i32
    %add3A_117 = arith.addi %mul3A_115, %add3A_116 : i32
    %dma_start3A_118 = arith.constant 0 : i32
    %dma_start3A_119 = tpu.memref_slice %arg10[%add3A_117, %dma_start3A_118] : memref<10256x128xf32, #tpu.memory_space<vmem_shared>> -> memref<128x128xf32, #tpu.memory_space<vmem_shared>>
    %dma_start3A_120 = arith.constant 0 : i32
    %dma_start3A_121 = tpu.memref_slice %arg10[%add3A_117, %dma_start3A_120] : memref<10256x128xf32, #tpu.memory_space<vmem_shared>> -> memref<128x128xf32, #tpu.memory_space<vmem_shared>>
    tpu.enqueue_dma source(%dma_start3A_121 : memref<128x128xf32, #tpu.memory_space<vmem_shared>>) target(%arg8 : memref<128x128xf32, #tpu.memory_space<vmem>>) target_semaphore(%arg11 : memref<!tpu.dma_semaphore, #tpu.memory_space<semaphore_mem>>)
    %dma_wait3A_122 = arith.constant 0 : i32
    %dma_wait3A_123 = tpu.memref_slice %arg10[%add3A_89, %dma_wait3A_122] : memref<10256x128xf32, #tpu.memory_space<vmem_shared>> -> memref<128x128xf32, #tpu.memory_space<vmem_shared>>
    %dma_wait3A_124 = arith.constant 0 : i32
    %dma_wait3A_125 = tpu.memref_slice %arg10[%add3A_89, %dma_wait3A_124] : memref<10256x128xf32, #tpu.memory_space<vmem_shared>> -> memref<128x128xf32, #tpu.memory_space<vmem_shared>>
    tpu.wait_dma2 semaphore(%arg12 : memref<!tpu.dma_semaphore, #tpu.memory_space<semaphore_mem>>) src(%dma_wait3A_125 : memref<128x128xf32, #tpu.memory_space<vmem_shared>>) dst(%arg9 : memref<128x128xf32, #tpu.memory_space<vmem>>)
    %mul3A_126 = arith.constant 640 : i32
    %mul3A_127 = arith.muli %arg1, %mul3A_126 : i32
    %add3A_128 = arith.constant 128 : i32
    %add3A_129 = arith.addi %mul3A_127, %add3A_128 : i32
    %dma_start3A_130 = arith.constant 0 : i32
    %dma_start3A_131 = tpu.memref_slice %arg5[%arg0, %add3A_129, %dma_start3A_130] : memref<2x10240x128xf32, #tpu.memory_space<hbm>> -> memref<1x128x128xf32, #tpu.memory_space<hbm>>
    %dma_start3A_132 = tpu.memref_squeeze %dma_start3A_131 : memref<1x128x128xf32, #tpu.memory_space<hbm>> -> memref<128x128xf32, #tpu.memory_space<hbm>>
    %dma_start3A_133 = arith.constant 0 : i32
    %dma_start3A_134 = tpu.memref_slice %arg5[%arg0, %add3A_129, %dma_start3A_133] : memref<2x10240x128xf32, #tpu.memory_space<hbm>> -> memref<1x128x128xf32, #tpu.memory_space<hbm>>
    %dma_start3A_135 = tpu.memref_squeeze %dma_start3A_134 : memref<1x128x128xf32, #tpu.memory_space<hbm>> -> memref<128x128xf32, #tpu.memory_space<hbm>>
    tpu.enqueue_dma source(%arg9 : memref<128x128xf32, #tpu.memory_space<vmem>>) target(%dma_start3A_135 : memref<128x128xf32, #tpu.memory_space<hbm>>) target_semaphore(%arg14 : memref<!tpu.dma_semaphore, #tpu.memory_space<semaphore_mem>>)
    %dma_wait3A_136 = arith.constant 0 : i32
    %dma_wait3A_137 = tpu.memref_slice %arg5[%arg0, %add3A_129, %dma_wait3A_136] : memref<2x10240x128xf32, #tpu.memory_space<hbm>> -> memref<1x128x128xf32, #tpu.memory_space<hbm>>
    %dma_wait3A_138 = tpu.memref_squeeze %dma_wait3A_137 : memref<1x128x128xf32, #tpu.memory_space<hbm>> -> memref<128x128xf32, #tpu.memory_space<hbm>>
    %dma_wait3A_139 = arith.constant 0 : i32
    %dma_wait3A_140 = tpu.memref_slice %arg5[%arg0, %add3A_129, %dma_wait3A_139] : memref<2x10240x128xf32, #tpu.memory_space<hbm>> -> memref<1x128x128xf32, #tpu.memory_space<hbm>>
    %dma_wait3A_141 = tpu.memref_squeeze %dma_wait3A_140 : memref<1x128x128xf32, #tpu.memory_space<hbm>> -> memref<128x128xf32, #tpu.memory_space<hbm>>
    tpu.wait_dma2 semaphore(%arg14 : memref<!tpu.dma_semaphore, #tpu.memory_space<semaphore_mem>>) src(%arg9 : memref<128x128xf32, #tpu.memory_space<vmem>>) dst(%dma_wait3A_141 : memref<128x128xf32, #tpu.memory_space<hbm>>)
    %mul3A_142 = arith.constant 640 : i32
    %mul3A_143 = arith.muli %arg1, %mul3A_142 : i32
    %add3A_144 = arith.constant 384 : i32
    %add3A_145 = arith.addi %mul3A_143, %add3A_144 : i32
    %dma_start3A_146 = arith.constant 0 : i32
    %dma_start3A_147 = tpu.memref_slice %arg10[%add3A_145, %dma_start3A_146] : memref<10256x128xf32, #tpu.memory_space<vmem_shared>> -> memref<128x128xf32, #tpu.memory_space<vmem_shared>>
    %dma_start3A_148 = arith.constant 0 : i32
    %dma_start3A_149 = tpu.memref_slice %arg10[%add3A_145, %dma_start3A_148] : memref<10256x128xf32, #tpu.memory_space<vmem_shared>> -> memref<128x128xf32, #tpu.memory_space<vmem_shared>>
    tpu.enqueue_dma source(%dma_start3A_149 : memref<128x128xf32, #tpu.memory_space<vmem_shared>>) target(%arg9 : memref<128x128xf32, #tpu.memory_space<vmem>>) target_semaphore(%arg12 : memref<!tpu.dma_semaphore, #tpu.memory_space<semaphore_mem>>)
    %dma_wait3A_150 = arith.constant 0 : i32
    %dma_wait3A_151 = tpu.memref_slice %arg10[%add3A_117, %dma_wait3A_150] : memref<10256x128xf32, #tpu.memory_space<vmem_shared>> -> memref<128x128xf32, #tpu.memory_space<vmem_shared>>
    %dma_wait3A_152 = arith.constant 0 : i32
    %dma_wait3A_153 = tpu.memref_slice %arg10[%add3A_117, %dma_wait3A_152] : memref<10256x128xf32, #tpu.memory_space<vmem_shared>> -> memref<128x128xf32, #tpu.memory_space<vmem_shared>>
    tpu.wait_dma2 semaphore(%arg11 : memref<!tpu.dma_semaphore, #tpu.memory_space<semaphore_mem>>) src(%dma_wait3A_153 : memref<128x128xf32, #tpu.memory_space<vmem_shared>>) dst(%arg8 : memref<128x128xf32, #tpu.memory_space<vmem>>)
    %mul3A_154 = arith.constant 640 : i32
    %mul3A_155 = arith.muli %arg1, %mul3A_154 : i32
    %add3A_156 = arith.constant 256 : i32
    %add3A_157 = arith.addi %mul3A_155, %add3A_156 : i32
    %dma_start3A_158 = arith.constant 0 : i32
    %dma_start3A_159 = tpu.memref_slice %arg5[%arg0, %add3A_157, %dma_start3A_158] : memref<2x10240x128xf32, #tpu.memory_space<hbm>> -> memref<1x128x128xf32, #tpu.memory_space<hbm>>
    %dma_start3A_160 = tpu.memref_squeeze %dma_start3A_159 : memref<1x128x128xf32, #tpu.memory_space<hbm>> -> memref<128x128xf32, #tpu.memory_space<hbm>>
    %dma_start3A_161 = arith.constant 0 : i32
    %dma_start3A_162 = tpu.memref_slice %arg5[%arg0, %add3A_157, %dma_start3A_161] : memref<2x10240x128xf32, #tpu.memory_space<hbm>> -> memref<1x128x128xf32, #tpu.memory_space<hbm>>
    %dma_start3A_163 = tpu.memref_squeeze %dma_start3A_162 : memref<1x128x128xf32, #tpu.memory_space<hbm>> -> memref<128x128xf32, #tpu.memory_space<hbm>>
    tpu.enqueue_dma source(%arg8 : memref<128x128xf32, #tpu.memory_space<vmem>>) target(%dma_start3A_163 : memref<128x128xf32, #tpu.memory_space<hbm>>) target_semaphore(%arg13 : memref<!tpu.dma_semaphore, #tpu.memory_space<semaphore_mem>>)
    %dma_wait3A_164 = arith.constant 0 : i32
    %dma_wait3A_165 = tpu.memref_slice %arg5[%arg0, %add3A_157, %dma_wait3A_164] : memref<2x10240x128xf32, #tpu.memory_space<hbm>> -> memref<1x128x128xf32, #tpu.memory_space<hbm>>
    %dma_wait3A_166 = tpu.memref_squeeze %dma_wait3A_165 : memref<1x128x128xf32, #tpu.memory_space<hbm>> -> memref<128x128xf32, #tpu.memory_space<hbm>>
    %dma_wait3A_167 = arith.constant 0 : i32
    %dma_wait3A_168 = tpu.memref_slice %arg5[%arg0, %add3A_157, %dma_wait3A_167] : memref<2x10240x128xf32, #tpu.memory_space<hbm>> -> memref<1x128x128xf32, #tpu.memory_space<hbm>>
    %dma_wait3A_169 = tpu.memref_squeeze %dma_wait3A_168 : memref<1x128x128xf32, #tpu.memory_space<hbm>> -> memref<128x128xf32, #tpu.memory_space<hbm>>
    tpu.wait_dma2 semaphore(%arg13 : memref<!tpu.dma_semaphore, #tpu.memory_space<semaphore_mem>>) src(%arg8 : memref<128x128xf32, #tpu.memory_space<vmem>>) dst(%dma_wait3A_169 : memref<128x128xf32, #tpu.memory_space<hbm>>)
    %mul3A_170 = arith.constant 640 : i32
    %mul3A_171 = arith.muli %arg1, %mul3A_170 : i32
    %add3A_172 = arith.constant 512 : i32
    %add3A_173 = arith.addi %mul3A_171, %add3A_172 : i32
    %dma_start3A_174 = arith.constant 0 : i32
    %dma_start3A_175 = tpu.memref_slice %arg10[%add3A_173, %dma_start3A_174] : memref<10256x128xf32, #tpu.memory_space<vmem_shared>> -> memref<128x128xf32, #tpu.memory_space<vmem_shared>>
    %dma_start3A_176 = arith.constant 0 : i32
    %dma_start3A_177 = tpu.memref_slice %arg10[%add3A_173, %dma_start3A_176] : memref<10256x128xf32, #tpu.memory_space<vmem_shared>> -> memref<128x128xf32, #tpu.memory_space<vmem_shared>>
    tpu.enqueue_dma source(%dma_start3A_177 : memref<128x128xf32, #tpu.memory_space<vmem_shared>>) target(%arg8 : memref<128x128xf32, #tpu.memory_space<vmem>>) target_semaphore(%arg11 : memref<!tpu.dma_semaphore, #tpu.memory_space<semaphore_mem>>)
    %dma_wait3A_178 = arith.constant 0 : i32
    %dma_wait3A_179 = tpu.memref_slice %arg10[%add3A_145, %dma_wait3A_178] : memref<10256x128xf32, #tpu.memory_space<vmem_shared>> -> memref<128x128xf32, #tpu.memory_space<vmem_shared>>
    %dma_wait3A_180 = arith.constant 0 : i32
    %dma_wait3A_181 = tpu.memref_slice %arg10[%add3A_145, %dma_wait3A_180] : memref<10256x128xf32, #tpu.memory_space<vmem_shared>> -> memref<128x128xf32, #tpu.memory_space<vmem_shared>>
    tpu.wait_dma2 semaphore(%arg12 : memref<!tpu.dma_semaphore, #tpu.memory_space<semaphore_mem>>) src(%dma_wait3A_181 : memref<128x128xf32, #tpu.memory_space<vmem_shared>>) dst(%arg9 : memref<128x128xf32, #tpu.memory_space<vmem>>)
    %mul3A_182 = arith.constant 640 : i32
    %mul3A_183 = arith.muli %arg1, %mul3A_182 : i32
    %add3A_184 = arith.constant 384 : i32
    %add3A_185 = arith.addi %mul3A_183, %add3A_184 : i32
    %dma_start3A_186 = arith.constant 0 : i32
    %dma_start3A_187 = tpu.memref_slice %arg5[%arg0, %add3A_185, %dma_start3A_186] : memref<2x10240x128xf32, #tpu.memory_space<hbm>> -> memref<1x128x128xf32, #tpu.memory_space<hbm>>
    %dma_start3A_188 = tpu.memref_squeeze %dma_start3A_187 : memref<1x128x128xf32, #tpu.memory_space<hbm>> -> memref<128x128xf32, #tpu.memory_space<hbm>>
    %dma_start3A_189 = arith.constant 0 : i32
    %dma_start3A_190 = tpu.memref_slice %arg5[%arg0, %add3A_185, %dma_start3A_189] : memref<2x10240x128xf32, #tpu.memory_space<hbm>> -> memref<1x128x128xf32, #tpu.memory_space<hbm>>
    %dma_start3A_191 = tpu.memref_squeeze %dma_start3A_190 : memref<1x128x128xf32, #tpu.memory_space<hbm>> -> memref<128x128xf32, #tpu.memory_space<hbm>>
    tpu.enqueue_dma source(%arg9 : memref<128x128xf32, #tpu.memory_space<vmem>>) target(%dma_start3A_191 : memref<128x128xf32, #tpu.memory_space<hbm>>) target_semaphore(%arg14 : memref<!tpu.dma_semaphore, #tpu.memory_space<semaphore_mem>>)
    %dma_wait3A_192 = arith.constant 0 : i32
    %dma_wait3A_193 = tpu.memref_slice %arg10[%add3A_173, %dma_wait3A_192] : memref<10256x128xf32, #tpu.memory_space<vmem_shared>> -> memref<128x128xf32, #tpu.memory_space<vmem_shared>>
    %dma_wait3A_194 = arith.constant 0 : i32
    %dma_wait3A_195 = tpu.memref_slice %arg10[%add3A_173, %dma_wait3A_194] : memref<10256x128xf32, #tpu.memory_space<vmem_shared>> -> memref<128x128xf32, #tpu.memory_space<vmem_shared>>
    tpu.wait_dma2 semaphore(%arg11 : memref<!tpu.dma_semaphore, #tpu.memory_space<semaphore_mem>>) src(%dma_wait3A_195 : memref<128x128xf32, #tpu.memory_space<vmem_shared>>) dst(%arg8 : memref<128x128xf32, #tpu.memory_space<vmem>>)
    %mul3A_196 = arith.constant 640 : i32
    %mul3A_197 = arith.muli %arg1, %mul3A_196 : i32
    %add3A_198 = arith.constant 512 : i32
    %add3A_199 = arith.addi %mul3A_197, %add3A_198 : i32
    %dma_start3A_200 = arith.constant 0 : i32
    %dma_start3A_201 = tpu.memref_slice %arg5[%arg0, %add3A_199, %dma_start3A_200] : memref<2x10240x128xf32, #tpu.memory_space<hbm>> -> memref<1x128x128xf32, #tpu.memory_space<hbm>>
    %dma_start3A_202 = tpu.memref_squeeze %dma_start3A_201 : memref<1x128x128xf32, #tpu.memory_space<hbm>> -> memref<128x128xf32, #tpu.memory_space<hbm>>
    %dma_start3A_203 = arith.constant 0 : i32
    %dma_start3A_204 = tpu.memref_slice %arg5[%arg0, %add3A_199, %dma_start3A_203] : memref<2x10240x128xf32, #tpu.memory_space<hbm>> -> memref<1x128x128xf32, #tpu.memory_space<hbm>>
    %dma_start3A_205 = tpu.memref_squeeze %dma_start3A_204 : memref<1x128x128xf32, #tpu.memory_space<hbm>> -> memref<128x128xf32, #tpu.memory_space<hbm>>
    tpu.enqueue_dma source(%arg8 : memref<128x128xf32, #tpu.memory_space<vmem>>) target(%dma_start3A_205 : memref<128x128xf32, #tpu.memory_space<hbm>>) target_semaphore(%arg13 : memref<!tpu.dma_semaphore, #tpu.memory_space<semaphore_mem>>)
    %dma_wait3A_206 = arith.constant 0 : i32
    %dma_wait3A_207 = tpu.memref_slice %arg5[%arg0, %add3A_185, %dma_wait3A_206] : memref<2x10240x128xf32, #tpu.memory_space<hbm>> -> memref<1x128x128xf32, #tpu.memory_space<hbm>>
    %dma_wait3A_208 = tpu.memref_squeeze %dma_wait3A_207 : memref<1x128x128xf32, #tpu.memory_space<hbm>> -> memref<128x128xf32, #tpu.memory_space<hbm>>
    %dma_wait3A_209 = arith.constant 0 : i32
    %dma_wait3A_210 = tpu.memref_slice %arg5[%arg0, %add3A_185, %dma_wait3A_209] : memref<2x10240x128xf32, #tpu.memory_space<hbm>> -> memref<1x128x128xf32, #tpu.memory_space<hbm>>
    %dma_wait3A_211 = tpu.memref_squeeze %dma_wait3A_210 : memref<1x128x128xf32, #tpu.memory_space<hbm>> -> memref<128x128xf32, #tpu.memory_space<hbm>>
    tpu.wait_dma2 semaphore(%arg14 : memref<!tpu.dma_semaphore, #tpu.memory_space<semaphore_mem>>) src(%arg9 : memref<128x128xf32, #tpu.memory_space<vmem>>) dst(%dma_wait3A_211 : memref<128x128xf32, #tpu.memory_space<hbm>>)
    %dma_wait3A_212 = arith.constant 0 : i32
    %dma_wait3A_213 = tpu.memref_slice %arg5[%arg0, %add3A_199, %dma_wait3A_212] : memref<2x10240x128xf32, #tpu.memory_space<hbm>> -> memref<1x128x128xf32, #tpu.memory_space<hbm>>
    %dma_wait3A_214 = tpu.memref_squeeze %dma_wait3A_213 : memref<1x128x128xf32, #tpu.memory_space<hbm>> -> memref<128x128xf32, #tpu.memory_space<hbm>>
    %dma_wait3A_215 = arith.constant 0 : i32
    %dma_wait3A_216 = tpu.memref_slice %arg5[%arg0, %add3A_199, %dma_wait3A_215] : memref<2x10240x128xf32, #tpu.memory_space<hbm>> -> memref<1x128x128xf32, #tpu.memory_space<hbm>>
    %dma_wait3A_217 = tpu.memref_squeeze %dma_wait3A_216 : memref<1x128x128xf32, #tpu.memory_space<hbm>> -> memref<128x128xf32, #tpu.memory_space<hbm>>
    tpu.wait_dma2 semaphore(%arg13 : memref<!tpu.dma_semaphore, #tpu.memory_space<semaphore_mem>>) src(%arg8 : memref<128x128xf32, #tpu.memory_space<vmem>>) dst(%dma_wait3A_217 : memref<128x128xf32, #tpu.memory_space<hbm>>)
    return
  }
}

#map = affine_map<(d0, d1) -> (0, 0, 0)>
#map1 = affine_map<(d0, d1) -> (0, 0)>
module attributes {stable_mosaic.version = 14 : i64} {
  func.func @_agg_body_deg(%arg0: i32, %arg1: i32, %arg2: memref<32x128x80xi32, #tpu.memory_space<hbm>>, %arg3: memref<32x128x80xi32, #tpu.memory_space<hbm>>, %arg4: memref<10000x128xf32, #tpu.memory_space<hbm>>, %arg5: memref<2x10240x128xf32, #tpu.memory_space<hbm>>, %arg6: memref<32x10240xf32, #tpu.memory_space<hbm>>, %arg7: memref<32x80xi32, #tpu.memory_space<vmem>>, %arg8: memref<32x80xi32, #tpu.memory_space<vmem>>, %arg9: memref<80x128xf32, #tpu.memory_space<vmem>>, %arg10: memref<80x128xf32, #tpu.memory_space<vmem>>, %arg11: memref<10256xf32, #tpu.memory_space<vmem>>, %arg12: memref<10256x128xf32, #tpu.memory_space<vmem_shared>>, %arg13: memref<!tpu.dma_semaphore, #tpu.memory_space<semaphore_mem>>, %arg14: memref<!tpu.dma_semaphore, #tpu.memory_space<semaphore_mem>>, %arg15: memref<!tpu.dma_semaphore, #tpu.memory_space<semaphore_mem>>, %arg16: memref<!tpu.dma_semaphore, #tpu.memory_space<semaphore_mem>>) attributes {dimension_semantics = [#tpu.dimension_semantics<core_parallel>, #tpu.dimension_semantics<subcore_parallel>], iteration_bounds = array<i64: 2, 16>, scalar_prefetch = 0 : i64, scratch_operands = 10 : i64, tpu.core_type = #tpu.core_type<sc_vector_subcore>, window_params = [{transform_indices = #map}, {transform_indices = #map}, {transform_indices = #map1}, {transform_indices = #map}, {transform_indices = #map1}]} {
    %mul3A = arith.constant 16 : i32
    %mul3A_0 = arith.muli %arg0, %mul3A : i32
    %add3A = arith.addi %mul3A_0, %arg1 : i32
    %broadcast_in_dim3A = arith.constant 0.000000e+00 : f32
    %broadcast_in_dim3A_1 = vector.broadcast %broadcast_in_dim3A : f32 to vector<16xf32>
    %broadcast_in_dim3A_2 = arith.constant 1.000000e+00 : f32
    %broadcast_in_dim3A_3 = vector.broadcast %broadcast_in_dim3A_2 : f32 to vector<16xf32>
    %scan3A = arith.constant 0 : i32
    %scan3A_4 = arith.constant 0 : i32
    %scan3A_5 = arith.constant 80 : i32
    %scan3A_6 = arith.addi %scan3A_4, %scan3A_5 : i32
    %scan3A_7 = arith.constant 1 : i32
    %scan3A_8 = scf.for %scan3A_345 = %scan3A_4 to %scan3A_6 step %scan3A_7 iter_args(%scan3A_346 = %scan3A) -> (i32)  : i32 {
      %swap3A = arith.index_cast %scan3A_345 : i32 to index
      %swap3A_347 = arith.constant 0 : index
      %swap3A_348 = tpu.vector_load %arg9[%swap3A, %swap3A_347] {strides = array<i32>} : memref<80x128xf32, #tpu.memory_space<vmem>>, vector<16xf32>,
      tpu.vector_store %arg9[%swap3A, %swap3A_347], %broadcast_in_dim3A_1 {strides = array<i32>} : memref<80x128xf32, #tpu.memory_space<vmem>>, vector<16xf32>,
      %swap3A_349 = arith.index_cast %scan3A_345 : i32 to index
      %swap3A_350 = arith.constant 16 : index
      %swap3A_351 = tpu.vector_load %arg9[%swap3A_349, %swap3A_350] {strides = array<i32>} : memref<80x128xf32, #tpu.memory_space<vmem>>, vector<16xf32>,
      tpu.vector_store %arg9[%swap3A_349, %swap3A_350], %broadcast_in_dim3A_1 {strides = array<i32>} : memref<80x128xf32, #tpu.memory_space<vmem>>, vector<16xf32>,
      %swap3A_352 = arith.index_cast %scan3A_345 : i32 to index
      %swap3A_353 = arith.constant 32 : index
      %swap3A_354 = tpu.vector_load %arg9[%swap3A_352, %swap3A_353] {strides = array<i32>} : memref<80x128xf32, #tpu.memory_space<vmem>>, vector<16xf32>,
      tpu.vector_store %arg9[%swap3A_352, %swap3A_353], %broadcast_in_dim3A_1 {strides = array<i32>} : memref<80x128xf32, #tpu.memory_space<vmem>>, vector<16xf32>,
      %swap3A_355 = arith.index_cast %scan3A_345 : i32 to index
      %swap3A_356 = arith.constant 48 : index
      %swap3A_357 = tpu.vector_load %arg9[%swap3A_355, %swap3A_356] {strides = array<i32>} : memref<80x128xf32, #tpu.memory_space<vmem>>, vector<16xf32>,
      tpu.vector_store %arg9[%swap3A_355, %swap3A_356], %broadcast_in_dim3A_1 {strides = array<i32>} : memref<80x128xf32, #tpu.memory_space<vmem>>, vector<16xf32>,
      %swap3A_358 = arith.index_cast %scan3A_345 : i32 to index
      %swap3A_359 = arith.constant 64 : index
      %swap3A_360 = tpu.vector_load %arg9[%swap3A_358, %swap3A_359] {strides = array<i32>} : memref<80x128xf32, #tpu.memory_space<vmem>>, vector<16xf32>,
      tpu.vector_store %arg9[%swap3A_358, %swap3A_359], %broadcast_in_dim3A_1 {strides = array<i32>} : memref<80x128xf32, #tpu.memory_space<vmem>>, vector<16xf32>,
      %swap3A_361 = arith.index_cast %scan3A_345 : i32 to index
      %swap3A_362 = arith.constant 80 : index
      %swap3A_363 = tpu.vector_load %arg9[%swap3A_361, %swap3A_362] {strides = array<i32>} : memref<80x128xf32, #tpu.memory_space<vmem>>, vector<16xf32>,
      tpu.vector_store %arg9[%swap3A_361, %swap3A_362], %broadcast_in_dim3A_1 {strides = array<i32>} : memref<80x128xf32, #tpu.memory_space<vmem>>, vector<16xf32>,
      %swap3A_364 = arith.index_cast %scan3A_345 : i32 to index
      %swap3A_365 = arith.constant 96 : index
      %swap3A_366 = tpu.vector_load %arg9[%swap3A_364, %swap3A_365] {strides = array<i32>} : memref<80x128xf32, #tpu.memory_space<vmem>>, vector<16xf32>,
      tpu.vector_store %arg9[%swap3A_364, %swap3A_365], %broadcast_in_dim3A_1 {strides = array<i32>} : memref<80x128xf32, #tpu.memory_space<vmem>>, vector<16xf32>,
      %swap3A_367 = arith.index_cast %scan3A_345 : i32 to index
      %swap3A_368 = arith.constant 112 : index
      %swap3A_369 = tpu.vector_load %arg9[%swap3A_367, %swap3A_368] {strides = array<i32>} : memref<80x128xf32, #tpu.memory_space<vmem>>, vector<16xf32>,
      tpu.vector_store %arg9[%swap3A_367, %swap3A_368], %broadcast_in_dim3A_1 {strides = array<i32>} : memref<80x128xf32, #tpu.memory_space<vmem>>, vector<16xf32>,
      %scan3A_370 = arith.constant 0 : i32
      scf.yield %scan3A_370 : i32
    }
    %scan3A_9 = arith.constant 80 : i32
    %scan3A_10 = arith.constant 0 : i32
    %scan3A_11 = arith.constant 0 : i32
    %scan3A_12 = arith.constant 641 : i32
    %scan3A_13 = arith.addi %scan3A_11, %scan3A_12 : i32
    %scan3A_14 = arith.constant 1 : i32
    %scan3A_15 = scf.for %scan3A_345 = %scan3A_11 to %scan3A_13 step %scan3A_14 iter_args(%scan3A_346 = %scan3A_10) -> (i32)  : i32 {
      %mul3A_347 = arith.constant 16 : i32
      %mul3A_348 = arith.muli %scan3A_345, %mul3A_347 : i32
      %swap3A = arith.index_cast %mul3A_348 : i32 to index
      %swap3A_349 = tpu.vector_load %arg11[%swap3A] {strides = array<i32>} : memref<10256xf32, #tpu.memory_space<vmem>>, vector<16xf32>,
      tpu.vector_store %arg11[%swap3A], %broadcast_in_dim3A_1 {strides = array<i32>} : memref<10256xf32, #tpu.memory_space<vmem>>, vector<16xf32>,
      %scan3A_350 = arith.constant 0 : i32
      scf.yield %scan3A_350 : i32
    }
    %scan3A_16 = arith.constant 641 : i32
    %mul3A_17 = arith.constant 640 : i32
    %mul3A_18 = arith.muli %arg1, %mul3A_17 : i32
    %add3A_19 = arith.constant 0 : i32
    %add3A_20 = arith.addi %mul3A_18, %add3A_19 : i32
    %dma_start3A = arith.constant 0 : i32
    %dma_start3A_21 = tpu.memref_slice %arg12[%add3A_20, %dma_start3A] : memref<10256x128xf32, #tpu.memory_space<vmem_shared>> -> memref<80x128xf32, #tpu.memory_space<vmem_shared>>
    %dma_start3A_22 = arith.constant 0 : i32
    %dma_start3A_23 = tpu.memref_slice %arg12[%add3A_20, %dma_start3A_22] : memref<10256x128xf32, #tpu.memory_space<vmem_shared>> -> memref<80x128xf32, #tpu.memory_space<vmem_shared>>
    tpu.enqueue_dma source(%arg9 : memref<80x128xf32, #tpu.memory_space<vmem>>) target(%dma_start3A_23 : memref<80x128xf32, #tpu.memory_space<vmem_shared>>) target_semaphore(%arg13 : memref<!tpu.dma_semaphore, #tpu.memory_space<semaphore_mem>>)
    %mul3A_24 = arith.constant 640 : i32
    %mul3A_25 = arith.muli %arg1, %mul3A_24 : i32
    %add3A_26 = arith.constant 80 : i32
    %add3A_27 = arith.addi %mul3A_25, %add3A_26 : i32
    %dma_start3A_28 = arith.constant 0 : i32
    %dma_start3A_29 = tpu.memref_slice %arg12[%add3A_27, %dma_start3A_28] : memref<10256x128xf32, #tpu.memory_space<vmem_shared>> -> memref<80x128xf32, #tpu.memory_space<vmem_shared>>
    %dma_start3A_30 = arith.constant 0 : i32
    %dma_start3A_31 = tpu.memref_slice %arg12[%add3A_27, %dma_start3A_30] : memref<10256x128xf32, #tpu.memory_space<vmem_shared>> -> memref<80x128xf32, #tpu.memory_space<vmem_shared>>
    tpu.enqueue_dma source(%arg9 : memref<80x128xf32, #tpu.memory_space<vmem>>) target(%dma_start3A_31 : memref<80x128xf32, #tpu.memory_space<vmem_shared>>) target_semaphore(%arg13 : memref<!tpu.dma_semaphore, #tpu.memory_space<semaphore_mem>>)
    %mul3A_32 = arith.constant 640 : i32
    %mul3A_33 = arith.muli %arg1, %mul3A_32 : i32
    %add3A_34 = arith.constant 160 : i32
    %add3A_35 = arith.addi %mul3A_33, %add3A_34 : i32
    %dma_start3A_36 = arith.constant 0 : i32
    %dma_start3A_37 = tpu.memref_slice %arg12[%add3A_35, %dma_start3A_36] : memref<10256x128xf32, #tpu.memory_space<vmem_shared>> -> memref<80x128xf32, #tpu.memory_space<vmem_shared>>
    %dma_start3A_38 = arith.constant 0 : i32
    %dma_start3A_39 = tpu.memref_slice %arg12[%add3A_35, %dma_start3A_38] : memref<10256x128xf32, #tpu.memory_space<vmem_shared>> -> memref<80x128xf32, #tpu.memory_space<vmem_shared>>
    tpu.enqueue_dma source(%arg9 : memref<80x128xf32, #tpu.memory_space<vmem>>) target(%dma_start3A_39 : memref<80x128xf32, #tpu.memory_space<vmem_shared>>) target_semaphore(%arg13 : memref<!tpu.dma_semaphore, #tpu.memory_space<semaphore_mem>>)
    %mul3A_40 = arith.constant 640 : i32
    %mul3A_41 = arith.muli %arg1, %mul3A_40 : i32
    %add3A_42 = arith.constant 240 : i32
    %add3A_43 = arith.addi %mul3A_41, %add3A_42 : i32
    %dma_start3A_44 = arith.constant 0 : i32
    %dma_start3A_45 = tpu.memref_slice %arg12[%add3A_43, %dma_start3A_44] : memref<10256x128xf32, #tpu.memory_space<vmem_shared>> -> memref<80x128xf32, #tpu.memory_space<vmem_shared>>
    %dma_start3A_46 = arith.constant 0 : i32
    %dma_start3A_47 = tpu.memref_slice %arg12[%add3A_43, %dma_start3A_46] : memref<10256x128xf32, #tpu.memory_space<vmem_shared>> -> memref<80x128xf32, #tpu.memory_space<vmem_shared>>
    tpu.enqueue_dma source(%arg9 : memref<80x128xf32, #tpu.memory_space<vmem>>) target(%dma_start3A_47 : memref<80x128xf32, #tpu.memory_space<vmem_shared>>) target_semaphore(%arg13 : memref<!tpu.dma_semaphore, #tpu.memory_space<semaphore_mem>>)
    %mul3A_48 = arith.constant 640 : i32
    %mul3A_49 = arith.muli %arg1, %mul3A_48 : i32
    %add3A_50 = arith.constant 320 : i32
    %add3A_51 = arith.addi %mul3A_49, %add3A_50 : i32
    %dma_start3A_52 = arith.constant 0 : i32
    %dma_start3A_53 = tpu.memref_slice %arg12[%add3A_51, %dma_start3A_52] : memref<10256x128xf32, #tpu.memory_space<vmem_shared>> -> memref<80x128xf32, #tpu.memory_space<vmem_shared>>
    %dma_start3A_54 = arith.constant 0 : i32
    %dma_start3A_55 = tpu.memref_slice %arg12[%add3A_51, %dma_start3A_54] : memref<10256x128xf32, #tpu.memory_space<vmem_shared>> -> memref<80x128xf32, #tpu.memory_space<vmem_shared>>
    tpu.enqueue_dma source(%arg9 : memref<80x128xf32, #tpu.memory_space<vmem>>) target(%dma_start3A_55 : memref<80x128xf32, #tpu.memory_space<vmem_shared>>) target_semaphore(%arg13 : memref<!tpu.dma_semaphore, #tpu.memory_space<semaphore_mem>>)
    %mul3A_56 = arith.constant 640 : i32
    %mul3A_57 = arith.muli %arg1, %mul3A_56 : i32
    %add3A_58 = arith.constant 400 : i32
    %add3A_59 = arith.addi %mul3A_57, %add3A_58 : i32
    %dma_start3A_60 = arith.constant 0 : i32
    %dma_start3A_61 = tpu.memref_slice %arg12[%add3A_59, %dma_start3A_60] : memref<10256x128xf32, #tpu.memory_space<vmem_shared>> -> memref<80x128xf32, #tpu.memory_space<vmem_shared>>
    %dma_start3A_62 = arith.constant 0 : i32
    %dma_start3A_63 = tpu.memref_slice %arg12[%add3A_59, %dma_start3A_62] : memref<10256x128xf32, #tpu.memory_space<vmem_shared>> -> memref<80x128xf32, #tpu.memory_space<vmem_shared>>
    tpu.enqueue_dma source(%arg9 : memref<80x128xf32, #tpu.memory_space<vmem>>) target(%dma_start3A_63 : memref<80x128xf32, #tpu.memory_space<vmem_shared>>) target_semaphore(%arg13 : memref<!tpu.dma_semaphore, #tpu.memory_space<semaphore_mem>>)
    %mul3A_64 = arith.constant 640 : i32
    %mul3A_65 = arith.muli %arg1, %mul3A_64 : i32
    %add3A_66 = arith.constant 480 : i32
    %add3A_67 = arith.addi %mul3A_65, %add3A_66 : i32
    %dma_start3A_68 = arith.constant 0 : i32
    %dma_start3A_69 = tpu.memref_slice %arg12[%add3A_67, %dma_start3A_68] : memref<10256x128xf32, #tpu.memory_space<vmem_shared>> -> memref<80x128xf32, #tpu.memory_space<vmem_shared>>
    %dma_start3A_70 = arith.constant 0 : i32
    %dma_start3A_71 = tpu.memref_slice %arg12[%add3A_67, %dma_start3A_70] : memref<10256x128xf32, #tpu.memory_space<vmem_shared>> -> memref<80x128xf32, #tpu.memory_space<vmem_shared>>
    tpu.enqueue_dma source(%arg9 : memref<80x128xf32, #tpu.memory_space<vmem>>) target(%dma_start3A_71 : memref<80x128xf32, #tpu.memory_space<vmem_shared>>) target_semaphore(%arg13 : memref<!tpu.dma_semaphore, #tpu.memory_space<semaphore_mem>>)
    %mul3A_72 = arith.constant 640 : i32
    %mul3A_73 = arith.muli %arg1, %mul3A_72 : i32
    %add3A_74 = arith.constant 560 : i32
    %add3A_75 = arith.addi %mul3A_73, %add3A_74 : i32
    %dma_start3A_76 = arith.constant 0 : i32
    %dma_start3A_77 = tpu.memref_slice %arg12[%add3A_75, %dma_start3A_76] : memref<10256x128xf32, #tpu.memory_space<vmem_shared>> -> memref<80x128xf32, #tpu.memory_space<vmem_shared>>
    %dma_start3A_78 = arith.constant 0 : i32
    %dma_start3A_79 = tpu.memref_slice %arg12[%add3A_75, %dma_start3A_78] : memref<10256x128xf32, #tpu.memory_space<vmem_shared>> -> memref<80x128xf32, #tpu.memory_space<vmem_shared>>
    tpu.enqueue_dma source(%arg9 : memref<80x128xf32, #tpu.memory_space<vmem>>) target(%dma_start3A_79 : memref<80x128xf32, #tpu.memory_space<vmem_shared>>) target_semaphore(%arg13 : memref<!tpu.dma_semaphore, #tpu.memory_space<semaphore_mem>>)
    %eq3A = arith.constant 15 : i32
    %eq3A_80 = arith.cmpi eq, %arg1, %eq3A : i32
    %convert_element_type3A = arith.extui %eq3A_80 : i1 to i32
    %cond3A = arith.constant 0 : i32
    %cond3A_81 = arith.cmpi ne, %convert_element_type3A, %cond3A : i32
    scf.if %cond3A_81 {
      "tpu.region"() ({
        %run_scoped3A = tpu.sem_alloc : memref<!tpu.dma_semaphore, #tpu.memory_space<semaphore_mem>>
        %dma_start3A_345 = arith.constant 0 : i32
        %dma_start3A_346 = arith.constant 0 : i32
        %dma_start3A_347 = tpu.memref_slice %arg9[%dma_start3A_345, %dma_start3A_346] : memref<80x128xf32, #tpu.memory_space<vmem>> -> memref<16x128xf32, #tpu.memory_space<vmem>>
        %dma_start3A_348 = arith.constant 10240 : i32
        %dma_start3A_349 = arith.constant 0 : i32
        %dma_start3A_350 = tpu.memref_slice %arg12[%dma_start3A_348, %dma_start3A_349] : memref<10256x128xf32, #tpu.memory_space<vmem_shared>> -> memref<16x128xf32, #tpu.memory_space<vmem_shared>>
        %dma_start3A_351 = arith.constant 10240 : i32
        %dma_start3A_352 = arith.constant 0 : i32
        %dma_start3A_353 = tpu.memref_slice %arg12[%dma_start3A_351, %dma_start3A_352] : memref<10256x128xf32, #tpu.memory_space<vmem_shared>> -> memref<16x128xf32, #tpu.memory_space<vmem_shared>>
        %dma_start3A_354 = arith.constant 0 : i32
        %dma_start3A_355 = arith.constant 0 : i32
        %dma_start3A_356 = tpu.memref_slice %arg9[%dma_start3A_354, %dma_start3A_355] : memref<80x128xf32, #tpu.memory_space<vmem>> -> memref<16x128xf32, #tpu.memory_space<vmem>>
        tpu.enqueue_dma source(%dma_start3A_356 : memref<16x128xf32, #tpu.memory_space<vmem>>) target(%dma_start3A_353 : memref<16x128xf32, #tpu.memory_space<vmem_shared>>) target_semaphore(%run_scoped3A : memref<!tpu.dma_semaphore, #tpu.memory_space<semaphore_mem>>)
        %dma_wait3A_357 = arith.constant 0 : i32
        %dma_wait3A_358 = arith.constant 0 : i32
        %dma_wait3A_359 = tpu.memref_slice %arg9[%dma_wait3A_357, %dma_wait3A_358] : memref<80x128xf32, #tpu.memory_space<vmem>> -> memref<16x128xf32, #tpu.memory_space<vmem>>
        %dma_wait3A_360 = arith.constant 10240 : i32
        %dma_wait3A_361 = arith.constant 0 : i32
        %dma_wait3A_362 = tpu.memref_slice %arg12[%dma_wait3A_360, %dma_wait3A_361] : memref<10256x128xf32, #tpu.memory_space<vmem_shared>> -> memref<16x128xf32, #tpu.memory_space<vmem_shared>>
        %dma_wait3A_363 = arith.constant 10240 : i32
        %dma_wait3A_364 = arith.constant 0 : i32
        %dma_wait3A_365 = tpu.memref_slice %arg12[%dma_wait3A_363, %dma_wait3A_364] : memref<10256x128xf32, #tpu.memory_space<vmem_shared>> -> memref<16x128xf32, #tpu.memory_space<vmem_shared>>
        %dma_wait3A_366 = arith.constant 0 : i32
        %dma_wait3A_367 = arith.constant 0 : i32
        %dma_wait3A_368 = tpu.memref_slice %arg9[%dma_wait3A_366, %dma_wait3A_367] : memref<80x128xf32, #tpu.memory_space<vmem>> -> memref<16x128xf32, #tpu.memory_space<vmem>>
        tpu.wait_dma2 semaphore(%run_scoped3A : memref<!tpu.dma_semaphore, #tpu.memory_space<semaphore_mem>>) src(%dma_wait3A_368 : memref<16x128xf32, #tpu.memory_space<vmem>>) dst(%dma_wait3A_365 : memref<16x128xf32, #tpu.memory_space<vmem_shared>>)
        tpu.yield
      }) : () -> ()
    } else {
    }
    %dma_wait3A = arith.constant 0 : i32
    %dma_wait3A_82 = tpu.memref_slice %arg12[%add3A_20, %dma_wait3A] : memref<10256x128xf32, #tpu.memory_space<vmem_shared>> -> memref<80x128xf32, #tpu.memory_space<vmem_shared>>
    %dma_wait3A_83 = arith.constant 0 : i32
    %dma_wait3A_84 = tpu.memref_slice %arg12[%add3A_20, %dma_wait3A_83] : memref<10256x128xf32, #tpu.memory_space<vmem_shared>> -> memref<80x128xf32, #tpu.memory_space<vmem_shared>>
    tpu.wait_dma2 semaphore(%arg13 : memref<!tpu.dma_semaphore, #tpu.memory_space<semaphore_mem>>) src(%arg9 : memref<80x128xf32, #tpu.memory_space<vmem>>) dst(%dma_wait3A_84 : memref<80x128xf32, #tpu.memory_space<vmem_shared>>)
    %dma_wait3A_85 = arith.constant 0 : i32
    %dma_wait3A_86 = tpu.memref_slice %arg12[%add3A_27, %dma_wait3A_85] : memref<10256x128xf32, #tpu.memory_space<vmem_shared>> -> memref<80x128xf32, #tpu.memory_space<vmem_shared>>
    %dma_wait3A_87 = arith.constant 0 : i32
    %dma_wait3A_88 = tpu.memref_slice %arg12[%add3A_27, %dma_wait3A_87] : memref<10256x128xf32, #tpu.memory_space<vmem_shared>> -> memref<80x128xf32, #tpu.memory_space<vmem_shared>>
    tpu.wait_dma2 semaphore(%arg13 : memref<!tpu.dma_semaphore, #tpu.memory_space<semaphore_mem>>) src(%arg9 : memref<80x128xf32, #tpu.memory_space<vmem>>) dst(%dma_wait3A_88 : memref<80x128xf32, #tpu.memory_space<vmem_shared>>)
    %dma_wait3A_89 = arith.constant 0 : i32
    %dma_wait3A_90 = tpu.memref_slice %arg12[%add3A_35, %dma_wait3A_89] : memref<10256x128xf32, #tpu.memory_space<vmem_shared>> -> memref<80x128xf32, #tpu.memory_space<vmem_shared>>
    %dma_wait3A_91 = arith.constant 0 : i32
    %dma_wait3A_92 = tpu.memref_slice %arg12[%add3A_35, %dma_wait3A_91] : memref<10256x128xf32, #tpu.memory_space<vmem_shared>> -> memref<80x128xf32, #tpu.memory_space<vmem_shared>>
    tpu.wait_dma2 semaphore(%arg13 : memref<!tpu.dma_semaphore, #tpu.memory_space<semaphore_mem>>) src(%arg9 : memref<80x128xf32, #tpu.memory_space<vmem>>) dst(%dma_wait3A_92 : memref<80x128xf32, #tpu.memory_space<vmem_shared>>)
    %dma_wait3A_93 = arith.constant 0 : i32
    %dma_wait3A_94 = tpu.memref_slice %arg12[%add3A_43, %dma_wait3A_93] : memref<10256x128xf32, #tpu.memory_space<vmem_shared>> -> memref<80x128xf32, #tpu.memory_space<vmem_shared>>
    %dma_wait3A_95 = arith.constant 0 : i32
    %dma_wait3A_96 = tpu.memref_slice %arg12[%add3A_43, %dma_wait3A_95] : memref<10256x128xf32, #tpu.memory_space<vmem_shared>> -> memref<80x128xf32, #tpu.memory_space<vmem_shared>>
    tpu.wait_dma2 semaphore(%arg13 : memref<!tpu.dma_semaphore, #tpu.memory_space<semaphore_mem>>) src(%arg9 : memref<80x128xf32, #tpu.memory_space<vmem>>) dst(%dma_wait3A_96 : memref<80x128xf32, #tpu.memory_space<vmem_shared>>)
    %dma_wait3A_97 = arith.constant 0 : i32
    %dma_wait3A_98 = tpu.memref_slice %arg12[%add3A_51, %dma_wait3A_97] : memref<10256x128xf32, #tpu.memory_space<vmem_shared>> -> memref<80x128xf32, #tpu.memory_space<vmem_shared>>
    %dma_wait3A_99 = arith.constant 0 : i32
    %dma_wait3A_100 = tpu.memref_slice %arg12[%add3A_51, %dma_wait3A_99] : memref<10256x128xf32, #tpu.memory_space<vmem_shared>> -> memref<80x128xf32, #tpu.memory_space<vmem_shared>>
    tpu.wait_dma2 semaphore(%arg13 : memref<!tpu.dma_semaphore, #tpu.memory_space<semaphore_mem>>) src(%arg9 : memref<80x128xf32, #tpu.memory_space<vmem>>) dst(%dma_wait3A_100 : memref<80x128xf32, #tpu.memory_space<vmem_shared>>)
    %dma_wait3A_101 = arith.constant 0 : i32
    %dma_wait3A_102 = tpu.memref_slice %arg12[%add3A_59, %dma_wait3A_101] : memref<10256x128xf32, #tpu.memory_space<vmem_shared>> -> memref<80x128xf32, #tpu.memory_space<vmem_shared>>
    %dma_wait3A_103 = arith.constant 0 : i32
    %dma_wait3A_104 = tpu.memref_slice %arg12[%add3A_59, %dma_wait3A_103] : memref<10256x128xf32, #tpu.memory_space<vmem_shared>> -> memref<80x128xf32, #tpu.memory_space<vmem_shared>>
    tpu.wait_dma2 semaphore(%arg13 : memref<!tpu.dma_semaphore, #tpu.memory_space<semaphore_mem>>) src(%arg9 : memref<80x128xf32, #tpu.memory_space<vmem>>) dst(%dma_wait3A_104 : memref<80x128xf32, #tpu.memory_space<vmem_shared>>)
    %dma_wait3A_105 = arith.constant 0 : i32
    %dma_wait3A_106 = tpu.memref_slice %arg12[%add3A_67, %dma_wait3A_105] : memref<10256x128xf32, #tpu.memory_space<vmem_shared>> -> memref<80x128xf32, #tpu.memory_space<vmem_shared>>
    %dma_wait3A_107 = arith.constant 0 : i32
    %dma_wait3A_108 = tpu.memref_slice %arg12[%add3A_67, %dma_wait3A_107] : memref<10256x128xf32, #tpu.memory_space<vmem_shared>> -> memref<80x128xf32, #tpu.memory_space<vmem_shared>>
    tpu.wait_dma2 semaphore(%arg13 : memref<!tpu.dma_semaphore, #tpu.memory_space<semaphore_mem>>) src(%arg9 : memref<80x128xf32, #tpu.memory_space<vmem>>) dst(%dma_wait3A_108 : memref<80x128xf32, #tpu.memory_space<vmem_shared>>)
    %dma_wait3A_109 = arith.constant 0 : i32
    %dma_wait3A_110 = tpu.memref_slice %arg12[%add3A_75, %dma_wait3A_109] : memref<10256x128xf32, #tpu.memory_space<vmem_shared>> -> memref<80x128xf32, #tpu.memory_space<vmem_shared>>
    %dma_wait3A_111 = arith.constant 0 : i32
    %dma_wait3A_112 = tpu.memref_slice %arg12[%add3A_75, %dma_wait3A_111] : memref<10256x128xf32, #tpu.memory_space<vmem_shared>> -> memref<80x128xf32, #tpu.memory_space<vmem_shared>>
    tpu.wait_dma2 semaphore(%arg13 : memref<!tpu.dma_semaphore, #tpu.memory_space<semaphore_mem>>) src(%arg9 : memref<80x128xf32, #tpu.memory_space<vmem>>) dst(%dma_wait3A_112 : memref<80x128xf32, #tpu.memory_space<vmem_shared>>)
    %barrier3A = arith.constant 0 : index
    tpu.barrier barrier_id(%barrier3A)
    %scan3A_113 = arith.constant 0 : i32
    %scan3A_114 = arith.constant 0 : i32
    %scan3A_115 = arith.constant 4 : i32
    %scan3A_116 = arith.addi %scan3A_114, %scan3A_115 : i32
    %scan3A_117 = arith.constant 1 : i32
    %scan3A_118 = scf.for %scan3A_345 = %scan3A_114 to %scan3A_116 step %scan3A_117 iter_args(%scan3A_346 = %scan3A_113) -> (i32)  : i32 {
      %mul3A_347 = arith.constant 32 : i32
      %mul3A_348 = arith.muli %scan3A_345, %mul3A_347 : i32
      "tpu.region"() ({
        %run_scoped3A = tpu.sem_alloc : memref<!tpu.dma_semaphore, #tpu.memory_space<semaphore_mem>>
        %dma_start3A_373 = arith.constant 0 : i32
        %dma_start3A_374 = tpu.memref_slice %arg2[%add3A, %mul3A_348, %dma_start3A_373] : memref<32x128x80xi32, #tpu.memory_space<hbm>> -> memref<1x32x80xi32, #tpu.memory_space<hbm>>
        %dma_start3A_375 = tpu.memref_squeeze %dma_start3A_374 : memref<1x32x80xi32, #tpu.memory_space<hbm>> -> memref<32x80xi32, #tpu.memory_space<hbm>>
        %dma_start3A_376 = arith.constant 0 : i32
        %dma_start3A_377 = tpu.memref_slice %arg2[%add3A, %mul3A_348, %dma_start3A_376] : memref<32x128x80xi32, #tpu.memory_space<hbm>> -> memref<1x32x80xi32, #tpu.memory_space<hbm>>
        %dma_start3A_378 = tpu.memref_squeeze %dma_start3A_377 : memref<1x32x80xi32, #tpu.memory_space<hbm>> -> memref<32x80xi32, #tpu.memory_space<hbm>>
        tpu.enqueue_dma source(%dma_start3A_378 : memref<32x80xi32, #tpu.memory_space<hbm>>) target(%arg7 : memref<32x80xi32, #tpu.memory_space<vmem>>) target_semaphore(%run_scoped3A : memref<!tpu.dma_semaphore, #tpu.memory_space<semaphore_mem>>)
        %dma_wait3A_379 = arith.constant 0 : i32
        %dma_wait3A_380 = tpu.memref_slice %arg2[%add3A, %mul3A_348, %dma_wait3A_379] : memref<32x128x80xi32, #tpu.memory_space<hbm>> -> memref<1x32x80xi32, #tpu.memory_space<hbm>>
        %dma_wait3A_381 = tpu.memref_squeeze %dma_wait3A_380 : memref<1x32x80xi32, #tpu.memory_space<hbm>> -> memref<32x80xi32, #tpu.memory_space<hbm>>
        %dma_wait3A_382 = arith.constant 0 : i32
        %dma_wait3A_383 = tpu.memref_slice %arg2[%add3A, %mul3A_348, %dma_wait3A_382] : memref<32x128x80xi32, #tpu.memory_space<hbm>> -> memref<1x32x80xi32, #tpu.memory_space<hbm>>
        %dma_wait3A_384 = tpu.memref_squeeze %dma_wait3A_383 : memref<1x32x80xi32, #tpu.memory_space<hbm>> -> memref<32x80xi32, #tpu.memory_space<hbm>>
        tpu.wait_dma2 semaphore(%run_scoped3A : memref<!tpu.dma_semaphore, #tpu.memory_space<semaphore_mem>>) src(%dma_wait3A_384 : memref<32x80xi32, #tpu.memory_space<hbm>>) dst(%arg7 : memref<32x80xi32, #tpu.memory_space<vmem>>)
        tpu.yield
      }) : () -> ()
      %mul3A_349 = arith.constant 32 : i32
      %mul3A_350 = arith.muli %scan3A_345, %mul3A_349 : i32
      "tpu.region"() ({
        %run_scoped3A = tpu.sem_alloc : memref<!tpu.dma_semaphore, #tpu.memory_space<semaphore_mem>>
        %dma_start3A_373 = arith.constant 0 : i32
        %dma_start3A_374 = tpu.memref_slice %arg3[%add3A, %mul3A_350, %dma_start3A_373] : memref<32x128x80xi32, #tpu.memory_space<hbm>> -> memref<1x32x80xi32, #tpu.memory_space<hbm>>
        %dma_start3A_375 = tpu.memref_squeeze %dma_start3A_374 : memref<1x32x80xi32, #tpu.memory_space<hbm>> -> memref<32x80xi32, #tpu.memory_space<hbm>>
        %dma_start3A_376 = arith.constant 0 : i32
        %dma_start3A_377 = tpu.memref_slice %arg3[%add3A, %mul3A_350, %dma_start3A_376] : memref<32x128x80xi32, #tpu.memory_space<hbm>> -> memref<1x32x80xi32, #tpu.memory_space<hbm>>
        %dma_start3A_378 = tpu.memref_squeeze %dma_start3A_377 : memref<1x32x80xi32, #tpu.memory_space<hbm>> -> memref<32x80xi32, #tpu.memory_space<hbm>>
        tpu.enqueue_dma source(%dma_start3A_378 : memref<32x80xi32, #tpu.memory_space<hbm>>) target(%arg8 : memref<32x80xi32, #tpu.memory_space<vmem>>) target_semaphore(%run_scoped3A : memref<!tpu.dma_semaphore, #tpu.memory_space<semaphore_mem>>)
        %dma_wait3A_379 = arith.constant 0 : i32
        %dma_wait3A_380 = tpu.memref_slice %arg3[%add3A, %mul3A_350, %dma_wait3A_379] : memref<32x128x80xi32, #tpu.memory_space<hbm>> -> memref<1x32x80xi32, #tpu.memory_space<hbm>>
        %dma_wait3A_381 = tpu.memref_squeeze %dma_wait3A_380 : memref<1x32x80xi32, #tpu.memory_space<hbm>> -> memref<32x80xi32, #tpu.memory_space<hbm>>
        %dma_wait3A_382 = arith.constant 0 : i32
        %dma_wait3A_383 = tpu.memref_slice %arg3[%add3A, %mul3A_350, %dma_wait3A_382] : memref<32x128x80xi32, #tpu.memory_space<hbm>> -> memref<1x32x80xi32, #tpu.memory_space<hbm>>
        %dma_wait3A_384 = tpu.memref_squeeze %dma_wait3A_383 : memref<1x32x80xi32, #tpu.memory_space<hbm>> -> memref<32x80xi32, #tpu.memory_space<hbm>>
        tpu.wait_dma2 semaphore(%run_scoped3A : memref<!tpu.dma_semaphore, #tpu.memory_space<semaphore_mem>>) src(%dma_wait3A_384 : memref<32x80xi32, #tpu.memory_space<hbm>>) dst(%arg8 : memref<32x80xi32, #tpu.memory_space<vmem>>)
        tpu.yield
      }) : () -> ()
      %dma_start3A_351 = arith.constant 0 : i32
      %dma_start3A_352 = arith.constant 0 : i32
      %dma_start3A_353 = tpu.memref_slice %arg7[%dma_start3A_351, %dma_start3A_352] : memref<32x80xi32, #tpu.memory_space<vmem>> -> memref<1x80xi32, #tpu.memory_space<vmem>>
      %dma_start3A_354 = tpu.memref_squeeze %dma_start3A_353 : memref<1x80xi32, #tpu.memory_space<vmem>> -> memref<80xi32, #tpu.memory_space<vmem>>
      %dma_start3A_355 = arith.constant 0 : i32
      %dma_start3A_356 = arith.constant 0 : i32
      %dma_start3A_357 = tpu.memref_slice %arg4[%dma_start3A_355, %dma_start3A_356] : memref<10000x128xf32, #tpu.memory_space<hbm>> -> memref<10000x128xf32, #tpu.memory_space<hbm>>
      tpu.enqueue_indirect_dma source(%dma_start3A_357 : memref<10000x128xf32, #tpu.memory_space<hbm>>) target(%arg9 : memref<80x128xf32, #tpu.memory_space<vmem>>) offsets(%dma_start3A_354 : memref<80xi32, #tpu.memory_space<vmem>>) semaphore(%arg13 : memref<!tpu.dma_semaphore, #tpu.memory_space<semaphore_mem>>)
      %dma_start3A_358 = arith.constant 1 : i32
      %dma_start3A_359 = arith.constant 0 : i32
      %dma_start3A_360 = tpu.memref_slice %arg7[%dma_start3A_358, %dma_start3A_359] : memref<32x80xi32, #tpu.memory_space<vmem>> -> memref<1x80xi32, #tpu.memory_space<vmem>>
      %dma_start3A_361 = tpu.memref_squeeze %dma_start3A_360 : memref<1x80xi32, #tpu.memory_space<vmem>> -> memref<80xi32, #tpu.memory_space<vmem>>
      %dma_start3A_362 = arith.constant 0 : i32
      %dma_start3A_363 = arith.constant 0 : i32
      %dma_start3A_364 = tpu.memref_slice %arg4[%dma_start3A_362, %dma_start3A_363] : memref<10000x128xf32, #tpu.memory_space<hbm>> -> memref<10000x128xf32, #tpu.memory_space<hbm>>
      tpu.enqueue_indirect_dma source(%dma_start3A_364 : memref<10000x128xf32, #tpu.memory_space<hbm>>) target(%arg10 : memref<80x128xf32, #tpu.memory_space<vmem>>) offsets(%dma_start3A_361 : memref<80xi32, #tpu.memory_space<vmem>>) semaphore(%arg14 : memref<!tpu.dma_semaphore, #tpu.memory_space<semaphore_mem>>)
      %scan3A_365 = arith.constant 0 : i32
      %scan3A_366 = arith.constant 0 : i32
      %scan3A_367 = arith.constant 16 : i32
      %scan3A_368 = arith.addi %scan3A_366, %scan3A_367 : i32
      %scan3A_369 = arith.constant 1 : i32
      %scan3A_370 = scf.for %scan3A_373 = %scan3A_366 to %scan3A_368 step %scan3A_369 iter_args(%scan3A_374 = %scan3A_365) -> (i32)  : i32 {
        %mul3A_375 = arith.constant 2 : i32
        %mul3A_376 = arith.muli %mul3A_375, %scan3A_373 : i32
        %add3A_377 = arith.constant 0 : i32
        %add3A_378 = arith.addi %mul3A_376, %add3A_377 : i32
        %dma_wait3A_379 = arith.constant 0 : i32
        %dma_wait3A_380 = tpu.memref_slice %arg7[%add3A_378, %dma_wait3A_379] : memref<32x80xi32, #tpu.memory_space<vmem>> -> memref<1x80xi32, #tpu.memory_space<vmem>>
        %dma_wait3A_381 = tpu.memref_squeeze %dma_wait3A_380 : memref<1x80xi32, #tpu.memory_space<vmem>> -> memref<80xi32, #tpu.memory_space<vmem>>
        %dma_wait3A_382 = arith.constant 0 : i32
        %dma_wait3A_383 = arith.constant 0 : i32
        %dma_wait3A_384 = tpu.memref_slice %arg4[%dma_wait3A_382, %dma_wait3A_383] : memref<10000x128xf32, #tpu.memory_space<hbm>> -> memref<10000x128xf32, #tpu.memory_space<hbm>>
        tpu.wait_indirect_dma semaphore(%arg13 : memref<!tpu.dma_semaphore, #tpu.memory_space<semaphore_mem>>) src(%dma_wait3A_384 : memref<10000x128xf32, #tpu.memory_space<hbm>>) dst(%arg9 : memref<80x128xf32, #tpu.memory_space<vmem>>)
        %get3A = arith.index_cast %add3A_378 : i32 to index
        %get3A_385 = arith.constant 0 : index
        %get3A_386 = tpu.vector_load %arg8[%get3A, %get3A_385] {strides = array<i32>} : memref<32x80xi32, #tpu.memory_space<vmem>>, vector<16xi32>,
        tpu.vector_store_idx %arg11[%get3A_386], %broadcast_in_dim3A_3 {add = true} : memref<10256xf32, #tpu.memory_space<vmem>>[vector<16xi32>], vector<16xf32>,
        %get3A_387 = arith.index_cast %add3A_378 : i32 to index
        %get3A_388 = arith.constant 16 : index
        %get3A_389 = tpu.vector_load %arg8[%get3A_387, %get3A_388] {strides = array<i32>} : memref<32x80xi32, #tpu.memory_space<vmem>>, vector<16xi32>,
        tpu.vector_store_idx %arg11[%get3A_389], %broadcast_in_dim3A_3 {add = true} : memref<10256xf32, #tpu.memory_space<vmem>>[vector<16xi32>], vector<16xf32>,
        %get3A_390 = arith.index_cast %add3A_378 : i32 to index
        %get3A_391 = arith.constant 32 : index
        %get3A_392 = tpu.vector_load %arg8[%get3A_390, %get3A_391] {strides = array<i32>} : memref<32x80xi32, #tpu.memory_space<vmem>>, vector<16xi32>,
        tpu.vector_store_idx %arg11[%get3A_392], %broadcast_in_dim3A_3 {add = true} : memref<10256xf32, #tpu.memory_space<vmem>>[vector<16xi32>], vector<16xf32>,
        %get3A_393 = arith.index_cast %add3A_378 : i32 to index
        %get3A_394 = arith.constant 48 : index
        %get3A_395 = tpu.vector_load %arg8[%get3A_393, %get3A_394] {strides = array<i32>} : memref<32x80xi32, #tpu.memory_space<vmem>>, vector<16xi32>,
        tpu.vector_store_idx %arg11[%get3A_395], %broadcast_in_dim3A_3 {add = true} : memref<10256xf32, #tpu.memory_space<vmem>>[vector<16xi32>], vector<16xf32>,
        %get3A_396 = arith.index_cast %add3A_378 : i32 to index
        %get3A_397 = arith.constant 64 : index
        %get3A_398 = tpu.vector_load %arg8[%get3A_396, %get3A_397] {strides = array<i32>} : memref<32x80xi32, #tpu.memory_space<vmem>>, vector<16xi32>,
        tpu.vector_store_idx %arg11[%get3A_398], %broadcast_in_dim3A_3 {add = true} : memref<10256xf32, #tpu.memory_space<vmem>>[vector<16xi32>], vector<16xf32>,
        %dma_start3A_399 = arith.constant 0 : i32
        %dma_start3A_400 = tpu.memref_slice %arg8[%add3A_378, %dma_start3A_399] : memref<32x80xi32, #tpu.memory_space<vmem>> -> memref<1x80xi32, #tpu.memory_space<vmem>>
        %dma_start3A_401 = tpu.memref_squeeze %dma_start3A_400 : memref<1x80xi32, #tpu.memory_space<vmem>> -> memref<80xi32, #tpu.memory_space<vmem>>
        %dma_start3A_402 = arith.constant 0 : i32
        %dma_start3A_403 = arith.constant 0 : i32
        %dma_start3A_404 = tpu.memref_slice %arg12[%dma_start3A_402, %dma_start3A_403] : memref<10256x128xf32, #tpu.memory_space<vmem_shared>> -> memref<10256x128xf32, #tpu.memory_space<vmem_shared>>
        tpu.enqueue_indirect_dma source(%arg9 : memref<80x128xf32, #tpu.memory_space<vmem>>) target(%dma_start3A_404 : memref<10256x128xf32, #tpu.memory_space<vmem_shared>>) offsets(%dma_start3A_401 : memref<80xi32, #tpu.memory_space<vmem>>) semaphore(%arg15 : memref<!tpu.dma_semaphore, #tpu.memory_space<semaphore_mem>>) {add = true}
        %dma_wait3A_405 = arith.constant 0 : i32
        %dma_wait3A_406 = tpu.memref_slice %arg8[%add3A_378, %dma_wait3A_405] : memref<32x80xi32, #tpu.memory_space<vmem>> -> memref<1x80xi32, #tpu.memory_space<vmem>>
        %dma_wait3A_407 = tpu.memref_squeeze %dma_wait3A_406 : memref<1x80xi32, #tpu.memory_space<vmem>> -> memref<80xi32, #tpu.memory_space<vmem>>
        %dma_wait3A_408 = arith.constant 0 : i32
        %dma_wait3A_409 = arith.constant 0 : i32
        %dma_wait3A_410 = tpu.memref_slice %arg12[%dma_wait3A_408, %dma_wait3A_409] : memref<10256x128xf32, #tpu.memory_space<vmem_shared>> -> memref<10256x128xf32, #tpu.memory_space<vmem_shared>>
        tpu.wait_indirect_dma semaphore(%arg15 : memref<!tpu.dma_semaphore, #tpu.memory_space<semaphore_mem>>) src(%arg9 : memref<80x128xf32, #tpu.memory_space<vmem>>) dst(%dma_wait3A_410 : memref<10256x128xf32, #tpu.memory_space<vmem_shared>>)
        %lt3A = arith.constant 15 : i32
        %lt3A_411 = arith.cmpi slt, %scan3A_373, %lt3A : i32
        %convert_element_type3A_412 = arith.extui %lt3A_411 : i1 to i32
        %cond3A_413 = arith.constant 0 : i32
        %cond3A_414 = arith.cmpi ne, %convert_element_type3A_412, %cond3A_413 : i32
        scf.if %cond3A_414 {
          %add3A_458 = arith.constant 2 : i32
          %add3A_459 = arith.addi %add3A_378, %add3A_458 : i32
          %dma_start3A_460 = arith.constant 0 : i32
          %dma_start3A_461 = tpu.memref_slice %arg7[%add3A_459, %dma_start3A_460] : memref<32x80xi32, #tpu.memory_space<vmem>> -> memref<1x80xi32, #tpu.memory_space<vmem>>
          %dma_start3A_462 = tpu.memref_squeeze %dma_start3A_461 : memref<1x80xi32, #tpu.memory_space<vmem>> -> memref<80xi32, #tpu.memory_space<vmem>>
          %dma_start3A_463 = arith.constant 0 : i32
          %dma_start3A_464 = arith.constant 0 : i32
          %dma_start3A_465 = tpu.memref_slice %arg4[%dma_start3A_463, %dma_start3A_464] : memref<10000x128xf32, #tpu.memory_space<hbm>> -> memref<10000x128xf32, #tpu.memory_space<hbm>>
          tpu.enqueue_indirect_dma source(%dma_start3A_465 : memref<10000x128xf32, #tpu.memory_space<hbm>>) target(%arg9 : memref<80x128xf32, #tpu.memory_space<vmem>>) offsets(%dma_start3A_462 : memref<80xi32, #tpu.memory_space<vmem>>) semaphore(%arg13 : memref<!tpu.dma_semaphore, #tpu.memory_space<semaphore_mem>>)
        } else {
        }
        %mul3A_415 = arith.constant 2 : i32
        %mul3A_416 = arith.muli %mul3A_415, %scan3A_373 : i32
        %add3A_417 = arith.constant 1 : i32
        %add3A_418 = arith.addi %mul3A_416, %add3A_417 : i32
        %dma_wait3A_419 = arith.constant 0 : i32
        %dma_wait3A_420 = tpu.memref_slice %arg7[%add3A_418, %dma_wait3A_419] : memref<32x80xi32, #tpu.memory_space<vmem>> -> memref<1x80xi32, #tpu.memory_space<vmem>>
        %dma_wait3A_421 = tpu.memref_squeeze %dma_wait3A_420 : memref<1x80xi32, #tpu.memory_space<vmem>> -> memref<80xi32, #tpu.memory_space<vmem>>
        %dma_wait3A_422 = arith.constant 0 : i32
        %dma_wait3A_423 = arith.constant 0 : i32
        %dma_wait3A_424 = tpu.memref_slice %arg4[%dma_wait3A_422, %dma_wait3A_423] : memref<10000x128xf32, #tpu.memory_space<hbm>> -> memref<10000x128xf32, #tpu.memory_space<hbm>>
        tpu.wait_indirect_dma semaphore(%arg14 : memref<!tpu.dma_semaphore, #tpu.memory_space<semaphore_mem>>) src(%dma_wait3A_424 : memref<10000x128xf32, #tpu.memory_space<hbm>>) dst(%arg10 : memref<80x128xf32, #tpu.memory_space<vmem>>)
        %get3A_425 = arith.index_cast %add3A_418 : i32 to index
        %get3A_426 = arith.constant 0 : index
        %get3A_427 = tpu.vector_load %arg8[%get3A_425, %get3A_426] {strides = array<i32>} : memref<32x80xi32, #tpu.memory_space<vmem>>, vector<16xi32>,
        tpu.vector_store_idx %arg11[%get3A_427], %broadcast_in_dim3A_3 {add = true} : memref<10256xf32, #tpu.memory_space<vmem>>[vector<16xi32>], vector<16xf32>,
        %get3A_428 = arith.index_cast %add3A_418 : i32 to index
        %get3A_429 = arith.constant 16 : index
        %get3A_430 = tpu.vector_load %arg8[%get3A_428, %get3A_429] {strides = array<i32>} : memref<32x80xi32, #tpu.memory_space<vmem>>, vector<16xi32>,
        tpu.vector_store_idx %arg11[%get3A_430], %broadcast_in_dim3A_3 {add = true} : memref<10256xf32, #tpu.memory_space<vmem>>[vector<16xi32>], vector<16xf32>,
        %get3A_431 = arith.index_cast %add3A_418 : i32 to index
        %get3A_432 = arith.constant 32 : index
        %get3A_433 = tpu.vector_load %arg8[%get3A_431, %get3A_432] {strides = array<i32>} : memref<32x80xi32, #tpu.memory_space<vmem>>, vector<16xi32>,
        tpu.vector_store_idx %arg11[%get3A_433], %broadcast_in_dim3A_3 {add = true} : memref<10256xf32, #tpu.memory_space<vmem>>[vector<16xi32>], vector<16xf32>,
        %get3A_434 = arith.index_cast %add3A_418 : i32 to index
        %get3A_435 = arith.constant 48 : index
        %get3A_436 = tpu.vector_load %arg8[%get3A_434, %get3A_435] {strides = array<i32>} : memref<32x80xi32, #tpu.memory_space<vmem>>, vector<16xi32>,
        tpu.vector_store_idx %arg11[%get3A_436], %broadcast_in_dim3A_3 {add = true} : memref<10256xf32, #tpu.memory_space<vmem>>[vector<16xi32>], vector<16xf32>,
        %get3A_437 = arith.index_cast %add3A_418 : i32 to index
        %get3A_438 = arith.constant 64 : index
        %get3A_439 = tpu.vector_load %arg8[%get3A_437, %get3A_438] {strides = array<i32>} : memref<32x80xi32, #tpu.memory_space<vmem>>, vector<16xi32>,
        tpu.vector_store_idx %arg11[%get3A_439], %broadcast_in_dim3A_3 {add = true} : memref<10256xf32, #tpu.memory_space<vmem>>[vector<16xi32>], vector<16xf32>,
        %dma_start3A_440 = arith.constant 0 : i32
        %dma_start3A_441 = tpu.memref_slice %arg8[%add3A_418, %dma_start3A_440] : memref<32x80xi32, #tpu.memory_space<vmem>> -> memref<1x80xi32, #tpu.memory_space<vmem>>
        %dma_start3A_442 = tpu.memref_squeeze %dma_start3A_441 : memref<1x80xi32, #tpu.memory_space<vmem>> -> memref<80xi32, #tpu.memory_space<vmem>>
        %dma_start3A_443 = arith.constant 0 : i32
        %dma_start3A_444 = arith.constant 0 : i32
        %dma_start3A_445 = tpu.memref_slice %arg12[%dma_start3A_443, %dma_start3A_444] : memref<10256x128xf32, #tpu.memory_space<vmem_shared>> -> memref<10256x128xf32, #tpu.memory_space<vmem_shared>>
        tpu.enqueue_indirect_dma source(%arg10 : memref<80x128xf32, #tpu.memory_space<vmem>>) target(%dma_start3A_445 : memref<10256x128xf32, #tpu.memory_space<vmem_shared>>) offsets(%dma_start3A_442 : memref<80xi32, #tpu.memory_space<vmem>>) semaphore(%arg16 : memref<!tpu.dma_semaphore, #tpu.memory_space<semaphore_mem>>) {add = true}
        %dma_wait3A_446 = arith.constant 0 : i32
        %dma_wait3A_447 = tpu.memref_slice %arg8[%add3A_418, %dma_wait3A_446] : memref<32x80xi32, #tpu.memory_space<vmem>> -> memref<1x80xi32, #tpu.memory_space<vmem>>
        %dma_wait3A_448 = tpu.memref_squeeze %dma_wait3A_447 : memref<1x80xi32, #tpu.memory_space<vmem>> -> memref<80xi32, #tpu.memory_space<vmem>>
        %dma_wait3A_449 = arith.constant 0 : i32
        %dma_wait3A_450 = arith.constant 0 : i32
        %dma_wait3A_451 = tpu.memref_slice %arg12[%dma_wait3A_449, %dma_wait3A_450] : memref<10256x128xf32, #tpu.memory_space<vmem_shared>> -> memref<10256x128xf32, #tpu.memory_space<vmem_shared>>
        tpu.wait_indirect_dma semaphore(%arg16 : memref<!tpu.dma_semaphore, #tpu.memory_space<semaphore_mem>>) src(%arg10 : memref<80x128xf32, #tpu.memory_space<vmem>>) dst(%dma_wait3A_451 : memref<10256x128xf32, #tpu.memory_space<vmem_shared>>)
        %lt3A_452 = arith.constant 15 : i32
        %lt3A_453 = arith.cmpi slt, %scan3A_373, %lt3A_452 : i32
        %convert_element_type3A_454 = arith.extui %lt3A_453 : i1 to i32
        %cond3A_455 = arith.constant 0 : i32
        %cond3A_456 = arith.cmpi ne, %convert_element_type3A_454, %cond3A_455 : i32
        scf.if %cond3A_456 {
          %add3A_458 = arith.constant 2 : i32
          %add3A_459 = arith.addi %add3A_418, %add3A_458 : i32
          %dma_start3A_460 = arith.constant 0 : i32
          %dma_start3A_461 = tpu.memref_slice %arg7[%add3A_459, %dma_start3A_460] : memref<32x80xi32, #tpu.memory_space<vmem>> -> memref<1x80xi32, #tpu.memory_space<vmem>>
          %dma_start3A_462 = tpu.memref_squeeze %dma_start3A_461 : memref<1x80xi32, #tpu.memory_space<vmem>> -> memref<80xi32, #tpu.memory_space<vmem>>
          %dma_start3A_463 = arith.constant 0 : i32
          %dma_start3A_464 = arith.constant 0 : i32
          %dma_start3A_465 = tpu.memref_slice %arg4[%dma_start3A_463, %dma_start3A_464] : memref<10000x128xf32, #tpu.memory_space<hbm>> -> memref<10000x128xf32, #tpu.memory_space<hbm>>
          tpu.enqueue_indirect_dma source(%dma_start3A_465 : memref<10000x128xf32, #tpu.memory_space<hbm>>) target(%arg10 : memref<80x128xf32, #tpu.memory_space<vmem>>) offsets(%dma_start3A_462 : memref<80xi32, #tpu.memory_space<vmem>>) semaphore(%arg14 : memref<!tpu.dma_semaphore, #tpu.memory_space<semaphore_mem>>)
        } else {
        }
        %scan3A_457 = arith.constant 0 : i32
        scf.yield %scan3A_457 : i32
      }
      %scan3A_371 = arith.constant 16 : i32
      %scan3A_372 = arith.constant 0 : i32
      scf.yield %scan3A_372 : i32
    }
    %scan3A_119 = arith.constant 4 : i32
    "tpu.region"() ({
      %run_scoped3A = tpu.sem_alloc : memref<!tpu.dma_semaphore, #tpu.memory_space<semaphore_mem>>
      %dma_start3A_345 = arith.constant 0 : i32
      %dma_start3A_346 = tpu.memref_slice %arg11[%dma_start3A_345] : memref<10256xf32, #tpu.memory_space<vmem>> -> memref<10240xf32, #tpu.memory_space<vmem>>
      %dma_start3A_347 = arith.constant 0 : i32
      %dma_start3A_348 = tpu.memref_slice %arg6[%add3A, %dma_start3A_347] : memref<32x10240xf32, #tpu.memory_space<hbm>> -> memref<1x10240xf32, #tpu.memory_space<hbm>>
      %dma_start3A_349 = tpu.memref_squeeze %dma_start3A_348 : memref<1x10240xf32, #tpu.memory_space<hbm>> -> memref<10240xf32, #tpu.memory_space<hbm>>
      %dma_start3A_350 = arith.constant 0 : i32
      %dma_start3A_351 = tpu.memref_slice %arg6[%add3A, %dma_start3A_350] : memref<32x10240xf32, #tpu.memory_space<hbm>> -> memref<1x10240xf32, #tpu.memory_space<hbm>>
      %dma_start3A_352 = tpu.memref_squeeze %dma_start3A_351 : memref<1x10240xf32, #tpu.memory_space<hbm>> -> memref<10240xf32, #tpu.memory_space<hbm>>
      %dma_start3A_353 = arith.constant 0 : i32
      %dma_start3A_354 = tpu.memref_slice %arg11[%dma_start3A_353] : memref<10256xf32, #tpu.memory_space<vmem>> -> memref<10240xf32, #tpu.memory_space<vmem>>
      tpu.enqueue_dma source(%dma_start3A_354 : memref<10240xf32, #tpu.memory_space<vmem>>) target(%dma_start3A_352 : memref<10240xf32, #tpu.memory_space<hbm>>) target_semaphore(%run_scoped3A : memref<!tpu.dma_semaphore, #tpu.memory_space<semaphore_mem>>)
      %dma_wait3A_355 = arith.constant 0 : i32
      %dma_wait3A_356 = tpu.memref_slice %arg11[%dma_wait3A_355] : memref<10256xf32, #tpu.memory_space<vmem>> -> memref<10240xf32, #tpu.memory_space<vmem>>
      %dma_wait3A_357 = arith.constant 0 : i32
      %dma_wait3A_358 = tpu.memref_slice %arg6[%add3A, %dma_wait3A_357] : memref<32x10240xf32, #tpu.memory_space<hbm>> -> memref<1x10240xf32, #tpu.memory_space<hbm>>
      %dma_wait3A_359 = tpu.memref_squeeze %dma_wait3A_358 : memref<1x10240xf32, #tpu.memory_space<hbm>> -> memref<10240xf32, #tpu.memory_space<hbm>>
      %dma_wait3A_360 = arith.constant 0 : i32
      %dma_wait3A_361 = tpu.memref_slice %arg6[%add3A, %dma_wait3A_360] : memref<32x10240xf32, #tpu.memory_space<hbm>> -> memref<1x10240xf32, #tpu.memory_space<hbm>>
      %dma_wait3A_362 = tpu.memref_squeeze %dma_wait3A_361 : memref<1x10240xf32, #tpu.memory_space<hbm>> -> memref<10240xf32, #tpu.memory_space<hbm>>
      %dma_wait3A_363 = arith.constant 0 : i32
      %dma_wait3A_364 = tpu.memref_slice %arg11[%dma_wait3A_363] : memref<10256xf32, #tpu.memory_space<vmem>> -> memref<10240xf32, #tpu.memory_space<vmem>>
      tpu.wait_dma2 semaphore(%run_scoped3A : memref<!tpu.dma_semaphore, #tpu.memory_space<semaphore_mem>>) src(%dma_wait3A_364 : memref<10240xf32, #tpu.memory_space<vmem>>) dst(%dma_wait3A_362 : memref<10240xf32, #tpu.memory_space<hbm>>)
      tpu.yield
    }) : () -> ()
    %barrier3A_120 = arith.constant 0 : index
    tpu.barrier barrier_id(%barrier3A_120)
    %mul3A_121 = arith.constant 640 : i32
    %mul3A_122 = arith.muli %arg1, %mul3A_121 : i32
    %add3A_123 = arith.constant 0 : i32
    %add3A_124 = arith.addi %mul3A_122, %add3A_123 : i32
    %dma_start3A_125 = arith.constant 0 : i32
    %dma_start3A_126 = tpu.memref_slice %arg12[%add3A_124, %dma_start3A_125] : memref<10256x128xf32, #tpu.memory_space<vmem_shared>> -> memref<80x128xf32, #tpu.memory_space<vmem_shared>>
    %dma_start3A_127 = arith.constant 0 : i32
    %dma_start3A_128 = tpu.memref_slice %arg12[%add3A_124, %dma_start3A_127] : memref<10256x128xf32, #tpu.memory_space<vmem_shared>> -> memref<80x128xf32, #tpu.memory_space<vmem_shared>>
    tpu.enqueue_dma source(%dma_start3A_128 : memref<80x128xf32, #tpu.memory_space<vmem_shared>>) target(%arg9 : memref<80x128xf32, #tpu.memory_space<vmem>>) target_semaphore(%arg13 : memref<!tpu.dma_semaphore, #tpu.memory_space<semaphore_mem>>)
    %mul3A_129 = arith.constant 640 : i32
    %mul3A_130 = arith.muli %arg1, %mul3A_129 : i32
    %add3A_131 = arith.constant 80 : i32
    %add3A_132 = arith.addi %mul3A_130, %add3A_131 : i32
    %dma_start3A_133 = arith.constant 0 : i32
    %dma_start3A_134 = tpu.memref_slice %arg12[%add3A_132, %dma_start3A_133] : memref<10256x128xf32, #tpu.memory_space<vmem_shared>> -> memref<80x128xf32, #tpu.memory_space<vmem_shared>>
    %dma_start3A_135 = arith.constant 0 : i32
    %dma_start3A_136 = tpu.memref_slice %arg12[%add3A_132, %dma_start3A_135] : memref<10256x128xf32, #tpu.memory_space<vmem_shared>> -> memref<80x128xf32, #tpu.memory_space<vmem_shared>>
    tpu.enqueue_dma source(%dma_start3A_136 : memref<80x128xf32, #tpu.memory_space<vmem_shared>>) target(%arg10 : memref<80x128xf32, #tpu.memory_space<vmem>>) target_semaphore(%arg14 : memref<!tpu.dma_semaphore, #tpu.memory_space<semaphore_mem>>)
    %dma_wait3A_137 = arith.constant 0 : i32
    %dma_wait3A_138 = tpu.memref_slice %arg12[%add3A_124, %dma_wait3A_137] : memref<10256x128xf32, #tpu.memory_space<vmem_shared>> -> memref<80x128xf32, #tpu.memory_space<vmem_shared>>
    %dma_wait3A_139 = arith.constant 0 : i32
    %dma_wait3A_140 = tpu.memref_slice %arg12[%add3A_124, %dma_wait3A_139] : memref<10256x128xf32, #tpu.memory_space<vmem_shared>> -> memref<80x128xf32, #tpu.memory_space<vmem_shared>>
    tpu.wait_dma2 semaphore(%arg13 : memref<!tpu.dma_semaphore, #tpu.memory_space<semaphore_mem>>) src(%dma_wait3A_140 : memref<80x128xf32, #tpu.memory_space<vmem_shared>>) dst(%arg9 : memref<80x128xf32, #tpu.memory_space<vmem>>)
    %mul3A_141 = arith.constant 640 : i32
    %mul3A_142 = arith.muli %arg1, %mul3A_141 : i32
    %add3A_143 = arith.constant 0 : i32
    %add3A_144 = arith.addi %mul3A_142, %add3A_143 : i32
    %dma_start3A_145 = arith.constant 0 : i32
    %dma_start3A_146 = tpu.memref_slice %arg5[%arg0, %add3A_144, %dma_start3A_145] : memref<2x10240x128xf32, #tpu.memory_space<hbm>> -> memref<1x80x128xf32, #tpu.memory_space<hbm>>
    %dma_start3A_147 = tpu.memref_squeeze %dma_start3A_146 : memref<1x80x128xf32, #tpu.memory_space<hbm>> -> memref<80x128xf32, #tpu.memory_space<hbm>>
    %dma_start3A_148 = arith.constant 0 : i32
    %dma_start3A_149 = tpu.memref_slice %arg5[%arg0, %add3A_144, %dma_start3A_148] : memref<2x10240x128xf32, #tpu.memory_space<hbm>> -> memref<1x80x128xf32, #tpu.memory_space<hbm>>
    %dma_start3A_150 = tpu.memref_squeeze %dma_start3A_149 : memref<1x80x128xf32, #tpu.memory_space<hbm>> -> memref<80x128xf32, #tpu.memory_space<hbm>>
    tpu.enqueue_dma source(%arg9 : memref<80x128xf32, #tpu.memory_space<vmem>>) target(%dma_start3A_150 : memref<80x128xf32, #tpu.memory_space<hbm>>) target_semaphore(%arg15 : memref<!tpu.dma_semaphore, #tpu.memory_space<semaphore_mem>>)
    %dma_wait3A_151 = arith.constant 0 : i32
    %dma_wait3A_152 = tpu.memref_slice %arg5[%arg0, %add3A_144, %dma_wait3A_151] : memref<2x10240x128xf32, #tpu.memory_space<hbm>> -> memref<1x80x128xf32, #tpu.memory_space<hbm>>
    %dma_wait3A_153 = tpu.memref_squeeze %dma_wait3A_152 : memref<1x80x128xf32, #tpu.memory_space<hbm>> -> memref<80x128xf32, #tpu.memory_space<hbm>>
    %dma_wait3A_154 = arith.constant 0 : i32
    %dma_wait3A_155 = tpu.memref_slice %arg5[%arg0, %add3A_144, %dma_wait3A_154] : memref<2x10240x128xf32, #tpu.memory_space<hbm>> -> memref<1x80x128xf32, #tpu.memory_space<hbm>>
    %dma_wait3A_156 = tpu.memref_squeeze %dma_wait3A_155 : memref<1x80x128xf32, #tpu.memory_space<hbm>> -> memref<80x128xf32, #tpu.memory_space<hbm>>
    tpu.wait_dma2 semaphore(%arg15 : memref<!tpu.dma_semaphore, #tpu.memory_space<semaphore_mem>>) src(%arg9 : memref<80x128xf32, #tpu.memory_space<vmem>>) dst(%dma_wait3A_156 : memref<80x128xf32, #tpu.memory_space<hbm>>)
    %mul3A_157 = arith.constant 640 : i32
    %mul3A_158 = arith.muli %arg1, %mul3A_157 : i32
    %add3A_159 = arith.constant 160 : i32
    %add3A_160 = arith.addi %mul3A_158, %add3A_159 : i32
    %dma_start3A_161 = arith.constant 0 : i32
    %dma_start3A_162 = tpu.memref_slice %arg12[%add3A_160, %dma_start3A_161] : memref<10256x128xf32, #tpu.memory_space<vmem_shared>> -> memref<80x128xf32, #tpu.memory_space<vmem_shared>>
    %dma_start3A_163 = arith.constant 0 : i32
    %dma_start3A_164 = tpu.memref_slice %arg12[%add3A_160, %dma_start3A_163] : memref<10256x128xf32, #tpu.memory_space<vmem_shared>> -> memref<80x128xf32, #tpu.memory_space<vmem_shared>>
    tpu.enqueue_dma source(%dma_start3A_164 : memref<80x128xf32, #tpu.memory_space<vmem_shared>>) target(%arg9 : memref<80x128xf32, #tpu.memory_space<vmem>>) target_semaphore(%arg13 : memref<!tpu.dma_semaphore, #tpu.memory_space<semaphore_mem>>)
    %dma_wait3A_165 = arith.constant 0 : i32
    %dma_wait3A_166 = tpu.memref_slice %arg12[%add3A_132, %dma_wait3A_165] : memref<10256x128xf32, #tpu.memory_space<vmem_shared>> -> memref<80x128xf32, #tpu.memory_space<vmem_shared>>
    %dma_wait3A_167 = arith.constant 0 : i32
    %dma_wait3A_168 = tpu.memref_slice %arg12[%add3A_132, %dma_wait3A_167] : memref<10256x128xf32, #tpu.memory_space<vmem_shared>> -> memref<80x128xf32, #tpu.memory_space<vmem_shared>>
    tpu.wait_dma2 semaphore(%arg14 : memref<!tpu.dma_semaphore, #tpu.memory_space<semaphore_mem>>) src(%dma_wait3A_168 : memref<80x128xf32, #tpu.memory_space<vmem_shared>>) dst(%arg10 : memref<80x128xf32, #tpu.memory_space<vmem>>)
    %mul3A_169 = arith.constant 640 : i32
    %mul3A_170 = arith.muli %arg1, %mul3A_169 : i32
    %add3A_171 = arith.constant 80 : i32
    %add3A_172 = arith.addi %mul3A_170, %add3A_171 : i32
    %dma_start3A_173 = arith.constant 0 : i32
    %dma_start3A_174 = tpu.memref_slice %arg5[%arg0, %add3A_172, %dma_start3A_173] : memref<2x10240x128xf32, #tpu.memory_space<hbm>> -> memref<1x80x128xf32, #tpu.memory_space<hbm>>
    %dma_start3A_175 = tpu.memref_squeeze %dma_start3A_174 : memref<1x80x128xf32, #tpu.memory_space<hbm>> -> memref<80x128xf32, #tpu.memory_space<hbm>>
    %dma_start3A_176 = arith.constant 0 : i32
    %dma_start3A_177 = tpu.memref_slice %arg5[%arg0, %add3A_172, %dma_start3A_176] : memref<2x10240x128xf32, #tpu.memory_space<hbm>> -> memref<1x80x128xf32, #tpu.memory_space<hbm>>
    %dma_start3A_178 = tpu.memref_squeeze %dma_start3A_177 : memref<1x80x128xf32, #tpu.memory_space<hbm>> -> memref<80x128xf32, #tpu.memory_space<hbm>>
    tpu.enqueue_dma source(%arg10 : memref<80x128xf32, #tpu.memory_space<vmem>>) target(%dma_start3A_178 : memref<80x128xf32, #tpu.memory_space<hbm>>) target_semaphore(%arg16 : memref<!tpu.dma_semaphore, #tpu.memory_space<semaphore_mem>>)
    %dma_wait3A_179 = arith.constant 0 : i32
    %dma_wait3A_180 = tpu.memref_slice %arg5[%arg0, %add3A_172, %dma_wait3A_179] : memref<2x10240x128xf32, #tpu.memory_space<hbm>> -> memref<1x80x128xf32, #tpu.memory_space<hbm>>
    %dma_wait3A_181 = tpu.memref_squeeze %dma_wait3A_180 : memref<1x80x128xf32, #tpu.memory_space<hbm>> -> memref<80x128xf32, #tpu.memory_space<hbm>>
    %dma_wait3A_182 = arith.constant 0 : i32
    %dma_wait3A_183 = tpu.memref_slice %arg5[%arg0, %add3A_172, %dma_wait3A_182] : memref<2x10240x128xf32, #tpu.memory_space<hbm>> -> memref<1x80x128xf32, #tpu.memory_space<hbm>>
    %dma_wait3A_184 = tpu.memref_squeeze %dma_wait3A_183 : memref<1x80x128xf32, #tpu.memory_space<hbm>> -> memref<80x128xf32, #tpu.memory_space<hbm>>
    tpu.wait_dma2 semaphore(%arg16 : memref<!tpu.dma_semaphore, #tpu.memory_space<semaphore_mem>>) src(%arg10 : memref<80x128xf32, #tpu.memory_space<vmem>>) dst(%dma_wait3A_184 : memref<80x128xf32, #tpu.memory_space<hbm>>)
    %mul3A_185 = arith.constant 640 : i32
    %mul3A_186 = arith.muli %arg1, %mul3A_185 : i32
    %add3A_187 = arith.constant 240 : i32
    %add3A_188 = arith.addi %mul3A_186, %add3A_187 : i32
    %dma_start3A_189 = arith.constant 0 : i32
    %dma_start3A_190 = tpu.memref_slice %arg12[%add3A_188, %dma_start3A_189] : memref<10256x128xf32, #tpu.memory_space<vmem_shared>> -> memref<80x128xf32, #tpu.memory_space<vmem_shared>>
    %dma_start3A_191 = arith.constant 0 : i32
    %dma_start3A_192 = tpu.memref_slice %arg12[%add3A_188, %dma_start3A_191] : memref<10256x128xf32, #tpu.memory_space<vmem_shared>> -> memref<80x128xf32, #tpu.memory_space<vmem_shared>>
    tpu.enqueue_dma source(%dma_start3A_192 : memref<80x128xf32, #tpu.memory_space<vmem_shared>>) target(%arg10 : memref<80x128xf32, #tpu.memory_space<vmem>>) target_semaphore(%arg14 : memref<!tpu.dma_semaphore, #tpu.memory_space<semaphore_mem>>)
    %dma_wait3A_193 = arith.constant 0 : i32
    %dma_wait3A_194 = tpu.memref_slice %arg12[%add3A_160, %dma_wait3A_193] : memref<10256x128xf32, #tpu.memory_space<vmem_shared>> -> memref<80x128xf32, #tpu.memory_space<vmem_shared>>
    %dma_wait3A_195 = arith.constant 0 : i32
    %dma_wait3A_196 = tpu.memref_slice %arg12[%add3A_160, %dma_wait3A_195] : memref<10256x128xf32, #tpu.memory_space<vmem_shared>> -> memref<80x128xf32, #tpu.memory_space<vmem_shared>>
    tpu.wait_dma2 semaphore(%arg13 : memref<!tpu.dma_semaphore, #tpu.memory_space<semaphore_mem>>) src(%dma_wait3A_196 : memref<80x128xf32, #tpu.memory_space<vmem_shared>>) dst(%arg9 : memref<80x128xf32, #tpu.memory_space<vmem>>)
    %mul3A_197 = arith.constant 640 : i32
    %mul3A_198 = arith.muli %arg1, %mul3A_197 : i32
    %add3A_199 = arith.constant 160 : i32
    %add3A_200 = arith.addi %mul3A_198, %add3A_199 : i32
    %dma_start3A_201 = arith.constant 0 : i32
    %dma_start3A_202 = tpu.memref_slice %arg5[%arg0, %add3A_200, %dma_start3A_201] : memref<2x10240x128xf32, #tpu.memory_space<hbm>> -> memref<1x80x128xf32, #tpu.memory_space<hbm>>
    %dma_start3A_203 = tpu.memref_squeeze %dma_start3A_202 : memref<1x80x128xf32, #tpu.memory_space<hbm>> -> memref<80x128xf32, #tpu.memory_space<hbm>>
    %dma_start3A_204 = arith.constant 0 : i32
    %dma_start3A_205 = tpu.memref_slice %arg5[%arg0, %add3A_200, %dma_start3A_204] : memref<2x10240x128xf32, #tpu.memory_space<hbm>> -> memref<1x80x128xf32, #tpu.memory_space<hbm>>
    %dma_start3A_206 = tpu.memref_squeeze %dma_start3A_205 : memref<1x80x128xf32, #tpu.memory_space<hbm>> -> memref<80x128xf32, #tpu.memory_space<hbm>>
    tpu.enqueue_dma source(%arg9 : memref<80x128xf32, #tpu.memory_space<vmem>>) target(%dma_start3A_206 : memref<80x128xf32, #tpu.memory_space<hbm>>) target_semaphore(%arg15 : memref<!tpu.dma_semaphore, #tpu.memory_space<semaphore_mem>>)
    %dma_wait3A_207 = arith.constant 0 : i32
    %dma_wait3A_208 = tpu.memref_slice %arg5[%arg0, %add3A_200, %dma_wait3A_207] : memref<2x10240x128xf32, #tpu.memory_space<hbm>> -> memref<1x80x128xf32, #tpu.memory_space<hbm>>
    %dma_wait3A_209 = tpu.memref_squeeze %dma_wait3A_208 : memref<1x80x128xf32, #tpu.memory_space<hbm>> -> memref<80x128xf32, #tpu.memory_space<hbm>>
    %dma_wait3A_210 = arith.constant 0 : i32
    %dma_wait3A_211 = tpu.memref_slice %arg5[%arg0, %add3A_200, %dma_wait3A_210] : memref<2x10240x128xf32, #tpu.memory_space<hbm>> -> memref<1x80x128xf32, #tpu.memory_space<hbm>>
    %dma_wait3A_212 = tpu.memref_squeeze %dma_wait3A_211 : memref<1x80x128xf32, #tpu.memory_space<hbm>> -> memref<80x128xf32, #tpu.memory_space<hbm>>
    tpu.wait_dma2 semaphore(%arg15 : memref<!tpu.dma_semaphore, #tpu.memory_space<semaphore_mem>>) src(%arg9 : memref<80x128xf32, #tpu.memory_space<vmem>>) dst(%dma_wait3A_212 : memref<80x128xf32, #tpu.memory_space<hbm>>)
    %mul3A_213 = arith.constant 640 : i32
    %mul3A_214 = arith.muli %arg1, %mul3A_213 : i32
    %add3A_215 = arith.constant 320 : i32
    %add3A_216 = arith.addi %mul3A_214, %add3A_215 : i32
    %dma_start3A_217 = arith.constant 0 : i32
    %dma_start3A_218 = tpu.memref_slice %arg12[%add3A_216, %dma_start3A_217] : memref<10256x128xf32, #tpu.memory_space<vmem_shared>> -> memref<80x128xf32, #tpu.memory_space<vmem_shared>>
    %dma_start3A_219 = arith.constant 0 : i32
    %dma_start3A_220 = tpu.memref_slice %arg12[%add3A_216, %dma_start3A_219] : memref<10256x128xf32, #tpu.memory_space<vmem_shared>> -> memref<80x128xf32, #tpu.memory_space<vmem_shared>>
    tpu.enqueue_dma source(%dma_start3A_220 : memref<80x128xf32, #tpu.memory_space<vmem_shared>>) target(%arg9 : memref<80x128xf32, #tpu.memory_space<vmem>>) target_semaphore(%arg13 : memref<!tpu.dma_semaphore, #tpu.memory_space<semaphore_mem>>)
    %dma_wait3A_221 = arith.constant 0 : i32
    %dma_wait3A_222 = tpu.memref_slice %arg12[%add3A_188, %dma_wait3A_221] : memref<10256x128xf32, #tpu.memory_space<vmem_shared>> -> memref<80x128xf32, #tpu.memory_space<vmem_shared>>
    %dma_wait3A_223 = arith.constant 0 : i32
    %dma_wait3A_224 = tpu.memref_slice %arg12[%add3A_188, %dma_wait3A_223] : memref<10256x128xf32, #tpu.memory_space<vmem_shared>> -> memref<80x128xf32, #tpu.memory_space<vmem_shared>>
    tpu.wait_dma2 semaphore(%arg14 : memref<!tpu.dma_semaphore, #tpu.memory_space<semaphore_mem>>) src(%dma_wait3A_224 : memref<80x128xf32, #tpu.memory_space<vmem_shared>>) dst(%arg10 : memref<80x128xf32, #tpu.memory_space<vmem>>)
    %mul3A_225 = arith.constant 640 : i32
    %mul3A_226 = arith.muli %arg1, %mul3A_225 : i32
    %add3A_227 = arith.constant 240 : i32
    %add3A_228 = arith.addi %mul3A_226, %add3A_227 : i32
    %dma_start3A_229 = arith.constant 0 : i32
    %dma_start3A_230 = tpu.memref_slice %arg5[%arg0, %add3A_228, %dma_start3A_229] : memref<2x10240x128xf32, #tpu.memory_space<hbm>> -> memref<1x80x128xf32, #tpu.memory_space<hbm>>
    %dma_start3A_231 = tpu.memref_squeeze %dma_start3A_230 : memref<1x80x128xf32, #tpu.memory_space<hbm>> -> memref<80x128xf32, #tpu.memory_space<hbm>>
    %dma_start3A_232 = arith.constant 0 : i32
    %dma_start3A_233 = tpu.memref_slice %arg5[%arg0, %add3A_228, %dma_start3A_232] : memref<2x10240x128xf32, #tpu.memory_space<hbm>> -> memref<1x80x128xf32, #tpu.memory_space<hbm>>
    %dma_start3A_234 = tpu.memref_squeeze %dma_start3A_233 : memref<1x80x128xf32, #tpu.memory_space<hbm>> -> memref<80x128xf32, #tpu.memory_space<hbm>>
    tpu.enqueue_dma source(%arg10 : memref<80x128xf32, #tpu.memory_space<vmem>>) target(%dma_start3A_234 : memref<80x128xf32, #tpu.memory_space<hbm>>) target_semaphore(%arg16 : memref<!tpu.dma_semaphore, #tpu.memory_space<semaphore_mem>>)
    %dma_wait3A_235 = arith.constant 0 : i32
    %dma_wait3A_236 = tpu.memref_slice %arg5[%arg0, %add3A_228, %dma_wait3A_235] : memref<2x10240x128xf32, #tpu.memory_space<hbm>> -> memref<1x80x128xf32, #tpu.memory_space<hbm>>
    %dma_wait3A_237 = tpu.memref_squeeze %dma_wait3A_236 : memref<1x80x128xf32, #tpu.memory_space<hbm>> -> memref<80x128xf32, #tpu.memory_space<hbm>>
    %dma_wait3A_238 = arith.constant 0 : i32
    %dma_wait3A_239 = tpu.memref_slice %arg5[%arg0, %add3A_228, %dma_wait3A_238] : memref<2x10240x128xf32, #tpu.memory_space<hbm>> -> memref<1x80x128xf32, #tpu.memory_space<hbm>>
    %dma_wait3A_240 = tpu.memref_squeeze %dma_wait3A_239 : memref<1x80x128xf32, #tpu.memory_space<hbm>> -> memref<80x128xf32, #tpu.memory_space<hbm>>
    tpu.wait_dma2 semaphore(%arg16 : memref<!tpu.dma_semaphore, #tpu.memory_space<semaphore_mem>>) src(%arg10 : memref<80x128xf32, #tpu.memory_space<vmem>>) dst(%dma_wait3A_240 : memref<80x128xf32, #tpu.memory_space<hbm>>)
    %mul3A_241 = arith.constant 640 : i32
    %mul3A_242 = arith.muli %arg1, %mul3A_241 : i32
    %add3A_243 = arith.constant 400 : i32
    %add3A_244 = arith.addi %mul3A_242, %add3A_243 : i32
    %dma_start3A_245 = arith.constant 0 : i32
    %dma_start3A_246 = tpu.memref_slice %arg12[%add3A_244, %dma_start3A_245] : memref<10256x128xf32, #tpu.memory_space<vmem_shared>> -> memref<80x128xf32, #tpu.memory_space<vmem_shared>>
    %dma_start3A_247 = arith.constant 0 : i32
    %dma_start3A_248 = tpu.memref_slice %arg12[%add3A_244, %dma_start3A_247] : memref<10256x128xf32, #tpu.memory_space<vmem_shared>> -> memref<80x128xf32, #tpu.memory_space<vmem_shared>>
    tpu.enqueue_dma source(%dma_start3A_248 : memref<80x128xf32, #tpu.memory_space<vmem_shared>>) target(%arg10 : memref<80x128xf32, #tpu.memory_space<vmem>>) target_semaphore(%arg14 : memref<!tpu.dma_semaphore, #tpu.memory_space<semaphore_mem>>)
    %dma_wait3A_249 = arith.constant 0 : i32
    %dma_wait3A_250 = tpu.memref_slice %arg12[%add3A_216, %dma_wait3A_249] : memref<10256x128xf32, #tpu.memory_space<vmem_shared>> -> memref<80x128xf32, #tpu.memory_space<vmem_shared>>
    %dma_wait3A_251 = arith.constant 0 : i32
    %dma_wait3A_252 = tpu.memref_slice %arg12[%add3A_216, %dma_wait3A_251] : memref<10256x128xf32, #tpu.memory_space<vmem_shared>> -> memref<80x128xf32, #tpu.memory_space<vmem_shared>>
    tpu.wait_dma2 semaphore(%arg13 : memref<!tpu.dma_semaphore, #tpu.memory_space<semaphore_mem>>) src(%dma_wait3A_252 : memref<80x128xf32, #tpu.memory_space<vmem_shared>>) dst(%arg9 : memref<80x128xf32, #tpu.memory_space<vmem>>)
    %mul3A_253 = arith.constant 640 : i32
    %mul3A_254 = arith.muli %arg1, %mul3A_253 : i32
    %add3A_255 = arith.constant 320 : i32
    %add3A_256 = arith.addi %mul3A_254, %add3A_255 : i32
    %dma_start3A_257 = arith.constant 0 : i32
    %dma_start3A_258 = tpu.memref_slice %arg5[%arg0, %add3A_256, %dma_start3A_257] : memref<2x10240x128xf32, #tpu.memory_space<hbm>> -> memref<1x80x128xf32, #tpu.memory_space<hbm>>
    %dma_start3A_259 = tpu.memref_squeeze %dma_start3A_258 : memref<1x80x128xf32, #tpu.memory_space<hbm>> -> memref<80x128xf32, #tpu.memory_space<hbm>>
    %dma_start3A_260 = arith.constant 0 : i32
    %dma_start3A_261 = tpu.memref_slice %arg5[%arg0, %add3A_256, %dma_start3A_260] : memref<2x10240x128xf32, #tpu.memory_space<hbm>> -> memref<1x80x128xf32, #tpu.memory_space<hbm>>
    %dma_start3A_262 = tpu.memref_squeeze %dma_start3A_261 : memref<1x80x128xf32, #tpu.memory_space<hbm>> -> memref<80x128xf32, #tpu.memory_space<hbm>>
    tpu.enqueue_dma source(%arg9 : memref<80x128xf32, #tpu.memory_space<vmem>>) target(%dma_start3A_262 : memref<80x128xf32, #tpu.memory_space<hbm>>) target_semaphore(%arg15 : memref<!tpu.dma_semaphore, #tpu.memory_space<semaphore_mem>>)
    %dma_wait3A_263 = arith.constant 0 : i32
    %dma_wait3A_264 = tpu.memref_slice %arg5[%arg0, %add3A_256, %dma_wait3A_263] : memref<2x10240x128xf32, #tpu.memory_space<hbm>> -> memref<1x80x128xf32, #tpu.memory_space<hbm>>
    %dma_wait3A_265 = tpu.memref_squeeze %dma_wait3A_264 : memref<1x80x128xf32, #tpu.memory_space<hbm>> -> memref<80x128xf32, #tpu.memory_space<hbm>>
    %dma_wait3A_266 = arith.constant 0 : i32
    %dma_wait3A_267 = tpu.memref_slice %arg5[%arg0, %add3A_256, %dma_wait3A_266] : memref<2x10240x128xf32, #tpu.memory_space<hbm>> -> memref<1x80x128xf32, #tpu.memory_space<hbm>>
    %dma_wait3A_268 = tpu.memref_squeeze %dma_wait3A_267 : memref<1x80x128xf32, #tpu.memory_space<hbm>> -> memref<80x128xf32, #tpu.memory_space<hbm>>
    tpu.wait_dma2 semaphore(%arg15 : memref<!tpu.dma_semaphore, #tpu.memory_space<semaphore_mem>>) src(%arg9 : memref<80x128xf32, #tpu.memory_space<vmem>>) dst(%dma_wait3A_268 : memref<80x128xf32, #tpu.memory_space<hbm>>)
    %mul3A_269 = arith.constant 640 : i32
    %mul3A_270 = arith.muli %arg1, %mul3A_269 : i32
    %add3A_271 = arith.constant 480 : i32
    %add3A_272 = arith.addi %mul3A_270, %add3A_271 : i32
    %dma_start3A_273 = arith.constant 0 : i32
    %dma_start3A_274 = tpu.memref_slice %arg12[%add3A_272, %dma_start3A_273] : memref<10256x128xf32, #tpu.memory_space<vmem_shared>> -> memref<80x128xf32, #tpu.memory_space<vmem_shared>>
    %dma_start3A_275 = arith.constant 0 : i32
    %dma_start3A_276 = tpu.memref_slice %arg12[%add3A_272, %dma_start3A_275] : memref<10256x128xf32, #tpu.memory_space<vmem_shared>> -> memref<80x128xf32, #tpu.memory_space<vmem_shared>>
    tpu.enqueue_dma source(%dma_start3A_276 : memref<80x128xf32, #tpu.memory_space<vmem_shared>>) target(%arg9 : memref<80x128xf32, #tpu.memory_space<vmem>>) target_semaphore(%arg13 : memref<!tpu.dma_semaphore, #tpu.memory_space<semaphore_mem>>)
    %dma_wait3A_277 = arith.constant 0 : i32
    %dma_wait3A_278 = tpu.memref_slice %arg12[%add3A_244, %dma_wait3A_277] : memref<10256x128xf32, #tpu.memory_space<vmem_shared>> -> memref<80x128xf32, #tpu.memory_space<vmem_shared>>
    %dma_wait3A_279 = arith.constant 0 : i32
    %dma_wait3A_280 = tpu.memref_slice %arg12[%add3A_244, %dma_wait3A_279] : memref<10256x128xf32, #tpu.memory_space<vmem_shared>> -> memref<80x128xf32, #tpu.memory_space<vmem_shared>>
    tpu.wait_dma2 semaphore(%arg14 : memref<!tpu.dma_semaphore, #tpu.memory_space<semaphore_mem>>) src(%dma_wait3A_280 : memref<80x128xf32, #tpu.memory_space<vmem_shared>>) dst(%arg10 : memref<80x128xf32, #tpu.memory_space<vmem>>)
    %mul3A_281 = arith.constant 640 : i32
    %mul3A_282 = arith.muli %arg1, %mul3A_281 : i32
    %add3A_283 = arith.constant 400 : i32
    %add3A_284 = arith.addi %mul3A_282, %add3A_283 : i32
    %dma_start3A_285 = arith.constant 0 : i32
    %dma_start3A_286 = tpu.memref_slice %arg5[%arg0, %add3A_284, %dma_start3A_285] : memref<2x10240x128xf32, #tpu.memory_space<hbm>> -> memref<1x80x128xf32, #tpu.memory_space<hbm>>
    %dma_start3A_287 = tpu.memref_squeeze %dma_start3A_286 : memref<1x80x128xf32, #tpu.memory_space<hbm>> -> memref<80x128xf32, #tpu.memory_space<hbm>>
    %dma_start3A_288 = arith.constant 0 : i32
    %dma_start3A_289 = tpu.memref_slice %arg5[%arg0, %add3A_284, %dma_start3A_288] : memref<2x10240x128xf32, #tpu.memory_space<hbm>> -> memref<1x80x128xf32, #tpu.memory_space<hbm>>
    %dma_start3A_290 = tpu.memref_squeeze %dma_start3A_289 : memref<1x80x128xf32, #tpu.memory_space<hbm>> -> memref<80x128xf32, #tpu.memory_space<hbm>>
    tpu.enqueue_dma source(%arg10 : memref<80x128xf32, #tpu.memory_space<vmem>>) target(%dma_start3A_290 : memref<80x128xf32, #tpu.memory_space<hbm>>) target_semaphore(%arg16 : memref<!tpu.dma_semaphore, #tpu.memory_space<semaphore_mem>>)
    %dma_wait3A_291 = arith.constant 0 : i32
    %dma_wait3A_292 = tpu.memref_slice %arg5[%arg0, %add3A_284, %dma_wait3A_291] : memref<2x10240x128xf32, #tpu.memory_space<hbm>> -> memref<1x80x128xf32, #tpu.memory_space<hbm>>
    %dma_wait3A_293 = tpu.memref_squeeze %dma_wait3A_292 : memref<1x80x128xf32, #tpu.memory_space<hbm>> -> memref<80x128xf32, #tpu.memory_space<hbm>>
    %dma_wait3A_294 = arith.constant 0 : i32
    %dma_wait3A_295 = tpu.memref_slice %arg5[%arg0, %add3A_284, %dma_wait3A_294] : memref<2x10240x128xf32, #tpu.memory_space<hbm>> -> memref<1x80x128xf32, #tpu.memory_space<hbm>>
    %dma_wait3A_296 = tpu.memref_squeeze %dma_wait3A_295 : memref<1x80x128xf32, #tpu.memory_space<hbm>> -> memref<80x128xf32, #tpu.memory_space<hbm>>
    tpu.wait_dma2 semaphore(%arg16 : memref<!tpu.dma_semaphore, #tpu.memory_space<semaphore_mem>>) src(%arg10 : memref<80x128xf32, #tpu.memory_space<vmem>>) dst(%dma_wait3A_296 : memref<80x128xf32, #tpu.memory_space<hbm>>)
    %mul3A_297 = arith.constant 640 : i32
    %mul3A_298 = arith.muli %arg1, %mul3A_297 : i32
    %add3A_299 = arith.constant 560 : i32
    %add3A_300 = arith.addi %mul3A_298, %add3A_299 : i32
    %dma_start3A_301 = arith.constant 0 : i32
    %dma_start3A_302 = tpu.memref_slice %arg12[%add3A_300, %dma_start3A_301] : memref<10256x128xf32, #tpu.memory_space<vmem_shared>> -> memref<80x128xf32, #tpu.memory_space<vmem_shared>>
    %dma_start3A_303 = arith.constant 0 : i32
    %dma_start3A_304 = tpu.memref_slice %arg12[%add3A_300, %dma_start3A_303] : memref<10256x128xf32, #tpu.memory_space<vmem_shared>> -> memref<80x128xf32, #tpu.memory_space<vmem_shared>>
    tpu.enqueue_dma source(%dma_start3A_304 : memref<80x128xf32, #tpu.memory_space<vmem_shared>>) target(%arg10 : memref<80x128xf32, #tpu.memory_space<vmem>>) target_semaphore(%arg14 : memref<!tpu.dma_semaphore, #tpu.memory_space<semaphore_mem>>)
    %dma_wait3A_305 = arith.constant 0 : i32
    %dma_wait3A_306 = tpu.memref_slice %arg12[%add3A_272, %dma_wait3A_305] : memref<10256x128xf32, #tpu.memory_space<vmem_shared>> -> memref<80x128xf32, #tpu.memory_space<vmem_shared>>
    %dma_wait3A_307 = arith.constant 0 : i32
    %dma_wait3A_308 = tpu.memref_slice %arg12[%add3A_272, %dma_wait3A_307] : memref<10256x128xf32, #tpu.memory_space<vmem_shared>> -> memref<80x128xf32, #tpu.memory_space<vmem_shared>>
    tpu.wait_dma2 semaphore(%arg13 : memref<!tpu.dma_semaphore, #tpu.memory_space<semaphore_mem>>) src(%dma_wait3A_308 : memref<80x128xf32, #tpu.memory_space<vmem_shared>>) dst(%arg9 : memref<80x128xf32, #tpu.memory_space<vmem>>)
    %mul3A_309 = arith.constant 640 : i32
    %mul3A_310 = arith.muli %arg1, %mul3A_309 : i32
    %add3A_311 = arith.constant 480 : i32
    %add3A_312 = arith.addi %mul3A_310, %add3A_311 : i32
    %dma_start3A_313 = arith.constant 0 : i32
    %dma_start3A_314 = tpu.memref_slice %arg5[%arg0, %add3A_312, %dma_start3A_313] : memref<2x10240x128xf32, #tpu.memory_space<hbm>> -> memref<1x80x128xf32, #tpu.memory_space<hbm>>
    %dma_start3A_315 = tpu.memref_squeeze %dma_start3A_314 : memref<1x80x128xf32, #tpu.memory_space<hbm>> -> memref<80x128xf32, #tpu.memory_space<hbm>>
    %dma_start3A_316 = arith.constant 0 : i32
    %dma_start3A_317 = tpu.memref_slice %arg5[%arg0, %add3A_312, %dma_start3A_316] : memref<2x10240x128xf32, #tpu.memory_space<hbm>> -> memref<1x80x128xf32, #tpu.memory_space<hbm>>
    %dma_start3A_318 = tpu.memref_squeeze %dma_start3A_317 : memref<1x80x128xf32, #tpu.memory_space<hbm>> -> memref<80x128xf32, #tpu.memory_space<hbm>>
    tpu.enqueue_dma source(%arg9 : memref<80x128xf32, #tpu.memory_space<vmem>>) target(%dma_start3A_318 : memref<80x128xf32, #tpu.memory_space<hbm>>) target_semaphore(%arg15 : memref<!tpu.dma_semaphore, #tpu.memory_space<semaphore_mem>>)
    %dma_wait3A_319 = arith.constant 0 : i32
    %dma_wait3A_320 = tpu.memref_slice %arg12[%add3A_300, %dma_wait3A_319] : memref<10256x128xf32, #tpu.memory_space<vmem_shared>> -> memref<80x128xf32, #tpu.memory_space<vmem_shared>>
    %dma_wait3A_321 = arith.constant 0 : i32
    %dma_wait3A_322 = tpu.memref_slice %arg12[%add3A_300, %dma_wait3A_321] : memref<10256x128xf32, #tpu.memory_space<vmem_shared>> -> memref<80x128xf32, #tpu.memory_space<vmem_shared>>
    tpu.wait_dma2 semaphore(%arg14 : memref<!tpu.dma_semaphore, #tpu.memory_space<semaphore_mem>>) src(%dma_wait3A_322 : memref<80x128xf32, #tpu.memory_space<vmem_shared>>) dst(%arg10 : memref<80x128xf32, #tpu.memory_space<vmem>>)
    %mul3A_323 = arith.constant 640 : i32
    %mul3A_324 = arith.muli %arg1, %mul3A_323 : i32
    %add3A_325 = arith.constant 560 : i32
    %add3A_326 = arith.addi %mul3A_324, %add3A_325 : i32
    %dma_start3A_327 = arith.constant 0 : i32
    %dma_start3A_328 = tpu.memref_slice %arg5[%arg0, %add3A_326, %dma_start3A_327] : memref<2x10240x128xf32, #tpu.memory_space<hbm>> -> memref<1x80x128xf32, #tpu.memory_space<hbm>>
    %dma_start3A_329 = tpu.memref_squeeze %dma_start3A_328 : memref<1x80x128xf32, #tpu.memory_space<hbm>> -> memref<80x128xf32, #tpu.memory_space<hbm>>
    %dma_start3A_330 = arith.constant 0 : i32
    %dma_start3A_331 = tpu.memref_slice %arg5[%arg0, %add3A_326, %dma_start3A_330] : memref<2x10240x128xf32, #tpu.memory_space<hbm>> -> memref<1x80x128xf32, #tpu.memory_space<hbm>>
    %dma_start3A_332 = tpu.memref_squeeze %dma_start3A_331 : memref<1x80x128xf32, #tpu.memory_space<hbm>> -> memref<80x128xf32, #tpu.memory_space<hbm>>
    tpu.enqueue_dma source(%arg10 : memref<80x128xf32, #tpu.memory_space<vmem>>) target(%dma_start3A_332 : memref<80x128xf32, #tpu.memory_space<hbm>>) target_semaphore(%arg16 : memref<!tpu.dma_semaphore, #tpu.memory_space<semaphore_mem>>)
    %dma_wait3A_333 = arith.constant 0 : i32
    %dma_wait3A_334 = tpu.memref_slice %arg5[%arg0, %add3A_312, %dma_wait3A_333] : memref<2x10240x128xf32, #tpu.memory_space<hbm>> -> memref<1x80x128xf32, #tpu.memory_space<hbm>>
    %dma_wait3A_335 = tpu.memref_squeeze %dma_wait3A_334 : memref<1x80x128xf32, #tpu.memory_space<hbm>> -> memref<80x128xf32, #tpu.memory_space<hbm>>
    %dma_wait3A_336 = arith.constant 0 : i32
    %dma_wait3A_337 = tpu.memref_slice %arg5[%arg0, %add3A_312, %dma_wait3A_336] : memref<2x10240x128xf32, #tpu.memory_space<hbm>> -> memref<1x80x128xf32, #tpu.memory_space<hbm>>
    %dma_wait3A_338 = tpu.memref_squeeze %dma_wait3A_337 : memref<1x80x128xf32, #tpu.memory_space<hbm>> -> memref<80x128xf32, #tpu.memory_space<hbm>>
    tpu.wait_dma2 semaphore(%arg15 : memref<!tpu.dma_semaphore, #tpu.memory_space<semaphore_mem>>) src(%arg9 : memref<80x128xf32, #tpu.memory_space<vmem>>) dst(%dma_wait3A_338 : memref<80x128xf32, #tpu.memory_space<hbm>>)
    %dma_wait3A_339 = arith.constant 0 : i32
    %dma_wait3A_340 = tpu.memref_slice %arg5[%arg0, %add3A_326, %dma_wait3A_339] : memref<2x10240x128xf32, #tpu.memory_space<hbm>> -> memref<1x80x128xf32, #tpu.memory_space<hbm>>
    %dma_wait3A_341 = tpu.memref_squeeze %dma_wait3A_340 : memref<1x80x128xf32, #tpu.memory_space<hbm>> -> memref<80x128xf32, #tpu.memory_space<hbm>>
    %dma_wait3A_342 = arith.constant 0 : i32
    %dma_wait3A_343 = tpu.memref_slice %arg5[%arg0, %add3A_326, %dma_wait3A_342] : memref<2x10240x128xf32, #tpu.memory_space<hbm>> -> memref<1x80x128xf32, #tpu.memory_space<hbm>>
    %dma_wait3A_344 = tpu.memref_squeeze %dma_wait3A_343 : memref<1x80x128xf32, #tpu.memory_space<hbm>> -> memref<80x128xf32, #tpu.memory_space<hbm>>
    tpu.wait_dma2 semaphore(%arg16 : memref<!tpu.dma_semaphore, #tpu.memory_space<semaphore_mem>>) src(%arg10 : memref<80x128xf32, #tpu.memory_space<vmem>>) dst(%dma_wait3A_344 : memref<80x128xf32, #tpu.memory_space<hbm>>)
    return
  }
}

module attributes {stable_mosaic.version = 14 : i64} {
  func.func @_vq_body(%arg0: i32, %arg1: memref<2x1024x128xf32, #tpu.memory_space<vmem>>, %arg2: memref<1024x1xf32, #tpu.memory_space<vmem>>, %arg3: memref<128x128xf32, #tpu.memory_space<vmem>>, %arg4: memref<1x128xf32, #tpu.memory_space<vmem>>, %arg5: memref<128x128xf32, #tpu.memory_space<vmem>>, %arg6: memref<1x128xf32, #tpu.memory_space<vmem>>, %arg7: memref<8192x128xf32, #tpu.memory_space<vmem>>, %arg8: memref<1x8192xf32, #tpu.memory_space<vmem>>, %arg9: memref<8192x128xbf16, #tpu.memory_space<vmem>>, %arg10: memref<8192x128xbf16, #tpu.memory_space<vmem>>, %arg11: memref<8192x128xbf16, #tpu.memory_space<vmem>>, %arg12: memref<1024x1xi32, #tpu.memory_space<vmem>>, %arg13: memref<1024x128xf32, #tpu.memory_space<vmem>>) attributes {dimension_semantics = [#tpu.dimension_semantics<parallel>], iteration_bounds = array<i64: 10>, scalar_prefetch = 0 : i64, scratch_operands = 0 : i64, tpu.core_type = #tpu.core_type<tc>, window_params = [{transform_indices = @transform_0, window_bounds = array<i64: 2, 1024, 128>}, {transform_indices = @transform_1, window_bounds = array<i64: 1024, 1>}, {pipeline_mode = #tpu.pipeline_mode<synchronous>, transform_indices = @transform_2, window_bounds = array<i64: 128, 128>}, {pipeline_mode = #tpu.pipeline_mode<synchronous>, transform_indices = @transform_3, window_bounds = array<i64: 1, 128>}, {pipeline_mode = #tpu.pipeline_mode<synchronous>, transform_indices = @transform_4, window_bounds = array<i64: 128, 128>}, {pipeline_mode = #tpu.pipeline_mode<synchronous>, transform_indices = @transform_5, window_bounds = array<i64: 1, 128>}, {pipeline_mode = #tpu.pipeline_mode<synchronous>, transform_indices = @transform_6, window_bounds = array<i64: 8192, 128>}, {pipeline_mode = #tpu.pipeline_mode<synchronous>, transform_indices = @transform_7, window_bounds = array<i64: 1, 8192>}, {pipeline_mode = #tpu.pipeline_mode<synchronous>, transform_indices = @transform_8, window_bounds = array<i64: 8192, 128>}, {pipeline_mode = #tpu.pipeline_mode<synchronous>, transform_indices = @transform_9, window_bounds = array<i64: 8192, 128>}, {pipeline_mode = #tpu.pipeline_mode<synchronous>, transform_indices = @transform_10, window_bounds = array<i64: 8192, 128>}, {transform_indices = @transform_11, window_bounds = array<i64: 1024, 1>}, {transform_indices = @transform_12, window_bounds = array<i64: 1024, 128>}]} {
    %get3A = arith.constant 0 : index
    %get3A_0 = arith.constant 0 : index
    %get3A_1 = arith.constant 0 : index
    %get3A_2 = vector.load %arg1[%get3A, %get3A_0, %get3A_1] : memref<2x1024x128xf32, #tpu.memory_space<vmem>>, vector<1x1024x128xf32>
    %get3A_3 = vector.shape_cast %get3A_2 : vector<1x1024x128xf32> to vector<1024x128xf32>
    %get3A_4 = arith.constant 1 : index
    %get3A_5 = arith.constant 0 : index
    %get3A_6 = arith.constant 0 : index
    %get3A_7 = vector.load %arg1[%get3A_4, %get3A_5, %get3A_6] : memref<2x1024x128xf32, #tpu.memory_space<vmem>>, vector<1x1024x128xf32>
    %get3A_8 = vector.shape_cast %get3A_7 : vector<1x1024x128xf32> to vector<1024x128xf32>
    %add3A = arith.addf %get3A_3, %get3A_8 : vector<1024x128xf32>
    %get3A_9 = arith.constant 0 : index
    %get3A_10 = arith.constant 0 : index
    %get3A_11 = vector.load %arg2[%get3A_9, %get3A_10] : memref<1024x1xf32, #tpu.memory_space<vmem>>, vector<1024x1xf32>
    %div3A = vector.broadcast %get3A_11 : vector<1024x1xf32> to vector<1024x128xf32>
    %div3A_12 = arith.divf %add3A, %div3A : vector<1024x128xf32>
    %get3A_13 = arith.constant 0 : index
    %get3A_14 = arith.constant 0 : index
    %get3A_15 = vector.load %arg3[%get3A_13, %get3A_14] : memref<128x128xf32, #tpu.memory_space<vmem>>, vector<128x128xf32>
    %dot_general3A = arith.constant dense<0.000000e+00> : vector<1024x128xf32>
    %dot_general3A_16 = tpu.matmul %div3A_12, %get3A_15, %dot_general3A {dimension_numbers = #tpu.dot_dimension_numbers<[1], [0], [0], [1], [0, 0, 1, 1], [], []>, transpose_lhs_hint = false} : vector<1024x128xf32>, vector<128x128xf32>, vector<1024x128xf32> -> vector<1024x128xf32>
    %get3A_17 = arith.constant 0 : index
    %get3A_18 = arith.constant 0 : index
    %get3A_19 = vector.load %arg4[%get3A_17, %get3A_18] : memref<1x128xf32, #tpu.memory_space<vmem>>, vector<1x128xf32>
    %add3A_20 = vector.broadcast %get3A_19 : vector<1x128xf32> to vector<1024x128xf32>
    %add3A_21 = arith.addf %dot_general3A_16, %add3A_20 : vector<1024x128xf32>
    %max3A = arith.constant 0.000000e+00 : f32
    %max3A_22 = vector.broadcast %max3A : f32 to vector<1024x128xf32>
    %max3A_23 = arith.maximumf %add3A_21, %max3A_22 : vector<1024x128xf32>
    %get3A_24 = arith.constant 0 : index
    %get3A_25 = arith.constant 0 : index
    %get3A_26 = vector.load %arg5[%get3A_24, %get3A_25] : memref<128x128xf32, #tpu.memory_space<vmem>>, vector<128x128xf32>
    %dot_general3A_27 = arith.constant dense<0.000000e+00> : vector<1024x128xf32>
    %dot_general3A_28 = tpu.matmul %max3A_23, %get3A_26, %dot_general3A_27 {dimension_numbers = #tpu.dot_dimension_numbers<[1], [0], [0], [1], [0, 0, 1, 1], [], []>, transpose_lhs_hint = false} : vector<1024x128xf32>, vector<128x128xf32>, vector<1024x128xf32> -> vector<1024x128xf32>
    %get3A_29 = arith.constant 0 : index
    %get3A_30 = arith.constant 0 : index
    %get3A_31 = vector.load %arg6[%get3A_29, %get3A_30] : memref<1x128xf32, #tpu.memory_space<vmem>>, vector<1x128xf32>
    %add3A_32 = vector.broadcast %get3A_31 : vector<1x128xf32> to vector<1024x128xf32>
    %add3A_33 = arith.addf %dot_general3A_28, %add3A_32 : vector<1024x128xf32>
    %mul3A = arith.mulf %add3A_33, %add3A_33 : vector<1024x128xf32>
    %reduce_sum3A = arith.constant dense<0.000000e+00> : vector<1024xf32>
    %reduce_sum3A_34 = vector.multi_reduction <add>, %mul3A, %reduce_sum3A [1] : vector<1024x128xf32> to vector<1024xf32>
    %broadcast_in_dim3A = vector.shape_cast %reduce_sum3A_34 : vector<1024xf32> to vector<1024x1xf32>
    %broadcast_in_dim3A_35 = arith.constant 0x7F800000 : f32
    %broadcast_in_dim3A_36 = vector.broadcast %broadcast_in_dim3A_35 : f32 to vector<1024x1xf32>
    %broadcast_in_dim3A_37 = arith.constant 0 : i32
    %broadcast_in_dim3A_38 = vector.broadcast %broadcast_in_dim3A_37 : i32 to vector<1024x1xi32>
    %iota3A = tpu.iota {dimensions = array<i32: 1>} : vector<1024x512xi32>
    %get3A_39 = arith.constant 0 : index
    %get3A_40 = arith.constant 0 : index
    %get3A_41 = vector.load %arg7[%get3A_39, %get3A_40] : memref<8192x128xf32, #tpu.memory_space<vmem>>, vector<512x128xf32>
    %dot_general3A_42 = arith.constant dense<0.000000e+00> : vector<1024x512xf32>
    %dot_general3A_43 = tpu.matmul %add3A_33, %get3A_41, %dot_general3A_42 {dimension_numbers = #tpu.dot_dimension_numbers<[1], [1], [0], [0], [0, 0, 1, 0], [], []>, transpose_lhs_hint = false} : vector<1024x128xf32>, vector<512x128xf32>, vector<1024x512xf32> -> vector<1024x512xf32>
    %mul3A_44 = arith.constant 2.000000e+00 : f32
    %mul3A_45 = vector.broadcast %mul3A_44 : f32 to vector<1024x512xf32>
    %mul3A_46 = arith.mulf %mul3A_45, %dot_general3A_43 : vector<1024x512xf32>
    %sub3A = vector.broadcast %broadcast_in_dim3A : vector<1024x1xf32> to vector<1024x512xf32>
    %sub3A_47 = arith.subf %sub3A, %mul3A_46 : vector<1024x512xf32>
    %get3A_48 = arith.constant 0 : index
    %get3A_49 = arith.constant 0 : index
    %get3A_50 = vector.load %arg8[%get3A_48, %get3A_49] : memref<1x8192xf32, #tpu.memory_space<vmem>>, vector<1x512xf32>
    %add3A_51 = vector.broadcast %get3A_50 : vector<1x512xf32> to vector<1024x512xf32>
    %add3A_52 = arith.addf %sub3A_47, %add3A_51 : vector<1024x512xf32>
    %reduce_min3A = arith.constant dense<0x7F800000> : vector<1024xf32>
    %reduce_min3A_53 = vector.multi_reduction <minimumf>, %add3A_52, %reduce_min3A [1] : vector<1024x512xf32> to vector<1024xf32>
    %broadcast_in_dim3A_54 = vector.shape_cast %reduce_min3A_53 : vector<1024xf32> to vector<1024x1xf32>
    %le3A = vector.broadcast %broadcast_in_dim3A_54 : vector<1024x1xf32> to vector<1024x512xf32>
    %le3A_55 = arith.cmpf ole, %add3A_52, %le3A : vector<1024x512xf32>
    %jit3A = arith.constant 1073741824 : i32
    %broadcast_in_dim3A_56 = vector.broadcast %jit3A : i32 to vector<1024x512xi32>
    %select_n3A = arith.select %le3A_55, %iota3A, %broadcast_in_dim3A_56 : vector<1024x512xi1>, vector<1024x512xi32>
    %reduce_min3A_57 = arith.constant dense<2147483647> : vector<1024xi32>
    %reduce_min3A_58 = vector.multi_reduction <minsi>, %select_n3A, %reduce_min3A_57 [1] : vector<1024x512xi32> to vector<1024xi32>
    %broadcast_in_dim3A_59 = vector.shape_cast %reduce_min3A_58 : vector<1024xi32> to vector<1024x1xi32>
    %add3A_60 = arith.constant 0 : i32
    %add3A_61 = vector.broadcast %add3A_60 : i32 to vector<1024x1xi32>
    %add3A_62 = arith.addi %broadcast_in_dim3A_59, %add3A_61 : vector<1024x1xi32>
    %lt3A = arith.cmpf olt, %broadcast_in_dim3A_54, %broadcast_in_dim3A_36 : vector<1024x1xf32>
    %select_n3A_63 = arith.select %lt3A, %broadcast_in_dim3A_54, %broadcast_in_dim3A_36 : vector<1024x1xi1>, vector<1024x1xf32>
    %select_n3A_64 = arith.select %lt3A, %add3A_62, %broadcast_in_dim3A_38 : vector<1024x1xi1>, vector<1024x1xi32>
    %get3A_65 = arith.constant 512 : index
    %get3A_66 = arith.constant 0 : index
    %get3A_67 = vector.load %arg7[%get3A_65, %get3A_66] : memref<8192x128xf32, #tpu.memory_space<vmem>>, vector<512x128xf32>
    %dot_general3A_68 = arith.constant dense<0.000000e+00> : vector<1024x512xf32>
    %dot_general3A_69 = tpu.matmul %add3A_33, %get3A_67, %dot_general3A_68 {dimension_numbers = #tpu.dot_dimension_numbers<[1], [1], [0], [0], [0, 0, 1, 0], [], []>, transpose_lhs_hint = false} : vector<1024x128xf32>, vector<512x128xf32>, vector<1024x512xf32> -> vector<1024x512xf32>
    %mul3A_70 = arith.constant 2.000000e+00 : f32
    %mul3A_71 = vector.broadcast %mul3A_70 : f32 to vector<1024x512xf32>
    %mul3A_72 = arith.mulf %mul3A_71, %dot_general3A_69 : vector<1024x512xf32>
    %sub3A_73 = vector.broadcast %broadcast_in_dim3A : vector<1024x1xf32> to vector<1024x512xf32>
    %sub3A_74 = arith.subf %sub3A_73, %mul3A_72 : vector<1024x512xf32>
    %get3A_75 = arith.constant 0 : index
    %get3A_76 = arith.constant 512 : index
    %get3A_77 = vector.load %arg8[%get3A_75, %get3A_76] : memref<1x8192xf32, #tpu.memory_space<vmem>>, vector<1x512xf32>
    %add3A_78 = vector.broadcast %get3A_77 : vector<1x512xf32> to vector<1024x512xf32>
    %add3A_79 = arith.addf %sub3A_74, %add3A_78 : vector<1024x512xf32>
    %reduce_min3A_80 = arith.constant dense<0x7F800000> : vector<1024xf32>
    %reduce_min3A_81 = vector.multi_reduction <minimumf>, %add3A_79, %reduce_min3A_80 [1] : vector<1024x512xf32> to vector<1024xf32>
    %broadcast_in_dim3A_82 = vector.shape_cast %reduce_min3A_81 : vector<1024xf32> to vector<1024x1xf32>
    %le3A_83 = vector.broadcast %broadcast_in_dim3A_82 : vector<1024x1xf32> to vector<1024x512xf32>
    %le3A_84 = arith.cmpf ole, %add3A_79, %le3A_83 : vector<1024x512xf32>
    %jit3A_85 = arith.constant 1073741824 : i32
    %broadcast_in_dim3A_86 = vector.broadcast %jit3A_85 : i32 to vector<1024x512xi32>
    %select_n3A_87 = arith.select %le3A_84, %iota3A, %broadcast_in_dim3A_86 : vector<1024x512xi1>, vector<1024x512xi32>
    %reduce_min3A_88 = arith.constant dense<2147483647> : vector<1024xi32>
    %reduce_min3A_89 = vector.multi_reduction <minsi>, %select_n3A_87, %reduce_min3A_88 [1] : vector<1024x512xi32> to vector<1024xi32>
    %broadcast_in_dim3A_90 = vector.shape_cast %reduce_min3A_89 : vector<1024xi32> to vector<1024x1xi32>
    %add3A_91 = arith.constant 512 : i32
    %add3A_92 = vector.broadcast %add3A_91 : i32 to vector<1024x1xi32>
    %add3A_93 = arith.addi %broadcast_in_dim3A_90, %add3A_92 : vector<1024x1xi32>
    %lt3A_94 = arith.cmpf olt, %broadcast_in_dim3A_82, %select_n3A_63 : vector<1024x1xf32>
    %select_n3A_95 = arith.select %lt3A_94, %broadcast_in_dim3A_82, %select_n3A_63 : vector<1024x1xi1>, vector<1024x1xf32>
    %select_n3A_96 = arith.select %lt3A_94, %add3A_93, %select_n3A_64 : vector<1024x1xi1>, vector<1024x1xi32>
    %get3A_97 = arith.constant 1024 : index
    %get3A_98 = arith.constant 0 : index
    %get3A_99 = vector.load %arg7[%get3A_97, %get3A_98] : memref<8192x128xf32, #tpu.memory_space<vmem>>, vector<512x128xf32>
    %dot_general3A_100 = arith.constant dense<0.000000e+00> : vector<1024x512xf32>
    %dot_general3A_101 = tpu.matmul %add3A_33, %get3A_99, %dot_general3A_100 {dimension_numbers = #tpu.dot_dimension_numbers<[1], [1], [0], [0], [0, 0, 1, 0], [], []>, transpose_lhs_hint = false} : vector<1024x128xf32>, vector<512x128xf32>, vector<1024x512xf32> -> vector<1024x512xf32>
    %mul3A_102 = arith.constant 2.000000e+00 : f32
    %mul3A_103 = vector.broadcast %mul3A_102 : f32 to vector<1024x512xf32>
    %mul3A_104 = arith.mulf %mul3A_103, %dot_general3A_101 : vector<1024x512xf32>
    %sub3A_105 = vector.broadcast %broadcast_in_dim3A : vector<1024x1xf32> to vector<1024x512xf32>
    %sub3A_106 = arith.subf %sub3A_105, %mul3A_104 : vector<1024x512xf32>
    %get3A_107 = arith.constant 0 : index
    %get3A_108 = arith.constant 1024 : index
    %get3A_109 = vector.load %arg8[%get3A_107, %get3A_108] : memref<1x8192xf32, #tpu.memory_space<vmem>>, vector<1x512xf32>
    %add3A_110 = vector.broadcast %get3A_109 : vector<1x512xf32> to vector<1024x512xf32>
    %add3A_111 = arith.addf %sub3A_106, %add3A_110 : vector<1024x512xf32>
    %reduce_min3A_112 = arith.constant dense<0x7F800000> : vector<1024xf32>
    %reduce_min3A_113 = vector.multi_reduction <minimumf>, %add3A_111, %reduce_min3A_112 [1] : vector<1024x512xf32> to vector<1024xf32>
    %broadcast_in_dim3A_114 = vector.shape_cast %reduce_min3A_113 : vector<1024xf32> to vector<1024x1xf32>
    %le3A_115 = vector.broadcast %broadcast_in_dim3A_114 : vector<1024x1xf32> to vector<1024x512xf32>
    %le3A_116 = arith.cmpf ole, %add3A_111, %le3A_115 : vector<1024x512xf32>
    %jit3A_117 = arith.constant 1073741824 : i32
    %broadcast_in_dim3A_118 = vector.broadcast %jit3A_117 : i32 to vector<1024x512xi32>
    %select_n3A_119 = arith.select %le3A_116, %iota3A, %broadcast_in_dim3A_118 : vector<1024x512xi1>, vector<1024x512xi32>
    %reduce_min3A_120 = arith.constant dense<2147483647> : vector<1024xi32>
    %reduce_min3A_121 = vector.multi_reduction <minsi>, %select_n3A_119, %reduce_min3A_120 [1] : vector<1024x512xi32> to vector<1024xi32>
    %broadcast_in_dim3A_122 = vector.shape_cast %reduce_min3A_121 : vector<1024xi32> to vector<1024x1xi32>
    %add3A_123 = arith.constant 1024 : i32
    %add3A_124 = vector.broadcast %add3A_123 : i32 to vector<1024x1xi32>
    %add3A_125 = arith.addi %broadcast_in_dim3A_122, %add3A_124 : vector<1024x1xi32>
    %lt3A_126 = arith.cmpf olt, %broadcast_in_dim3A_114, %select_n3A_95 : vector<1024x1xf32>
    %select_n3A_127 = arith.select %lt3A_126, %broadcast_in_dim3A_114, %select_n3A_95 : vector<1024x1xi1>, vector<1024x1xf32>
    %select_n3A_128 = arith.select %lt3A_126, %add3A_125, %select_n3A_96 : vector<1024x1xi1>, vector<1024x1xi32>
    %get3A_129 = arith.constant 1536 : index
    %get3A_130 = arith.constant 0 : index
    %get3A_131 = vector.load %arg7[%get3A_129, %get3A_130] : memref<8192x128xf32, #tpu.memory_space<vmem>>, vector<512x128xf32>
    %dot_general3A_132 = arith.constant dense<0.000000e+00> : vector<1024x512xf32>
    %dot_general3A_133 = tpu.matmul %add3A_33, %get3A_131, %dot_general3A_132 {dimension_numbers = #tpu.dot_dimension_numbers<[1], [1], [0], [0], [0, 0, 1, 0], [], []>, transpose_lhs_hint = false} : vector<1024x128xf32>, vector<512x128xf32>, vector<1024x512xf32> -> vector<1024x512xf32>
    %mul3A_134 = arith.constant 2.000000e+00 : f32
    %mul3A_135 = vector.broadcast %mul3A_134 : f32 to vector<1024x512xf32>
    %mul3A_136 = arith.mulf %mul3A_135, %dot_general3A_133 : vector<1024x512xf32>
    %sub3A_137 = vector.broadcast %broadcast_in_dim3A : vector<1024x1xf32> to vector<1024x512xf32>
    %sub3A_138 = arith.subf %sub3A_137, %mul3A_136 : vector<1024x512xf32>
    %get3A_139 = arith.constant 0 : index
    %get3A_140 = arith.constant 1536 : index
    %get3A_141 = vector.load %arg8[%get3A_139, %get3A_140] : memref<1x8192xf32, #tpu.memory_space<vmem>>, vector<1x512xf32>
    %add3A_142 = vector.broadcast %get3A_141 : vector<1x512xf32> to vector<1024x512xf32>
    %add3A_143 = arith.addf %sub3A_138, %add3A_142 : vector<1024x512xf32>
    %reduce_min3A_144 = arith.constant dense<0x7F800000> : vector<1024xf32>
    %reduce_min3A_145 = vector.multi_reduction <minimumf>, %add3A_143, %reduce_min3A_144 [1] : vector<1024x512xf32> to vector<1024xf32>
    %broadcast_in_dim3A_146 = vector.shape_cast %reduce_min3A_145 : vector<1024xf32> to vector<1024x1xf32>
    %le3A_147 = vector.broadcast %broadcast_in_dim3A_146 : vector<1024x1xf32> to vector<1024x512xf32>
    %le3A_148 = arith.cmpf ole, %add3A_143, %le3A_147 : vector<1024x512xf32>
    %jit3A_149 = arith.constant 1073741824 : i32
    %broadcast_in_dim3A_150 = vector.broadcast %jit3A_149 : i32 to vector<1024x512xi32>
    %select_n3A_151 = arith.select %le3A_148, %iota3A, %broadcast_in_dim3A_150 : vector<1024x512xi1>, vector<1024x512xi32>
    %reduce_min3A_152 = arith.constant dense<2147483647> : vector<1024xi32>
    %reduce_min3A_153 = vector.multi_reduction <minsi>, %select_n3A_151, %reduce_min3A_152 [1] : vector<1024x512xi32> to vector<1024xi32>
    %broadcast_in_dim3A_154 = vector.shape_cast %reduce_min3A_153 : vector<1024xi32> to vector<1024x1xi32>
    %add3A_155 = arith.constant 1536 : i32
    %add3A_156 = vector.broadcast %add3A_155 : i32 to vector<1024x1xi32>
    %add3A_157 = arith.addi %broadcast_in_dim3A_154, %add3A_156 : vector<1024x1xi32>
    %lt3A_158 = arith.cmpf olt, %broadcast_in_dim3A_146, %select_n3A_127 : vector<1024x1xf32>
    %select_n3A_159 = arith.select %lt3A_158, %broadcast_in_dim3A_146, %select_n3A_127 : vector<1024x1xi1>, vector<1024x1xf32>
    %select_n3A_160 = arith.select %lt3A_158, %add3A_157, %select_n3A_128 : vector<1024x1xi1>, vector<1024x1xi32>
    %get3A_161 = arith.constant 2048 : index
    %get3A_162 = arith.constant 0 : index
    %get3A_163 = vector.load %arg7[%get3A_161, %get3A_162] : memref<8192x128xf32, #tpu.memory_space<vmem>>, vector<512x128xf32>
    %dot_general3A_164 = arith.constant dense<0.000000e+00> : vector<1024x512xf32>
    %dot_general3A_165 = tpu.matmul %add3A_33, %get3A_163, %dot_general3A_164 {dimension_numbers = #tpu.dot_dimension_numbers<[1], [1], [0], [0], [0, 0, 1, 0], [], []>, transpose_lhs_hint = false} : vector<1024x128xf32>, vector<512x128xf32>, vector<1024x512xf32> -> vector<1024x512xf32>
    %mul3A_166 = arith.constant 2.000000e+00 : f32
    %mul3A_167 = vector.broadcast %mul3A_166 : f32 to vector<1024x512xf32>
    %mul3A_168 = arith.mulf %mul3A_167, %dot_general3A_165 : vector<1024x512xf32>
    %sub3A_169 = vector.broadcast %broadcast_in_dim3A : vector<1024x1xf32> to vector<1024x512xf32>
    %sub3A_170 = arith.subf %sub3A_169, %mul3A_168 : vector<1024x512xf32>
    %get3A_171 = arith.constant 0 : index
    %get3A_172 = arith.constant 2048 : index
    %get3A_173 = vector.load %arg8[%get3A_171, %get3A_172] : memref<1x8192xf32, #tpu.memory_space<vmem>>, vector<1x512xf32>
    %add3A_174 = vector.broadcast %get3A_173 : vector<1x512xf32> to vector<1024x512xf32>
    %add3A_175 = arith.addf %sub3A_170, %add3A_174 : vector<1024x512xf32>
    %reduce_min3A_176 = arith.constant dense<0x7F800000> : vector<1024xf32>
    %reduce_min3A_177 = vector.multi_reduction <minimumf>, %add3A_175, %reduce_min3A_176 [1] : vector<1024x512xf32> to vector<1024xf32>
    %broadcast_in_dim3A_178 = vector.shape_cast %reduce_min3A_177 : vector<1024xf32> to vector<1024x1xf32>
    %le3A_179 = vector.broadcast %broadcast_in_dim3A_178 : vector<1024x1xf32> to vector<1024x512xf32>
    %le3A_180 = arith.cmpf ole, %add3A_175, %le3A_179 : vector<1024x512xf32>
    %jit3A_181 = arith.constant 1073741824 : i32
    %broadcast_in_dim3A_182 = vector.broadcast %jit3A_181 : i32 to vector<1024x512xi32>
    %select_n3A_183 = arith.select %le3A_180, %iota3A, %broadcast_in_dim3A_182 : vector<1024x512xi1>, vector<1024x512xi32>
    %reduce_min3A_184 = arith.constant dense<2147483647> : vector<1024xi32>
    %reduce_min3A_185 = vector.multi_reduction <minsi>, %select_n3A_183, %reduce_min3A_184 [1] : vector<1024x512xi32> to vector<1024xi32>
    %broadcast_in_dim3A_186 = vector.shape_cast %reduce_min3A_185 : vector<1024xi32> to vector<1024x1xi32>
    %add3A_187 = arith.constant 2048 : i32
    %add3A_188 = vector.broadcast %add3A_187 : i32 to vector<1024x1xi32>
    %add3A_189 = arith.addi %broadcast_in_dim3A_186, %add3A_188 : vector<1024x1xi32>
    %lt3A_190 = arith.cmpf olt, %broadcast_in_dim3A_178, %select_n3A_159 : vector<1024x1xf32>
    %select_n3A_191 = arith.select %lt3A_190, %broadcast_in_dim3A_178, %select_n3A_159 : vector<1024x1xi1>, vector<1024x1xf32>
    %select_n3A_192 = arith.select %lt3A_190, %add3A_189, %select_n3A_160 : vector<1024x1xi1>, vector<1024x1xi32>
    %get3A_193 = arith.constant 2560 : index
    %get3A_194 = arith.constant 0 : index
    %get3A_195 = vector.load %arg7[%get3A_193, %get3A_194] : memref<8192x128xf32, #tpu.memory_space<vmem>>, vector<512x128xf32>
    %dot_general3A_196 = arith.constant dense<0.000000e+00> : vector<1024x512xf32>
    %dot_general3A_197 = tpu.matmul %add3A_33, %get3A_195, %dot_general3A_196 {dimension_numbers = #tpu.dot_dimension_numbers<[1], [1], [0], [0], [0, 0, 1, 0], [], []>, transpose_lhs_hint = false} : vector<1024x128xf32>, vector<512x128xf32>, vector<1024x512xf32> -> vector<1024x512xf32>
    %mul3A_198 = arith.constant 2.000000e+00 : f32
    %mul3A_199 = vector.broadcast %mul3A_198 : f32 to vector<1024x512xf32>
    %mul3A_200 = arith.mulf %mul3A_199, %dot_general3A_197 : vector<1024x512xf32>
    %sub3A_201 = vector.broadcast %broadcast_in_dim3A : vector<1024x1xf32> to vector<1024x512xf32>
    %sub3A_202 = arith.subf %sub3A_201, %mul3A_200 : vector<1024x512xf32>
    %get3A_203 = arith.constant 0 : index
    %get3A_204 = arith.constant 2560 : index
    %get3A_205 = vector.load %arg8[%get3A_203, %get3A_204] : memref<1x8192xf32, #tpu.memory_space<vmem>>, vector<1x512xf32>
    %add3A_206 = vector.broadcast %get3A_205 : vector<1x512xf32> to vector<1024x512xf32>
    %add3A_207 = arith.addf %sub3A_202, %add3A_206 : vector<1024x512xf32>
    %reduce_min3A_208 = arith.constant dense<0x7F800000> : vector<1024xf32>
    %reduce_min3A_209 = vector.multi_reduction <minimumf>, %add3A_207, %reduce_min3A_208 [1] : vector<1024x512xf32> to vector<1024xf32>
    %broadcast_in_dim3A_210 = vector.shape_cast %reduce_min3A_209 : vector<1024xf32> to vector<1024x1xf32>
    %le3A_211 = vector.broadcast %broadcast_in_dim3A_210 : vector<1024x1xf32> to vector<1024x512xf32>
    %le3A_212 = arith.cmpf ole, %add3A_207, %le3A_211 : vector<1024x512xf32>
    %jit3A_213 = arith.constant 1073741824 : i32
    %broadcast_in_dim3A_214 = vector.broadcast %jit3A_213 : i32 to vector<1024x512xi32>
    %select_n3A_215 = arith.select %le3A_212, %iota3A, %broadcast_in_dim3A_214 : vector<1024x512xi1>, vector<1024x512xi32>
    %reduce_min3A_216 = arith.constant dense<2147483647> : vector<1024xi32>
    %reduce_min3A_217 = vector.multi_reduction <minsi>, %select_n3A_215, %reduce_min3A_216 [1] : vector<1024x512xi32> to vector<1024xi32>
    %broadcast_in_dim3A_218 = vector.shape_cast %reduce_min3A_217 : vector<1024xi32> to vector<1024x1xi32>
    %add3A_219 = arith.constant 2560 : i32
    %add3A_220 = vector.broadcast %add3A_219 : i32 to vector<1024x1xi32>
    %add3A_221 = arith.addi %broadcast_in_dim3A_218, %add3A_220 : vector<1024x1xi32>
    %lt3A_222 = arith.cmpf olt, %broadcast_in_dim3A_210, %select_n3A_191 : vector<1024x1xf32>
    %select_n3A_223 = arith.select %lt3A_222, %broadcast_in_dim3A_210, %select_n3A_191 : vector<1024x1xi1>, vector<1024x1xf32>
    %select_n3A_224 = arith.select %lt3A_222, %add3A_221, %select_n3A_192 : vector<1024x1xi1>, vector<1024x1xi32>
    %get3A_225 = arith.constant 3072 : index
    %get3A_226 = arith.constant 0 : index
    %get3A_227 = vector.load %arg7[%get3A_225, %get3A_226] : memref<8192x128xf32, #tpu.memory_space<vmem>>, vector<512x128xf32>
    %dot_general3A_228 = arith.constant dense<0.000000e+00> : vector<1024x512xf32>
    %dot_general3A_229 = tpu.matmul %add3A_33, %get3A_227, %dot_general3A_228 {dimension_numbers = #tpu.dot_dimension_numbers<[1], [1], [0], [0], [0, 0, 1, 0], [], []>, transpose_lhs_hint = false} : vector<1024x128xf32>, vector<512x128xf32>, vector<1024x512xf32> -> vector<1024x512xf32>
    %mul3A_230 = arith.constant 2.000000e+00 : f32
    %mul3A_231 = vector.broadcast %mul3A_230 : f32 to vector<1024x512xf32>
    %mul3A_232 = arith.mulf %mul3A_231, %dot_general3A_229 : vector<1024x512xf32>
    %sub3A_233 = vector.broadcast %broadcast_in_dim3A : vector<1024x1xf32> to vector<1024x512xf32>
    %sub3A_234 = arith.subf %sub3A_233, %mul3A_232 : vector<1024x512xf32>
    %get3A_235 = arith.constant 0 : index
    %get3A_236 = arith.constant 3072 : index
    %get3A_237 = vector.load %arg8[%get3A_235, %get3A_236] : memref<1x8192xf32, #tpu.memory_space<vmem>>, vector<1x512xf32>
    %add3A_238 = vector.broadcast %get3A_237 : vector<1x512xf32> to vector<1024x512xf32>
    %add3A_239 = arith.addf %sub3A_234, %add3A_238 : vector<1024x512xf32>
    %reduce_min3A_240 = arith.constant dense<0x7F800000> : vector<1024xf32>
    %reduce_min3A_241 = vector.multi_reduction <minimumf>, %add3A_239, %reduce_min3A_240 [1] : vector<1024x512xf32> to vector<1024xf32>
    %broadcast_in_dim3A_242 = vector.shape_cast %reduce_min3A_241 : vector<1024xf32> to vector<1024x1xf32>
    %le3A_243 = vector.broadcast %broadcast_in_dim3A_242 : vector<1024x1xf32> to vector<1024x512xf32>
    %le3A_244 = arith.cmpf ole, %add3A_239, %le3A_243 : vector<1024x512xf32>
    %jit3A_245 = arith.constant 1073741824 : i32
    %broadcast_in_dim3A_246 = vector.broadcast %jit3A_245 : i32 to vector<1024x512xi32>
    %select_n3A_247 = arith.select %le3A_244, %iota3A, %broadcast_in_dim3A_246 : vector<1024x512xi1>, vector<1024x512xi32>
    %reduce_min3A_248 = arith.constant dense<2147483647> : vector<1024xi32>
    %reduce_min3A_249 = vector.multi_reduction <minsi>, %select_n3A_247, %reduce_min3A_248 [1] : vector<1024x512xi32> to vector<1024xi32>
    %broadcast_in_dim3A_250 = vector.shape_cast %reduce_min3A_249 : vector<1024xi32> to vector<1024x1xi32>
    %add3A_251 = arith.constant 3072 : i32
    %add3A_252 = vector.broadcast %add3A_251 : i32 to vector<1024x1xi32>
    %add3A_253 = arith.addi %broadcast_in_dim3A_250, %add3A_252 : vector<1024x1xi32>
    %lt3A_254 = arith.cmpf olt, %broadcast_in_dim3A_242, %select_n3A_223 : vector<1024x1xf32>
    %select_n3A_255 = arith.select %lt3A_254, %broadcast_in_dim3A_242, %select_n3A_223 : vector<1024x1xi1>, vector<1024x1xf32>
    %select_n3A_256 = arith.select %lt3A_254, %add3A_253, %select_n3A_224 : vector<1024x1xi1>, vector<1024x1xi32>
    %get3A_257 = arith.constant 3584 : index
    %get3A_258 = arith.constant 0 : index
    %get3A_259 = vector.load %arg7[%get3A_257, %get3A_258] : memref<8192x128xf32, #tpu.memory_space<vmem>>, vector<512x128xf32>
    %dot_general3A_260 = arith.constant dense<0.000000e+00> : vector<1024x512xf32>
    %dot_general3A_261 = tpu.matmul %add3A_33, %get3A_259, %dot_general3A_260 {dimension_numbers = #tpu.dot_dimension_numbers<[1], [1], [0], [0], [0, 0, 1, 0], [], []>, transpose_lhs_hint = false} : vector<1024x128xf32>, vector<512x128xf32>, vector<1024x512xf32> -> vector<1024x512xf32>
    %mul3A_262 = arith.constant 2.000000e+00 : f32
    %mul3A_263 = vector.broadcast %mul3A_262 : f32 to vector<1024x512xf32>
    %mul3A_264 = arith.mulf %mul3A_263, %dot_general3A_261 : vector<1024x512xf32>
    %sub3A_265 = vector.broadcast %broadcast_in_dim3A : vector<1024x1xf32> to vector<1024x512xf32>
    %sub3A_266 = arith.subf %sub3A_265, %mul3A_264 : vector<1024x512xf32>
    %get3A_267 = arith.constant 0 : index
    %get3A_268 = arith.constant 3584 : index
    %get3A_269 = vector.load %arg8[%get3A_267, %get3A_268] : memref<1x8192xf32, #tpu.memory_space<vmem>>, vector<1x512xf32>
    %add3A_270 = vector.broadcast %get3A_269 : vector<1x512xf32> to vector<1024x512xf32>
    %add3A_271 = arith.addf %sub3A_266, %add3A_270 : vector<1024x512xf32>
    %reduce_min3A_272 = arith.constant dense<0x7F800000> : vector<1024xf32>
    %reduce_min3A_273 = vector.multi_reduction <minimumf>, %add3A_271, %reduce_min3A_272 [1] : vector<1024x512xf32> to vector<1024xf32>
    %broadcast_in_dim3A_274 = vector.shape_cast %reduce_min3A_273 : vector<1024xf32> to vector<1024x1xf32>
    %le3A_275 = vector.broadcast %broadcast_in_dim3A_274 : vector<1024x1xf32> to vector<1024x512xf32>
    %le3A_276 = arith.cmpf ole, %add3A_271, %le3A_275 : vector<1024x512xf32>
    %jit3A_277 = arith.constant 1073741824 : i32
    %broadcast_in_dim3A_278 = vector.broadcast %jit3A_277 : i32 to vector<1024x512xi32>
    %select_n3A_279 = arith.select %le3A_276, %iota3A, %broadcast_in_dim3A_278 : vector<1024x512xi1>, vector<1024x512xi32>
    %reduce_min3A_280 = arith.constant dense<2147483647> : vector<1024xi32>
    %reduce_min3A_281 = vector.multi_reduction <minsi>, %select_n3A_279, %reduce_min3A_280 [1] : vector<1024x512xi32> to vector<1024xi32>
    %broadcast_in_dim3A_282 = vector.shape_cast %reduce_min3A_281 : vector<1024xi32> to vector<1024x1xi32>
    %add3A_283 = arith.constant 3584 : i32
    %add3A_284 = vector.broadcast %add3A_283 : i32 to vector<1024x1xi32>
    %add3A_285 = arith.addi %broadcast_in_dim3A_282, %add3A_284 : vector<1024x1xi32>
    %lt3A_286 = arith.cmpf olt, %broadcast_in_dim3A_274, %select_n3A_255 : vector<1024x1xf32>
    %select_n3A_287 = arith.select %lt3A_286, %broadcast_in_dim3A_274, %select_n3A_255 : vector<1024x1xi1>, vector<1024x1xf32>
    %select_n3A_288 = arith.select %lt3A_286, %add3A_285, %select_n3A_256 : vector<1024x1xi1>, vector<1024x1xi32>
    %get3A_289 = arith.constant 4096 : index
    %get3A_290 = arith.constant 0 : index
    %get3A_291 = vector.load %arg7[%get3A_289, %get3A_290] : memref<8192x128xf32, #tpu.memory_space<vmem>>, vector<512x128xf32>
    %dot_general3A_292 = arith.constant dense<0.000000e+00> : vector<1024x512xf32>
    %dot_general3A_293 = tpu.matmul %add3A_33, %get3A_291, %dot_general3A_292 {dimension_numbers = #tpu.dot_dimension_numbers<[1], [1], [0], [0], [0, 0, 1, 0], [], []>, transpose_lhs_hint = false} : vector<1024x128xf32>, vector<512x128xf32>, vector<1024x512xf32> -> vector<1024x512xf32>
    %mul3A_294 = arith.constant 2.000000e+00 : f32
    %mul3A_295 = vector.broadcast %mul3A_294 : f32 to vector<1024x512xf32>
    %mul3A_296 = arith.mulf %mul3A_295, %dot_general3A_293 : vector<1024x512xf32>
    %sub3A_297 = vector.broadcast %broadcast_in_dim3A : vector<1024x1xf32> to vector<1024x512xf32>
    %sub3A_298 = arith.subf %sub3A_297, %mul3A_296 : vector<1024x512xf32>
    %get3A_299 = arith.constant 0 : index
    %get3A_300 = arith.constant 4096 : index
    %get3A_301 = vector.load %arg8[%get3A_299, %get3A_300] : memref<1x8192xf32, #tpu.memory_space<vmem>>, vector<1x512xf32>
    %add3A_302 = vector.broadcast %get3A_301 : vector<1x512xf32> to vector<1024x512xf32>
    %add3A_303 = arith.addf %sub3A_298, %add3A_302 : vector<1024x512xf32>
    %reduce_min3A_304 = arith.constant dense<0x7F800000> : vector<1024xf32>
    %reduce_min3A_305 = vector.multi_reduction <minimumf>, %add3A_303, %reduce_min3A_304 [1] : vector<1024x512xf32> to vector<1024xf32>
    %broadcast_in_dim3A_306 = vector.shape_cast %reduce_min3A_305 : vector<1024xf32> to vector<1024x1xf32>
    %le3A_307 = vector.broadcast %broadcast_in_dim3A_306 : vector<1024x1xf32> to vector<1024x512xf32>
    %le3A_308 = arith.cmpf ole, %add3A_303, %le3A_307 : vector<1024x512xf32>
    %jit3A_309 = arith.constant 1073741824 : i32
    %broadcast_in_dim3A_310 = vector.broadcast %jit3A_309 : i32 to vector<1024x512xi32>
    %select_n3A_311 = arith.select %le3A_308, %iota3A, %broadcast_in_dim3A_310 : vector<1024x512xi1>, vector<1024x512xi32>
    %reduce_min3A_312 = arith.constant dense<2147483647> : vector<1024xi32>
    %reduce_min3A_313 = vector.multi_reduction <minsi>, %select_n3A_311, %reduce_min3A_312 [1] : vector<1024x512xi32> to vector<1024xi32>
    %broadcast_in_dim3A_314 = vector.shape_cast %reduce_min3A_313 : vector<1024xi32> to vector<1024x1xi32>
    %add3A_315 = arith.constant 4096 : i32
    %add3A_316 = vector.broadcast %add3A_315 : i32 to vector<1024x1xi32>
    %add3A_317 = arith.addi %broadcast_in_dim3A_314, %add3A_316 : vector<1024x1xi32>
    %lt3A_318 = arith.cmpf olt, %broadcast_in_dim3A_306, %select_n3A_287 : vector<1024x1xf32>
    %select_n3A_319 = arith.select %lt3A_318, %broadcast_in_dim3A_306, %select_n3A_287 : vector<1024x1xi1>, vector<1024x1xf32>
    %select_n3A_320 = arith.select %lt3A_318, %add3A_317, %select_n3A_288 : vector<1024x1xi1>, vector<1024x1xi32>
    %get3A_321 = arith.constant 4608 : index
    %get3A_322 = arith.constant 0 : index
    %get3A_323 = vector.load %arg7[%get3A_321, %get3A_322] : memref<8192x128xf32, #tpu.memory_space<vmem>>, vector<512x128xf32>
    %dot_general3A_324 = arith.constant dense<0.000000e+00> : vector<1024x512xf32>
    %dot_general3A_325 = tpu.matmul %add3A_33, %get3A_323, %dot_general3A_324 {dimension_numbers = #tpu.dot_dimension_numbers<[1], [1], [0], [0], [0, 0, 1, 0], [], []>, transpose_lhs_hint = false} : vector<1024x128xf32>, vector<512x128xf32>, vector<1024x512xf32> -> vector<1024x512xf32>
    %mul3A_326 = arith.constant 2.000000e+00 : f32
    %mul3A_327 = vector.broadcast %mul3A_326 : f32 to vector<1024x512xf32>
    %mul3A_328 = arith.mulf %mul3A_327, %dot_general3A_325 : vector<1024x512xf32>
    %sub3A_329 = vector.broadcast %broadcast_in_dim3A : vector<1024x1xf32> to vector<1024x512xf32>
    %sub3A_330 = arith.subf %sub3A_329, %mul3A_328 : vector<1024x512xf32>
    %get3A_331 = arith.constant 0 : index
    %get3A_332 = arith.constant 4608 : index
    %get3A_333 = vector.load %arg8[%get3A_331, %get3A_332] : memref<1x8192xf32, #tpu.memory_space<vmem>>, vector<1x512xf32>
    %add3A_334 = vector.broadcast %get3A_333 : vector<1x512xf32> to vector<1024x512xf32>
    %add3A_335 = arith.addf %sub3A_330, %add3A_334 : vector<1024x512xf32>
    %reduce_min3A_336 = arith.constant dense<0x7F800000> : vector<1024xf32>
    %reduce_min3A_337 = vector.multi_reduction <minimumf>, %add3A_335, %reduce_min3A_336 [1] : vector<1024x512xf32> to vector<1024xf32>
    %broadcast_in_dim3A_338 = vector.shape_cast %reduce_min3A_337 : vector<1024xf32> to vector<1024x1xf32>
    %le3A_339 = vector.broadcast %broadcast_in_dim3A_338 : vector<1024x1xf32> to vector<1024x512xf32>
    %le3A_340 = arith.cmpf ole, %add3A_335, %le3A_339 : vector<1024x512xf32>
    %jit3A_341 = arith.constant 1073741824 : i32
    %broadcast_in_dim3A_342 = vector.broadcast %jit3A_341 : i32 to vector<1024x512xi32>
    %select_n3A_343 = arith.select %le3A_340, %iota3A, %broadcast_in_dim3A_342 : vector<1024x512xi1>, vector<1024x512xi32>
    %reduce_min3A_344 = arith.constant dense<2147483647> : vector<1024xi32>
    %reduce_min3A_345 = vector.multi_reduction <minsi>, %select_n3A_343, %reduce_min3A_344 [1] : vector<1024x512xi32> to vector<1024xi32>
    %broadcast_in_dim3A_346 = vector.shape_cast %reduce_min3A_345 : vector<1024xi32> to vector<1024x1xi32>
    %add3A_347 = arith.constant 4608 : i32
    %add3A_348 = vector.broadcast %add3A_347 : i32 to vector<1024x1xi32>
    %add3A_349 = arith.addi %broadcast_in_dim3A_346, %add3A_348 : vector<1024x1xi32>
    %lt3A_350 = arith.cmpf olt, %broadcast_in_dim3A_338, %select_n3A_319 : vector<1024x1xf32>
    %select_n3A_351 = arith.select %lt3A_350, %broadcast_in_dim3A_338, %select_n3A_319 : vector<1024x1xi1>, vector<1024x1xf32>
    %select_n3A_352 = arith.select %lt3A_350, %add3A_349, %select_n3A_320 : vector<1024x1xi1>, vector<1024x1xi32>
    %get3A_353 = arith.constant 5120 : index
    %get3A_354 = arith.constant 0 : index
    %get3A_355 = vector.load %arg7[%get3A_353, %get3A_354] : memref<8192x128xf32, #tpu.memory_space<vmem>>, vector<512x128xf32>
    %dot_general3A_356 = arith.constant dense<0.000000e+00> : vector<1024x512xf32>
    %dot_general3A_357 = tpu.matmul %add3A_33, %get3A_355, %dot_general3A_356 {dimension_numbers = #tpu.dot_dimension_numbers<[1], [1], [0], [0], [0, 0, 1, 0], [], []>, transpose_lhs_hint = false} : vector<1024x128xf32>, vector<512x128xf32>, vector<1024x512xf32> -> vector<1024x512xf32>
    %mul3A_358 = arith.constant 2.000000e+00 : f32
    %mul3A_359 = vector.broadcast %mul3A_358 : f32 to vector<1024x512xf32>
    %mul3A_360 = arith.mulf %mul3A_359, %dot_general3A_357 : vector<1024x512xf32>
    %sub3A_361 = vector.broadcast %broadcast_in_dim3A : vector<1024x1xf32> to vector<1024x512xf32>
    %sub3A_362 = arith.subf %sub3A_361, %mul3A_360 : vector<1024x512xf32>
    %get3A_363 = arith.constant 0 : index
    %get3A_364 = arith.constant 5120 : index
    %get3A_365 = vector.load %arg8[%get3A_363, %get3A_364] : memref<1x8192xf32, #tpu.memory_space<vmem>>, vector<1x512xf32>
    %add3A_366 = vector.broadcast %get3A_365 : vector<1x512xf32> to vector<1024x512xf32>
    %add3A_367 = arith.addf %sub3A_362, %add3A_366 : vector<1024x512xf32>
    %reduce_min3A_368 = arith.constant dense<0x7F800000> : vector<1024xf32>
    %reduce_min3A_369 = vector.multi_reduction <minimumf>, %add3A_367, %reduce_min3A_368 [1] : vector<1024x512xf32> to vector<1024xf32>
    %broadcast_in_dim3A_370 = vector.shape_cast %reduce_min3A_369 : vector<1024xf32> to vector<1024x1xf32>
    %le3A_371 = vector.broadcast %broadcast_in_dim3A_370 : vector<1024x1xf32> to vector<1024x512xf32>
    %le3A_372 = arith.cmpf ole, %add3A_367, %le3A_371 : vector<1024x512xf32>
    %jit3A_373 = arith.constant 1073741824 : i32
    %broadcast_in_dim3A_374 = vector.broadcast %jit3A_373 : i32 to vector<1024x512xi32>
    %select_n3A_375 = arith.select %le3A_372, %iota3A, %broadcast_in_dim3A_374 : vector<1024x512xi1>, vector<1024x512xi32>
    %reduce_min3A_376 = arith.constant dense<2147483647> : vector<1024xi32>
    %reduce_min3A_377 = vector.multi_reduction <minsi>, %select_n3A_375, %reduce_min3A_376 [1] : vector<1024x512xi32> to vector<1024xi32>
    %broadcast_in_dim3A_378 = vector.shape_cast %reduce_min3A_377 : vector<1024xi32> to vector<1024x1xi32>
    %add3A_379 = arith.constant 5120 : i32
    %add3A_380 = vector.broadcast %add3A_379 : i32 to vector<1024x1xi32>
    %add3A_381 = arith.addi %broadcast_in_dim3A_378, %add3A_380 : vector<1024x1xi32>
    %lt3A_382 = arith.cmpf olt, %broadcast_in_dim3A_370, %select_n3A_351 : vector<1024x1xf32>
    %select_n3A_383 = arith.select %lt3A_382, %broadcast_in_dim3A_370, %select_n3A_351 : vector<1024x1xi1>, vector<1024x1xf32>
    %select_n3A_384 = arith.select %lt3A_382, %add3A_381, %select_n3A_352 : vector<1024x1xi1>, vector<1024x1xi32>
    %get3A_385 = arith.constant 5632 : index
    %get3A_386 = arith.constant 0 : index
    %get3A_387 = vector.load %arg7[%get3A_385, %get3A_386] : memref<8192x128xf32, #tpu.memory_space<vmem>>, vector<512x128xf32>
    %dot_general3A_388 = arith.constant dense<0.000000e+00> : vector<1024x512xf32>
    %dot_general3A_389 = tpu.matmul %add3A_33, %get3A_387, %dot_general3A_388 {dimension_numbers = #tpu.dot_dimension_numbers<[1], [1], [0], [0], [0, 0, 1, 0], [], []>, transpose_lhs_hint = false} : vector<1024x128xf32>, vector<512x128xf32>, vector<1024x512xf32> -> vector<1024x512xf32>
    %mul3A_390 = arith.constant 2.000000e+00 : f32
    %mul3A_391 = vector.broadcast %mul3A_390 : f32 to vector<1024x512xf32>
    %mul3A_392 = arith.mulf %mul3A_391, %dot_general3A_389 : vector<1024x512xf32>
    %sub3A_393 = vector.broadcast %broadcast_in_dim3A : vector<1024x1xf32> to vector<1024x512xf32>
    %sub3A_394 = arith.subf %sub3A_393, %mul3A_392 : vector<1024x512xf32>
    %get3A_395 = arith.constant 0 : index
    %get3A_396 = arith.constant 5632 : index
    %get3A_397 = vector.load %arg8[%get3A_395, %get3A_396] : memref<1x8192xf32, #tpu.memory_space<vmem>>, vector<1x512xf32>
    %add3A_398 = vector.broadcast %get3A_397 : vector<1x512xf32> to vector<1024x512xf32>
    %add3A_399 = arith.addf %sub3A_394, %add3A_398 : vector<1024x512xf32>
    %reduce_min3A_400 = arith.constant dense<0x7F800000> : vector<1024xf32>
    %reduce_min3A_401 = vector.multi_reduction <minimumf>, %add3A_399, %reduce_min3A_400 [1] : vector<1024x512xf32> to vector<1024xf32>
    %broadcast_in_dim3A_402 = vector.shape_cast %reduce_min3A_401 : vector<1024xf32> to vector<1024x1xf32>
    %le3A_403 = vector.broadcast %broadcast_in_dim3A_402 : vector<1024x1xf32> to vector<1024x512xf32>
    %le3A_404 = arith.cmpf ole, %add3A_399, %le3A_403 : vector<1024x512xf32>
    %jit3A_405 = arith.constant 1073741824 : i32
    %broadcast_in_dim3A_406 = vector.broadcast %jit3A_405 : i32 to vector<1024x512xi32>
    %select_n3A_407 = arith.select %le3A_404, %iota3A, %broadcast_in_dim3A_406 : vector<1024x512xi1>, vector<1024x512xi32>
    %reduce_min3A_408 = arith.constant dense<2147483647> : vector<1024xi32>
    %reduce_min3A_409 = vector.multi_reduction <minsi>, %select_n3A_407, %reduce_min3A_408 [1] : vector<1024x512xi32> to vector<1024xi32>
    %broadcast_in_dim3A_410 = vector.shape_cast %reduce_min3A_409 : vector<1024xi32> to vector<1024x1xi32>
    %add3A_411 = arith.constant 5632 : i32
    %add3A_412 = vector.broadcast %add3A_411 : i32 to vector<1024x1xi32>
    %add3A_413 = arith.addi %broadcast_in_dim3A_410, %add3A_412 : vector<1024x1xi32>
    %lt3A_414 = arith.cmpf olt, %broadcast_in_dim3A_402, %select_n3A_383 : vector<1024x1xf32>
    %select_n3A_415 = arith.select %lt3A_414, %broadcast_in_dim3A_402, %select_n3A_383 : vector<1024x1xi1>, vector<1024x1xf32>
    %select_n3A_416 = arith.select %lt3A_414, %add3A_413, %select_n3A_384 : vector<1024x1xi1>, vector<1024x1xi32>
    %get3A_417 = arith.constant 6144 : index
    %get3A_418 = arith.constant 0 : index
    %get3A_419 = vector.load %arg7[%get3A_417, %get3A_418] : memref<8192x128xf32, #tpu.memory_space<vmem>>, vector<512x128xf32>
    %dot_general3A_420 = arith.constant dense<0.000000e+00> : vector<1024x512xf32>
    %dot_general3A_421 = tpu.matmul %add3A_33, %get3A_419, %dot_general3A_420 {dimension_numbers = #tpu.dot_dimension_numbers<[1], [1], [0], [0], [0, 0, 1, 0], [], []>, transpose_lhs_hint = false} : vector<1024x128xf32>, vector<512x128xf32>, vector<1024x512xf32> -> vector<1024x512xf32>
    %mul3A_422 = arith.constant 2.000000e+00 : f32
    %mul3A_423 = vector.broadcast %mul3A_422 : f32 to vector<1024x512xf32>
    %mul3A_424 = arith.mulf %mul3A_423, %dot_general3A_421 : vector<1024x512xf32>
    %sub3A_425 = vector.broadcast %broadcast_in_dim3A : vector<1024x1xf32> to vector<1024x512xf32>
    %sub3A_426 = arith.subf %sub3A_425, %mul3A_424 : vector<1024x512xf32>
    %get3A_427 = arith.constant 0 : index
    %get3A_428 = arith.constant 6144 : index
    %get3A_429 = vector.load %arg8[%get3A_427, %get3A_428] : memref<1x8192xf32, #tpu.memory_space<vmem>>, vector<1x512xf32>
    %add3A_430 = vector.broadcast %get3A_429 : vector<1x512xf32> to vector<1024x512xf32>
    %add3A_431 = arith.addf %sub3A_426, %add3A_430 : vector<1024x512xf32>
    %reduce_min3A_432 = arith.constant dense<0x7F800000> : vector<1024xf32>
    %reduce_min3A_433 = vector.multi_reduction <minimumf>, %add3A_431, %reduce_min3A_432 [1] : vector<1024x512xf32> to vector<1024xf32>
    %broadcast_in_dim3A_434 = vector.shape_cast %reduce_min3A_433 : vector<1024xf32> to vector<1024x1xf32>
    %le3A_435 = vector.broadcast %broadcast_in_dim3A_434 : vector<1024x1xf32> to vector<1024x512xf32>
    %le3A_436 = arith.cmpf ole, %add3A_431, %le3A_435 : vector<1024x512xf32>
    %jit3A_437 = arith.constant 1073741824 : i32
    %broadcast_in_dim3A_438 = vector.broadcast %jit3A_437 : i32 to vector<1024x512xi32>
    %select_n3A_439 = arith.select %le3A_436, %iota3A, %broadcast_in_dim3A_438 : vector<1024x512xi1>, vector<1024x512xi32>
    %reduce_min3A_440 = arith.constant dense<2147483647> : vector<1024xi32>
    %reduce_min3A_441 = vector.multi_reduction <minsi>, %select_n3A_439, %reduce_min3A_440 [1] : vector<1024x512xi32> to vector<1024xi32>
    %broadcast_in_dim3A_442 = vector.shape_cast %reduce_min3A_441 : vector<1024xi32> to vector<1024x1xi32>
    %add3A_443 = arith.constant 6144 : i32
    %add3A_444 = vector.broadcast %add3A_443 : i32 to vector<1024x1xi32>
    %add3A_445 = arith.addi %broadcast_in_dim3A_442, %add3A_444 : vector<1024x1xi32>
    %lt3A_446 = arith.cmpf olt, %broadcast_in_dim3A_434, %select_n3A_415 : vector<1024x1xf32>
    %select_n3A_447 = arith.select %lt3A_446, %broadcast_in_dim3A_434, %select_n3A_415 : vector<1024x1xi1>, vector<1024x1xf32>
    %select_n3A_448 = arith.select %lt3A_446, %add3A_445, %select_n3A_416 : vector<1024x1xi1>, vector<1024x1xi32>
    %get3A_449 = arith.constant 6656 : index
    %get3A_450 = arith.constant 0 : index
    %get3A_451 = vector.load %arg7[%get3A_449, %get3A_450] : memref<8192x128xf32, #tpu.memory_space<vmem>>, vector<512x128xf32>
    %dot_general3A_452 = arith.constant dense<0.000000e+00> : vector<1024x512xf32>
    %dot_general3A_453 = tpu.matmul %add3A_33, %get3A_451, %dot_general3A_452 {dimension_numbers = #tpu.dot_dimension_numbers<[1], [1], [0], [0], [0, 0, 1, 0], [], []>, transpose_lhs_hint = false} : vector<1024x128xf32>, vector<512x128xf32>, vector<1024x512xf32> -> vector<1024x512xf32>
    %mul3A_454 = arith.constant 2.000000e+00 : f32
    %mul3A_455 = vector.broadcast %mul3A_454 : f32 to vector<1024x512xf32>
    %mul3A_456 = arith.mulf %mul3A_455, %dot_general3A_453 : vector<1024x512xf32>
    %sub3A_457 = vector.broadcast %broadcast_in_dim3A : vector<1024x1xf32> to vector<1024x512xf32>
    %sub3A_458 = arith.subf %sub3A_457, %mul3A_456 : vector<1024x512xf32>
    %get3A_459 = arith.constant 0 : index
    %get3A_460 = arith.constant 6656 : index
    %get3A_461 = vector.load %arg8[%get3A_459, %get3A_460] : memref<1x8192xf32, #tpu.memory_space<vmem>>, vector<1x512xf32>
    %add3A_462 = vector.broadcast %get3A_461 : vector<1x512xf32> to vector<1024x512xf32>
    %add3A_463 = arith.addf %sub3A_458, %add3A_462 : vector<1024x512xf32>
    %reduce_min3A_464 = arith.constant dense<0x7F800000> : vector<1024xf32>
    %reduce_min3A_465 = vector.multi_reduction <minimumf>, %add3A_463, %reduce_min3A_464 [1] : vector<1024x512xf32> to vector<1024xf32>
    %broadcast_in_dim3A_466 = vector.shape_cast %reduce_min3A_465 : vector<1024xf32> to vector<1024x1xf32>
    %le3A_467 = vector.broadcast %broadcast_in_dim3A_466 : vector<1024x1xf32> to vector<1024x512xf32>
    %le3A_468 = arith.cmpf ole, %add3A_463, %le3A_467 : vector<1024x512xf32>
    %jit3A_469 = arith.constant 1073741824 : i32
    %broadcast_in_dim3A_470 = vector.broadcast %jit3A_469 : i32 to vector<1024x512xi32>
    %select_n3A_471 = arith.select %le3A_468, %iota3A, %broadcast_in_dim3A_470 : vector<1024x512xi1>, vector<1024x512xi32>
    %reduce_min3A_472 = arith.constant dense<2147483647> : vector<1024xi32>
    %reduce_min3A_473 = vector.multi_reduction <minsi>, %select_n3A_471, %reduce_min3A_472 [1] : vector<1024x512xi32> to vector<1024xi32>
    %broadcast_in_dim3A_474 = vector.shape_cast %reduce_min3A_473 : vector<1024xi32> to vector<1024x1xi32>
    %add3A_475 = arith.constant 6656 : i32
    %add3A_476 = vector.broadcast %add3A_475 : i32 to vector<1024x1xi32>
    %add3A_477 = arith.addi %broadcast_in_dim3A_474, %add3A_476 : vector<1024x1xi32>
    %lt3A_478 = arith.cmpf olt, %broadcast_in_dim3A_466, %select_n3A_447 : vector<1024x1xf32>
    %select_n3A_479 = arith.select %lt3A_478, %broadcast_in_dim3A_466, %select_n3A_447 : vector<1024x1xi1>, vector<1024x1xf32>
    %select_n3A_480 = arith.select %lt3A_478, %add3A_477, %select_n3A_448 : vector<1024x1xi1>, vector<1024x1xi32>
    %get3A_481 = arith.constant 7168 : index
    %get3A_482 = arith.constant 0 : index
    %get3A_483 = vector.load %arg7[%get3A_481, %get3A_482] : memref<8192x128xf32, #tpu.memory_space<vmem>>, vector<512x128xf32>
    %dot_general3A_484 = arith.constant dense<0.000000e+00> : vector<1024x512xf32>
    %dot_general3A_485 = tpu.matmul %add3A_33, %get3A_483, %dot_general3A_484 {dimension_numbers = #tpu.dot_dimension_numbers<[1], [1], [0], [0], [0, 0, 1, 0], [], []>, transpose_lhs_hint = false} : vector<1024x128xf32>, vector<512x128xf32>, vector<1024x512xf32> -> vector<1024x512xf32>
    %mul3A_486 = arith.constant 2.000000e+00 : f32
    %mul3A_487 = vector.broadcast %mul3A_486 : f32 to vector<1024x512xf32>
    %mul3A_488 = arith.mulf %mul3A_487, %dot_general3A_485 : vector<1024x512xf32>
    %sub3A_489 = vector.broadcast %broadcast_in_dim3A : vector<1024x1xf32> to vector<1024x512xf32>
    %sub3A_490 = arith.subf %sub3A_489, %mul3A_488 : vector<1024x512xf32>
    %get3A_491 = arith.constant 0 : index
    %get3A_492 = arith.constant 7168 : index
    %get3A_493 = vector.load %arg8[%get3A_491, %get3A_492] : memref<1x8192xf32, #tpu.memory_space<vmem>>, vector<1x512xf32>
    %add3A_494 = vector.broadcast %get3A_493 : vector<1x512xf32> to vector<1024x512xf32>
    %add3A_495 = arith.addf %sub3A_490, %add3A_494 : vector<1024x512xf32>
    %reduce_min3A_496 = arith.constant dense<0x7F800000> : vector<1024xf32>
    %reduce_min3A_497 = vector.multi_reduction <minimumf>, %add3A_495, %reduce_min3A_496 [1] : vector<1024x512xf32> to vector<1024xf32>
    %broadcast_in_dim3A_498 = vector.shape_cast %reduce_min3A_497 : vector<1024xf32> to vector<1024x1xf32>
    %le3A_499 = vector.broadcast %broadcast_in_dim3A_498 : vector<1024x1xf32> to vector<1024x512xf32>
    %le3A_500 = arith.cmpf ole, %add3A_495, %le3A_499 : vector<1024x512xf32>
    %jit3A_501 = arith.constant 1073741824 : i32
    %broadcast_in_dim3A_502 = vector.broadcast %jit3A_501 : i32 to vector<1024x512xi32>
    %select_n3A_503 = arith.select %le3A_500, %iota3A, %broadcast_in_dim3A_502 : vector<1024x512xi1>, vector<1024x512xi32>
    %reduce_min3A_504 = arith.constant dense<2147483647> : vector<1024xi32>
    %reduce_min3A_505 = vector.multi_reduction <minsi>, %select_n3A_503, %reduce_min3A_504 [1] : vector<1024x512xi32> to vector<1024xi32>
    %broadcast_in_dim3A_506 = vector.shape_cast %reduce_min3A_505 : vector<1024xi32> to vector<1024x1xi32>
    %add3A_507 = arith.constant 7168 : i32
    %add3A_508 = vector.broadcast %add3A_507 : i32 to vector<1024x1xi32>
    %add3A_509 = arith.addi %broadcast_in_dim3A_506, %add3A_508 : vector<1024x1xi32>
    %lt3A_510 = arith.cmpf olt, %broadcast_in_dim3A_498, %select_n3A_479 : vector<1024x1xf32>
    %select_n3A_511 = arith.select %lt3A_510, %broadcast_in_dim3A_498, %select_n3A_479 : vector<1024x1xi1>, vector<1024x1xf32>
    %select_n3A_512 = arith.select %lt3A_510, %add3A_509, %select_n3A_480 : vector<1024x1xi1>, vector<1024x1xi32>
    %get3A_513 = arith.constant 7680 : index
    %get3A_514 = arith.constant 0 : index
    %get3A_515 = vector.load %arg7[%get3A_513, %get3A_514] : memref<8192x128xf32, #tpu.memory_space<vmem>>, vector<512x128xf32>
    %dot_general3A_516 = arith.constant dense<0.000000e+00> : vector<1024x512xf32>
    %dot_general3A_517 = tpu.matmul %add3A_33, %get3A_515, %dot_general3A_516 {dimension_numbers = #tpu.dot_dimension_numbers<[1], [1], [0], [0], [0, 0, 1, 0], [], []>, transpose_lhs_hint = false} : vector<1024x128xf32>, vector<512x128xf32>, vector<1024x512xf32> -> vector<1024x512xf32>
    %mul3A_518 = arith.constant 2.000000e+00 : f32
    %mul3A_519 = vector.broadcast %mul3A_518 : f32 to vector<1024x512xf32>
    %mul3A_520 = arith.mulf %mul3A_519, %dot_general3A_517 : vector<1024x512xf32>
    %sub3A_521 = vector.broadcast %broadcast_in_dim3A : vector<1024x1xf32> to vector<1024x512xf32>
    %sub3A_522 = arith.subf %sub3A_521, %mul3A_520 : vector<1024x512xf32>
    %get3A_523 = arith.constant 0 : index
    %get3A_524 = arith.constant 7680 : index
    %get3A_525 = vector.load %arg8[%get3A_523, %get3A_524] : memref<1x8192xf32, #tpu.memory_space<vmem>>, vector<1x512xf32>
    %add3A_526 = vector.broadcast %get3A_525 : vector<1x512xf32> to vector<1024x512xf32>
    %add3A_527 = arith.addf %sub3A_522, %add3A_526 : vector<1024x512xf32>
    %reduce_min3A_528 = arith.constant dense<0x7F800000> : vector<1024xf32>
    %reduce_min3A_529 = vector.multi_reduction <minimumf>, %add3A_527, %reduce_min3A_528 [1] : vector<1024x512xf32> to vector<1024xf32>
    %broadcast_in_dim3A_530 = vector.shape_cast %reduce_min3A_529 : vector<1024xf32> to vector<1024x1xf32>
    %le3A_531 = vector.broadcast %broadcast_in_dim3A_530 : vector<1024x1xf32> to vector<1024x512xf32>
    %le3A_532 = arith.cmpf ole, %add3A_527, %le3A_531 : vector<1024x512xf32>
    %jit3A_533 = arith.constant 1073741824 : i32
    %broadcast_in_dim3A_534 = vector.broadcast %jit3A_533 : i32 to vector<1024x512xi32>
    %select_n3A_535 = arith.select %le3A_532, %iota3A, %broadcast_in_dim3A_534 : vector<1024x512xi1>, vector<1024x512xi32>
    %reduce_min3A_536 = arith.constant dense<2147483647> : vector<1024xi32>
    %reduce_min3A_537 = vector.multi_reduction <minsi>, %select_n3A_535, %reduce_min3A_536 [1] : vector<1024x512xi32> to vector<1024xi32>
    %broadcast_in_dim3A_538 = vector.shape_cast %reduce_min3A_537 : vector<1024xi32> to vector<1024x1xi32>
    %add3A_539 = arith.constant 7680 : i32
    %add3A_540 = vector.broadcast %add3A_539 : i32 to vector<1024x1xi32>
    %add3A_541 = arith.addi %broadcast_in_dim3A_538, %add3A_540 : vector<1024x1xi32>
    %lt3A_542 = arith.cmpf olt, %broadcast_in_dim3A_530, %select_n3A_511 : vector<1024x1xf32>
    %select_n3A_543 = arith.select %lt3A_542, %add3A_541, %select_n3A_512 : vector<1024x1xi1>, vector<1024x1xi32>
    %swap3A = arith.constant 0 : index
    %swap3A_544 = arith.constant 0 : index
    %swap3A_545 = vector.load %arg12[%swap3A, %swap3A_544] : memref<1024x1xi32, #tpu.memory_space<vmem>>, vector<1024x1xi32>
    tpu.vector_store %arg12[%swap3A, %swap3A_544], %select_n3A_543 {strides = array<i32>} : memref<1024x1xi32, #tpu.memory_space<vmem>>, vector<1024x1xi32>,
    %broadcast_in_dim3A_546 = arith.constant 0.000000e+00 : f32
    %broadcast_in_dim3A_547 = vector.broadcast %broadcast_in_dim3A_546 : f32 to vector<1024x128xf32>
    %sub3A_548 = arith.constant 0 : i32
    %sub3A_549 = vector.broadcast %sub3A_548 : i32 to vector<1024x1xi32>
    %sub3A_550 = arith.subi %select_n3A_543, %sub3A_549 : vector<1024x1xi32>
    %eq3A = vector.broadcast %sub3A_550 : vector<1024x1xi32> to vector<1024x512xi32>
    %eq3A_551 = arith.cmpi eq, %eq3A, %iota3A : vector<1024x512xi32>
    %convert_element_type3A = arith.extui %eq3A_551 : vector<1024x512xi1> to vector<1024x512xi32>
    %convert_element_type3A_552 = arith.sitofp %convert_element_type3A : vector<1024x512xi32> to vector<1024x512xf32>
    %convert_element_type3A_553 = arith.truncf %convert_element_type3A_552 : vector<1024x512xf32> to vector<1024x512xbf16>
    %get3A_554 = arith.constant 0 : index
    %get3A_555 = arith.constant 0 : index
    %get3A_556 = vector.load %arg9[%get3A_554, %get3A_555] : memref<8192x128xbf16, #tpu.memory_space<vmem>>, vector<512x128xbf16>
    %dot_general3A_557 = arith.constant dense<0.000000e+00> : vector<1024x128xf32>
    %dot_general3A_558 = tpu.matmul %convert_element_type3A_553, %get3A_556, %dot_general3A_557 {dimension_numbers = #tpu.dot_dimension_numbers<[1], [0], [0], [1], [0, 0, 1, 1], [], []>, transpose_lhs_hint = false} : vector<1024x512xbf16>, vector<512x128xbf16>, vector<1024x128xf32> -> vector<1024x128xf32>
    %get3A_559 = arith.constant 0 : index
    %get3A_560 = arith.constant 0 : index
    %get3A_561 = vector.load %arg10[%get3A_559, %get3A_560] : memref<8192x128xbf16, #tpu.memory_space<vmem>>, vector<512x128xbf16>
    %dot_general3A_562 = arith.constant dense<0.000000e+00> : vector<1024x128xf32>
    %dot_general3A_563 = tpu.matmul %convert_element_type3A_553, %get3A_561, %dot_general3A_562 {dimension_numbers = #tpu.dot_dimension_numbers<[1], [0], [0], [1], [0, 0, 1, 1], [], []>, transpose_lhs_hint = false} : vector<1024x512xbf16>, vector<512x128xbf16>, vector<1024x128xf32> -> vector<1024x128xf32>
    %get3A_564 = arith.constant 0 : index
    %get3A_565 = arith.constant 0 : index
    %get3A_566 = vector.load %arg11[%get3A_564, %get3A_565] : memref<8192x128xbf16, #tpu.memory_space<vmem>>, vector<512x128xbf16>
    %dot_general3A_567 = arith.constant dense<0.000000e+00> : vector<1024x128xf32>
    %dot_general3A_568 = tpu.matmul %convert_element_type3A_553, %get3A_566, %dot_general3A_567 {dimension_numbers = #tpu.dot_dimension_numbers<[1], [0], [0], [1], [0, 0, 1, 1], [], []>, transpose_lhs_hint = false} : vector<1024x512xbf16>, vector<512x128xbf16>, vector<1024x128xf32> -> vector<1024x128xf32>
    %add3A_569 = arith.addf %dot_general3A_558, %dot_general3A_563 : vector<1024x128xf32>
    %add3A_570 = arith.addf %add3A_569, %dot_general3A_568 : vector<1024x128xf32>
    %add3A_571 = arith.addf %broadcast_in_dim3A_547, %add3A_570 : vector<1024x128xf32>
    %sub3A_572 = arith.constant 512 : i32
    %sub3A_573 = vector.broadcast %sub3A_572 : i32 to vector<1024x1xi32>
    %sub3A_574 = arith.subi %select_n3A_543, %sub3A_573 : vector<1024x1xi32>
    %eq3A_575 = vector.broadcast %sub3A_574 : vector<1024x1xi32> to vector<1024x512xi32>
    %eq3A_576 = arith.cmpi eq, %eq3A_575, %iota3A : vector<1024x512xi32>
    %convert_element_type3A_577 = arith.extui %eq3A_576 : vector<1024x512xi1> to vector<1024x512xi32>
    %convert_element_type3A_578 = arith.sitofp %convert_element_type3A_577 : vector<1024x512xi32> to vector<1024x512xf32>
    %convert_element_type3A_579 = arith.truncf %convert_element_type3A_578 : vector<1024x512xf32> to vector<1024x512xbf16>
    %get3A_580 = arith.constant 512 : index
    %get3A_581 = arith.constant 0 : index
    %get3A_582 = vector.load %arg9[%get3A_580, %get3A_581] : memref<8192x128xbf16, #tpu.memory_space<vmem>>, vector<512x128xbf16>
    %dot_general3A_583 = arith.constant dense<0.000000e+00> : vector<1024x128xf32>
    %dot_general3A_584 = tpu.matmul %convert_element_type3A_579, %get3A_582, %dot_general3A_583 {dimension_numbers = #tpu.dot_dimension_numbers<[1], [0], [0], [1], [0, 0, 1, 1], [], []>, transpose_lhs_hint = false} : vector<1024x512xbf16>, vector<512x128xbf16>, vector<1024x128xf32> -> vector<1024x128xf32>
    %get3A_585 = arith.constant 512 : index
    %get3A_586 = arith.constant 0 : index
    %get3A_587 = vector.load %arg10[%get3A_585, %get3A_586] : memref<8192x128xbf16, #tpu.memory_space<vmem>>, vector<512x128xbf16>
    %dot_general3A_588 = arith.constant dense<0.000000e+00> : vector<1024x128xf32>
    %dot_general3A_589 = tpu.matmul %convert_element_type3A_579, %get3A_587, %dot_general3A_588 {dimension_numbers = #tpu.dot_dimension_numbers<[1], [0], [0], [1], [0, 0, 1, 1], [], []>, transpose_lhs_hint = false} : vector<1024x512xbf16>, vector<512x128xbf16>, vector<1024x128xf32> -> vector<1024x128xf32>
    %get3A_590 = arith.constant 512 : index
    %get3A_591 = arith.constant 0 : index
    %get3A_592 = vector.load %arg11[%get3A_590, %get3A_591] : memref<8192x128xbf16, #tpu.memory_space<vmem>>, vector<512x128xbf16>
    %dot_general3A_593 = arith.constant dense<0.000000e+00> : vector<1024x128xf32>
    %dot_general3A_594 = tpu.matmul %convert_element_type3A_579, %get3A_592, %dot_general3A_593 {dimension_numbers = #tpu.dot_dimension_numbers<[1], [0], [0], [1], [0, 0, 1, 1], [], []>, transpose_lhs_hint = false} : vector<1024x512xbf16>, vector<512x128xbf16>, vector<1024x128xf32> -> vector<1024x128xf32>
    %add3A_595 = arith.addf %dot_general3A_584, %dot_general3A_589 : vector<1024x128xf32>
    %add3A_596 = arith.addf %add3A_595, %dot_general3A_594 : vector<1024x128xf32>
    %add3A_597 = arith.addf %add3A_571, %add3A_596 : vector<1024x128xf32>
    %sub3A_598 = arith.constant 1024 : i32
    %sub3A_599 = vector.broadcast %sub3A_598 : i32 to vector<1024x1xi32>
    %sub3A_600 = arith.subi %select_n3A_543, %sub3A_599 : vector<1024x1xi32>
    %eq3A_601 = vector.broadcast %sub3A_600 : vector<1024x1xi32> to vector<1024x512xi32>
    %eq3A_602 = arith.cmpi eq, %eq3A_601, %iota3A : vector<1024x512xi32>
    %convert_element_type3A_603 = arith.extui %eq3A_602 : vector<1024x512xi1> to vector<1024x512xi32>
    %convert_element_type3A_604 = arith.sitofp %convert_element_type3A_603 : vector<1024x512xi32> to vector<1024x512xf32>
    %convert_element_type3A_605 = arith.truncf %convert_element_type3A_604 : vector<1024x512xf32> to vector<1024x512xbf16>
    %get3A_606 = arith.constant 1024 : index
    %get3A_607 = arith.constant 0 : index
    %get3A_608 = vector.load %arg9[%get3A_606, %get3A_607] : memref<8192x128xbf16, #tpu.memory_space<vmem>>, vector<512x128xbf16>
    %dot_general3A_609 = arith.constant dense<0.000000e+00> : vector<1024x128xf32>
    %dot_general3A_610 = tpu.matmul %convert_element_type3A_605, %get3A_608, %dot_general3A_609 {dimension_numbers = #tpu.dot_dimension_numbers<[1], [0], [0], [1], [0, 0, 1, 1], [], []>, transpose_lhs_hint = false} : vector<1024x512xbf16>, vector<512x128xbf16>, vector<1024x128xf32> -> vector<1024x128xf32>
    %get3A_611 = arith.constant 1024 : index
    %get3A_612 = arith.constant 0 : index
    %get3A_613 = vector.load %arg10[%get3A_611, %get3A_612] : memref<8192x128xbf16, #tpu.memory_space<vmem>>, vector<512x128xbf16>
    %dot_general3A_614 = arith.constant dense<0.000000e+00> : vector<1024x128xf32>
    %dot_general3A_615 = tpu.matmul %convert_element_type3A_605, %get3A_613, %dot_general3A_614 {dimension_numbers = #tpu.dot_dimension_numbers<[1], [0], [0], [1], [0, 0, 1, 1], [], []>, transpose_lhs_hint = false} : vector<1024x512xbf16>, vector<512x128xbf16>, vector<1024x128xf32> -> vector<1024x128xf32>
    %get3A_616 = arith.constant 1024 : index
    %get3A_617 = arith.constant 0 : index
    %get3A_618 = vector.load %arg11[%get3A_616, %get3A_617] : memref<8192x128xbf16, #tpu.memory_space<vmem>>, vector<512x128xbf16>
    %dot_general3A_619 = arith.constant dense<0.000000e+00> : vector<1024x128xf32>
    %dot_general3A_620 = tpu.matmul %convert_element_type3A_605, %get3A_618, %dot_general3A_619 {dimension_numbers = #tpu.dot_dimension_numbers<[1], [0], [0], [1], [0, 0, 1, 1], [], []>, transpose_lhs_hint = false} : vector<1024x512xbf16>, vector<512x128xbf16>, vector<1024x128xf32> -> vector<1024x128xf32>
    %add3A_621 = arith.addf %dot_general3A_610, %dot_general3A_615 : vector<1024x128xf32>
    %add3A_622 = arith.addf %add3A_621, %dot_general3A_620 : vector<1024x128xf32>
    %add3A_623 = arith.addf %add3A_597, %add3A_622 : vector<1024x128xf32>
    %sub3A_624 = arith.constant 1536 : i32
    %sub3A_625 = vector.broadcast %sub3A_624 : i32 to vector<1024x1xi32>
    %sub3A_626 = arith.subi %select_n3A_543, %sub3A_625 : vector<1024x1xi32>
    %eq3A_627 = vector.broadcast %sub3A_626 : vector<1024x1xi32> to vector<1024x512xi32>
    %eq3A_628 = arith.cmpi eq, %eq3A_627, %iota3A : vector<1024x512xi32>
    %convert_element_type3A_629 = arith.extui %eq3A_628 : vector<1024x512xi1> to vector<1024x512xi32>
    %convert_element_type3A_630 = arith.sitofp %convert_element_type3A_629 : vector<1024x512xi32> to vector<1024x512xf32>
    %convert_element_type3A_631 = arith.truncf %convert_element_type3A_630 : vector<1024x512xf32> to vector<1024x512xbf16>
    %get3A_632 = arith.constant 1536 : index
    %get3A_633 = arith.constant 0 : index
    %get3A_634 = vector.load %arg9[%get3A_632, %get3A_633] : memref<8192x128xbf16, #tpu.memory_space<vmem>>, vector<512x128xbf16>
    %dot_general3A_635 = arith.constant dense<0.000000e+00> : vector<1024x128xf32>
    %dot_general3A_636 = tpu.matmul %convert_element_type3A_631, %get3A_634, %dot_general3A_635 {dimension_numbers = #tpu.dot_dimension_numbers<[1], [0], [0], [1], [0, 0, 1, 1], [], []>, transpose_lhs_hint = false} : vector<1024x512xbf16>, vector<512x128xbf16>, vector<1024x128xf32> -> vector<1024x128xf32>
    %get3A_637 = arith.constant 1536 : index
    %get3A_638 = arith.constant 0 : index
    %get3A_639 = vector.load %arg10[%get3A_637, %get3A_638] : memref<8192x128xbf16, #tpu.memory_space<vmem>>, vector<512x128xbf16>
    %dot_general3A_640 = arith.constant dense<0.000000e+00> : vector<1024x128xf32>
    %dot_general3A_641 = tpu.matmul %convert_element_type3A_631, %get3A_639, %dot_general3A_640 {dimension_numbers = #tpu.dot_dimension_numbers<[1], [0], [0], [1], [0, 0, 1, 1], [], []>, transpose_lhs_hint = false} : vector<1024x512xbf16>, vector<512x128xbf16>, vector<1024x128xf32> -> vector<1024x128xf32>
    %get3A_642 = arith.constant 1536 : index
    %get3A_643 = arith.constant 0 : index
    %get3A_644 = vector.load %arg11[%get3A_642, %get3A_643] : memref<8192x128xbf16, #tpu.memory_space<vmem>>, vector<512x128xbf16>
    %dot_general3A_645 = arith.constant dense<0.000000e+00> : vector<1024x128xf32>
    %dot_general3A_646 = tpu.matmul %convert_element_type3A_631, %get3A_644, %dot_general3A_645 {dimension_numbers = #tpu.dot_dimension_numbers<[1], [0], [0], [1], [0, 0, 1, 1], [], []>, transpose_lhs_hint = false} : vector<1024x512xbf16>, vector<512x128xbf16>, vector<1024x128xf32> -> vector<1024x128xf32>
    %add3A_647 = arith.addf %dot_general3A_636, %dot_general3A_641 : vector<1024x128xf32>
    %add3A_648 = arith.addf %add3A_647, %dot_general3A_646 : vector<1024x128xf32>
    %add3A_649 = arith.addf %add3A_623, %add3A_648 : vector<1024x128xf32>
    %sub3A_650 = arith.constant 2048 : i32
    %sub3A_651 = vector.broadcast %sub3A_650 : i32 to vector<1024x1xi32>
    %sub3A_652 = arith.subi %select_n3A_543, %sub3A_651 : vector<1024x1xi32>
    %eq3A_653 = vector.broadcast %sub3A_652 : vector<1024x1xi32> to vector<1024x512xi32>
    %eq3A_654 = arith.cmpi eq, %eq3A_653, %iota3A : vector<1024x512xi32>
    %convert_element_type3A_655 = arith.extui %eq3A_654 : vector<1024x512xi1> to vector<1024x512xi32>
    %convert_element_type3A_656 = arith.sitofp %convert_element_type3A_655 : vector<1024x512xi32> to vector<1024x512xf32>
    %convert_element_type3A_657 = arith.truncf %convert_element_type3A_656 : vector<1024x512xf32> to vector<1024x512xbf16>
    %get3A_658 = arith.constant 2048 : index
    %get3A_659 = arith.constant 0 : index
    %get3A_660 = vector.load %arg9[%get3A_658, %get3A_659] : memref<8192x128xbf16, #tpu.memory_space<vmem>>, vector<512x128xbf16>
    %dot_general3A_661 = arith.constant dense<0.000000e+00> : vector<1024x128xf32>
    %dot_general3A_662 = tpu.matmul %convert_element_type3A_657, %get3A_660, %dot_general3A_661 {dimension_numbers = #tpu.dot_dimension_numbers<[1], [0], [0], [1], [0, 0, 1, 1], [], []>, transpose_lhs_hint = false} : vector<1024x512xbf16>, vector<512x128xbf16>, vector<1024x128xf32> -> vector<1024x128xf32>
    %get3A_663 = arith.constant 2048 : index
    %get3A_664 = arith.constant 0 : index
    %get3A_665 = vector.load %arg10[%get3A_663, %get3A_664] : memref<8192x128xbf16, #tpu.memory_space<vmem>>, vector<512x128xbf16>
    %dot_general3A_666 = arith.constant dense<0.000000e+00> : vector<1024x128xf32>
    %dot_general3A_667 = tpu.matmul %convert_element_type3A_657, %get3A_665, %dot_general3A_666 {dimension_numbers = #tpu.dot_dimension_numbers<[1], [0], [0], [1], [0, 0, 1, 1], [], []>, transpose_lhs_hint = false} : vector<1024x512xbf16>, vector<512x128xbf16>, vector<1024x128xf32> -> vector<1024x128xf32>
    %get3A_668 = arith.constant 2048 : index
    %get3A_669 = arith.constant 0 : index
    %get3A_670 = vector.load %arg11[%get3A_668, %get3A_669] : memref<8192x128xbf16, #tpu.memory_space<vmem>>, vector<512x128xbf16>
    %dot_general3A_671 = arith.constant dense<0.000000e+00> : vector<1024x128xf32>
    %dot_general3A_672 = tpu.matmul %convert_element_type3A_657, %get3A_670, %dot_general3A_671 {dimension_numbers = #tpu.dot_dimension_numbers<[1], [0], [0], [1], [0, 0, 1, 1], [], []>, transpose_lhs_hint = false} : vector<1024x512xbf16>, vector<512x128xbf16>, vector<1024x128xf32> -> vector<1024x128xf32>
    %add3A_673 = arith.addf %dot_general3A_662, %dot_general3A_667 : vector<1024x128xf32>
    %add3A_674 = arith.addf %add3A_673, %dot_general3A_672 : vector<1024x128xf32>
    %add3A_675 = arith.addf %add3A_649, %add3A_674 : vector<1024x128xf32>
    %sub3A_676 = arith.constant 2560 : i32
    %sub3A_677 = vector.broadcast %sub3A_676 : i32 to vector<1024x1xi32>
    %sub3A_678 = arith.subi %select_n3A_543, %sub3A_677 : vector<1024x1xi32>
    %eq3A_679 = vector.broadcast %sub3A_678 : vector<1024x1xi32> to vector<1024x512xi32>
    %eq3A_680 = arith.cmpi eq, %eq3A_679, %iota3A : vector<1024x512xi32>
    %convert_element_type3A_681 = arith.extui %eq3A_680 : vector<1024x512xi1> to vector<1024x512xi32>
    %convert_element_type3A_682 = arith.sitofp %convert_element_type3A_681 : vector<1024x512xi32> to vector<1024x512xf32>
    %convert_element_type3A_683 = arith.truncf %convert_element_type3A_682 : vector<1024x512xf32> to vector<1024x512xbf16>
    %get3A_684 = arith.constant 2560 : index
    %get3A_685 = arith.constant 0 : index
    %get3A_686 = vector.load %arg9[%get3A_684, %get3A_685] : memref<8192x128xbf16, #tpu.memory_space<vmem>>, vector<512x128xbf16>
    %dot_general3A_687 = arith.constant dense<0.000000e+00> : vector<1024x128xf32>
    %dot_general3A_688 = tpu.matmul %convert_element_type3A_683, %get3A_686, %dot_general3A_687 {dimension_numbers = #tpu.dot_dimension_numbers<[1], [0], [0], [1], [0, 0, 1, 1], [], []>, transpose_lhs_hint = false} : vector<1024x512xbf16>, vector<512x128xbf16>, vector<1024x128xf32> -> vector<1024x128xf32>
    %get3A_689 = arith.constant 2560 : index
    %get3A_690 = arith.constant 0 : index
    %get3A_691 = vector.load %arg10[%get3A_689, %get3A_690] : memref<8192x128xbf16, #tpu.memory_space<vmem>>, vector<512x128xbf16>
    %dot_general3A_692 = arith.constant dense<0.000000e+00> : vector<1024x128xf32>
    %dot_general3A_693 = tpu.matmul %convert_element_type3A_683, %get3A_691, %dot_general3A_692 {dimension_numbers = #tpu.dot_dimension_numbers<[1], [0], [0], [1], [0, 0, 1, 1], [], []>, transpose_lhs_hint = false} : vector<1024x512xbf16>, vector<512x128xbf16>, vector<1024x128xf32> -> vector<1024x128xf32>
    %get3A_694 = arith.constant 2560 : index
    %get3A_695 = arith.constant 0 : index
    %get3A_696 = vector.load %arg11[%get3A_694, %get3A_695] : memref<8192x128xbf16, #tpu.memory_space<vmem>>, vector<512x128xbf16>
    %dot_general3A_697 = arith.constant dense<0.000000e+00> : vector<1024x128xf32>
    %dot_general3A_698 = tpu.matmul %convert_element_type3A_683, %get3A_696, %dot_general3A_697 {dimension_numbers = #tpu.dot_dimension_numbers<[1], [0], [0], [1], [0, 0, 1, 1], [], []>, transpose_lhs_hint = false} : vector<1024x512xbf16>, vector<512x128xbf16>, vector<1024x128xf32> -> vector<1024x128xf32>
    %add3A_699 = arith.addf %dot_general3A_688, %dot_general3A_693 : vector<1024x128xf32>
    %add3A_700 = arith.addf %add3A_699, %dot_general3A_698 : vector<1024x128xf32>
    %add3A_701 = arith.addf %add3A_675, %add3A_700 : vector<1024x128xf32>
    %sub3A_702 = arith.constant 3072 : i32
    %sub3A_703 = vector.broadcast %sub3A_702 : i32 to vector<1024x1xi32>
    %sub3A_704 = arith.subi %select_n3A_543, %sub3A_703 : vector<1024x1xi32>
    %eq3A_705 = vector.broadcast %sub3A_704 : vector<1024x1xi32> to vector<1024x512xi32>
    %eq3A_706 = arith.cmpi eq, %eq3A_705, %iota3A : vector<1024x512xi32>
    %convert_element_type3A_707 = arith.extui %eq3A_706 : vector<1024x512xi1> to vector<1024x512xi32>
    %convert_element_type3A_708 = arith.sitofp %convert_element_type3A_707 : vector<1024x512xi32> to vector<1024x512xf32>
    %convert_element_type3A_709 = arith.truncf %convert_element_type3A_708 : vector<1024x512xf32> to vector<1024x512xbf16>
    %get3A_710 = arith.constant 3072 : index
    %get3A_711 = arith.constant 0 : index
    %get3A_712 = vector.load %arg9[%get3A_710, %get3A_711] : memref<8192x128xbf16, #tpu.memory_space<vmem>>, vector<512x128xbf16>
    %dot_general3A_713 = arith.constant dense<0.000000e+00> : vector<1024x128xf32>
    %dot_general3A_714 = tpu.matmul %convert_element_type3A_709, %get3A_712, %dot_general3A_713 {dimension_numbers = #tpu.dot_dimension_numbers<[1], [0], [0], [1], [0, 0, 1, 1], [], []>, transpose_lhs_hint = false} : vector<1024x512xbf16>, vector<512x128xbf16>, vector<1024x128xf32> -> vector<1024x128xf32>
    %get3A_715 = arith.constant 3072 : index
    %get3A_716 = arith.constant 0 : index
    %get3A_717 = vector.load %arg10[%get3A_715, %get3A_716] : memref<8192x128xbf16, #tpu.memory_space<vmem>>, vector<512x128xbf16>
    %dot_general3A_718 = arith.constant dense<0.000000e+00> : vector<1024x128xf32>
    %dot_general3A_719 = tpu.matmul %convert_element_type3A_709, %get3A_717, %dot_general3A_718 {dimension_numbers = #tpu.dot_dimension_numbers<[1], [0], [0], [1], [0, 0, 1, 1], [], []>, transpose_lhs_hint = false} : vector<1024x512xbf16>, vector<512x128xbf16>, vector<1024x128xf32> -> vector<1024x128xf32>
    %get3A_720 = arith.constant 3072 : index
    %get3A_721 = arith.constant 0 : index
    %get3A_722 = vector.load %arg11[%get3A_720, %get3A_721] : memref<8192x128xbf16, #tpu.memory_space<vmem>>, vector<512x128xbf16>
    %dot_general3A_723 = arith.constant dense<0.000000e+00> : vector<1024x128xf32>
    %dot_general3A_724 = tpu.matmul %convert_element_type3A_709, %get3A_722, %dot_general3A_723 {dimension_numbers = #tpu.dot_dimension_numbers<[1], [0], [0], [1], [0, 0, 1, 1], [], []>, transpose_lhs_hint = false} : vector<1024x512xbf16>, vector<512x128xbf16>, vector<1024x128xf32> -> vector<1024x128xf32>
    %add3A_725 = arith.addf %dot_general3A_714, %dot_general3A_719 : vector<1024x128xf32>
    %add3A_726 = arith.addf %add3A_725, %dot_general3A_724 : vector<1024x128xf32>
    %add3A_727 = arith.addf %add3A_701, %add3A_726 : vector<1024x128xf32>
    %sub3A_728 = arith.constant 3584 : i32
    %sub3A_729 = vector.broadcast %sub3A_728 : i32 to vector<1024x1xi32>
    %sub3A_730 = arith.subi %select_n3A_543, %sub3A_729 : vector<1024x1xi32>
    %eq3A_731 = vector.broadcast %sub3A_730 : vector<1024x1xi32> to vector<1024x512xi32>
    %eq3A_732 = arith.cmpi eq, %eq3A_731, %iota3A : vector<1024x512xi32>
    %convert_element_type3A_733 = arith.extui %eq3A_732 : vector<1024x512xi1> to vector<1024x512xi32>
    %convert_element_type3A_734 = arith.sitofp %convert_element_type3A_733 : vector<1024x512xi32> to vector<1024x512xf32>
    %convert_element_type3A_735 = arith.truncf %convert_element_type3A_734 : vector<1024x512xf32> to vector<1024x512xbf16>
    %get3A_736 = arith.constant 3584 : index
    %get3A_737 = arith.constant 0 : index
    %get3A_738 = vector.load %arg9[%get3A_736, %get3A_737] : memref<8192x128xbf16, #tpu.memory_space<vmem>>, vector<512x128xbf16>
    %dot_general3A_739 = arith.constant dense<0.000000e+00> : vector<1024x128xf32>
    %dot_general3A_740 = tpu.matmul %convert_element_type3A_735, %get3A_738, %dot_general3A_739 {dimension_numbers = #tpu.dot_dimension_numbers<[1], [0], [0], [1], [0, 0, 1, 1], [], []>, transpose_lhs_hint = false} : vector<1024x512xbf16>, vector<512x128xbf16>, vector<1024x128xf32> -> vector<1024x128xf32>
    %get3A_741 = arith.constant 3584 : index
    %get3A_742 = arith.constant 0 : index
    %get3A_743 = vector.load %arg10[%get3A_741, %get3A_742] : memref<8192x128xbf16, #tpu.memory_space<vmem>>, vector<512x128xbf16>
    %dot_general3A_744 = arith.constant dense<0.000000e+00> : vector<1024x128xf32>
    %dot_general3A_745 = tpu.matmul %convert_element_type3A_735, %get3A_743, %dot_general3A_744 {dimension_numbers = #tpu.dot_dimension_numbers<[1], [0], [0], [1], [0, 0, 1, 1], [], []>, transpose_lhs_hint = false} : vector<1024x512xbf16>, vector<512x128xbf16>, vector<1024x128xf32> -> vector<1024x128xf32>
    %get3A_746 = arith.constant 3584 : index
    %get3A_747 = arith.constant 0 : index
    %get3A_748 = vector.load %arg11[%get3A_746, %get3A_747] : memref<8192x128xbf16, #tpu.memory_space<vmem>>, vector<512x128xbf16>
    %dot_general3A_749 = arith.constant dense<0.000000e+00> : vector<1024x128xf32>
    %dot_general3A_750 = tpu.matmul %convert_element_type3A_735, %get3A_748, %dot_general3A_749 {dimension_numbers = #tpu.dot_dimension_numbers<[1], [0], [0], [1], [0, 0, 1, 1], [], []>, transpose_lhs_hint = false} : vector<1024x512xbf16>, vector<512x128xbf16>, vector<1024x128xf32> -> vector<1024x128xf32>
    %add3A_751 = arith.addf %dot_general3A_740, %dot_general3A_745 : vector<1024x128xf32>
    %add3A_752 = arith.addf %add3A_751, %dot_general3A_750 : vector<1024x128xf32>
    %add3A_753 = arith.addf %add3A_727, %add3A_752 : vector<1024x128xf32>
    %sub3A_754 = arith.constant 4096 : i32
    %sub3A_755 = vector.broadcast %sub3A_754 : i32 to vector<1024x1xi32>
    %sub3A_756 = arith.subi %select_n3A_543, %sub3A_755 : vector<1024x1xi32>
    %eq3A_757 = vector.broadcast %sub3A_756 : vector<1024x1xi32> to vector<1024x512xi32>
    %eq3A_758 = arith.cmpi eq, %eq3A_757, %iota3A : vector<1024x512xi32>
    %convert_element_type3A_759 = arith.extui %eq3A_758 : vector<1024x512xi1> to vector<1024x512xi32>
    %convert_element_type3A_760 = arith.sitofp %convert_element_type3A_759 : vector<1024x512xi32> to vector<1024x512xf32>
    %convert_element_type3A_761 = arith.truncf %convert_element_type3A_760 : vector<1024x512xf32> to vector<1024x512xbf16>
    %get3A_762 = arith.constant 4096 : index
    %get3A_763 = arith.constant 0 : index
    %get3A_764 = vector.load %arg9[%get3A_762, %get3A_763] : memref<8192x128xbf16, #tpu.memory_space<vmem>>, vector<512x128xbf16>
    %dot_general3A_765 = arith.constant dense<0.000000e+00> : vector<1024x128xf32>
    %dot_general3A_766 = tpu.matmul %convert_element_type3A_761, %get3A_764, %dot_general3A_765 {dimension_numbers = #tpu.dot_dimension_numbers<[1], [0], [0], [1], [0, 0, 1, 1], [], []>, transpose_lhs_hint = false} : vector<1024x512xbf16>, vector<512x128xbf16>, vector<1024x128xf32> -> vector<1024x128xf32>
    %get3A_767 = arith.constant 4096 : index
    %get3A_768 = arith.constant 0 : index
    %get3A_769 = vector.load %arg10[%get3A_767, %get3A_768] : memref<8192x128xbf16, #tpu.memory_space<vmem>>, vector<512x128xbf16>
    %dot_general3A_770 = arith.constant dense<0.000000e+00> : vector<1024x128xf32>
    %dot_general3A_771 = tpu.matmul %convert_element_type3A_761, %get3A_769, %dot_general3A_770 {dimension_numbers = #tpu.dot_dimension_numbers<[1], [0], [0], [1], [0, 0, 1, 1], [], []>, transpose_lhs_hint = false} : vector<1024x512xbf16>, vector<512x128xbf16>, vector<1024x128xf32> -> vector<1024x128xf32>
    %get3A_772 = arith.constant 4096 : index
    %get3A_773 = arith.constant 0 : index
    %get3A_774 = vector.load %arg11[%get3A_772, %get3A_773] : memref<8192x128xbf16, #tpu.memory_space<vmem>>, vector<512x128xbf16>
    %dot_general3A_775 = arith.constant dense<0.000000e+00> : vector<1024x128xf32>
    %dot_general3A_776 = tpu.matmul %convert_element_type3A_761, %get3A_774, %dot_general3A_775 {dimension_numbers = #tpu.dot_dimension_numbers<[1], [0], [0], [1], [0, 0, 1, 1], [], []>, transpose_lhs_hint = false} : vector<1024x512xbf16>, vector<512x128xbf16>, vector<1024x128xf32> -> vector<1024x128xf32>
    %add3A_777 = arith.addf %dot_general3A_766, %dot_general3A_771 : vector<1024x128xf32>
    %add3A_778 = arith.addf %add3A_777, %dot_general3A_776 : vector<1024x128xf32>
    %add3A_779 = arith.addf %add3A_753, %add3A_778 : vector<1024x128xf32>
    %sub3A_780 = arith.constant 4608 : i32
    %sub3A_781 = vector.broadcast %sub3A_780 : i32 to vector<1024x1xi32>
    %sub3A_782 = arith.subi %select_n3A_543, %sub3A_781 : vector<1024x1xi32>
    %eq3A_783 = vector.broadcast %sub3A_782 : vector<1024x1xi32> to vector<1024x512xi32>
    %eq3A_784 = arith.cmpi eq, %eq3A_783, %iota3A : vector<1024x512xi32>
    %convert_element_type3A_785 = arith.extui %eq3A_784 : vector<1024x512xi1> to vector<1024x512xi32>
    %convert_element_type3A_786 = arith.sitofp %convert_element_type3A_785 : vector<1024x512xi32> to vector<1024x512xf32>
    %convert_element_type3A_787 = arith.truncf %convert_element_type3A_786 : vector<1024x512xf32> to vector<1024x512xbf16>
    %get3A_788 = arith.constant 4608 : index
    %get3A_789 = arith.constant 0 : index
    %get3A_790 = vector.load %arg9[%get3A_788, %get3A_789] : memref<8192x128xbf16, #tpu.memory_space<vmem>>, vector<512x128xbf16>
    %dot_general3A_791 = arith.constant dense<0.000000e+00> : vector<1024x128xf32>
    %dot_general3A_792 = tpu.matmul %convert_element_type3A_787, %get3A_790, %dot_general3A_791 {dimension_numbers = #tpu.dot_dimension_numbers<[1], [0], [0], [1], [0, 0, 1, 1], [], []>, transpose_lhs_hint = false} : vector<1024x512xbf16>, vector<512x128xbf16>, vector<1024x128xf32> -> vector<1024x128xf32>
    %get3A_793 = arith.constant 4608 : index
    %get3A_794 = arith.constant 0 : index
    %get3A_795 = vector.load %arg10[%get3A_793, %get3A_794] : memref<8192x128xbf16, #tpu.memory_space<vmem>>, vector<512x128xbf16>
    %dot_general3A_796 = arith.constant dense<0.000000e+00> : vector<1024x128xf32>
    %dot_general3A_797 = tpu.matmul %convert_element_type3A_787, %get3A_795, %dot_general3A_796 {dimension_numbers = #tpu.dot_dimension_numbers<[1], [0], [0], [1], [0, 0, 1, 1], [], []>, transpose_lhs_hint = false} : vector<1024x512xbf16>, vector<512x128xbf16>, vector<1024x128xf32> -> vector<1024x128xf32>
    %get3A_798 = arith.constant 4608 : index
    %get3A_799 = arith.constant 0 : index
    %get3A_800 = vector.load %arg11[%get3A_798, %get3A_799] : memref<8192x128xbf16, #tpu.memory_space<vmem>>, vector<512x128xbf16>
    %dot_general3A_801 = arith.constant dense<0.000000e+00> : vector<1024x128xf32>
    %dot_general3A_802 = tpu.matmul %convert_element_type3A_787, %get3A_800, %dot_general3A_801 {dimension_numbers = #tpu.dot_dimension_numbers<[1], [0], [0], [1], [0, 0, 1, 1], [], []>, transpose_lhs_hint = false} : vector<1024x512xbf16>, vector<512x128xbf16>, vector<1024x128xf32> -> vector<1024x128xf32>
    %add3A_803 = arith.addf %dot_general3A_792, %dot_general3A_797 : vector<1024x128xf32>
    %add3A_804 = arith.addf %add3A_803, %dot_general3A_802 : vector<1024x128xf32>
    %add3A_805 = arith.addf %add3A_779, %add3A_804 : vector<1024x128xf32>
    %sub3A_806 = arith.constant 5120 : i32
    %sub3A_807 = vector.broadcast %sub3A_806 : i32 to vector<1024x1xi32>
    %sub3A_808 = arith.subi %select_n3A_543, %sub3A_807 : vector<1024x1xi32>
    %eq3A_809 = vector.broadcast %sub3A_808 : vector<1024x1xi32> to vector<1024x512xi32>
    %eq3A_810 = arith.cmpi eq, %eq3A_809, %iota3A : vector<1024x512xi32>
    %convert_element_type3A_811 = arith.extui %eq3A_810 : vector<1024x512xi1> to vector<1024x512xi32>
    %convert_element_type3A_812 = arith.sitofp %convert_element_type3A_811 : vector<1024x512xi32> to vector<1024x512xf32>
    %convert_element_type3A_813 = arith.truncf %convert_element_type3A_812 : vector<1024x512xf32> to vector<1024x512xbf16>
    %get3A_814 = arith.constant 5120 : index
    %get3A_815 = arith.constant 0 : index
    %get3A_816 = vector.load %arg9[%get3A_814, %get3A_815] : memref<8192x128xbf16, #tpu.memory_space<vmem>>, vector<512x128xbf16>
    %dot_general3A_817 = arith.constant dense<0.000000e+00> : vector<1024x128xf32>
    %dot_general3A_818 = tpu.matmul %convert_element_type3A_813, %get3A_816, %dot_general3A_817 {dimension_numbers = #tpu.dot_dimension_numbers<[1], [0], [0], [1], [0, 0, 1, 1], [], []>, transpose_lhs_hint = false} : vector<1024x512xbf16>, vector<512x128xbf16>, vector<1024x128xf32> -> vector<1024x128xf32>
    %get3A_819 = arith.constant 5120 : index
    %get3A_820 = arith.constant 0 : index
    %get3A_821 = vector.load %arg10[%get3A_819, %get3A_820] : memref<8192x128xbf16, #tpu.memory_space<vmem>>, vector<512x128xbf16>
    %dot_general3A_822 = arith.constant dense<0.000000e+00> : vector<1024x128xf32>
    %dot_general3A_823 = tpu.matmul %convert_element_type3A_813, %get3A_821, %dot_general3A_822 {dimension_numbers = #tpu.dot_dimension_numbers<[1], [0], [0], [1], [0, 0, 1, 1], [], []>, transpose_lhs_hint = false} : vector<1024x512xbf16>, vector<512x128xbf16>, vector<1024x128xf32> -> vector<1024x128xf32>
    %get3A_824 = arith.constant 5120 : index
    %get3A_825 = arith.constant 0 : index
    %get3A_826 = vector.load %arg11[%get3A_824, %get3A_825] : memref<8192x128xbf16, #tpu.memory_space<vmem>>, vector<512x128xbf16>
    %dot_general3A_827 = arith.constant dense<0.000000e+00> : vector<1024x128xf32>
    %dot_general3A_828 = tpu.matmul %convert_element_type3A_813, %get3A_826, %dot_general3A_827 {dimension_numbers = #tpu.dot_dimension_numbers<[1], [0], [0], [1], [0, 0, 1, 1], [], []>, transpose_lhs_hint = false} : vector<1024x512xbf16>, vector<512x128xbf16>, vector<1024x128xf32> -> vector<1024x128xf32>
    %add3A_829 = arith.addf %dot_general3A_818, %dot_general3A_823 : vector<1024x128xf32>
    %add3A_830 = arith.addf %add3A_829, %dot_general3A_828 : vector<1024x128xf32>
    %add3A_831 = arith.addf %add3A_805, %add3A_830 : vector<1024x128xf32>
    %sub3A_832 = arith.constant 5632 : i32
    %sub3A_833 = vector.broadcast %sub3A_832 : i32 to vector<1024x1xi32>
    %sub3A_834 = arith.subi %select_n3A_543, %sub3A_833 : vector<1024x1xi32>
    %eq3A_835 = vector.broadcast %sub3A_834 : vector<1024x1xi32> to vector<1024x512xi32>
    %eq3A_836 = arith.cmpi eq, %eq3A_835, %iota3A : vector<1024x512xi32>
    %convert_element_type3A_837 = arith.extui %eq3A_836 : vector<1024x512xi1> to vector<1024x512xi32>
    %convert_element_type3A_838 = arith.sitofp %convert_element_type3A_837 : vector<1024x512xi32> to vector<1024x512xf32>
    %convert_element_type3A_839 = arith.truncf %convert_element_type3A_838 : vector<1024x512xf32> to vector<1024x512xbf16>
    %get3A_840 = arith.constant 5632 : index
    %get3A_841 = arith.constant 0 : index
    %get3A_842 = vector.load %arg9[%get3A_840, %get3A_841] : memref<8192x128xbf16, #tpu.memory_space<vmem>>, vector<512x128xbf16>
    %dot_general3A_843 = arith.constant dense<0.000000e+00> : vector<1024x128xf32>
    %dot_general3A_844 = tpu.matmul %convert_element_type3A_839, %get3A_842, %dot_general3A_843 {dimension_numbers = #tpu.dot_dimension_numbers<[1], [0], [0], [1], [0, 0, 1, 1], [], []>, transpose_lhs_hint = false} : vector<1024x512xbf16>, vector<512x128xbf16>, vector<1024x128xf32> -> vector<1024x128xf32>
    %get3A_845 = arith.constant 5632 : index
    %get3A_846 = arith.constant 0 : index
    %get3A_847 = vector.load %arg10[%get3A_845, %get3A_846] : memref<8192x128xbf16, #tpu.memory_space<vmem>>, vector<512x128xbf16>
    %dot_general3A_848 = arith.constant dense<0.000000e+00> : vector<1024x128xf32>
    %dot_general3A_849 = tpu.matmul %convert_element_type3A_839, %get3A_847, %dot_general3A_848 {dimension_numbers = #tpu.dot_dimension_numbers<[1], [0], [0], [1], [0, 0, 1, 1], [], []>, transpose_lhs_hint = false} : vector<1024x512xbf16>, vector<512x128xbf16>, vector<1024x128xf32> -> vector<1024x128xf32>
    %get3A_850 = arith.constant 5632 : index
    %get3A_851 = arith.constant 0 : index
    %get3A_852 = vector.load %arg11[%get3A_850, %get3A_851] : memref<8192x128xbf16, #tpu.memory_space<vmem>>, vector<512x128xbf16>
    %dot_general3A_853 = arith.constant dense<0.000000e+00> : vector<1024x128xf32>
    %dot_general3A_854 = tpu.matmul %convert_element_type3A_839, %get3A_852, %dot_general3A_853 {dimension_numbers = #tpu.dot_dimension_numbers<[1], [0], [0], [1], [0, 0, 1, 1], [], []>, transpose_lhs_hint = false} : vector<1024x512xbf16>, vector<512x128xbf16>, vector<1024x128xf32> -> vector<1024x128xf32>
    %add3A_855 = arith.addf %dot_general3A_844, %dot_general3A_849 : vector<1024x128xf32>
    %add3A_856 = arith.addf %add3A_855, %dot_general3A_854 : vector<1024x128xf32>
    %add3A_857 = arith.addf %add3A_831, %add3A_856 : vector<1024x128xf32>
    %sub3A_858 = arith.constant 6144 : i32
    %sub3A_859 = vector.broadcast %sub3A_858 : i32 to vector<1024x1xi32>
    %sub3A_860 = arith.subi %select_n3A_543, %sub3A_859 : vector<1024x1xi32>
    %eq3A_861 = vector.broadcast %sub3A_860 : vector<1024x1xi32> to vector<1024x512xi32>
    %eq3A_862 = arith.cmpi eq, %eq3A_861, %iota3A : vector<1024x512xi32>
    %convert_element_type3A_863 = arith.extui %eq3A_862 : vector<1024x512xi1> to vector<1024x512xi32>
    %convert_element_type3A_864 = arith.sitofp %convert_element_type3A_863 : vector<1024x512xi32> to vector<1024x512xf32>
    %convert_element_type3A_865 = arith.truncf %convert_element_type3A_864 : vector<1024x512xf32> to vector<1024x512xbf16>
    %get3A_866 = arith.constant 6144 : index
    %get3A_867 = arith.constant 0 : index
    %get3A_868 = vector.load %arg9[%get3A_866, %get3A_867] : memref<8192x128xbf16, #tpu.memory_space<vmem>>, vector<512x128xbf16>
    %dot_general3A_869 = arith.constant dense<0.000000e+00> : vector<1024x128xf32>
    %dot_general3A_870 = tpu.matmul %convert_element_type3A_865, %get3A_868, %dot_general3A_869 {dimension_numbers = #tpu.dot_dimension_numbers<[1], [0], [0], [1], [0, 0, 1, 1], [], []>, transpose_lhs_hint = false} : vector<1024x512xbf16>, vector<512x128xbf16>, vector<1024x128xf32> -> vector<1024x128xf32>
    %get3A_871 = arith.constant 6144 : index
    %get3A_872 = arith.constant 0 : index
    %get3A_873 = vector.load %arg10[%get3A_871, %get3A_872] : memref<8192x128xbf16, #tpu.memory_space<vmem>>, vector<512x128xbf16>
    %dot_general3A_874 = arith.constant dense<0.000000e+00> : vector<1024x128xf32>
    %dot_general3A_875 = tpu.matmul %convert_element_type3A_865, %get3A_873, %dot_general3A_874 {dimension_numbers = #tpu.dot_dimension_numbers<[1], [0], [0], [1], [0, 0, 1, 1], [], []>, transpose_lhs_hint = false} : vector<1024x512xbf16>, vector<512x128xbf16>, vector<1024x128xf32> -> vector<1024x128xf32>
    %get3A_876 = arith.constant 6144 : index
    %get3A_877 = arith.constant 0 : index
    %get3A_878 = vector.load %arg11[%get3A_876, %get3A_877] : memref<8192x128xbf16, #tpu.memory_space<vmem>>, vector<512x128xbf16>
    %dot_general3A_879 = arith.constant dense<0.000000e+00> : vector<1024x128xf32>
    %dot_general3A_880 = tpu.matmul %convert_element_type3A_865, %get3A_878, %dot_general3A_879 {dimension_numbers = #tpu.dot_dimension_numbers<[1], [0], [0], [1], [0, 0, 1, 1], [], []>, transpose_lhs_hint = false} : vector<1024x512xbf16>, vector<512x128xbf16>, vector<1024x128xf32> -> vector<1024x128xf32>
    %add3A_881 = arith.addf %dot_general3A_870, %dot_general3A_875 : vector<1024x128xf32>
    %add3A_882 = arith.addf %add3A_881, %dot_general3A_880 : vector<1024x128xf32>
    %add3A_883 = arith.addf %add3A_857, %add3A_882 : vector<1024x128xf32>
    %sub3A_884 = arith.constant 6656 : i32
    %sub3A_885 = vector.broadcast %sub3A_884 : i32 to vector<1024x1xi32>
    %sub3A_886 = arith.subi %select_n3A_543, %sub3A_885 : vector<1024x1xi32>
    %eq3A_887 = vector.broadcast %sub3A_886 : vector<1024x1xi32> to vector<1024x512xi32>
    %eq3A_888 = arith.cmpi eq, %eq3A_887, %iota3A : vector<1024x512xi32>
    %convert_element_type3A_889 = arith.extui %eq3A_888 : vector<1024x512xi1> to vector<1024x512xi32>
    %convert_element_type3A_890 = arith.sitofp %convert_element_type3A_889 : vector<1024x512xi32> to vector<1024x512xf32>
    %convert_element_type3A_891 = arith.truncf %convert_element_type3A_890 : vector<1024x512xf32> to vector<1024x512xbf16>
    %get3A_892 = arith.constant 6656 : index
    %get3A_893 = arith.constant 0 : index
    %get3A_894 = vector.load %arg9[%get3A_892, %get3A_893] : memref<8192x128xbf16, #tpu.memory_space<vmem>>, vector<512x128xbf16>
    %dot_general3A_895 = arith.constant dense<0.000000e+00> : vector<1024x128xf32>
    %dot_general3A_896 = tpu.matmul %convert_element_type3A_891, %get3A_894, %dot_general3A_895 {dimension_numbers = #tpu.dot_dimension_numbers<[1], [0], [0], [1], [0, 0, 1, 1], [], []>, transpose_lhs_hint = false} : vector<1024x512xbf16>, vector<512x128xbf16>, vector<1024x128xf32> -> vector<1024x128xf32>
    %get3A_897 = arith.constant 6656 : index
    %get3A_898 = arith.constant 0 : index
    %get3A_899 = vector.load %arg10[%get3A_897, %get3A_898] : memref<8192x128xbf16, #tpu.memory_space<vmem>>, vector<512x128xbf16>
    %dot_general3A_900 = arith.constant dense<0.000000e+00> : vector<1024x128xf32>
    %dot_general3A_901 = tpu.matmul %convert_element_type3A_891, %get3A_899, %dot_general3A_900 {dimension_numbers = #tpu.dot_dimension_numbers<[1], [0], [0], [1], [0, 0, 1, 1], [], []>, transpose_lhs_hint = false} : vector<1024x512xbf16>, vector<512x128xbf16>, vector<1024x128xf32> -> vector<1024x128xf32>
    %get3A_902 = arith.constant 6656 : index
    %get3A_903 = arith.constant 0 : index
    %get3A_904 = vector.load %arg11[%get3A_902, %get3A_903] : memref<8192x128xbf16, #tpu.memory_space<vmem>>, vector<512x128xbf16>
    %dot_general3A_905 = arith.constant dense<0.000000e+00> : vector<1024x128xf32>
    %dot_general3A_906 = tpu.matmul %convert_element_type3A_891, %get3A_904, %dot_general3A_905 {dimension_numbers = #tpu.dot_dimension_numbers<[1], [0], [0], [1], [0, 0, 1, 1], [], []>, transpose_lhs_hint = false} : vector<1024x512xbf16>, vector<512x128xbf16>, vector<1024x128xf32> -> vector<1024x128xf32>
    %add3A_907 = arith.addf %dot_general3A_896, %dot_general3A_901 : vector<1024x128xf32>
    %add3A_908 = arith.addf %add3A_907, %dot_general3A_906 : vector<1024x128xf32>
    %add3A_909 = arith.addf %add3A_883, %add3A_908 : vector<1024x128xf32>
    %sub3A_910 = arith.constant 7168 : i32
    %sub3A_911 = vector.broadcast %sub3A_910 : i32 to vector<1024x1xi32>
    %sub3A_912 = arith.subi %select_n3A_543, %sub3A_911 : vector<1024x1xi32>
    %eq3A_913 = vector.broadcast %sub3A_912 : vector<1024x1xi32> to vector<1024x512xi32>
    %eq3A_914 = arith.cmpi eq, %eq3A_913, %iota3A : vector<1024x512xi32>
    %convert_element_type3A_915 = arith.extui %eq3A_914 : vector<1024x512xi1> to vector<1024x512xi32>
    %convert_element_type3A_916 = arith.sitofp %convert_element_type3A_915 : vector<1024x512xi32> to vector<1024x512xf32>
    %convert_element_type3A_917 = arith.truncf %convert_element_type3A_916 : vector<1024x512xf32> to vector<1024x512xbf16>
    %get3A_918 = arith.constant 7168 : index
    %get3A_919 = arith.constant 0 : index
    %get3A_920 = vector.load %arg9[%get3A_918, %get3A_919] : memref<8192x128xbf16, #tpu.memory_space<vmem>>, vector<512x128xbf16>
    %dot_general3A_921 = arith.constant dense<0.000000e+00> : vector<1024x128xf32>
    %dot_general3A_922 = tpu.matmul %convert_element_type3A_917, %get3A_920, %dot_general3A_921 {dimension_numbers = #tpu.dot_dimension_numbers<[1], [0], [0], [1], [0, 0, 1, 1], [], []>, transpose_lhs_hint = false} : vector<1024x512xbf16>, vector<512x128xbf16>, vector<1024x128xf32> -> vector<1024x128xf32>
    %get3A_923 = arith.constant 7168 : index
    %get3A_924 = arith.constant 0 : index
    %get3A_925 = vector.load %arg10[%get3A_923, %get3A_924] : memref<8192x128xbf16, #tpu.memory_space<vmem>>, vector<512x128xbf16>
    %dot_general3A_926 = arith.constant dense<0.000000e+00> : vector<1024x128xf32>
    %dot_general3A_927 = tpu.matmul %convert_element_type3A_917, %get3A_925, %dot_general3A_926 {dimension_numbers = #tpu.dot_dimension_numbers<[1], [0], [0], [1], [0, 0, 1, 1], [], []>, transpose_lhs_hint = false} : vector<1024x512xbf16>, vector<512x128xbf16>, vector<1024x128xf32> -> vector<1024x128xf32>
    %get3A_928 = arith.constant 7168 : index
    %get3A_929 = arith.constant 0 : index
    %get3A_930 = vector.load %arg11[%get3A_928, %get3A_929] : memref<8192x128xbf16, #tpu.memory_space<vmem>>, vector<512x128xbf16>
    %dot_general3A_931 = arith.constant dense<0.000000e+00> : vector<1024x128xf32>
    %dot_general3A_932 = tpu.matmul %convert_element_type3A_917, %get3A_930, %dot_general3A_931 {dimension_numbers = #tpu.dot_dimension_numbers<[1], [0], [0], [1], [0, 0, 1, 1], [], []>, transpose_lhs_hint = false} : vector<1024x512xbf16>, vector<512x128xbf16>, vector<1024x128xf32> -> vector<1024x128xf32>
    %add3A_933 = arith.addf %dot_general3A_922, %dot_general3A_927 : vector<1024x128xf32>
    %add3A_934 = arith.addf %add3A_933, %dot_general3A_932 : vector<1024x128xf32>
    %add3A_935 = arith.addf %add3A_909, %add3A_934 : vector<1024x128xf32>
    %sub3A_936 = arith.constant 7680 : i32
    %sub3A_937 = vector.broadcast %sub3A_936 : i32 to vector<1024x1xi32>
    %sub3A_938 = arith.subi %select_n3A_543, %sub3A_937 : vector<1024x1xi32>
    %eq3A_939 = vector.broadcast %sub3A_938 : vector<1024x1xi32> to vector<1024x512xi32>
    %eq3A_940 = arith.cmpi eq, %eq3A_939, %iota3A : vector<1024x512xi32>
    %convert_element_type3A_941 = arith.extui %eq3A_940 : vector<1024x512xi1> to vector<1024x512xi32>
    %convert_element_type3A_942 = arith.sitofp %convert_element_type3A_941 : vector<1024x512xi32> to vector<1024x512xf32>
    %convert_element_type3A_943 = arith.truncf %convert_element_type3A_942 : vector<1024x512xf32> to vector<1024x512xbf16>
    %get3A_944 = arith.constant 7680 : index
    %get3A_945 = arith.constant 0 : index
    %get3A_946 = vector.load %arg9[%get3A_944, %get3A_945] : memref<8192x128xbf16, #tpu.memory_space<vmem>>, vector<512x128xbf16>
    %dot_general3A_947 = arith.constant dense<0.000000e+00> : vector<1024x128xf32>
    %dot_general3A_948 = tpu.matmul %convert_element_type3A_943, %get3A_946, %dot_general3A_947 {dimension_numbers = #tpu.dot_dimension_numbers<[1], [0], [0], [1], [0, 0, 1, 1], [], []>, transpose_lhs_hint = false} : vector<1024x512xbf16>, vector<512x128xbf16>, vector<1024x128xf32> -> vector<1024x128xf32>
    %get3A_949 = arith.constant 7680 : index
    %get3A_950 = arith.constant 0 : index
    %get3A_951 = vector.load %arg10[%get3A_949, %get3A_950] : memref<8192x128xbf16, #tpu.memory_space<vmem>>, vector<512x128xbf16>
    %dot_general3A_952 = arith.constant dense<0.000000e+00> : vector<1024x128xf32>
    %dot_general3A_953 = tpu.matmul %convert_element_type3A_943, %get3A_951, %dot_general3A_952 {dimension_numbers = #tpu.dot_dimension_numbers<[1], [0], [0], [1], [0, 0, 1, 1], [], []>, transpose_lhs_hint = false} : vector<1024x512xbf16>, vector<512x128xbf16>, vector<1024x128xf32> -> vector<1024x128xf32>
    %get3A_954 = arith.constant 7680 : index
    %get3A_955 = arith.constant 0 : index
    %get3A_956 = vector.load %arg11[%get3A_954, %get3A_955] : memref<8192x128xbf16, #tpu.memory_space<vmem>>, vector<512x128xbf16>
    %dot_general3A_957 = arith.constant dense<0.000000e+00> : vector<1024x128xf32>
    %dot_general3A_958 = tpu.matmul %convert_element_type3A_943, %get3A_956, %dot_general3A_957 {dimension_numbers = #tpu.dot_dimension_numbers<[1], [0], [0], [1], [0, 0, 1, 1], [], []>, transpose_lhs_hint = false} : vector<1024x512xbf16>, vector<512x128xbf16>, vector<1024x128xf32> -> vector<1024x128xf32>
    %add3A_959 = arith.addf %dot_general3A_948, %dot_general3A_953 : vector<1024x128xf32>
    %add3A_960 = arith.addf %add3A_959, %dot_general3A_958 : vector<1024x128xf32>
    %add3A_961 = arith.addf %add3A_935, %add3A_960 : vector<1024x128xf32>
    %swap3A_962 = arith.constant 0 : index
    %swap3A_963 = arith.constant 0 : index
    %swap3A_964 = vector.load %arg13[%swap3A_962, %swap3A_963] : memref<1024x128xf32, #tpu.memory_space<vmem>>, vector<1024x128xf32>
    tpu.vector_store %arg13[%swap3A_962, %swap3A_963], %add3A_961 {strides = array<i32>} : memref<1024x128xf32, #tpu.memory_space<vmem>>, vector<1024x128xf32>,
    return
  }
  func.func @transform_0(%arg0: i32) -> (i32, i32, i32) {
    %c0_i32 = arith.constant 0 : i32
    %c0_i32_0 = arith.constant 0 : i32
    %c0_i32_1 = arith.constant 0 : i32
    return %c0_i32, %arg0, %c0_i32_0 : i32, i32, i32
  }
  func.func @transform_1(%arg0: i32) -> (i32, i32) {
    %c0_i32 = arith.constant 0 : i32
    %c0_i32_0 = arith.constant 0 : i32
    return %arg0, %c0_i32 : i32, i32
  }
  func.func @transform_2(%arg0: i32) -> (i32, i32) {
    %c0_i32 = arith.constant 0 : i32
    %c0_i32_0 = arith.constant 0 : i32
    %c0_i32_1 = arith.constant 0 : i32
    return %c0_i32, %c0_i32_0 : i32, i32
  }
  func.func @transform_3(%arg0: i32) -> (i32, i32) {
    %c0_i32 = arith.constant 0 : i32
    %c0_i32_0 = arith.constant 0 : i32
    %c0_i32_1 = arith.constant 0 : i32
    return %c0_i32, %c0_i32_0 : i32, i32
  }
  func.func @transform_4(%arg0: i32) -> (i32, i32) {
    %c0_i32 = arith.constant 0 : i32
    %c0_i32_0 = arith.constant 0 : i32
    %c0_i32_1 = arith.constant 0 : i32
    return %c0_i32, %c0_i32_0 : i32, i32
  }
  func.func @transform_5(%arg0: i32) -> (i32, i32) {
    %c0_i32 = arith.constant 0 : i32
    %c0_i32_0 = arith.constant 0 : i32
    %c0_i32_1 = arith.constant 0 : i32
    return %c0_i32, %c0_i32_0 : i32, i32
  }
  func.func @transform_6(%arg0: i32) -> (i32, i32) {
    %c0_i32 = arith.constant 0 : i32
    %c0_i32_0 = arith.constant 0 : i32
    %c0_i32_1 = arith.constant 0 : i32
    return %c0_i32, %c0_i32_0 : i32, i32
  }
  func.func @transform_7(%arg0: i32) -> (i32, i32) {
    %c0_i32 = arith.constant 0 : i32
    %c0_i32_0 = arith.constant 0 : i32
    %c0_i32_1 = arith.constant 0 : i32
    return %c0_i32, %c0_i32_0 : i32, i32
  }
  func.func @transform_8(%arg0: i32) -> (i32, i32) {
    %c0_i32 = arith.constant 0 : i32
    %c0_i32_0 = arith.constant 0 : i32
    %c0_i32_1 = arith.constant 0 : i32
    return %c0_i32, %c0_i32_0 : i32, i32
  }
  func.func @transform_9(%arg0: i32) -> (i32, i32) {
    %c0_i32 = arith.constant 0 : i32
    %c0_i32_0 = arith.constant 0 : i32
    %c0_i32_1 = arith.constant 0 : i32
    return %c0_i32, %c0_i32_0 : i32, i32
  }
  func.func @transform_10(%arg0: i32) -> (i32, i32) {
    %c0_i32 = arith.constant 0 : i32
    %c0_i32_0 = arith.constant 0 : i32
    %c0_i32_1 = arith.constant 0 : i32
    return %c0_i32, %c0_i32_0 : i32, i32
  }
  func.func @transform_11(%arg0: i32) -> (i32, i32) {
    %c0_i32 = arith.constant 0 : i32
    %c0_i32_0 = arith.constant 0 : i32
    return %arg0, %c0_i32 : i32, i32
  }
  func.func @transform_12(%arg0: i32) -> (i32, i32) {
    %c0_i32 = arith.constant 0 : i32
    %c0_i32_0 = arith.constant 0 : i32
    return %arg0, %c0_i32 : i32, i32
  }
}

</mosaic_0001>

<sc_bundles>
// kernel: kernel.6.cloned.1.call-start
scs
__scs_entry_jumppad:
0x0: {  	(pc) =	sbr.rel $0x88, $3  }
0x1: {  	(tag) =	ssettag $0x0;
	lr =	simm.s32 $0x1  }
0x2: {  	[smem:$0x3F96] =	sst lr;
	_ =	strace $0xD0000000  }
0x3: {  	_ = 	snop  }
0x4: {  	_ = 	snop  }
0x5: {  	_ = 	snop  }
0x6: {  	_ = 	snop  }
0x7: {  	_ = 	snop  }
__scs_overlays_trampoline_lowered:
0x8: {  	[smem:$0x3FA5] =	sst s0  }
0x9: {  	[smem:$0x3FA6] =	sst s1  }
0xa: {  	[smem:$0x3FA7] =	sst s2  }
0xb: {  	[smem:$0x3FA8] =	sst s3  }
0xc: {  	[smem:$0x3FA9] =	sst s4  }
0xd: {  	[smem:$0x3FAA] =	sst s5  }
0xe: {  	[smem:$0x3FAB] =	sst s6  }
0xf: {  	[smem:$0x3FAC] =	sst s7  }
0x10: {  	[smem:$0x3FAD] =	sst s8  }
0x11: {  	[smem:$0x3FAE] =	sst s9;
	s0 =	simm.s32 @!p0 $0x0  }
0x12: {  	s1 =	sld [smem:$0x3F94];
	s0 =	simm.s32 @p0 $0x1  }
0x13: {  	[smem:$0x3FAF] =	sst s0;
	s0 =	simm.s32 @!p1 $0x0  }
0x14: {  	s2 =	sld [smem:$0x3F93];
	s0 =	simm.s32 @p1 $0x1  }
0x15: {  	[smem:$0x3FB0] =	sst s0;
	s0 =	simm.s32 @!p2 $0x0  }
0x16: {  	s3 =	sld [smem:$0x3FDB];
	s0 =	simm.s32 @p2 $0x1  }
0x17: {  	s4 =	simm.s32 $0x1BF5;
	[smem:$0x3FB2] =	sst s0  }
0x18: {  	s0 =	sld [smem:$0x3F95];
	_ =	swait.ge [sflag:s4], $0x0  }
0x19: {  	s7 =	sld [smem:$0x3F96]  }
0x1a: {  	s8 =	sadd.s32 $0xFFFFE003, lr  }
0x1b: {  	s9 =	sadd.s32 $0xFFFFFEF7, lr;
	s5 =	simm.s32 $0xFFFFFFFF;
	p2 =	slt.u32 s8, $0xFFFFF086  }
0x1c: {  	p1 =	slt.u32 s9, $0xF7A;
	s5 =	simm.s32 @!p2 $0x0  }
0x1d: {  	s5 =	simm.s32 @p1 $0x1;
	p0 =	seq.s32 s7, s2  }
0x1e: {  	s7 =	smul.u32 @!p0 $0xF7A, s2;
	p2 =	seq.s32 @!p0 s5, $0x0  }
0x1f: {  	s9 =	smul.u32 $0xF7A, s1;
	s8 =	simm.s32 @!p0 $0x1BF5;
	p2 =	por !p2, p0  }
0x20: {  	[sflag:s8] =	ssyncset.s32 @!p0 $0xFFFFF086;
	s6 =	sadd.s32 @!p0 s3, s7;
	s7 =	simm.s32 @!p0 $0x108  }
0x21: {  	s3 =	sadd.s32 s3, s9;
	s6 =	sadd.s32 @!p0 $0x88, s6;
	s7 =	simm.s32 @p2 $0x1082  }
0x22: {  	[simem:s7], [sflag:s8] =	dma.local @!p0 [hbm:s6], $0xF7A  }
0x23: {  	s9 =	sor.u32 $0xD0000000, s2;
	s6 =	simm.s32 $0x108;
	_ =	swait.ge @!p0 [sflag:s8], $0x0  }
0x24: {  	s3 =	sadd.s32 $0x88, s3;
	s6 =	simm.s32 @!p1 $0x1082;
	[sflag:s4] =	ssyncset.s32 $0xFFFFF086  }
0x25: {  	[simem:s6], [sflag:s4] =	dma.local [hbm:s3], $0xF7A  }
0x26: {  	[smem:$0x3F96] =	sst s1;
	(tag) =	ssettag s2;
	_ =	strace s9  }
0x27: {  	s1 =	sld [smem:$0x3FA6]  }
0x28: {  	s2 =	sld [smem:$0x3FA7]  }
0x29: {  	s4 =	sld [smem:$0x3FA9]  }
0x2a: {  	p0 =	seq.s32 s5, $0x0;
	s5 =	sld [smem:$0x3FAA]  }
0x2b: {  	s6 =	sld [smem:$0x3FAB]  }
0x2c: {  	s7 =	sld [smem:$0x3FAC]  }
0x2d: {  	s3 =	simm.s32 $0x108;
	s8 =	sld [smem:$0x3FAD]  }
0x2e: {  	s3 =	simm.s32 @!p0 $0x1082;
	s9 =	sld [smem:$0x3FAE]  }
0x2f: {  	lr =	sadd.s32 s0, s3;
	s0 =	sld [smem:$0x3FA5]  }
0x30: {  	s3 =	sld [smem:$0x3FA8]  }
0x31: {  	[smem:$0x3FB1] =	sst s10  }
0x32: {  	s10 =	sld [smem:$0x3FAF];
	_ =	sdelay $0x3  }
0x33: {  	p0 =	seq.s32 s10, $0x1;
	s10 =	sld [smem:$0x3FB1];
	_ =	sdelay $0x3  }
0x34: {  	[smem:$0x3FB1] =	sst s10  }
0x35: {  	s10 =	sld [smem:$0x3FB0];
	_ =	sdelay $0x3  }
0x36: {  	p1 =	seq.s32 s10, $0x1;
	s10 =	sld [smem:$0x3FB1];
	_ =	sdelay $0x3  }
0x37: {  	[smem:$0x3FB1] =	sst s10  }
0x38: {  	s10 =	sld [smem:$0x3FB2]  }
0x39: {  	_ = 	snop;
	(pc) =	sbr.ind lr, $3  }
0x3a: {  	_ = 	snop  }
0x3b: {  	_ = 	snop  }
0x3c: {  	p2 =	seq.s32 s10, $0x1;
	s10 =	sld [smem:$0x3FB1]  }
0x3d: {  	_ =	shalt  }
0x3e: {  	_ =	shalt  }
0x3f: {  	_ =	shalt  }
0x40: {  	_ =	shalt  }
0x41: {  	_ =	shalt  }
0x42: {  	_ =	shalt  }
0x43: {  	_ =	shalt  }
0x44: {  	_ =	shalt  }
0x45: {  	_ =	shalt  }
0x46: {  	_ =	shalt  }
0x47: {  	_ =	shalt  }
0x48: {  	_ =	shalt  }
0x49: {  	_ =	shalt  }
0x4a: {  	_ =	shalt  }
0x4b: {  	_ =	shalt  }
0x4c: {  	_ =	shalt  }
0x4d: {  	_ =	shalt  }
0x4e: {  	_ =	shalt  }
0x4f: {  	_ =	shalt  }
0x50: {  	_ =	shalt  }
0x51: {  	_ =	shalt  }
0x52: {  	_ =	shalt  }
0x53: {  	_ =	shalt  }
0x54: {  	_ =	shalt  }
0x55: {  	_ =	shalt  }
0x56: {  	_ =	shalt  }
0x57: {  	_ =	shalt  }
0x58: {  	_ =	shalt  }
0x59: {  	_ =	shalt  }
0x5a: {  	_ =	shalt  }
0x5b: {  	_ =	shalt  }
0x5c: {  	_ =	shalt  }
0x5d: {  	_ =	shalt  }
0x5e: {  	_ =	shalt  }
0x5f: {  	_ =	shalt  }
0x60: {  	_ =	shalt  }
0x61: {  	_ =	shalt  }
0x62: {  	_ =	shalt  }
0x63: {  	_ =	shalt  }
0x64: {  	_ =	shalt  }
0x65: {  	_ =	shalt  }
0x66: {  	_ =	shalt  }
0x67: {  	_ =	shalt  }
0x68: {  	_ =	shalt  }
0x69: {  	_ =	shalt  }
0x6a: {  	_ =	shalt  }
0x6b: {  	_ =	shalt  }
0x6c: {  	_ =	shalt  }
0x6d: {  	_ =	shalt  }
0x6e: {  	_ =	shalt  }
0x6f: {  	_ =	shalt  }
0x70: {  	_ =	shalt  }
0x71: {  	_ =	shalt  }
0x72: {  	_ =	shalt  }
0x73: {  	_ =	shalt  }
0x74: {  	_ =	shalt  }
0x75: {  	_ =	shalt  }
0x76: {  	_ =	shalt  }
0x77: {  	_ =	shalt  }
0x78: {  	_ =	shalt  }
0x79: {  	_ =	shalt  }
0x7a: {  	_ =	shalt  }
0x7b: {  	_ =	shalt  }
0x7c: {  	_ =	shalt  }
0x7d: {  	_ =	shalt  }
0x7e: {  	_ =	shalt  }
0x7f: {  	_ =	shalt  }
0x80: {  	_ =	shalt  }
0x81: {  	_ =	shalt  }
0x82: {  	_ =	shalt  }
0x83: {  	_ =	shalt  }
0x84: {  	_ =	shalt  }
0x85: {  	_ =	shalt  }
0x86: {  	_ =	shalt  }
0x87: {  	_ =	shalt  }
.Lfunc_end0:
.L_simem_size_0:
called_computation_lowered:
.L_overlay_start_0:
0x88: {  	s2 =	sld [smem:$0x3FD9]  }
0x89: {  	s3 =	sld [smem:$0x3FFE];
	_ =	sdelay $0x1  }
0x8a: {  	s1 =	srdreg.scid  }
0x8b: {  	s0 =	sand.u32 $0x1, s1  }
0x8c: {  	s14 =	sshll.u32 s0, $0xA;
	s2 =	sadd.s32 s3, s2  }
0x8d: {  	s2 =	sadd.s32 s2, s14  }
0x8e: {  	[smem:$0x3FBD] =	sst s2  }
0x8f: {  	_ = 	snop  }
0x90: {  	s2 =	sld [smem:$0x3FD0];
	_ =	sdelay $0x2  }
0x91: {  	s4 =	simm.s32 $0xA;
	s5 =	simm.s32 $0x10;
	s15 =	sld [smem:$0x3FC9]  }
0x92: {  	[smem:s5], [sflag:s4] =	dma.local [hbm:s2], $0x1  }
0x93: {  	_ =	swait.eq [sflag:s4], $0x1  }
0x94: {  	[sflag:s4] =	ssyncset.done $0x0  }
0x95: {  	[sflag:s4] =	ssyncadd.s32 $0xFFFFFFFF  }
0x96: {  	s16 =	sld [smem:$0x12];
	(tm) =	ssettm $0x1  }
0x97: {  	s17 =	sld [smem:$0x3FFB];
	_ =	sdelay $0x3  }
0x98: {  	_ =	strace s17  }
0x99: {  	s4 =	sld [smem:$0x3FFC];
	_ =	sdelay $0x3  }
0x9a: {  	_ =	strace s4  }
0x9b: {  	s4 =	sld [smem:$0x3FFD];
	_ =	sdelay $0x3  }
0x9c: {  	_ =	strace s4  }
0x9d: {  	_ =	strace $0x8FFFFFFF  }
0x9e: {  	s18 =	sld [smem:$0x3FDB];
	_ =	sdelay $0x1  }
0x9f: {  	s19 =	simm.s32 $_scs_section_size  }
0xa0: {  	s6 =	simm.s32 $_size__tile_overlayer_lowered;
	s7 =	simm.s32 $_tile_overlayer_lowered  }
0xa1: {  	s22 =	simm.s32 $0x1BFF;
	s21 =	sshll.u32 s7, $0x1;
	s4 =	sadd.s32 s19, s18  }
0xa2: {  	s8 =	simm.s32 $0x0;
	s20 =	sshll.u32 s6, $0x1;
	s6 =	sadd.s32 s21, s4  }
0xa3: {  	[timem:s8], [sflag:s22] =	dma.local [hbm:s6], s20  }
0xa4: {  	_ =	swait.ge [sflag:s22], s20  }
0xa5: {  	s5 =	ssub.s32 $0x0, s20;
	[sflag:s22] =	ssyncset.done $0x0  }
0xa6: {  	[sflag:s22] =	ssyncadd.s32 s5;
	_ =	sdelay $0x1  }
0xa7: {  	s23 =	simm.s32 $0x1B8B  }
0xa8: {  	_ =	swait.ge [sflag:s23], $0x1  }
0xa9: {  	[sflag:s23] =	ssyncset.done $0x0  }
0xaa: {  	s25 =	simm.s32 $0x1B8E;
	s24 =	sld [smem:$0x3FFE];
	[sflag:s23] =	ssyncadd.s32 $0xFFFFFFFF  }
0xab: {  	s26 =	simm.s32 $execute0_lowered;
	[smem:$0x3FD2] =	sst s25  }
0xac: {  	s6 =	sshll.u32 s26, $0x1;
	_ =	strace $0x80000046;
	[dreg:$0x1] =	wrdreg $0xFFFFFFFF  }
0xad: {  	s28 =	simm.s32 $_size_execute0_lowered;
	s4 =	sadd.s32 s4, s6;
	[dreg:$0x0] =	wrdreg $0x0  }
0xae: {  	s6 =	sshll.u32 s28, $0x1;
	[dreg:$0x2] =	wrdreg s4  }
0xaf: {  	[dreg:$0x3] =	wrdreg s6  }
0xb0: {  	[dreg:$0x4] =	wrdreg $0xC0  }
0xb1: {  	_ =	task [dreg:s8], $0x5FFFF  }
0xb2: {  	[dreg:$0x1] =	wrdreg $0xFFFFFFFF  }
0xb3: {  	[dreg:$0x0] =	wrdreg $0x60  }
0xb4: {  	[dreg:$0x2] =	wrdreg s16  }
0xb5: {  	[dreg:$0x3] =	wrdreg s24  }
0xb6: {  	[dreg:$0x4] =	wrdreg s15  }
0xb7: {  	[dreg:$0x5] =	wrdreg $0x98800  }
0xb8: {  	[dreg:$0x6] =	wrdreg $0x9  }
0xb9: {  	_ =	task.clear_ibuf [dreg:s8], $0x7FFFF;
	_ =	strace $0x90000046  }
0xba: {  	s29 =	simm.s32 $0x9;
	_ =	strace $0x80000048  }
0xbb: {  	_ =	swait.ge [sflag:s29], $0x1  }
0xbc: {  	[sflag:s29] =	ssyncadd.s32 $0xFFFFFFFF  }
0xbd: {  	_ =	strace $0x90000048  }
0xbe: {  	_ =	sfence  }
0xbf: {  	s30 =	sld [smem:$0x0];
	_ =	sdelay $0x2  }
0xc0: {  	s31 =	sshll.u32 s1, $0xD;
	s1 =	sshrl.u32 s1, $0x2  }
0xc1: {  	s3 =	sand.u32 $0x4000, s31;
	s1 =	sadd.s32 s1, s30  }
0xc2: {  	s0 =	sor.u32 s3, s0;
	s1 =	sshll.u32 s1, $0x11  }
0xc3: {  	s0 =	sor.u32 s1, s0  }
0xc4: {  	s0 =	sadd.s32 $0x8F2B, s0  }
0xc5: {  	[sflag:s0] =	ssyncadd.remote.s32 $0x1  }
0xc6: {  	_ =	sfence.sel $0xFFFF  }
0xc7: {  	[dreg:$0x0] =	wrdreg $0xFFFFFFFF;
	(pc) =	sbr.abs _section_cstart, $3  }
0xc8: {  	[dreg:$0x1] =	wrdreg $0xFFFFFFFF  }
0xc9: {  	_ =	task.clear_ibuf [dreg:s8], $0x2FFFF;
	_ =	strace $0x9FFFFFFF  }
0xca: {  	(tm) =	ssettm $0x7FFFFFFF  }
0xcb: {  	_ =	shalt  }
tec
execute0_lowered:
.L_overlay_start_1:
0x0: {  	(tag) =	ssettag $0x1  }
0x1: {  	s1 =	rddreg [dreg:$0x0]  }
0x2: {  	s0 =	srdreg.scid;
	s2 =	rddreg [dreg:$0x1]  }
0x3: {  	s16 =	stileid.u32;
	s3 =	rddreg [dreg:$0x2];
	s5 =	simm.s32 $0x0  }
0x4: {  	s28 =	simm.s32 $0x2000;
	s29 =	simm.s32 $0x1;
	s30 =	simm.s32 $0x5  }
0x5: {  	s31 =	simm.s32 $0x1000;
	s0 =	sand.u32 $0x1, s0;
	s8 =	sshll.u32 s16, $0x7  }
0x6: {  	s10 =	smul.u32 $0x14000, s16;
	s11 =	sadd.s32 $0x1B600, s2;
	[smem:$0x7FF] =	sst s5  }
0x7: {  	p0 =	sne.s32 s16, $0xF;
	s4 =	sshll.u32 s0, $0x4;
	s9 =	ssub.s32 $0x2, s0  }
0x8: {  	s8 =	sand.u32 $0x380, s8;
	s0 =	smul.u32 $0x140000, s0;
	s6 =	sor.u32 s16, s4  }
0x9: {  	s4 =	rddreg [dreg:$0x3];
	s12 =	sshrl.u32 s9, $0x1;
	s13 =	sadd.s32 $0x7800, s10  }
0xa: {  	s19 =	sadd.s32 $0xA000, s10;
	s20 =	sadd.s32 $0xC800, s10;
	s21 =	sadd.s32 $0xF000, s10  }
0xb: {  	s22 =	sadd.s32 $0x11800, s10;
	s7 =	sshrl.u32 s6, $0x3;
	s17 =	sadd.s32 s0, s19  }
0xc: {  	s18 =	sadd.s32 s0, s20;
	s25 =	sadd.s32 s0, s21;
	s7 =	smul.u32 $0x14000, s7  }
0xd: {  	s19 =	sadd.s32 s19, s4;
	s20 =	sadd.s32 s20, s4;
	s21 =	sadd.s32 s21, s4  }
0xe: {  	s24 =	sshrl.u32 s18, $0x3;
	s7 =	sor.u32 s8, s7;
	s8 =	ssub.s32 s9, s12  }
0xf: {  	s9 =	sor.u32 $0x2800, s10;
	s12 =	sadd.s32 $0x5000, s10;
	s10 =	sadd.s32 s10, s0  }
0x10: {  	s14 =	sadd.s32 s0, s9;
	s10 =	sshrl.u32 s10, $0x3;
	s15 =	sadd.s32 s0, s12  }
0x11: {  	s18 =	sadd.s32 s9, s4;
	s14 =	sshrl.u32 s14, $0x3;
	s10 =	sadd.s32 s11, s10  }
0x12: {  	s9 =	simm.s32 $0x2;
	[dreg:$0x5] =	wrdreg s10;
	s26 =	sadd.s32 s11, s14  }
0x13: {  	s14 =	sshrl.u32 s15, $0x3;
	s15 =	sadd.s32 s0, s13;
	s0 =	sadd.s32 s0, s22  }
0x14: {  	s22 =	sadd.s32 s22, s4;
	[dreg:$0x6] =	wrdreg s26;
	s10 =	sadd.s32 s11, s14  }
0x15: {  	s14 =	sshrl.u32 s17, $0x3;
	s0 =	sshrl.u32 s0, $0x3;
	s26 =	smul.u32 $0x50000, s16  }
0x16: {  	[dreg:$0x7] =	wrdreg s10;
	s10 =	sshrl.u32 s15, $0x3;
	s23 =	sadd.s32 s11, s14  }
0x17: {  	s0 =	sadd.s32 s11, s0;
	s15 =	sshrl.u32 s7, $0x3;
	[dreg:$0x9] =	wrdreg s23  }
0x18: {  	s14 =	sadd.s32 $0x1600, s2;
	s10 =	sadd.s32 s11, s10;
	[dreg:$0xc] =	wrdreg s0  }
0x19: {  	s7 =	simm.s32 $0x7000;
	[dreg:$0x8] =	wrdreg s10;
	s10 =	sadd.s32 s11, s24  }
0x1a: {  	s17 =	sshrl.u32 s26, $0x2;
	[dreg:$0xa] =	wrdreg s10;
	s10 =	sshrl.u32 s25, $0x3  }
0x1b: {  	s0 =	sadd.s32 s15, s2;
	s23 =	sadd.s32 s12, s4;
	s10 =	sadd.s32 s11, s10  }
0x1c: {  	s2 =	simm.s32 $0x50;
	s12 =	simm.s32 $0x1F80;
	[dreg:$0xb] =	wrdreg s10  }
0x1d: {  	s26 =	sadd.s32 s17, s4;
	_ =	strace $0x80000047;
	[dreg:$0xd] =	wrdreg s18  }
0x1e: {  	s0 =	sadd.s32 $0x11600, s0;
	s24 =	smax.u32 s8, $0x1;
	[dreg:$0xe] =	wrdreg s23  }
0x1f: {  	s8 =	simm.s32 $0x3;
	s25 =	sadd.s32 $0x140000, s4;
	[dreg:$0xf] =	wrdreg s0  }
0x20: {  	s11 =	simm.s32 $0x1F00;
	s10 =	simm.s32 $0x4;
	[dreg:$0x10] =	wrdreg s24  }
0x21: {  	s18 =	sadd.s32 s13, s4;
	s23 =	sshll.u32 s6, $0xB;
	[dreg:$0x11] =	wrdreg s25  }
0x22: {  	v0 =	vimm.f32 $0.0e+00;
	v1 =	vimm.f32 $1.000000000e+00;
	s0 =	simm.s32 $0x80;
	s6 =	simm.s32 $0x4800;
	s13 =	simm.s32 $0x0  }
.LBB2_1:
0x23: {  	s24 =	simm.s32 $0x0;
	s25 =	simm.s32 $0x200  }
.LBB2_2:
0x24: {  	p1 =	sne.s32 s25, $0x9E00;
	[tilespmem:s24+$0x2070] =	vst v0  }
0x25: {  	[tilespmem:s24+$0x2000] =	vst v0  }
0x26: {  	[tilespmem:s24+$0x2010] =	vst v0  }
.Ltmp0:
0x27: {  	[tilespmem:s24+$0x2020] =	vst v0;
	(pc) =	sbr.rel @p1 .LBB2_2-.Ltmp0, $4  }
0x28: {  	[tilespmem:s24+$0x2030] =	vst v0  }
0x29: {  	[tilespmem:s24+$0x2040] =	vst v0  }
0x2a: {  	[tilespmem:s24+$0x2050] =	vst v0  }
0x2b: {  	[tilespmem:s24+$0x2060] =	vst v0;
	s24 =	sshra.s32 s25, $0x2;
	s25 =	sadd.s32 $0x200, s25  }
0x2c: {  	[tilespmem:s24+$0x2070] =	vst v0  }
0x2d: {  	[tilespmem:s24+$0x2000] =	vst v0  }
0x2e: {  	[tilespmem:s24+$0x2010] =	vst v0  }
0x2f: {  	[tilespmem:s24+$0x2020] =	vst v0  }
0x30: {  	[tilespmem:s24+$0x2030] =	vst v0  }
0x31: {  	[tilespmem:s24+$0x2040] =	vst v0  }
0x32: {  	[tilespmem:s24+$0x2050] =	vst v0  }
0x33: {  	[tilespmem:s24+$0x2060] =	vst v0;
	s24 =	simm.s32 $0x40;
	s25 =	simm.s32 $0x0  }
.LBB2_4:
0x34: {  	p1 =	sne.s32 s24, $0xA000;
	[tilespmem:s25+$0x7000] =	vst v0;
	s25 =	smov.u32 s24;
	s24 =	sadd.s32 $0x40, s24  }
.Ltmp1:
0x35: {  	(pc) =	sbr.rel @p1 .LBB2_4-.Ltmp1, $2  }
0x36: {  	_ =	sdelay $0x2  }
0x37: {  	s25 =	sshra.s32 s25, $0x2  }
0x38: {  	[tilespmem:s25+$0x7000] =	vst v0  }
0x39: {  	[spmem:s26] =	stream.linear.scatter [tilespmem:s28], [sflag:$0x1], $0x2800, $0x38;
	[tilespmem:$0x1D900] =	vst v63  }
0x3a: {  	s15 =	rddreg [dreg:$0xd]  }
0x3b: {  	[spmem:s15] =	stream.linear.scatter [tilespmem:s28], [sflag:$0x1], $0x2800, $0x38;
	[tilespmem:$0x1D900] =	vst v63  }
0x3c: {  	s17 =	smov.u32 s26;
	s26 =	rddreg [dreg:$0xe]  }
0x3d: {  	[spmem:s26] =	stream.linear.scatter [tilespmem:s28], [sflag:$0x1], $0x2800, $0x38;
	[tilespmem:$0x1D900] =	vst v63  }
0x3e: {  	_ = 	snop  }
0x3f: {  	[spmem:s18] =	stream.linear.scatter [tilespmem:s28], [sflag:$0x1], $0x2800, $0x38;
	[tilespmem:$0x1D900] =	vst v63  }
0x40: {  	_ = 	snop  }
0x41: {  	[spmem:s19] =	stream.linear.scatter [tilespmem:s28], [sflag:$0x1], $0x2800, $0x38;
	[tilespmem:$0x1D900] =	vst v63  }
0x42: {  	_ = 	snop  }
0x43: {  	[spmem:s20] =	stream.linear.scatter [tilespmem:s28], [sflag:$0x1], $0x2800, $0x38;
	[tilespmem:$0x1D900] =	vst v63  }
0x44: {  	_ = 	snop  }
0x45: {  	[spmem:s21] =	stream.linear.scatter [tilespmem:s28], [sflag:$0x1], $0x2800, $0x38;
	[tilespmem:$0x1D900] =	vst v63  }
0x46: {  	_ = 	snop  }
0x47: {  	[spmem:s22] =	stream.linear.scatter [tilespmem:s28], [sflag:$0x1], $0x2800, $0x38;
	[tilespmem:$0x1D900] =	vst v63  }
0x48: {  	s24 =	simm.s32 @!p0 $0x2000;
	s15 =	rddreg [dreg:$0x11]  }
0x49: {  	[spmem:s15] =	stream.linear.scatter @!p0 [tilespmem:s24], [sflag:$0x5], $0x800, $0x38;
	[tilespmem:$0x1D900] =	vst v63  }
0x4a: {  	s24 =	simm.s32 @!p0 $0x5  }
0x4b: {  	_ =	swait.ge @!p0 [sflag:s24], $0x800  }
0x4c: {  	[sflag:s24] =	ssyncset.done @!p0 $0x0  }
0x4d: {  	[sflag:s24] =	ssyncadd.s32 @!p0 $0xFFFFF800  }
0x4e: {  	_ =	swait.ge [sflag:s29], $0x2800  }
0x4f: {  	[sflag:s29] =	ssyncset.done $0x0  }
0x50: {  	[sflag:s29] =	ssyncadd.s32 $0xFFFFD800  }
0x51: {  	_ =	swait.ge [sflag:s29], $0x2800  }
0x52: {  	[sflag:s29] =	ssyncset.done $0x0  }
0x53: {  	[sflag:s29] =	ssyncadd.s32 $0xFFFFD800  }
0x54: {  	_ =	swait.ge [sflag:s29], $0x2800  }
0x55: {  	[sflag:s29] =	ssyncset.done $0x0  }
0x56: {  	[sflag:s29] =	ssyncadd.s32 $0xFFFFD800  }
0x57: {  	_ =	swait.ge [sflag:s29], $0x2800  }
0x58: {  	[sflag:s29] =	ssyncset.done $0x0  }
0x59: {  	[sflag:s29] =	ssyncadd.s32 $0xFFFFD800  }
0x5a: {  	_ =	swait.ge [sflag:s29], $0x2800  }
0x5b: {  	[sflag:s29] =	ssyncset.done $0x0  }
0x5c: {  	[sflag:s29] =	ssyncadd.s32 $0xFFFFD800  }
0x5d: {  	_ =	swait.ge [sflag:s29], $0x2800  }
0x5e: {  	[sflag:s29] =	ssyncset.done $0x0  }
0x5f: {  	[sflag:s29] =	ssyncadd.s32 $0xFFFFD800  }
0x60: {  	_ =	swait.ge [sflag:s29], $0x2800  }
0x61: {  	[sflag:s29] =	ssyncset.done $0x0  }
0x62: {  	[sflag:s29] =	ssyncadd.s32 $0xFFFFD800  }
0x63: {  	_ =	swait.ge [sflag:s29], $0x2800  }
0x64: {  	[sflag:s29] =	ssyncset.done $0x0  }
0x65: {  	[sflag:s29] =	ssyncadd.s32 $0xFFFFD800  }
0x66: {  	s25 =	simm.s32 $0x0;
	s24 =	simm.s32 $0x0;
	[bflag:$0x0] =	sbarrier.arrive $0xFFFF  }
.LBB2_6:
0x67: {  	s26 =	sshll.u32 s25, $0x9  }
0x68: {  	s26 =	sadd.s32 s23, s26  }
0x69: {  	s15 =	sadd.s32 s1, s26  }
0x6a: {  	[tilespmem:s24], [sflag:$0x5] =	stream.linear.gather [hbm4b:s15+s24], $0x1000, $0x38;
	[tilespmem:$0x1D900] =	vst v63  }
0x6b: {  	_ =	swait.ge [sflag:s30], $0x1000  }
0x6c: {  	[sflag:s30] =	ssyncset.done $0x0  }
0x6d: {  	s26 =	sadd.s32 s14, s26;
	[sflag:s30] =	ssyncadd.s32 $0xFFFFF000  }
0x6e: {  	[tilespmem:s31], [sflag:$0x5] =	stream.linear.gather [hbm4b:s26+s24], $0x1000, $0x38;
	[tilespmem:$0x1D900] =	vst v63  }
0x6f: {  	_ =	swait.ge [sflag:s30], $0x1000  }
0x70: {  	[sflag:s30] =	ssyncset.done $0x0  }
0x71: {  	[sflag:s30] =	ssyncadd.s32 $0xFFFFF000  }
0x72: {  	[tilespmem:s28], [sflag:$0x1] =	stream.indirect.gather [hbm4b:s3+s2], $0x80, s24, s2, $0xb8;
	[tilespmem:$0x1D900] =	vst v63  }
0x73: {  	s26 =	simm.s32 $0x0  }
0x74: {  	[tilespmem:s6], [sflag:$0x2] =	stream.indirect.gather [hbm4b:s3+s2], $0x80, s0, s2, $0xb8;
	[tilespmem:$0x1D900] =	vst v63  }
.LBB2_7:
0x75: {  	_ =	swait.ge [sflag:s29], $0x2800  }
0x76: {  	[sflag:s29] =	ssyncset.done $0x0  }
0x77: {  	s15 =	sshra.s32 s26, $0x2;
	[sflag:s29] =	ssyncadd.s32 $0xFFFFD800  }
0x78: {  	v2 =	vld [tilespmem:s15+$0x1000];
	_ =	sdelay $0x7  }
0x79: {  	[tilespmem:v2+s7+$0x0] =	vst.idx.add.f32.msk $0xffff, v1  }
0x7a: {  	v2 =	vld [tilespmem:s15+$0x1010];
	_ =	sdelay $0x7  }
0x7b: {  	[tilespmem:v2+s7+$0x0] =	vst.idx.add.f32.msk $0xffff, v1  }
0x7c: {  	v2 =	vld [tilespmem:s15+$0x1020];
	_ =	sdelay $0x7  }
0x7d: {  	[tilespmem:v2+s7+$0x0] =	vst.idx.add.f32.msk $0xffff, v1  }
0x7e: {  	v2 =	vld [tilespmem:s15+$0x1030];
	_ =	sdelay $0x7  }
0x7f: {  	[tilespmem:v2+s7+$0x0] =	vst.idx.add.f32.msk $0xffff, v1  }
0x80: {  	v2 =	vld [tilespmem:s15+$0x1040];
	_ =	sdelay $0x7  }
0x81: {  	s16 =	sadd.s32 $0x1000, s15;
	[tilespmem:v2+s7+$0x0] =	vst.idx.add.f32.msk $0xffff, v1  }
0x82: {  	[spmem:s4] =	stream.indirect.scatter.add.f32 [tilespmem:s28], [sflag:$0x3], $0x80, s16, s2, $0xb8;
	[tilespmem:$0x1D900] =	vst v63  }
0x83: {  	_ =	swait.ge [sflag:s8], $0x2800  }
0x84: {  	[sflag:s8] =	ssyncset.done $0x0  }
0x85: {  	s16 =	sadd.s32 $0x100, s15;
	[sflag:s8] =	ssyncadd.s32 $0xFFFFD800  }
0x86: {  	[tilespmem:s28], [sflag:$0x1] =	stream.indirect.gather [hbm4b:s3+s2], $0x80, s16, s2, $0xb8;
	[tilespmem:$0x1D900] =	vst v63  }
0x87: {  	_ =	swait.ge [sflag:s9], $0x2800  }
0x88: {  	[sflag:s9] =	ssyncset.done $0x0  }
0x89: {  	[sflag:s9] =	ssyncadd.s32 $0xFFFFD800  }
0x8a: {  	v2 =	vld [tilespmem:s15+$0x1080];
	_ =	sdelay $0x7  }
0x8b: {  	[tilespmem:v2+s7+$0x0] =	vst.idx.add.f32.msk $0xffff, v1  }
0x8c: {  	v2 =	vld [tilespmem:s15+$0x1090];
	_ =	sdelay $0x7  }
0x8d: {  	[tilespmem:v2+s7+$0x0] =	vst.idx.add.f32.msk $0xffff, v1  }
0x8e: {  	v2 =	vld [tilespmem:s15+$0x10A0];
	_ =	sdelay $0x7  }
0x8f: {  	[tilespmem:v2+s7+$0x0] =	vst.idx.add.f32.msk $0xffff, v1  }
0x90: {  	v2 =	vld [tilespmem:s15+$0x10B0];
	_ =	sdelay $0x7  }
0x91: {  	[tilespmem:v2+s7+$0x0] =	vst.idx.add.f32.msk $0xffff, v1  }
0x92: {  	v2 =	vld [tilespmem:s15+$0x10C0];
	_ =	sdelay $0x7  }
0x93: {  	p1 =	sne.s32 s26, $0x3800;
	s16 =	sadd.s32 $0x1080, s15;
	[tilespmem:v2+s7+$0x0] =	vst.idx.add.f32.msk $0xffff, v1  }
0x94: {  	[spmem:s4] =	stream.indirect.scatter.add.f32 [tilespmem:s6], [sflag:$0x4], $0x80, s16, s2, $0xb8;
	[tilespmem:$0x1D900] =	vst v63  }
.Ltmp2:
0x95: {  	_ = 	snop;
	(pc) =	sbr.rel @p1 .LBB2_7-.Ltmp2, $4  }
0x96: {  	_ =	swait.ge [sflag:s10], $0x2800  }
0x97: {  	[sflag:s10] =	ssyncset.done $0x0  }
0x98: {  	s26 =	sadd.s32 $0x400, s26;
	s15 =	sadd.s32 $0x180, s15;
	[sflag:s10] =	ssyncadd.s32 $0xFFFFD800  }
0x99: {  	[tilespmem:s6], [sflag:$0x2] =	stream.indirect.gather [hbm4b:s3+s2], $0x80, s15, s2, $0xb8;
	[tilespmem:$0x1D900] =	vst v63  }
0x9a: {  	_ =	swait.ge [sflag:s29], $0x2800  }
0x9b: {  	[sflag:s29] =	ssyncset.done $0x0  }
0x9c: {  	[sflag:s29] =	ssyncadd.s32 $0xFFFFD800  }
0x9d: {  	v2 =	vld [tilespmem:$0x1F00];
	_ =	sdelay $0x7  }
0x9e: {  	[tilespmem:v2+s7+$0x0] =	vst.idx.add.f32.msk $0xffff, v1  }
0x9f: {  	v2 =	vld [tilespmem:$0x1F10];
	_ =	sdelay $0x7  }
0xa0: {  	[tilespmem:v2+s7+$0x0] =	vst.idx.add.f32.msk $0xffff, v1  }
0xa1: {  	v2 =	vld [tilespmem:$0x1F20];
	_ =	sdelay $0x7  }
0xa2: {  	[tilespmem:v2+s7+$0x0] =	vst.idx.add.f32.msk $0xffff, v1  }
0xa3: {  	v2 =	vld [tilespmem:$0x1F30];
	_ =	sdelay $0x7  }
0xa4: {  	[tilespmem:v2+s7+$0x0] =	vst.idx.add.f32.msk $0xffff, v1  }
0xa5: {  	v2 =	vld [tilespmem:$0x1F40];
	_ =	sdelay $0x7  }
0xa6: {  	[tilespmem:v2+s7+$0x0] =	vst.idx.add.f32.msk $0xffff, v1  }
0xa7: {  	[spmem:s4] =	stream.indirect.scatter.add.f32 [tilespmem:s28], [sflag:$0x3], $0x80, s11, s2, $0xb8;
	[tilespmem:$0x1D900] =	vst v63  }
0xa8: {  	_ =	swait.ge [sflag:s8], $0x2800  }
0xa9: {  	[sflag:s8] =	ssyncset.done $0x0  }
0xaa: {  	[sflag:s8] =	ssyncadd.s32 $0xFFFFD800  }
0xab: {  	_ =	swait.ge [sflag:s9], $0x2800  }
0xac: {  	[sflag:s9] =	ssyncset.done $0x0  }
0xad: {  	[sflag:s9] =	ssyncadd.s32 $0xFFFFD800  }
0xae: {  	v2 =	vld [tilespmem:$0x1F80];
	_ =	sdelay $0x7  }
0xaf: {  	[tilespmem:v2+s7+$0x0] =	vst.idx.add.f32.msk $0xffff, v1  }
0xb0: {  	v2 =	vld [tilespmem:$0x1F90];
	_ =	sdelay $0x7  }
0xb1: {  	[tilespmem:v2+s7+$0x0] =	vst.idx.add.f32.msk $0xffff, v1  }
0xb2: {  	v2 =	vld [tilespmem:$0x1FA0];
	_ =	sdelay $0x7  }
0xb3: {  	[tilespmem:v2+s7+$0x0] =	vst.idx.add.f32.msk $0xffff, v1  }
0xb4: {  	v2 =	vld [tilespmem:$0x1FB0];
	_ =	sdelay $0x7  }
0xb5: {  	[tilespmem:v2+s7+$0x0] =	vst.idx.add.f32.msk $0xffff, v1  }
0xb6: {  	v2 =	vld [tilespmem:$0x1FC0];
	_ =	sdelay $0x5  }
0xb7: {  	s25 =	sadd.s32 $0x1, s25  }
0xb8: {  	p1 =	sne.s32 s25, $0x4  }
.Ltmp3:
0xb9: {  	[tilespmem:v2+s7+$0x0] =	vst.idx.add.f32.msk $0xffff, v1;
	(pc) =	sbr.rel @p1 .LBB2_6-.Ltmp3, $4  }
0xba: {  	[spmem:s4] =	stream.indirect.scatter.add.f32 [tilespmem:s6], [sflag:$0x4], $0x80, s12, s2, $0xb8;
	[tilespmem:$0x1D900] =	vst v63  }
0xbb: {  	_ =	swait.ge [sflag:s10], $0x2800  }
0xbc: {  	[sflag:s10] =	ssyncset.done $0x0  }
0xbd: {  	[sflag:s10] =	ssyncadd.s32 $0xFFFFD800  }
0xbe: {  	s15 =	rddreg [dreg:$0xf];
	s16 =	simm.s32 $0x400  }
0xbf: {  	[hbm4b:s15+s0] =	stream.strided.scatter [tilespmem:s7], [sflag:$0x5], $0x2800, s16, s0, $0x38;
	[tilespmem:$0x1D900] =	vst v63  }
0xc0: {  	_ =	swait.ge [sflag:s30], $0x2800  }
0xc1: {  	[sflag:s30] =	ssyncset.done $0x0  }
0xc2: {  	[sflag:s30] =	ssyncadd.s32 $0xFFFFD800  }
0xc3: {  	[bflag:$0x0] =	sbarrier.arrive $0xFFFF  }
0xc4: {  	[tilespmem:s28], [sflag:$0x1] =	stream.linear.gather [spmem:s17], $0x2800, $0x38;
	[tilespmem:$0x1D900] =	vst v63  }
0xc5: {  	s26 =	smov.u32 s17;
	s17 =	rddreg [dreg:$0xd]  }
0xc6: {  	[tilespmem:s6], [sflag:$0x2] =	stream.linear.gather [spmem:s17], $0x2800, $0x38;
	[tilespmem:$0x1D900] =	vst v63  }
0xc7: {  	_ =	swait.ge [sflag:s29], $0x2800  }
0xc8: {  	[sflag:s29] =	ssyncset.done $0x0  }
0xc9: {  	s24 =	rddreg [dreg:$0x5];
	[sflag:s29] =	ssyncadd.s32 $0xFFFFD800  }
0xca: {  	[hbm4b:s24+s5] =	stream.linear.scatter [tilespmem:s28], [sflag:$0x3], $0x2800, $0x38;
	[tilespmem:$0x1D900] =	vst v63  }
0xcb: {  	_ =	swait.ge [sflag:s8], $0x2800  }
0xcc: {  	[sflag:s8] =	ssyncset.done $0x0  }
0xcd: {  	s25 =	rddreg [dreg:$0xe];
	[sflag:s8] =	ssyncadd.s32 $0xFFFFD800  }
0xce: {  	[tilespmem:s28], [sflag:$0x1] =	stream.linear.gather [spmem:s25], $0x2800, $0x38;
	[tilespmem:$0x1D900] =	vst v63  }
0xcf: {  	_ =	swait.ge [sflag:s9], $0x2800  }
0xd0: {  	[sflag:s9] =	ssyncset.done $0x0  }
0xd1: {  	s16 =	rddreg [dreg:$0x6];
	[sflag:s9] =	ssyncadd.s32 $0xFFFFD800  }
0xd2: {  	[hbm4b:s16+s5] =	stream.linear.scatter [tilespmem:s6], [sflag:$0x4], $0x2800, $0x38;
	[tilespmem:$0x1D900] =	vst v63  }
0xd3: {  	_ =	swait.ge [sflag:s10], $0x2800  }
0xd4: {  	[sflag:s10] =	ssyncset.done $0x0  }
0xd5: {  	[sflag:s10] =	ssyncadd.s32 $0xFFFFD800  }
0xd6: {  	[tilespmem:s6], [sflag:$0x2] =	stream.linear.gather [spmem:s18], $0x2800, $0x38;
	[tilespmem:$0x1D900] =	vst v63  }
0xd7: {  	_ =	swait.ge [sflag:s29], $0x2800  }
0xd8: {  	[sflag:s29] =	ssyncset.done $0x0  }
0xd9: {  	s17 =	rddreg [dreg:$0x7];
	[sflag:s29] =	ssyncadd.s32 $0xFFFFD800  }
0xda: {  	[hbm4b:s17+s5] =	stream.linear.scatter [tilespmem:s28], [sflag:$0x3], $0x2800, $0x38;
	[tilespmem:$0x1D900] =	vst v63  }
0xdb: {  	_ =	swait.ge [sflag:s8], $0x2800  }
0xdc: {  	[sflag:s8] =	ssyncset.done $0x0  }
0xdd: {  	[sflag:s8] =	ssyncadd.s32 $0xFFFFD800  }
0xde: {  	[tilespmem:s28], [sflag:$0x1] =	stream.linear.gather [spmem:s19], $0x2800, $0x38;
	[tilespmem:$0x1D900] =	vst v63  }
0xdf: {  	_ =	swait.ge [sflag:s9], $0x2800  }
0xe0: {  	[sflag:s9] =	ssyncset.done $0x0  }
0xe1: {  	s24 =	rddreg [dreg:$0x8];
	[sflag:s9] =	ssyncadd.s32 $0xFFFFD800  }
0xe2: {  	[hbm4b:s24+s5] =	stream.linear.scatter [tilespmem:s6], [sflag:$0x4], $0x2800, $0x38;
	[tilespmem:$0x1D900] =	vst v63  }
0xe3: {  	_ =	swait.ge [sflag:s10], $0x2800  }
0xe4: {  	[sflag:s10] =	ssyncset.done $0x0  }
0xe5: {  	[sflag:s10] =	ssyncadd.s32 $0xFFFFD800  }
0xe6: {  	[tilespmem:s6], [sflag:$0x2] =	stream.linear.gather [spmem:s20], $0x2800, $0x38;
	[tilespmem:$0x1D900] =	vst v63  }
0xe7: {  	_ =	swait.ge [sflag:s29], $0x2800  }
0xe8: {  	[sflag:s29] =	ssyncset.done $0x0  }
0xe9: {  	s25 =	rddreg [dreg:$0x9];
	[sflag:s29] =	ssyncadd.s32 $0xFFFFD800  }
0xea: {  	[hbm4b:s25+s5] =	stream.linear.scatter [tilespmem:s28], [sflag:$0x3], $0x2800, $0x38;
	[tilespmem:$0x1D900] =	vst v63  }
0xeb: {  	_ =	swait.ge [sflag:s8], $0x2800  }
0xec: {  	[sflag:s8] =	ssyncset.done $0x0  }
0xed: {  	[sflag:s8] =	ssyncadd.s32 $0xFFFFD800  }
0xee: {  	[tilespmem:s28], [sflag:$0x1] =	stream.linear.gather [spmem:s21], $0x2800, $0x38;
	[tilespmem:$0x1D900] =	vst v63  }
0xef: {  	_ =	swait.ge [sflag:s9], $0x2800  }
0xf0: {  	[sflag:s9] =	ssyncset.done $0x0  }
0xf1: {  	s16 =	rddreg [dreg:$0xa];
	[sflag:s9] =	ssyncadd.s32 $0xFFFFD800  }
0xf2: {  	[hbm4b:s16+s5] =	stream.linear.scatter [tilespmem:s6], [sflag:$0x4], $0x2800, $0x38;
	[tilespmem:$0x1D900] =	vst v63  }
0xf3: {  	_ =	swait.ge [sflag:s10], $0x2800  }
0xf4: {  	[sflag:s10] =	ssyncset.done $0x0  }
0xf5: {  	[sflag:s10] =	ssyncadd.s32 $0xFFFFD800  }
0xf6: {  	[tilespmem:s6], [sflag:$0x2] =	stream.linear.gather [spmem:s22], $0x2800, $0x38;
	[tilespmem:$0x1D900] =	vst v63  }
0xf7: {  	_ =	swait.ge [sflag:s29], $0x2800  }
0xf8: {  	[sflag:s29] =	ssyncset.done $0x0  }
0xf9: {  	s17 =	rddreg [dreg:$0xb];
	[sflag:s29] =	ssyncadd.s32 $0xFFFFD800  }
0xfa: {  	[hbm4b:s17+s5] =	stream.linear.scatter [tilespmem:s28], [sflag:$0x3], $0x2800, $0x38;
	[tilespmem:$0x1D900] =	vst v63  }
0xfb: {  	_ =	swait.ge [sflag:s9], $0x2800  }
0xfc: {  	[sflag:s9] =	ssyncset.done $0x0  }
0xfd: {  	s24 =	rddreg [dreg:$0xc];
	[sflag:s9] =	ssyncadd.s32 $0xFFFFD800  }
0xfe: {  	[hbm4b:s24+s5] =	stream.linear.scatter [tilespmem:s6], [sflag:$0x4], $0x2800, $0x38;
	[tilespmem:$0x1D900] =	vst v63  }
0xff: {  	_ =	swait.ge [sflag:s8], $0x2800  }
0x100: {  	[sflag:s8] =	ssyncset.done $0x0  }
0x101: {  	[sflag:s8] =	ssyncadd.s32 $0xFFFFD800  }
0x102: {  	_ =	swait.ge [sflag:s10], $0x2800  }
0x103: {  	s13 =	sadd.s32 $0x1, s13;
	s25 =	rddreg [dreg:$0x10]  }
0x104: {  	p1 =	sne.s32 s13, s25  }
.Ltmp4:
0x105: {  	_ = 	snop;
	(pc) =	sbr.rel @p1 .LBB2_1-.Ltmp4, $3  }
0x106: {  	_ =	sdelay $0x1  }
0x107: {  	[sflag:s10] =	ssyncset.done $0x0  }
0x108: {  	[sflag:s10] =	ssyncadd.s32 $0xFFFFD800  }
0x109: {  	_ =	sfence.sel $0x180000  }
0x10a: {  	[bflag:$0x0] =	sbarrier.arrive $0xFFFF  }
0x10b: {  	_ =	strace $0x90000047  }
0x10c: {  	s0 =	stileid.u32;
	[bflag:$0x2] =	sbarrier.arrive $0xFFFF  }
0x10d: {  	p0 =	sne.s32 s0, $0x0;
	s0 =	rddreg [dreg:$0x4]  }
0x10e: {  	s0 =	sadd.s32 @!p0 $0x100000, s0  }
0x10f: {  	[sflag:s0] =	ssyncadd.tile.s32 @!p0 $0x1;
	_ =	shalt  }
.Lfunc_end2:
_tile_overlayer_lowered:
.L_overlay_start_2:
0x110: {  	(tag) =	ssettag $0x2  }
0x111: {  	s0 =	rddreg [dreg:$0x0];
	s2 =	stileid.u32  }
0x112: {  	s1 =	rddreg [dreg:$0x1];
	p0 =	sne.s32 s2, $0x0  }
0x113: {  	s3 =	rddreg [dreg:$0x2];
	[bflag:$0x3] =	sbarrier.arrive $0xFFFF;
	s2 =	simm.s32 @!p0 $0x1C05  }
0x114: {  	[timem:s3], [sflag:s2] =	dma.local @!p0 [hbm:s0], s1  }
0x115: {  	s0 =	simm.s32 @!p0 $0x5  }
0x116: {  	_ =	swait.ge @!p0 [sflag:s0], s1  }
0x117: {  	s1 =	ssub.s32 @!p0 $0x0, s1;
	[sflag:s0] =	ssyncset.done @!p0 $0x0  }
0x118: {  	[sflag:s0] =	ssyncadd.s32 @!p0 s1  }
0x119: {  	[bflag:$0x3] =	sbarrier.arrive $0xFFFF  }
0x11a: {  	_ =	shalt  }

// kernel: kernel.9.cloned.1.call-start
scs
__scs_entry_jumppad:
0x0: {  	(pc) =	sbr.rel $0x88, $3  }
0x1: {  	(tag) =	ssettag $0x0;
	lr =	simm.s32 $0x1  }
0x2: {  	[smem:$0x3F96] =	sst lr;
	_ =	strace $0xD0000000  }
0x3: {  	_ = 	snop  }
0x4: {  	_ = 	snop  }
0x5: {  	_ = 	snop  }
0x6: {  	_ = 	snop  }
0x7: {  	_ = 	snop  }
__scs_overlays_trampoline_lowered:
0x8: {  	[smem:$0x3FA5] =	sst s0  }
0x9: {  	[smem:$0x3FA6] =	sst s1  }
0xa: {  	[smem:$0x3FA7] =	sst s2  }
0xb: {  	[smem:$0x3FA8] =	sst s3  }
0xc: {  	[smem:$0x3FA9] =	sst s4  }
0xd: {  	[smem:$0x3FAA] =	sst s5  }
0xe: {  	[smem:$0x3FAB] =	sst s6  }
0xf: {  	[smem:$0x3FAC] =	sst s7  }
0x10: {  	[smem:$0x3FAD] =	sst s8  }
0x11: {  	[smem:$0x3FAE] =	sst s9;
	s0 =	simm.s32 @!p0 $0x0  }
0x12: {  	s1 =	sld [smem:$0x3F94];
	s0 =	simm.s32 @p0 $0x1  }
0x13: {  	[smem:$0x3FAF] =	sst s0;
	s0 =	simm.s32 @!p1 $0x0  }
0x14: {  	s2 =	sld [smem:$0x3F93];
	s0 =	simm.s32 @p1 $0x1  }
0x15: {  	[smem:$0x3FB0] =	sst s0;
	s0 =	simm.s32 @!p2 $0x0  }
0x16: {  	s3 =	sld [smem:$0x3FDB];
	s0 =	simm.s32 @p2 $0x1  }
0x17: {  	s4 =	simm.s32 $0x1BF5;
	[smem:$0x3FB2] =	sst s0  }
0x18: {  	s0 =	sld [smem:$0x3F95];
	_ =	swait.ge [sflag:s4], $0x0  }
0x19: {  	s7 =	sld [smem:$0x3F96]  }
0x1a: {  	s8 =	sadd.s32 $0xFFFFE003, lr  }
0x1b: {  	s9 =	sadd.s32 $0xFFFFFEF7, lr;
	s5 =	simm.s32 $0xFFFFFFFF;
	p2 =	slt.u32 s8, $0xFFFFF086  }
0x1c: {  	p1 =	slt.u32 s9, $0xF7A;
	s5 =	simm.s32 @!p2 $0x0  }
0x1d: {  	s5 =	simm.s32 @p1 $0x1;
	p0 =	seq.s32 s7, s2  }
0x1e: {  	s7 =	smul.u32 @!p0 $0xF7A, s2;
	p2 =	seq.s32 @!p0 s5, $0x0  }
0x1f: {  	s9 =	smul.u32 $0xF7A, s1;
	s8 =	simm.s32 @!p0 $0x1BF5;
	p2 =	por !p2, p0  }
0x20: {  	[sflag:s8] =	ssyncset.s32 @!p0 $0xFFFFF086;
	s6 =	sadd.s32 @!p0 s3, s7;
	s7 =	simm.s32 @!p0 $0x108  }
0x21: {  	s3 =	sadd.s32 s3, s9;
	s6 =	sadd.s32 @!p0 $0x88, s6;
	s7 =	simm.s32 @p2 $0x1082  }
0x22: {  	[simem:s7], [sflag:s8] =	dma.local @!p0 [hbm:s6], $0xF7A  }
0x23: {  	s9 =	sor.u32 $0xD0000000, s2;
	s6 =	simm.s32 $0x108;
	_ =	swait.ge @!p0 [sflag:s8], $0x0  }
0x24: {  	s3 =	sadd.s32 $0x88, s3;
	s6 =	simm.s32 @!p1 $0x1082;
	[sflag:s4] =	ssyncset.s32 $0xFFFFF086  }
0x25: {  	[simem:s6], [sflag:s4] =	dma.local [hbm:s3], $0xF7A  }
0x26: {  	[smem:$0x3F96] =	sst s1;
	(tag) =	ssettag s2;
	_ =	strace s9  }
0x27: {  	s1 =	sld [smem:$0x3FA6]  }
0x28: {  	s2 =	sld [smem:$0x3FA7]  }
0x29: {  	s4 =	sld [smem:$0x3FA9]  }
0x2a: {  	p0 =	seq.s32 s5, $0x0;
	s5 =	sld [smem:$0x3FAA]  }
0x2b: {  	s6 =	sld [smem:$0x3FAB]  }
0x2c: {  	s7 =	sld [smem:$0x3FAC]  }
0x2d: {  	s3 =	simm.s32 $0x108;
	s8 =	sld [smem:$0x3FAD]  }
0x2e: {  	s3 =	simm.s32 @!p0 $0x1082;
	s9 =	sld [smem:$0x3FAE]  }
0x2f: {  	lr =	sadd.s32 s0, s3;
	s0 =	sld [smem:$0x3FA5]  }
0x30: {  	s3 =	sld [smem:$0x3FA8]  }
0x31: {  	[smem:$0x3FB1] =	sst s10  }
0x32: {  	s10 =	sld [smem:$0x3FAF];
	_ =	sdelay $0x3  }
0x33: {  	p0 =	seq.s32 s10, $0x1;
	s10 =	sld [smem:$0x3FB1];
	_ =	sdelay $0x3  }
0x34: {  	[smem:$0x3FB1] =	sst s10  }
0x35: {  	s10 =	sld [smem:$0x3FB0];
	_ =	sdelay $0x3  }
0x36: {  	p1 =	seq.s32 s10, $0x1;
	s10 =	sld [smem:$0x3FB1];
	_ =	sdelay $0x3  }
0x37: {  	[smem:$0x3FB1] =	sst s10  }
0x38: {  	s10 =	sld [smem:$0x3FB2]  }
0x39: {  	_ = 	snop;
	(pc) =	sbr.ind lr, $3  }
0x3a: {  	_ = 	snop  }
0x3b: {  	_ = 	snop  }
0x3c: {  	p2 =	seq.s32 s10, $0x1;
	s10 =	sld [smem:$0x3FB1]  }
0x3d: {  	_ =	shalt  }
0x3e: {  	_ =	shalt  }
0x3f: {  	_ =	shalt  }
0x40: {  	_ =	shalt  }
0x41: {  	_ =	shalt  }
0x42: {  	_ =	shalt  }
0x43: {  	_ =	shalt  }
0x44: {  	_ =	shalt  }
0x45: {  	_ =	shalt  }
0x46: {  	_ =	shalt  }
0x47: {  	_ =	shalt  }
0x48: {  	_ =	shalt  }
0x49: {  	_ =	shalt  }
0x4a: {  	_ =	shalt  }
0x4b: {  	_ =	shalt  }
0x4c: {  	_ =	shalt  }
0x4d: {  	_ =	shalt  }
0x4e: {  	_ =	shalt  }
0x4f: {  	_ =	shalt  }
0x50: {  	_ =	shalt  }
0x51: {  	_ =	shalt  }
0x52: {  	_ =	shalt  }
0x53: {  	_ =	shalt  }
0x54: {  	_ =	shalt  }
0x55: {  	_ =	shalt  }
0x56: {  	_ =	shalt  }
0x57: {  	_ =	shalt  }
0x58: {  	_ =	shalt  }
0x59: {  	_ =	shalt  }
0x5a: {  	_ =	shalt  }
0x5b: {  	_ =	shalt  }
0x5c: {  	_ =	shalt  }
0x5d: {  	_ =	shalt  }
0x5e: {  	_ =	shalt  }
0x5f: {  	_ =	shalt  }
0x60: {  	_ =	shalt  }
0x61: {  	_ =	shalt  }
0x62: {  	_ =	shalt  }
0x63: {  	_ =	shalt  }
0x64: {  	_ =	shalt  }
0x65: {  	_ =	shalt  }
0x66: {  	_ =	shalt  }
0x67: {  	_ =	shalt  }
0x68: {  	_ =	shalt  }
0x69: {  	_ =	shalt  }
0x6a: {  	_ =	shalt  }
0x6b: {  	_ =	shalt  }
0x6c: {  	_ =	shalt  }
0x6d: {  	_ =	shalt  }
0x6e: {  	_ =	shalt  }
0x6f: {  	_ =	shalt  }
0x70: {  	_ =	shalt  }
0x71: {  	_ =	shalt  }
0x72: {  	_ =	shalt  }
0x73: {  	_ =	shalt  }
0x74: {  	_ =	shalt  }
0x75: {  	_ =	shalt  }
0x76: {  	_ =	shalt  }
0x77: {  	_ =	shalt  }
0x78: {  	_ =	shalt  }
0x79: {  	_ =	shalt  }
0x7a: {  	_ =	shalt  }
0x7b: {  	_ =	shalt  }
0x7c: {  	_ =	shalt  }
0x7d: {  	_ =	shalt  }
0x7e: {  	_ =	shalt  }
0x7f: {  	_ =	shalt  }
0x80: {  	_ =	shalt  }
0x81: {  	_ =	shalt  }
0x82: {  	_ =	shalt  }
0x83: {  	_ =	shalt  }
0x84: {  	_ =	shalt  }
0x85: {  	_ =	shalt  }
0x86: {  	_ =	shalt  }
0x87: {  	_ =	shalt  }
.Lfunc_end0:
.L_simem_size_0:
called_computation.1_lowered:
.L_overlay_start_0:
0x88: {  	s2 =	sld [smem:$0x3FD9]  }
0x89: {  	s3 =	sld [smem:$0x3FFE];
	_ =	sdelay $0x1  }
0x8a: {  	s1 =	srdreg.scid  }
0x8b: {  	s0 =	sand.u32 $0x1, s1  }
0x8c: {  	s16 =	sshll.u32 s0, $0xA;
	s2 =	sadd.s32 s3, s2  }
0x8d: {  	s2 =	sadd.s32 s2, s16  }
0x8e: {  	[smem:$0x3FBD] =	sst s2  }
0x8f: {  	_ = 	snop  }
0x90: {  	(tm) =	ssettm $0x1  }
0x91: {  	s17 =	sld [smem:$0x3FFB];
	_ =	sdelay $0x3  }
0x92: {  	_ =	strace s17  }
0x93: {  	s2 =	sld [smem:$0x3FFC];
	_ =	sdelay $0x3  }
0x94: {  	_ =	strace s2  }
0x95: {  	s2 =	sld [smem:$0x3FFD];
	_ =	sdelay $0x3  }
0x96: {  	_ =	strace s2  }
0x97: {  	_ =	strace $0x8FFFFFFF  }
0x98: {  	s18 =	sld [smem:$0x3FDB];
	_ =	sdelay $0x1  }
0x99: {  	s19 =	simm.s32 $_scs_section_size  }
0x9a: {  	s4 =	simm.s32 $_size__tile_overlayer_lowered;
	s5 =	simm.s32 $_tile_overlayer_lowered  }
0x9b: {  	s22 =	simm.s32 $0x1BFF;
	s21 =	sshll.u32 s5, $0x1;
	s2 =	sadd.s32 s19, s18  }
0x9c: {  	s6 =	simm.s32 $0x0;
	s20 =	sshll.u32 s4, $0x1;
	s4 =	sadd.s32 s21, s2  }
0x9d: {  	[timem:s6], [sflag:s22] =	dma.local [hbm:s4], s20  }
0x9e: {  	_ =	swait.ge [sflag:s22], s20  }
0x9f: {  	s3 =	ssub.s32 $0x0, s20;
	[sflag:s22] =	ssyncset.done $0x0  }
0xa0: {  	[sflag:s22] =	ssyncadd.s32 s3;
	_ =	sdelay $0x1  }
0xa1: {  	s23 =	simm.s32 $0x1B8B  }
0xa2: {  	_ =	swait.ge [sflag:s23], $0x1  }
0xa3: {  	[sflag:s23] =	ssyncset.done $0x0  }
0xa4: {  	s25 =	simm.s32 $0x1B8E;
	s24 =	sld [smem:$0x3FFE];
	[sflag:s23] =	ssyncadd.s32 $0xFFFFFFFF  }
0xa5: {  	s26 =	simm.s32 $execute0_lowered;
	[smem:$0x3FD2] =	sst s25  }
0xa6: {  	s4 =	sshll.u32 s26, $0x1;
	_ =	strace $0x80000049;
	[dreg:$0x1] =	wrdreg $0xFFFFFFFF  }
0xa7: {  	s28 =	simm.s32 $_size_execute0_lowered;
	s2 =	sadd.s32 s2, s4;
	[dreg:$0x0] =	wrdreg $0x0  }
0xa8: {  	s4 =	sshll.u32 s28, $0x1;
	[dreg:$0x2] =	wrdreg s2  }
0xa9: {  	[dreg:$0x3] =	wrdreg s4  }
0xaa: {  	[dreg:$0x4] =	wrdreg $0xC0  }
0xab: {  	_ =	task [dreg:s6], $0x5FFFF  }
0xac: {  	[dreg:$0x1] =	wrdreg $0xFFFFFFFF  }
0xad: {  	[dreg:$0x0] =	wrdreg $0x60  }
0xae: {  	[dreg:$0x2] =	wrdreg s24  }
0xaf: {  	[dreg:$0x3] =	wrdreg $0x90000  }
0xb0: {  	[dreg:$0x4] =	wrdreg $0x9  }
0xb1: {  	_ =	task.clear_ibuf [dreg:s6], $0x5FFFF;
	_ =	strace $0x90000049  }
0xb2: {  	s29 =	simm.s32 $0x9;
	_ =	strace $0x8000004B  }
0xb3: {  	_ =	swait.ge [sflag:s29], $0x1  }
0xb4: {  	[sflag:s29] =	ssyncadd.s32 $0xFFFFFFFF  }
0xb5: {  	_ =	strace $0x9000004B  }
0xb6: {  	_ =	sfence  }
0xb7: {  	s30 =	sld [smem:$0x0];
	_ =	sdelay $0x2  }
0xb8: {  	s31 =	sshll.u32 s1, $0xD;
	s1 =	sshrl.u32 s1, $0x2  }
0xb9: {  	s3 =	sand.u32 $0x4000, s31;
	s1 =	sadd.s32 s1, s30  }
0xba: {  	s0 =	sor.u32 s3, s0;
	s1 =	sshll.u32 s1, $0x11  }
0xbb: {  	s0 =	sor.u32 s1, s0  }
0xbc: {  	s0 =	sadd.s32 $0x8F2B, s0  }
0xbd: {  	[sflag:s0] =	ssyncadd.remote.s32 $0x1  }
0xbe: {  	_ =	sfence.sel $0xFFFF  }
0xbf: {  	[dreg:$0x0] =	wrdreg $0xFFFFFFFF;
	(pc) =	sbr.abs _section_cstart, $3  }
0xc0: {  	[dreg:$0x1] =	wrdreg $0xFFFFFFFF  }
0xc1: {  	_ =	task.clear_ibuf [dreg:s6], $0x2FFFF;
	_ =	strace $0x9FFFFFFF  }
0xc2: {  	(tm) =	ssettm $0x7FFFFFFF  }
0xc3: {  	_ =	shalt  }
tec
execute0_lowered:
.L_overlay_start_1:
0x0: {  	(tag) =	ssettag $0x1  }
0x1: {  	s0 =	srdreg.scid;
	s1 =	rddreg [dreg:$0x0]  }
0x2: {  	s12 =	stileid.u32;
	s2 =	rddreg [dreg:$0x1]  }
0x3: {  	s3 =	simm.s32 $0x0;
	s14 =	simm.s32 $0x180;
	s15 =	simm.s32 $0x900  }
0x4: {  	s17 =	simm.s32 $0x200;
	s18 =	simm.s32 $0x980;
	s28 =	simm.s32 $0xC00  }
0x5: {  	s29 =	simm.s32 $0x500;
	s30 =	simm.s32 $0xC80;
	s31 =	simm.s32 $0x580  }
0x6: {  	s5 =	smul.u32 $0x2800, s12;
	[smem:$0x7FF] =	sst s3;
	s25 =	sadd.s32 $0x140000, s2  }
0x7: {  	s19 =	smul.u32 $0x50000, s12;
	_ =	strace $0x8000004A;
	[dreg:$0x18] =	wrdreg s25  }
0x8: {  	s0 =	sand.u32 $0x1, s0;
	s8 =	smul.u32 $0x14000, s12;
	[dreg:$0x7] =	wrdreg s14  }
0x9: {  	p0 =	sne.s32 s12, $0xF;
	s12 =	simm.s32 $0xE00;
	[dreg:$0x8] =	wrdreg s15  }
0xa: {  	s4 =	smul.u32 $0x28000, s0;
	s7 =	ssub.s32 $0x2, s0;
	[dreg:$0x9] =	wrdreg s17  }
0xb: {  	s0 =	smul.u32 $0x140000, s0;
	s17 =	simm.s32 $0x1000;
	[dreg:$0xa] =	wrdreg s18  }
0xc: {  	s18 =	simm.s32 $0x1;
	s25 =	simm.s32 $0x400;
	s14 =	simm.s32 $0xE80  }
0xd: {  	s15 =	simm.s32 $0x780;
	s9 =	sshrl.u32 s7, $0x1;
	s20 =	sadd.s32 $0x4000, s8  }
0xe: {  	s22 =	sadd.s32 $0x8000, s8;
	s10 =	sadd.s32 $0xC000, s8;
	s11 =	sadd.s32 $0x10000, s8  }
0xf: {  	[dreg:$0x11] =	wrdreg s25;
	s25 =	simm.s32 $0x4;
	s4 =	sadd.s32 s5, s4  }
0x10: {  	s7 =	ssub.s32 s7, s9;
	s5 =	sshrl.u32 s19, $0x2;
	s21 =	sadd.s32 s20, s2  }
0x11: {  	s13 =	sadd.s32 s22, s2;
	s23 =	sadd.s32 s10, s2;
	s24 =	sadd.s32 s11, s2  }
0x12: {  	s8 =	sadd.s32 s8, s0;
	s9 =	sadd.s32 s0, s20;
	[dreg:$0x14] =	wrdreg s21  }
0x13: {  	s19 =	simm.s32 $0x280;
	s20 =	simm.s32 $0xA00;
	[dreg:$0x15] =	wrdreg s13  }
0x14: {  	s4 =	sshrl.u32 s4, $0x3;
	s5 =	sadd.s32 s5, s2;
	[dreg:$0x16] =	wrdreg s23  }
0x15: {  	[dreg:$0x17] =	wrdreg s24;
	s8 =	sshrl.u32 s8, $0x3;
	s9 =	sshrl.u32 s9, $0x3  }
0x16: {  	s13 =	simm.s32 $0x880;
	s16 =	smax.u32 s7, $0x1;
	[dreg:$0xb] =	wrdreg s19  }
0x17: {  	s19 =	simm.s32 $0x5;
	[dreg:$0xc] =	wrdreg s20;
	s21 =	simm.s32 $0x300  }
0x18: {  	s20 =	simm.s32 $0x800;
	s23 =	simm.s32 $0x380;
	[dreg:$0x13] =	wrdreg s5  }
0x19: {  	s24 =	simm.s32 $0xB00;
	s7 =	simm.s32 $0x0;
	[dreg:$0x6] =	wrdreg s13  }
0x1a: {  	s6 =	sadd.s32 s4, s1;
	s4 =	sadd.s32 $0x1600, s1;
	[dreg:$0x1e] =	wrdreg s16  }
0x1b: {  	s1 =	sadd.s32 $0xA7600, s1;
	s5 =	sadd.s32 s0, s22;
	[dreg:$0xd] =	wrdreg s21  }
0x1c: {  	s22 =	simm.s32 $0xA80;
	s21 =	simm.s32 $0x80;
	[dreg:$0xf] =	wrdreg s23  }
0x1d: {  	s23 =	simm.s32 $0x3;
	[dreg:$0x10] =	wrdreg s24;
	s24 =	simm.s32 $0x2  }
0x1e: {  	s13 =	simm.s32 $0x700;
	s8 =	sadd.s32 s1, s8;
	[dreg:$0xe] =	wrdreg s22  }
0x1f: {  	s16 =	simm.s32 $0xF00;
	s26 =	sadd.s32 s1, s9;
	[dreg:$0x19] =	wrdreg s8  }
0x20: {  	s5 =	sshrl.u32 s5, $0x3;
	s9 =	sadd.s32 $0x75600, s6;
	[dreg:$0x1a] =	wrdreg s26  }
0x21: {  	s6 =	sadd.s32 $0x6B600, s6;
	s22 =	simm.s32 $0x5000;
	[dreg:$0x3] =	wrdreg s9  }
0x22: {  	s5 =	sadd.s32 s1, s5;
	s8 =	sadd.s32 s0, s10;
	[dreg:$0x4] =	wrdreg s6  }
0x23: {  	s10 =	simm.s32 $0x100;
	s0 =	sadd.s32 s0, s11;
	[dreg:$0x1b] =	wrdreg s5  }
0x24: {  	s26 =	simm.s32 $0xB80;
	s11 =	simm.s32 $0x680;
	[dreg:$0x5] =	wrdreg s10  }
0x25: {  	s5 =	sshrl.u32 s8, $0x3;
	s0 =	sshrl.u32 s0, $0x3;
	[dreg:$0x12] =	wrdreg s26  }
0x26: {  	s26 =	simm.s32 $0x480;
	s10 =	simm.s32 $0xD80;
	s5 =	sadd.s32 s1, s5  }
0x27: {  	s0 =	sadd.s32 s1, s0;
	s1 =	simm.s32 $0xD00;
	[dreg:$0x1c] =	wrdreg s5  }
0x28: {  	v0 =	vimm.f32 $0.0e+00;
	[dreg:$0x1d] =	wrdreg s0;
	s0 =	simm.s32 $0x600;
	s5 =	simm.s32 $0xF80  }
.LBB2_1:
0x29: {  	[dreg:$0x1f] =	wrdreg s7;
	s7 =	simm.s32 $0x0;
	s8 =	simm.s32 $0x200  }
.LBB2_2:
0x2a: {  	p1 =	sne.s32 s8, $0xFE00;
	[tilespmem:s7+$0x1070] =	vst v0  }
0x2b: {  	[tilespmem:s7+$0x1000] =	vst v0  }
0x2c: {  	[tilespmem:s7+$0x1010] =	vst v0  }
.Ltmp0:
0x2d: {  	[tilespmem:s7+$0x1020] =	vst v0;
	(pc) =	sbr.rel @p1 .LBB2_2-.Ltmp0, $4  }
0x2e: {  	[tilespmem:s7+$0x1030] =	vst v0  }
0x2f: {  	[tilespmem:s7+$0x1040] =	vst v0  }
0x30: {  	[tilespmem:s7+$0x1050] =	vst v0  }
0x31: {  	[tilespmem:s7+$0x1060] =	vst v0;
	s7 =	sshra.s32 s8, $0x2;
	s8 =	sadd.s32 $0x200, s8  }
0x32: {  	[tilespmem:s7+$0x1070] =	vst v0  }
0x33: {  	[tilespmem:s7+$0x1000] =	vst v0  }
0x34: {  	[tilespmem:s7+$0x1010] =	vst v0  }
0x35: {  	[tilespmem:s7+$0x1020] =	vst v0  }
0x36: {  	[tilespmem:s7+$0x1030] =	vst v0  }
0x37: {  	[tilespmem:s7+$0x1040] =	vst v0  }
0x38: {  	[tilespmem:s7+$0x1050] =	vst v0  }
0x39: {  	[tilespmem:s7+$0x1060] =	vst v0;
	s6 =	rddreg [dreg:$0x13]  }
0x3a: {  	[spmem:s6] =	stream.linear.scatter [tilespmem:s17], [sflag:$0x1], $0x4000, $0x38;
	[tilespmem:$0x1D080] =	vst v63  }
0x3b: {  	s8 =	rddreg [dreg:$0x14]  }
0x3c: {  	[spmem:s8] =	stream.linear.scatter [tilespmem:s17], [sflag:$0x1], $0x4000, $0x38;
	[tilespmem:$0x1D080] =	vst v63  }
0x3d: {  	s9 =	rddreg [dreg:$0x15]  }
0x3e: {  	[spmem:s9] =	stream.linear.scatter [tilespmem:s17], [sflag:$0x1], $0x4000, $0x38;
	[tilespmem:$0x1D080] =	vst v63  }
0x3f: {  	s7 =	rddreg [dreg:$0x16]  }
0x40: {  	[spmem:s7] =	stream.linear.scatter [tilespmem:s17], [sflag:$0x1], $0x4000, $0x38;
	[tilespmem:$0x1D080] =	vst v63  }
0x41: {  	s8 =	rddreg [dreg:$0x17]  }
0x42: {  	[spmem:s8] =	stream.linear.scatter [tilespmem:s17], [sflag:$0x1], $0x4000, $0x38;
	[tilespmem:$0x1D080] =	vst v63  }
0x43: {  	s6 =	rddreg [dreg:$0x18];
	s7 =	simm.s32 @!p0 $0x1000  }
0x44: {  	[spmem:s6] =	stream.linear.scatter @!p0 [tilespmem:s7], [sflag:$0x5], $0x800, $0x38;
	[tilespmem:$0x1D080] =	vst v63  }
0x45: {  	s7 =	simm.s32 @!p0 $0x5  }
0x46: {  	_ =	swait.ge @!p0 [sflag:s7], $0x800  }
0x47: {  	[sflag:s7] =	ssyncset.done @!p0 $0x0  }
0x48: {  	[sflag:s7] =	ssyncadd.s32 @!p0 $0xFFFFF800  }
0x49: {  	_ =	swait.ge [sflag:s18], $0x4000  }
0x4a: {  	[sflag:s18] =	ssyncset.done $0x0  }
0x4b: {  	[sflag:s18] =	ssyncadd.s32 $0xFFFFC000  }
0x4c: {  	_ =	swait.ge [sflag:s18], $0x4000  }
0x4d: {  	[sflag:s18] =	ssyncset.done $0x0  }
0x4e: {  	[sflag:s18] =	ssyncadd.s32 $0xFFFFC000  }
0x4f: {  	_ =	swait.ge [sflag:s18], $0x4000  }
0x50: {  	[sflag:s18] =	ssyncset.done $0x0  }
0x51: {  	[sflag:s18] =	ssyncadd.s32 $0xFFFFC000  }
0x52: {  	_ =	swait.ge [sflag:s18], $0x4000  }
0x53: {  	[sflag:s18] =	ssyncset.done $0x0  }
0x54: {  	[sflag:s18] =	ssyncadd.s32 $0xFFFFC000  }
0x55: {  	_ =	swait.ge [sflag:s18], $0x4000  }
0x56: {  	[sflag:s18] =	ssyncset.done $0x0  }
0x57: {  	[sflag:s18] =	ssyncadd.s32 $0xFFFFC000  }
0x58: {  	[bflag:$0x0] =	sbarrier.arrive $0xFFFF  }
0x59: {  	s9 =	rddreg [dreg:$0x4]  }
0x5a: {  	s7 =	sadd.s32 $0x0, s9  }
0x5b: {  	[tilespmem:s3], [sflag:$0x5] =	stream.linear.gather [hbm4b:s7+s3], $0x800, $0x38;
	[tilespmem:$0x1D080] =	vst v63  }
0x5c: {  	_ =	swait.ge [sflag:s19], $0x800  }
0x5d: {  	s6 =	rddreg [dreg:$0x3];
	[sflag:s19] =	ssyncset.done $0x0  }
0x5e: {  	[sflag:s19] =	ssyncadd.s32 $0xFFFFF800;
	s7 =	sadd.s32 $0x0, s6  }
0x5f: {  	[tilespmem:s20], [sflag:$0x5] =	stream.linear.gather [hbm4b:s7+s3], $0x800, $0x38;
	[tilespmem:$0x1D080] =	vst v63  }
0x60: {  	_ =	swait.ge [sflag:s19], $0x800  }
0x61: {  	[sflag:s19] =	ssyncset.done $0x0  }
0x62: {  	[sflag:s19] =	ssyncadd.s32 $0xFFFFF800  }
0x63: {  	[tilespmem:s17], [sflag:$0x1] =	stream.indirect.gather [hbm4b:s4+s21], $0x80, s3, s21, $0xb8;
	[tilespmem:$0x1D080] =	vst v63  }
0x64: {  	_ = 	snop  }
0x65: {  	[tilespmem:s22], [sflag:$0x2] =	stream.indirect.gather [hbm4b:s4+s21], $0x80, s21, s21, $0xb8;
	[tilespmem:$0x1D080] =	vst v63  }
0x66: {  	_ =	swait.ge [sflag:s18], $0x4000  }
0x67: {  	[sflag:s18] =	ssyncset.done $0x0  }
0x68: {  	[sflag:s18] =	ssyncadd.s32 $0xFFFFC000  }
0x69: {  	[spmem:s2] =	stream.indirect.scatter.add.f32 [tilespmem:s17], [sflag:$0x3], $0x80, s20, s21, $0xb8;
	[tilespmem:$0x1D080] =	vst v63  }
0x6a: {  	_ =	swait.ge [sflag:s23], $0x4000  }
0x6b: {  	[sflag:s23] =	ssyncset.done $0x0  }
0x6c: {  	s8 =	rddreg [dreg:$0x5];
	[sflag:s23] =	ssyncadd.s32 $0xFFFFC000  }
0x6d: {  	[tilespmem:s17], [sflag:$0x1] =	stream.indirect.gather [hbm4b:s4+s21], $0x80, s8, s21, $0xb8;
	[tilespmem:$0x1D080] =	vst v63  }
0x6e: {  	_ =	swait.ge [sflag:s24], $0x4000  }
0x6f: {  	[sflag:s24] =	ssyncset.done $0x0  }
0x70: {  	s9 =	rddreg [dreg:$0x6];
	[sflag:s24] =	ssyncadd.s32 $0xFFFFC000  }
0x71: {  	[spmem:s2] =	stream.indirect.scatter.add.f32 [tilespmem:s22], [sflag:$0x4], $0x80, s9, s21, $0xb8;
	[tilespmem:$0x1D080] =	vst v63  }
0x72: {  	_ =	swait.ge [sflag:s25], $0x4000  }
0x73: {  	[sflag:s25] =	ssyncset.done $0x0  }
0x74: {  	s6 =	rddreg [dreg:$0x7];
	[sflag:s25] =	ssyncadd.s32 $0xFFFFC000  }
0x75: {  	[tilespmem:s22], [sflag:$0x2] =	stream.indirect.gather [hbm4b:s4+s21], $0x80, s6, s21, $0xb8;
	[tilespmem:$0x1D080] =	vst v63  }
0x76: {  	_ =	swait.ge [sflag:s18], $0x4000  }
0x77: {  	[sflag:s18] =	ssyncset.done $0x0  }
0x78: {  	s8 =	rddreg [dreg:$0x8];
	[sflag:s18] =	ssyncadd.s32 $0xFFFFC000  }
0x79: {  	[spmem:s2] =	stream.indirect.scatter.add.f32 [tilespmem:s17], [sflag:$0x3], $0x80, s8, s21, $0xb8;
	[tilespmem:$0x1D080] =	vst v63  }
0x7a: {  	_ =	swait.ge [sflag:s23], $0x4000  }
0x7b: {  	[sflag:s23] =	ssyncset.done $0x0  }
0x7c: {  	s9 =	rddreg [dreg:$0x9];
	[sflag:s23] =	ssyncadd.s32 $0xFFFFC000  }
0x7d: {  	[tilespmem:s17], [sflag:$0x1] =	stream.indirect.gather [hbm4b:s4+s21], $0x80, s9, s21, $0xb8;
	[tilespmem:$0x1D080] =	vst v63  }
0x7e: {  	_ =	swait.ge [sflag:s24], $0x4000  }
0x7f: {  	[sflag:s24] =	ssyncset.done $0x0  }
0x80: {  	s6 =	rddreg [dreg:$0xa];
	[sflag:s24] =	ssyncadd.s32 $0xFFFFC000  }
0x81: {  	[spmem:s2] =	stream.indirect.scatter.add.f32 [tilespmem:s22], [sflag:$0x4], $0x80, s6, s21, $0xb8;
	[tilespmem:$0x1D080] =	vst v63  }
0x82: {  	_ =	swait.ge [sflag:s25], $0x4000  }
0x83: {  	[sflag:s25] =	ssyncset.done $0x0  }
0x84: {  	s8 =	rddreg [dreg:$0xb];
	[sflag:s25] =	ssyncadd.s32 $0xFFFFC000  }
0x85: {  	[tilespmem:s22], [sflag:$0x2] =	stream.indirect.gather [hbm4b:s4+s21], $0x80, s8, s21, $0xb8;
	[tilespmem:$0x1D080] =	vst v63  }
0x86: {  	_ =	swait.ge [sflag:s18], $0x4000  }
0x87: {  	[sflag:s18] =	ssyncset.done $0x0  }
0x88: {  	s9 =	rddreg [dreg:$0xc];
	[sflag:s18] =	ssyncadd.s32 $0xFFFFC000  }
0x89: {  	[spmem:s2] =	stream.indirect.scatter.add.f32 [tilespmem:s17], [sflag:$0x3], $0x80, s9, s21, $0xb8;
	[tilespmem:$0x1D080] =	vst v63  }
0x8a: {  	_ =	swait.ge [sflag:s23], $0x4000  }
0x8b: {  	[sflag:s23] =	ssyncset.done $0x0  }
0x8c: {  	s6 =	rddreg [dreg:$0xd];
	[sflag:s23] =	ssyncadd.s32 $0xFFFFC000  }
0x8d: {  	[tilespmem:s17], [sflag:$0x1] =	stream.indirect.gather [hbm4b:s4+s21], $0x80, s6, s21, $0xb8;
	[tilespmem:$0x1D080] =	vst v63  }
0x8e: {  	_ =	swait.ge [sflag:s24], $0x4000  }
0x8f: {  	[sflag:s24] =	ssyncset.done $0x0  }
0x90: {  	s8 =	rddreg [dreg:$0xe];
	[sflag:s24] =	ssyncadd.s32 $0xFFFFC000  }
0x91: {  	[spmem:s2] =	stream.indirect.scatter.add.f32 [tilespmem:s22], [sflag:$0x4], $0x80, s8, s21, $0xb8;
	[tilespmem:$0x1D080] =	vst v63  }
0x92: {  	_ =	swait.ge [sflag:s25], $0x4000  }
0x93: {  	[sflag:s25] =	ssyncset.done $0x0  }
0x94: {  	s9 =	rddreg [dreg:$0xf];
	[sflag:s25] =	ssyncadd.s32 $0xFFFFC000  }
0x95: {  	[tilespmem:s22], [sflag:$0x2] =	stream.indirect.gather [hbm4b:s4+s21], $0x80, s9, s21, $0xb8;
	[tilespmem:$0x1D080] =	vst v63  }
0x96: {  	_ =	swait.ge [sflag:s18], $0x4000  }
0x97: {  	[sflag:s18] =	ssyncset.done $0x0  }
0x98: {  	s6 =	rddreg [dreg:$0x10];
	[sflag:s18] =	ssyncadd.s32 $0xFFFFC000  }
0x99: {  	[spmem:s2] =	stream.indirect.scatter.add.f32 [tilespmem:s17], [sflag:$0x3], $0x80, s6, s21, $0xb8;
	[tilespmem:$0x1D080] =	vst v63  }
0x9a: {  	_ =	swait.ge [sflag:s23], $0x4000  }
0x9b: {  	[sflag:s23] =	ssyncset.done $0x0  }
0x9c: {  	s8 =	rddreg [dreg:$0x11];
	[sflag:s23] =	ssyncadd.s32 $0xFFFFC000  }
0x9d: {  	[tilespmem:s17], [sflag:$0x1] =	stream.indirect.gather [hbm4b:s4+s21], $0x80, s8, s21, $0xb8;
	[tilespmem:$0x1D080] =	vst v63  }
0x9e: {  	_ =	swait.ge [sflag:s24], $0x4000  }
0x9f: {  	[sflag:s24] =	ssyncset.done $0x0  }
0xa0: {  	s9 =	rddreg [dreg:$0x12];
	[sflag:s24] =	ssyncadd.s32 $0xFFFFC000  }
0xa1: {  	[spmem:s2] =	stream.indirect.scatter.add.f32 [tilespmem:s22], [sflag:$0x4], $0x80, s9, s21, $0xb8;
	[tilespmem:$0x1D080] =	vst v63  }
0xa2: {  	_ =	swait.ge [sflag:s25], $0x4000  }
0xa3: {  	[sflag:s25] =	ssyncset.done $0x0  }
0xa4: {  	[sflag:s25] =	ssyncadd.s32 $0xFFFFC000  }
0xa5: {  	[tilespmem:s22], [sflag:$0x2] =	stream.indirect.gather [hbm4b:s4+s21], $0x80, s26, s21, $0xb8;
	[tilespmem:$0x1D080] =	vst v63  }
0xa6: {  	_ =	swait.ge [sflag:s18], $0x4000  }
0xa7: {  	[sflag:s18] =	ssyncset.done $0x0  }
0xa8: {  	[sflag:s18] =	ssyncadd.s32 $0xFFFFC000  }
0xa9: {  	[spmem:s2] =	stream.indirect.scatter.add.f32 [tilespmem:s17], [sflag:$0x3], $0x80, s28, s21, $0xb8;
	[tilespmem:$0x1D080] =	vst v63  }
0xaa: {  	_ =	swait.ge [sflag:s23], $0x4000  }
0xab: {  	[sflag:s23] =	ssyncset.done $0x0  }
0xac: {  	[sflag:s23] =	ssyncadd.s32 $0xFFFFC000  }
0xad: {  	[tilespmem:s17], [sflag:$0x1] =	stream.indirect.gather [hbm4b:s4+s21], $0x80, s29, s21, $0xb8;
	[tilespmem:$0x1D080] =	vst v63  }
0xae: {  	_ =	swait.ge [sflag:s24], $0x4000  }
0xaf: {  	[sflag:s24] =	ssyncset.done $0x0  }
0xb0: {  	[sflag:s24] =	ssyncadd.s32 $0xFFFFC000  }
0xb1: {  	[spmem:s2] =	stream.indirect.scatter.add.f32 [tilespmem:s22], [sflag:$0x4], $0x80, s30, s21, $0xb8;
	[tilespmem:$0x1D080] =	vst v63  }
0xb2: {  	_ =	swait.ge [sflag:s25], $0x4000  }
0xb3: {  	[sflag:s25] =	ssyncset.done $0x0  }
0xb4: {  	[sflag:s25] =	ssyncadd.s32 $0xFFFFC000  }
0xb5: {  	[tilespmem:s22], [sflag:$0x2] =	stream.indirect.gather [hbm4b:s4+s21], $0x80, s31, s21, $0xb8;
	[tilespmem:$0x1D080] =	vst v63  }
0xb6: {  	_ =	swait.ge [sflag:s18], $0x4000  }
0xb7: {  	[sflag:s18] =	ssyncset.done $0x0  }
0xb8: {  	[sflag:s18] =	ssyncadd.s32 $0xFFFFC000  }
0xb9: {  	[spmem:s2] =	stream.indirect.scatter.add.f32 [tilespmem:s17], [sflag:$0x3], $0x80, s1, s21, $0xb8;
	[tilespmem:$0x1D080] =	vst v63  }
0xba: {  	_ =	swait.ge [sflag:s23], $0x4000  }
0xbb: {  	[sflag:s23] =	ssyncset.done $0x0  }
0xbc: {  	[sflag:s23] =	ssyncadd.s32 $0xFFFFC000  }
0xbd: {  	[tilespmem:s17], [sflag:$0x1] =	stream.indirect.gather [hbm4b:s4+s21], $0x80, s0, s21, $0xb8;
	[tilespmem:$0x1D080] =	vst v63  }
0xbe: {  	_ =	swait.ge [sflag:s24], $0x4000  }
0xbf: {  	[sflag:s24] =	ssyncset.done $0x0  }
0xc0: {  	[sflag:s24] =	ssyncadd.s32 $0xFFFFC000  }
0xc1: {  	[spmem:s2] =	stream.indirect.scatter.add.f32 [tilespmem:s22], [sflag:$0x4], $0x80, s10, s21, $0xb8;
	[tilespmem:$0x1D080] =	vst v63  }
0xc2: {  	_ =	swait.ge [sflag:s25], $0x4000  }
0xc3: {  	[sflag:s25] =	ssyncset.done $0x0  }
0xc4: {  	[sflag:s25] =	ssyncadd.s32 $0xFFFFC000  }
0xc5: {  	[tilespmem:s22], [sflag:$0x2] =	stream.indirect.gather [hbm4b:s4+s21], $0x80, s11, s21, $0xb8;
	[tilespmem:$0x1D080] =	vst v63  }
0xc6: {  	_ =	swait.ge [sflag:s18], $0x4000  }
0xc7: {  	[sflag:s18] =	ssyncset.done $0x0  }
0xc8: {  	[sflag:s18] =	ssyncadd.s32 $0xFFFFC000  }
0xc9: {  	[spmem:s2] =	stream.indirect.scatter.add.f32 [tilespmem:s17], [sflag:$0x3], $0x80, s12, s21, $0xb8;
	[tilespmem:$0x1D080] =	vst v63  }
0xca: {  	_ =	swait.ge [sflag:s23], $0x4000  }
0xcb: {  	[sflag:s23] =	ssyncset.done $0x0  }
0xcc: {  	[sflag:s23] =	ssyncadd.s32 $0xFFFFC000  }
0xcd: {  	[tilespmem:s17], [sflag:$0x1] =	stream.indirect.gather [hbm4b:s4+s21], $0x80, s13, s21, $0xb8;
	[tilespmem:$0x1D080] =	vst v63  }
0xce: {  	_ =	swait.ge [sflag:s24], $0x4000  }
0xcf: {  	[sflag:s24] =	ssyncset.done $0x0  }
0xd0: {  	[sflag:s24] =	ssyncadd.s32 $0xFFFFC000  }
0xd1: {  	[spmem:s2] =	stream.indirect.scatter.add.f32 [tilespmem:s22], [sflag:$0x4], $0x80, s14, s21, $0xb8;
	[tilespmem:$0x1D080] =	vst v63  }
0xd2: {  	_ =	swait.ge [sflag:s25], $0x4000  }
0xd3: {  	[sflag:s25] =	ssyncset.done $0x0  }
0xd4: {  	[sflag:s25] =	ssyncadd.s32 $0xFFFFC000  }
0xd5: {  	[tilespmem:s22], [sflag:$0x2] =	stream.indirect.gather [hbm4b:s4+s21], $0x80, s15, s21, $0xb8;
	[tilespmem:$0x1D080] =	vst v63  }
0xd6: {  	_ =	swait.ge [sflag:s18], $0x4000  }
0xd7: {  	[sflag:s18] =	ssyncset.done $0x0  }
0xd8: {  	[sflag:s18] =	ssyncadd.s32 $0xFFFFC000  }
0xd9: {  	[spmem:s2] =	stream.indirect.scatter.add.f32 [tilespmem:s17], [sflag:$0x3], $0x80, s16, s21, $0xb8;
	[tilespmem:$0x1D080] =	vst v63  }
0xda: {  	_ =	swait.ge [sflag:s23], $0x4000  }
0xdb: {  	[sflag:s23] =	ssyncset.done $0x0  }
0xdc: {  	[sflag:s23] =	ssyncadd.s32 $0xFFFFC000  }
0xdd: {  	_ =	swait.ge [sflag:s24], $0x4000  }
0xde: {  	[sflag:s24] =	ssyncset.done $0x0  }
0xdf: {  	[sflag:s24] =	ssyncadd.s32 $0xFFFFC000  }
0xe0: {  	[spmem:s2] =	stream.indirect.scatter.add.f32 [tilespmem:s22], [sflag:$0x4], $0x80, s5, s21, $0xb8;
	[tilespmem:$0x1D080] =	vst v63  }
0xe1: {  	s7 =	simm.s32 $0x100;
	_ =	swait.ge [sflag:s25], $0x4000  }
0xe2: {  	s8 =	simm.s32 $0x200;
	s9 =	rddreg [dreg:$0x4];
	[sflag:s25] =	ssyncset.done $0x0  }
.LBB2_4:
0xe3: {  	[sflag:s25] =	ssyncadd.s32 $0xFFFFC000;
	s9 =	sadd.s32 s7, s9  }
0xe4: {  	[tilespmem:s3], [sflag:$0x5] =	stream.linear.gather [hbm4b:s9+s3], $0x800, $0x38;
	[tilespmem:$0x1D080] =	vst v63  }
0xe5: {  	_ =	swait.ge [sflag:s19], $0x800  }
0xe6: {  	s9 =	rddreg [dreg:$0x3];
	[sflag:s19] =	ssyncset.done $0x0  }
0xe7: {  	[sflag:s19] =	ssyncadd.s32 $0xFFFFF800;
	s9 =	sadd.s32 s7, s9  }
0xe8: {  	[tilespmem:s20], [sflag:$0x5] =	stream.linear.gather [hbm4b:s9+s3], $0x800, $0x38;
	[tilespmem:$0x1D080] =	vst v63  }
0xe9: {  	_ =	swait.ge [sflag:s19], $0x800  }
0xea: {  	[sflag:s19] =	ssyncset.done $0x0  }
0xeb: {  	[sflag:s19] =	ssyncadd.s32 $0xFFFFF800  }
0xec: {  	[tilespmem:s17], [sflag:$0x1] =	stream.indirect.gather [hbm4b:s4+s21], $0x80, s3, s21, $0xb8;
	[tilespmem:$0x1D080] =	vst v63  }
0xed: {  	_ = 	snop  }
0xee: {  	[tilespmem:s22], [sflag:$0x2] =	stream.indirect.gather [hbm4b:s4+s21], $0x80, s21, s21, $0xb8;
	[tilespmem:$0x1D080] =	vst v63  }
0xef: {  	_ =	swait.ge [sflag:s18], $0x4000  }
0xf0: {  	[sflag:s18] =	ssyncset.done $0x0  }
0xf1: {  	[sflag:s18] =	ssyncadd.s32 $0xFFFFC000  }
0xf2: {  	[spmem:s2] =	stream.indirect.scatter.add.f32 [tilespmem:s17], [sflag:$0x3], $0x80, s20, s21, $0xb8;
	[tilespmem:$0x1D080] =	vst v63  }
0xf3: {  	_ =	swait.ge [sflag:s23], $0x4000  }
0xf4: {  	[sflag:s23] =	ssyncset.done $0x0  }
0xf5: {  	s9 =	rddreg [dreg:$0x5];
	[sflag:s23] =	ssyncadd.s32 $0xFFFFC000  }
0xf6: {  	[tilespmem:s17], [sflag:$0x1] =	stream.indirect.gather [hbm4b:s4+s21], $0x80, s9, s21, $0xb8;
	[tilespmem:$0x1D080] =	vst v63  }
0xf7: {  	_ =	swait.ge [sflag:s24], $0x4000  }
0xf8: {  	[sflag:s24] =	ssyncset.done $0x0  }
0xf9: {  	s9 =	rddreg [dreg:$0x6];
	[sflag:s24] =	ssyncadd.s32 $0xFFFFC000  }
0xfa: {  	[spmem:s2] =	stream.indirect.scatter.add.f32 [tilespmem:s22], [sflag:$0x4], $0x80, s9, s21, $0xb8;
	[tilespmem:$0x1D080] =	vst v63  }
0xfb: {  	_ =	swait.ge [sflag:s25], $0x4000  }
0xfc: {  	[sflag:s25] =	ssyncset.done $0x0  }
0xfd: {  	s9 =	rddreg [dreg:$0x7];
	[sflag:s25] =	ssyncadd.s32 $0xFFFFC000  }
0xfe: {  	[tilespmem:s22], [sflag:$0x2] =	stream.indirect.gather [hbm4b:s4+s21], $0x80, s9, s21, $0xb8;
	[tilespmem:$0x1D080] =	vst v63  }
0xff: {  	_ =	swait.ge [sflag:s18], $0x4000  }
0x100: {  	[sflag:s18] =	ssyncset.done $0x0  }
0x101: {  	s9 =	rddreg [dreg:$0x8];
	[sflag:s18] =	ssyncadd.s32 $0xFFFFC000  }
0x102: {  	[spmem:s2] =	stream.indirect.scatter.add.f32 [tilespmem:s17], [sflag:$0x3], $0x80, s9, s21, $0xb8;
	[tilespmem:$0x1D080] =	vst v63  }
0x103: {  	_ =	swait.ge [sflag:s23], $0x4000  }
0x104: {  	[sflag:s23] =	ssyncset.done $0x0  }
0x105: {  	s9 =	rddreg [dreg:$0x9];
	[sflag:s23] =	ssyncadd.s32 $0xFFFFC000  }
0x106: {  	[tilespmem:s17], [sflag:$0x1] =	stream.indirect.gather [hbm4b:s4+s21], $0x80, s9, s21, $0xb8;
	[tilespmem:$0x1D080] =	vst v63  }
0x107: {  	_ =	swait.ge [sflag:s24], $0x4000  }
0x108: {  	[sflag:s24] =	ssyncset.done $0x0  }
0x109: {  	s9 =	rddreg [dreg:$0xa];
	[sflag:s24] =	ssyncadd.s32 $0xFFFFC000  }
0x10a: {  	[spmem:s2] =	stream.indirect.scatter.add.f32 [tilespmem:s22], [sflag:$0x4], $0x80, s9, s21, $0xb8;
	[tilespmem:$0x1D080] =	vst v63  }
0x10b: {  	_ =	swait.ge [sflag:s25], $0x4000  }
0x10c: {  	[sflag:s25] =	ssyncset.done $0x0  }
0x10d: {  	s9 =	rddreg [dreg:$0xb];
	[sflag:s25] =	ssyncadd.s32 $0xFFFFC000  }
0x10e: {  	[tilespmem:s22], [sflag:$0x2] =	stream.indirect.gather [hbm4b:s4+s21], $0x80, s9, s21, $0xb8;
	[tilespmem:$0x1D080] =	vst v63  }
0x10f: {  	_ =	swait.ge [sflag:s18], $0x4000  }
0x110: {  	[sflag:s18] =	ssyncset.done $0x0  }
0x111: {  	s9 =	rddreg [dreg:$0xc];
	[sflag:s18] =	ssyncadd.s32 $0xFFFFC000  }
0x112: {  	[spmem:s2] =	stream.indirect.scatter.add.f32 [tilespmem:s17], [sflag:$0x3], $0x80, s9, s21, $0xb8;
	[tilespmem:$0x1D080] =	vst v63  }
0x113: {  	_ =	swait.ge [sflag:s23], $0x4000  }
0x114: {  	[sflag:s23] =	ssyncset.done $0x0  }
0x115: {  	s9 =	rddreg [dreg:$0xd];
	[sflag:s23] =	ssyncadd.s32 $0xFFFFC000  }
0x116: {  	[tilespmem:s17], [sflag:$0x1] =	stream.indirect.gather [hbm4b:s4+s21], $0x80, s9, s21, $0xb8;
	[tilespmem:$0x1D080] =	vst v63  }
0x117: {  	_ =	swait.ge [sflag:s24], $0x4000  }
0x118: {  	[sflag:s24] =	ssyncset.done $0x0  }
0x119: {  	s9 =	rddreg [dreg:$0xe];
	[sflag:s24] =	ssyncadd.s32 $0xFFFFC000  }
0x11a: {  	[spmem:s2] =	stream.indirect.scatter.add.f32 [tilespmem:s22], [sflag:$0x4], $0x80, s9, s21, $0xb8;
	[tilespmem:$0x1D080] =	vst v63  }
0x11b: {  	_ =	swait.ge [sflag:s25], $0x4000  }
0x11c: {  	[sflag:s25] =	ssyncset.done $0x0  }
0x11d: {  	s9 =	rddreg [dreg:$0xf];
	[sflag:s25] =	ssyncadd.s32 $0xFFFFC000  }
0x11e: {  	[tilespmem:s22], [sflag:$0x2] =	stream.indirect.gather [hbm4b:s4+s21], $0x80, s9, s21, $0xb8;
	[tilespmem:$0x1D080] =	vst v63  }
0x11f: {  	_ =	swait.ge [sflag:s18], $0x4000  }
0x120: {  	[sflag:s18] =	ssyncset.done $0x0  }
0x121: {  	s9 =	rddreg [dreg:$0x10];
	[sflag:s18] =	ssyncadd.s32 $0xFFFFC000  }
0x122: {  	[spmem:s2] =	stream.indirect.scatter.add.f32 [tilespmem:s17], [sflag:$0x3], $0x80, s9, s21, $0xb8;
	[tilespmem:$0x1D080] =	vst v63  }
0x123: {  	_ =	swait.ge [sflag:s23], $0x4000  }
0x124: {  	[sflag:s23] =	ssyncset.done $0x0  }
0x125: {  	s9 =	rddreg [dreg:$0x11];
	[sflag:s23] =	ssyncadd.s32 $0xFFFFC000  }
0x126: {  	[tilespmem:s17], [sflag:$0x1] =	stream.indirect.gather [hbm4b:s4+s21], $0x80, s9, s21, $0xb8;
	[tilespmem:$0x1D080] =	vst v63  }
0x127: {  	_ =	swait.ge [sflag:s24], $0x4000  }
0x128: {  	[sflag:s24] =	ssyncset.done $0x0  }
0x129: {  	s9 =	rddreg [dreg:$0x12];
	[sflag:s24] =	ssyncadd.s32 $0xFFFFC000  }
0x12a: {  	[spmem:s2] =	stream.indirect.scatter.add.f32 [tilespmem:s22], [sflag:$0x4], $0x80, s9, s21, $0xb8;
	[tilespmem:$0x1D080] =	vst v63  }
0x12b: {  	_ =	swait.ge [sflag:s25], $0x4000  }
0x12c: {  	[sflag:s25] =	ssyncset.done $0x0  }
0x12d: {  	[sflag:s25] =	ssyncadd.s32 $0xFFFFC000  }
0x12e: {  	[tilespmem:s22], [sflag:$0x2] =	stream.indirect.gather [hbm4b:s4+s21], $0x80, s26, s21, $0xb8;
	[tilespmem:$0x1D080] =	vst v63  }
0x12f: {  	_ =	swait.ge [sflag:s18], $0x4000  }
0x130: {  	[sflag:s18] =	ssyncset.done $0x0  }
0x131: {  	[sflag:s18] =	ssyncadd.s32 $0xFFFFC000  }
0x132: {  	[spmem:s2] =	stream.indirect.scatter.add.f32 [tilespmem:s17], [sflag:$0x3], $0x80, s28, s21, $0xb8;
	[tilespmem:$0x1D080] =	vst v63  }
0x133: {  	_ =	swait.ge [sflag:s23], $0x4000  }
0x134: {  	[sflag:s23] =	ssyncset.done $0x0  }
0x135: {  	[sflag:s23] =	ssyncadd.s32 $0xFFFFC000  }
0x136: {  	[tilespmem:s17], [sflag:$0x1] =	stream.indirect.gather [hbm4b:s4+s21], $0x80, s29, s21, $0xb8;
	[tilespmem:$0x1D080] =	vst v63  }
0x137: {  	_ =	swait.ge [sflag:s24], $0x4000  }
0x138: {  	[sflag:s24] =	ssyncset.done $0x0  }
0x139: {  	[sflag:s24] =	ssyncadd.s32 $0xFFFFC000  }
0x13a: {  	[spmem:s2] =	stream.indirect.scatter.add.f32 [tilespmem:s22], [sflag:$0x4], $0x80, s30, s21, $0xb8;
	[tilespmem:$0x1D080] =	vst v63  }
0x13b: {  	_ =	swait.ge [sflag:s25], $0x4000  }
0x13c: {  	[sflag:s25] =	ssyncset.done $0x0  }
0x13d: {  	[sflag:s25] =	ssyncadd.s32 $0xFFFFC000  }
0x13e: {  	[tilespmem:s22], [sflag:$0x2] =	stream.indirect.gather [hbm4b:s4+s21], $0x80, s31, s21, $0xb8;
	[tilespmem:$0x1D080] =	vst v63  }
0x13f: {  	_ =	swait.ge [sflag:s18], $0x4000  }
0x140: {  	[sflag:s18] =	ssyncset.done $0x0  }
0x141: {  	[sflag:s18] =	ssyncadd.s32 $0xFFFFC000  }
0x142: {  	[spmem:s2] =	stream.indirect.scatter.add.f32 [tilespmem:s17], [sflag:$0x3], $0x80, s1, s21, $0xb8;
	[tilespmem:$0x1D080] =	vst v63  }
0x143: {  	_ =	swait.ge [sflag:s23], $0x4000  }
0x144: {  	[sflag:s23] =	ssyncset.done $0x0  }
0x145: {  	[sflag:s23] =	ssyncadd.s32 $0xFFFFC000  }
0x146: {  	[tilespmem:s17], [sflag:$0x1] =	stream.indirect.gather [hbm4b:s4+s21], $0x80, s0, s21, $0xb8;
	[tilespmem:$0x1D080] =	vst v63  }
0x147: {  	_ =	swait.ge [sflag:s24], $0x4000  }
0x148: {  	[sflag:s24] =	ssyncset.done $0x0  }
0x149: {  	[sflag:s24] =	ssyncadd.s32 $0xFFFFC000  }
0x14a: {  	[spmem:s2] =	stream.indirect.scatter.add.f32 [tilespmem:s22], [sflag:$0x4], $0x80, s10, s21, $0xb8;
	[tilespmem:$0x1D080] =	vst v63  }
0x14b: {  	_ =	swait.ge [sflag:s25], $0x4000  }
0x14c: {  	[sflag:s25] =	ssyncset.done $0x0  }
0x14d: {  	[sflag:s25] =	ssyncadd.s32 $0xFFFFC000  }
0x14e: {  	[tilespmem:s22], [sflag:$0x2] =	stream.indirect.gather [hbm4b:s4+s21], $0x80, s11, s21, $0xb8;
	[tilespmem:$0x1D080] =	vst v63  }
0x14f: {  	_ =	swait.ge [sflag:s18], $0x4000  }
0x150: {  	[sflag:s18] =	ssyncset.done $0x0  }
0x151: {  	[sflag:s18] =	ssyncadd.s32 $0xFFFFC000  }
0x152: {  	[spmem:s2] =	stream.indirect.scatter.add.f32 [tilespmem:s17], [sflag:$0x3], $0x80, s12, s21, $0xb8;
	[tilespmem:$0x1D080] =	vst v63  }
0x153: {  	_ =	swait.ge [sflag:s23], $0x4000  }
0x154: {  	[sflag:s23] =	ssyncset.done $0x0  }
0x155: {  	[sflag:s23] =	ssyncadd.s32 $0xFFFFC000  }
0x156: {  	[tilespmem:s17], [sflag:$0x1] =	stream.indirect.gather [hbm4b:s4+s21], $0x80, s13, s21, $0xb8;
	[tilespmem:$0x1D080] =	vst v63  }
0x157: {  	_ =	swait.ge [sflag:s24], $0x4000  }
0x158: {  	[sflag:s24] =	ssyncset.done $0x0  }
0x159: {  	[sflag:s24] =	ssyncadd.s32 $0xFFFFC000  }
0x15a: {  	[spmem:s2] =	stream.indirect.scatter.add.f32 [tilespmem:s22], [sflag:$0x4], $0x80, s14, s21, $0xb8;
	[tilespmem:$0x1D080] =	vst v63  }
0x15b: {  	_ =	swait.ge [sflag:s25], $0x4000  }
0x15c: {  	[sflag:s25] =	ssyncset.done $0x0  }
0x15d: {  	[sflag:s25] =	ssyncadd.s32 $0xFFFFC000  }
0x15e: {  	[tilespmem:s22], [sflag:$0x2] =	stream.indirect.gather [hbm4b:s4+s21], $0x80, s15, s21, $0xb8;
	[tilespmem:$0x1D080] =	vst v63  }
0x15f: {  	_ =	swait.ge [sflag:s18], $0x4000  }
0x160: {  	[sflag:s18] =	ssyncset.done $0x0  }
0x161: {  	[sflag:s18] =	ssyncadd.s32 $0xFFFFC000  }
0x162: {  	[spmem:s2] =	stream.indirect.scatter.add.f32 [tilespmem:s17], [sflag:$0x3], $0x80, s16, s21, $0xb8;
	[tilespmem:$0x1D080] =	vst v63  }
0x163: {  	_ =	swait.ge [sflag:s23], $0x4000  }
0x164: {  	[sflag:s23] =	ssyncset.done $0x0  }
0x165: {  	[sflag:s23] =	ssyncadd.s32 $0xFFFFC000  }
0x166: {  	p1 =	sne.s32 s8, $0x400;
	_ =	swait.ge [sflag:s24], $0x4000  }
.Ltmp1:
0x167: {  	[sflag:s24] =	ssyncset.done $0x0;
	(pc) =	sbr.rel @p1 .LBB2_4-.Ltmp1, $4  }
0x168: {  	[sflag:s24] =	ssyncadd.s32 $0xFFFFC000  }
0x169: {  	[spmem:s2] =	stream.indirect.scatter.add.f32 [tilespmem:s22], [sflag:$0x4], $0x80, s5, s21, $0xb8;
	[tilespmem:$0x1D080] =	vst v63  }
0x16a: {  	s6 =	smov.u32 s8;
	s8 =	sadd.s32 $0x100, s8;
	_ =	swait.ge [sflag:s25], $0x4000  }
0x16b: {  	s7 =	smov.u32 s6;
	s9 =	rddreg [dreg:$0x4];
	[sflag:s25] =	ssyncset.done $0x0  }
0x16c: {  	[sflag:s25] =	ssyncadd.s32 $0xFFFFC000;
	s6 =	sadd.s32 s7, s9  }
0x16d: {  	[tilespmem:s3], [sflag:$0x5] =	stream.linear.gather [hbm4b:s6+s3], $0x800, $0x38;
	[tilespmem:$0x1D080] =	vst v63  }
0x16e: {  	_ =	swait.ge [sflag:s19], $0x800  }
0x16f: {  	s9 =	rddreg [dreg:$0x3];
	[sflag:s19] =	ssyncset.done $0x0  }
0x170: {  	s6 =	sadd.s32 s7, s9;
	[sflag:s19] =	ssyncadd.s32 $0xFFFFF800  }
0x171: {  	[tilespmem:s20], [sflag:$0x5] =	stream.linear.gather [hbm4b:s6+s3], $0x800, $0x38;
	[tilespmem:$0x1D080] =	vst v63  }
0x172: {  	_ =	swait.ge [sflag:s19], $0x800  }
0x173: {  	[sflag:s19] =	ssyncset.done $0x0  }
0x174: {  	[sflag:s19] =	ssyncadd.s32 $0xFFFFF800  }
0x175: {  	[tilespmem:s17], [sflag:$0x1] =	stream.indirect.gather [hbm4b:s4+s21], $0x80, s3, s21, $0xb8;
	[tilespmem:$0x1D080] =	vst v63  }
0x176: {  	_ = 	snop  }
0x177: {  	[tilespmem:s22], [sflag:$0x2] =	stream.indirect.gather [hbm4b:s4+s21], $0x80, s21, s21, $0xb8;
	[tilespmem:$0x1D080] =	vst v63  }
0x178: {  	_ =	swait.ge [sflag:s18], $0x4000  }
0x179: {  	[sflag:s18] =	ssyncset.done $0x0  }
0x17a: {  	[sflag:s18] =	ssyncadd.s32 $0xFFFFC000  }
0x17b: {  	[spmem:s2] =	stream.indirect.scatter.add.f32 [tilespmem:s17], [sflag:$0x3], $0x80, s20, s21, $0xb8;
	[tilespmem:$0x1D080] =	vst v63  }
0x17c: {  	_ =	swait.ge [sflag:s23], $0x4000  }
0x17d: {  	[sflag:s23] =	ssyncset.done $0x0  }
0x17e: {  	s8 =	rddreg [dreg:$0x5];
	[sflag:s23] =	ssyncadd.s32 $0xFFFFC000  }
0x17f: {  	[tilespmem:s17], [sflag:$0x1] =	stream.indirect.gather [hbm4b:s4+s21], $0x80, s8, s21, $0xb8;
	[tilespmem:$0x1D080] =	vst v63  }
0x180: {  	_ =	swait.ge [sflag:s24], $0x4000  }
0x181: {  	[sflag:s24] =	ssyncset.done $0x0  }
0x182: {  	s9 =	rddreg [dreg:$0x6];
	[sflag:s24] =	ssyncadd.s32 $0xFFFFC000  }
0x183: {  	[spmem:s2] =	stream.indirect.scatter.add.f32 [tilespmem:s22], [sflag:$0x4], $0x80, s9, s21, $0xb8;
	[tilespmem:$0x1D080] =	vst v63  }
0x184: {  	_ =	swait.ge [sflag:s25], $0x4000  }
0x185: {  	[sflag:s25] =	ssyncset.done $0x0  }
0x186: {  	s7 =	rddreg [dreg:$0x7];
	[sflag:s25] =	ssyncadd.s32 $0xFFFFC000  }
0x187: {  	[tilespmem:s22], [sflag:$0x2] =	stream.indirect.gather [hbm4b:s4+s21], $0x80, s7, s21, $0xb8;
	[tilespmem:$0x1D080] =	vst v63  }
0x188: {  	_ =	swait.ge [sflag:s18], $0x4000  }
0x189: {  	[sflag:s18] =	ssyncset.done $0x0  }
0x18a: {  	s8 =	rddreg [dreg:$0x8];
	[sflag:s18] =	ssyncadd.s32 $0xFFFFC000  }
0x18b: {  	[spmem:s2] =	stream.indirect.scatter.add.f32 [tilespmem:s17], [sflag:$0x3], $0x80, s8, s21, $0xb8;
	[tilespmem:$0x1D080] =	vst v63  }
0x18c: {  	_ =	swait.ge [sflag:s23], $0x4000  }
0x18d: {  	[sflag:s23] =	ssyncset.done $0x0  }
0x18e: {  	s9 =	rddreg [dreg:$0x9];
	[sflag:s23] =	ssyncadd.s32 $0xFFFFC000  }
0x18f: {  	[tilespmem:s17], [sflag:$0x1] =	stream.indirect.gather [hbm4b:s4+s21], $0x80, s9, s21, $0xb8;
	[tilespmem:$0x1D080] =	vst v63  }
0x190: {  	_ =	swait.ge [sflag:s24], $0x4000  }
0x191: {  	[sflag:s24] =	ssyncset.done $0x0  }
0x192: {  	s7 =	rddreg [dreg:$0xa];
	[sflag:s24] =	ssyncadd.s32 $0xFFFFC000  }
0x193: {  	[spmem:s2] =	stream.indirect.scatter.add.f32 [tilespmem:s22], [sflag:$0x4], $0x80, s7, s21, $0xb8;
	[tilespmem:$0x1D080] =	vst v63  }
0x194: {  	_ =	swait.ge [sflag:s25], $0x4000  }
0x195: {  	[sflag:s25] =	ssyncset.done $0x0  }
0x196: {  	s8 =	rddreg [dreg:$0xb];
	[sflag:s25] =	ssyncadd.s32 $0xFFFFC000  }
0x197: {  	[tilespmem:s22], [sflag:$0x2] =	stream.indirect.gather [hbm4b:s4+s21], $0x80, s8, s21, $0xb8;
	[tilespmem:$0x1D080] =	vst v63  }
0x198: {  	_ =	swait.ge [sflag:s18], $0x4000  }
0x199: {  	[sflag:s18] =	ssyncset.done $0x0  }
0x19a: {  	s9 =	rddreg [dreg:$0xc];
	[sflag:s18] =	ssyncadd.s32 $0xFFFFC000  }
0x19b: {  	[spmem:s2] =	stream.indirect.scatter.add.f32 [tilespmem:s17], [sflag:$0x3], $0x80, s9, s21, $0xb8;
	[tilespmem:$0x1D080] =	vst v63  }
0x19c: {  	_ =	swait.ge [sflag:s23], $0x4000  }
0x19d: {  	[sflag:s23] =	ssyncset.done $0x0  }
0x19e: {  	s7 =	rddreg [dreg:$0xd];
	[sflag:s23] =	ssyncadd.s32 $0xFFFFC000  }
0x19f: {  	[tilespmem:s17], [sflag:$0x1] =	stream.indirect.gather [hbm4b:s4+s21], $0x80, s7, s21, $0xb8;
	[tilespmem:$0x1D080] =	vst v63  }
0x1a0: {  	_ =	swait.ge [sflag:s24], $0x4000  }
0x1a1: {  	[sflag:s24] =	ssyncset.done $0x0  }
0x1a2: {  	s8 =	rddreg [dreg:$0xe];
	[sflag:s24] =	ssyncadd.s32 $0xFFFFC000  }
0x1a3: {  	[spmem:s2] =	stream.indirect.scatter.add.f32 [tilespmem:s22], [sflag:$0x4], $0x80, s8, s21, $0xb8;
	[tilespmem:$0x1D080] =	vst v63  }
0x1a4: {  	_ =	swait.ge [sflag:s25], $0x4000  }
0x1a5: {  	[sflag:s25] =	ssyncset.done $0x0  }
0x1a6: {  	s9 =	rddreg [dreg:$0xf];
	[sflag:s25] =	ssyncadd.s32 $0xFFFFC000  }
0x1a7: {  	[tilespmem:s22], [sflag:$0x2] =	stream.indirect.gather [hbm4b:s4+s21], $0x80, s9, s21, $0xb8;
	[tilespmem:$0x1D080] =	vst v63  }
0x1a8: {  	_ =	swait.ge [sflag:s18], $0x4000  }
0x1a9: {  	[sflag:s18] =	ssyncset.done $0x0  }
0x1aa: {  	s7 =	rddreg [dreg:$0x10];
	[sflag:s18] =	ssyncadd.s32 $0xFFFFC000  }
0x1ab: {  	[spmem:s2] =	stream.indirect.scatter.add.f32 [tilespmem:s17], [sflag:$0x3], $0x80, s7, s21, $0xb8;
	[tilespmem:$0x1D080] =	vst v63  }
0x1ac: {  	_ =	swait.ge [sflag:s23], $0x4000  }
0x1ad: {  	[sflag:s23] =	ssyncset.done $0x0  }
0x1ae: {  	s8 =	rddreg [dreg:$0x11];
	[sflag:s23] =	ssyncadd.s32 $0xFFFFC000  }
0x1af: {  	[tilespmem:s17], [sflag:$0x1] =	stream.indirect.gather [hbm4b:s4+s21], $0x80, s8, s21, $0xb8;
	[tilespmem:$0x1D080] =	vst v63  }
0x1b0: {  	_ =	swait.ge [sflag:s24], $0x4000  }
0x1b1: {  	[sflag:s24] =	ssyncset.done $0x0  }
0x1b2: {  	s9 =	rddreg [dreg:$0x12];
	[sflag:s24] =	ssyncadd.s32 $0xFFFFC000  }
0x1b3: {  	[spmem:s2] =	stream.indirect.scatter.add.f32 [tilespmem:s22], [sflag:$0x4], $0x80, s9, s21, $0xb8;
	[tilespmem:$0x1D080] =	vst v63  }
0x1b4: {  	_ =	swait.ge [sflag:s25], $0x4000  }
0x1b5: {  	[sflag:s25] =	ssyncset.done $0x0  }
0x1b6: {  	[sflag:s25] =	ssyncadd.s32 $0xFFFFC000  }
0x1b7: {  	[tilespmem:s22], [sflag:$0x2] =	stream.indirect.gather [hbm4b:s4+s21], $0x80, s26, s21, $0xb8;
	[tilespmem:$0x1D080] =	vst v63  }
0x1b8: {  	_ =	swait.ge [sflag:s18], $0x4000  }
0x1b9: {  	[sflag:s18] =	ssyncset.done $0x0  }
0x1ba: {  	[sflag:s18] =	ssyncadd.s32 $0xFFFFC000  }
0x1bb: {  	[spmem:s2] =	stream.indirect.scatter.add.f32 [tilespmem:s17], [sflag:$0x3], $0x80, s28, s21, $0xb8;
	[tilespmem:$0x1D080] =	vst v63  }
0x1bc: {  	_ =	swait.ge [sflag:s23], $0x4000  }
0x1bd: {  	[sflag:s23] =	ssyncset.done $0x0  }
0x1be: {  	[sflag:s23] =	ssyncadd.s32 $0xFFFFC000  }
0x1bf: {  	[tilespmem:s17], [sflag:$0x1] =	stream.indirect.gather [hbm4b:s4+s21], $0x80, s29, s21, $0xb8;
	[tilespmem:$0x1D080] =	vst v63  }
0x1c0: {  	_ =	swait.ge [sflag:s24], $0x4000  }
0x1c1: {  	[sflag:s24] =	ssyncset.done $0x0  }
0x1c2: {  	[sflag:s24] =	ssyncadd.s32 $0xFFFFC000  }
0x1c3: {  	[spmem:s2] =	stream.indirect.scatter.add.f32 [tilespmem:s22], [sflag:$0x4], $0x80, s30, s21, $0xb8;
	[tilespmem:$0x1D080] =	vst v63  }
0x1c4: {  	_ =	swait.ge [sflag:s25], $0x4000  }
0x1c5: {  	[sflag:s25] =	ssyncset.done $0x0  }
0x1c6: {  	[sflag:s25] =	ssyncadd.s32 $0xFFFFC000  }
0x1c7: {  	[tilespmem:s22], [sflag:$0x2] =	stream.indirect.gather [hbm4b:s4+s21], $0x80, s31, s21, $0xb8;
	[tilespmem:$0x1D080] =	vst v63  }
0x1c8: {  	_ =	swait.ge [sflag:s18], $0x4000  }
0x1c9: {  	[sflag:s18] =	ssyncset.done $0x0  }
0x1ca: {  	[sflag:s18] =	ssyncadd.s32 $0xFFFFC000  }
0x1cb: {  	[spmem:s2] =	stream.indirect.scatter.add.f32 [tilespmem:s17], [sflag:$0x3], $0x80, s1, s21, $0xb8;
	[tilespmem:$0x1D080] =	vst v63  }
0x1cc: {  	_ =	swait.ge [sflag:s23], $0x4000  }
0x1cd: {  	[sflag:s23] =	ssyncset.done $0x0  }
0x1ce: {  	[sflag:s23] =	ssyncadd.s32 $0xFFFFC000  }
0x1cf: {  	[tilespmem:s17], [sflag:$0x1] =	stream.indirect.gather [hbm4b:s4+s21], $0x80, s0, s21, $0xb8;
	[tilespmem:$0x1D080] =	vst v63  }
0x1d0: {  	_ =	swait.ge [sflag:s24], $0x4000  }
0x1d1: {  	[sflag:s24] =	ssyncset.done $0x0  }
0x1d2: {  	[sflag:s24] =	ssyncadd.s32 $0xFFFFC000  }
0x1d3: {  	[spmem:s2] =	stream.indirect.scatter.add.f32 [tilespmem:s22], [sflag:$0x4], $0x80, s10, s21, $0xb8;
	[tilespmem:$0x1D080] =	vst v63  }
0x1d4: {  	_ =	swait.ge [sflag:s25], $0x4000  }
0x1d5: {  	[sflag:s25] =	ssyncset.done $0x0  }
0x1d6: {  	[sflag:s25] =	ssyncadd.s32 $0xFFFFC000  }
0x1d7: {  	[tilespmem:s22], [sflag:$0x2] =	stream.indirect.gather [hbm4b:s4+s21], $0x80, s11, s21, $0xb8;
	[tilespmem:$0x1D080] =	vst v63  }
0x1d8: {  	_ =	swait.ge [sflag:s18], $0x4000  }
0x1d9: {  	[sflag:s18] =	ssyncset.done $0x0  }
0x1da: {  	[sflag:s18] =	ssyncadd.s32 $0xFFFFC000  }
0x1db: {  	[spmem:s2] =	stream.indirect.scatter.add.f32 [tilespmem:s17], [sflag:$0x3], $0x80, s12, s21, $0xb8;
	[tilespmem:$0x1D080] =	vst v63  }
0x1dc: {  	_ =	swait.ge [sflag:s23], $0x4000  }
0x1dd: {  	[sflag:s23] =	ssyncset.done $0x0  }
0x1de: {  	[sflag:s23] =	ssyncadd.s32 $0xFFFFC000  }
0x1df: {  	[tilespmem:s17], [sflag:$0x1] =	stream.indirect.gather [hbm4b:s4+s21], $0x80, s13, s21, $0xb8;
	[tilespmem:$0x1D080] =	vst v63  }
0x1e0: {  	_ =	swait.ge [sflag:s24], $0x4000  }
0x1e1: {  	[sflag:s24] =	ssyncset.done $0x0  }
0x1e2: {  	[sflag:s24] =	ssyncadd.s32 $0xFFFFC000  }
0x1e3: {  	[spmem:s2] =	stream.indirect.scatter.add.f32 [tilespmem:s22], [sflag:$0x4], $0x80, s14, s21, $0xb8;
	[tilespmem:$0x1D080] =	vst v63  }
0x1e4: {  	_ =	swait.ge [sflag:s25], $0x4000  }
0x1e5: {  	[sflag:s25] =	ssyncset.done $0x0  }
0x1e6: {  	[sflag:s25] =	ssyncadd.s32 $0xFFFFC000  }
0x1e7: {  	[tilespmem:s22], [sflag:$0x2] =	stream.indirect.gather [hbm4b:s4+s21], $0x80, s15, s21, $0xb8;
	[tilespmem:$0x1D080] =	vst v63  }
0x1e8: {  	_ =	swait.ge [sflag:s18], $0x4000  }
0x1e9: {  	[sflag:s18] =	ssyncset.done $0x0  }
0x1ea: {  	[sflag:s18] =	ssyncadd.s32 $0xFFFFC000  }
0x1eb: {  	[spmem:s2] =	stream.indirect.scatter.add.f32 [tilespmem:s17], [sflag:$0x3], $0x80, s16, s21, $0xb8;
	[tilespmem:$0x1D080] =	vst v63  }
0x1ec: {  	_ =	swait.ge [sflag:s23], $0x4000  }
0x1ed: {  	[sflag:s23] =	ssyncset.done $0x0  }
0x1ee: {  	[sflag:s23] =	ssyncadd.s32 $0xFFFFC000  }
0x1ef: {  	_ =	swait.ge [sflag:s24], $0x4000  }
0x1f0: {  	[sflag:s24] =	ssyncset.done $0x0  }
0x1f1: {  	[sflag:s24] =	ssyncadd.s32 $0xFFFFC000  }
0x1f2: {  	[spmem:s2] =	stream.indirect.scatter.add.f32 [tilespmem:s22], [sflag:$0x4], $0x80, s5, s21, $0xb8;
	[tilespmem:$0x1D080] =	vst v63  }
0x1f3: {  	_ =	swait.ge [sflag:s25], $0x4000  }
0x1f4: {  	[sflag:s25] =	ssyncset.done $0x0  }
0x1f5: {  	[sflag:s25] =	ssyncadd.s32 $0xFFFFC000  }
0x1f6: {  	[bflag:$0x0] =	sbarrier.arrive $0xFFFF  }
0x1f7: {  	s7 =	rddreg [dreg:$0x13]  }
0x1f8: {  	[tilespmem:s17], [sflag:$0x1] =	stream.linear.gather [spmem:s7], $0x4000, $0x38;
	[tilespmem:$0x1D080] =	vst v63  }
0x1f9: {  	s8 =	rddreg [dreg:$0x14]  }
0x1fa: {  	[tilespmem:s22], [sflag:$0x2] =	stream.linear.gather [spmem:s8], $0x4000, $0x38;
	[tilespmem:$0x1D080] =	vst v63  }
0x1fb: {  	_ =	swait.ge [sflag:s18], $0x4000  }
0x1fc: {  	[sflag:s18] =	ssyncset.done $0x0  }
0x1fd: {  	s9 =	rddreg [dreg:$0x19];
	[sflag:s18] =	ssyncadd.s32 $0xFFFFC000  }
0x1fe: {  	[hbm4b:s9+s3] =	stream.linear.scatter [tilespmem:s17], [sflag:$0x3], $0x4000, $0x38;
	[tilespmem:$0x1D080] =	vst v63  }
0x1ff: {  	_ =	swait.ge [sflag:s23], $0x4000  }
0x200: {  	[sflag:s23] =	ssyncset.done $0x0  }
0x201: {  	s7 =	rddreg [dreg:$0x15];
	[sflag:s23] =	ssyncadd.s32 $0xFFFFC000  }
0x202: {  	[tilespmem:s17], [sflag:$0x1] =	stream.linear.gather [spmem:s7], $0x4000, $0x38;
	[tilespmem:$0x1D080] =	vst v63  }
0x203: {  	_ =	swait.ge [sflag:s24], $0x4000  }
0x204: {  	[sflag:s24] =	ssyncset.done $0x0  }
0x205: {  	s8 =	rddreg [dreg:$0x1a];
	[sflag:s24] =	ssyncadd.s32 $0xFFFFC000  }
0x206: {  	[hbm4b:s8+s3] =	stream.linear.scatter [tilespmem:s22], [sflag:$0x4], $0x4000, $0x38;
	[tilespmem:$0x1D080] =	vst v63  }
0x207: {  	_ =	swait.ge [sflag:s25], $0x4000  }
0x208: {  	[sflag:s25] =	ssyncset.done $0x0  }
0x209: {  	s9 =	rddreg [dreg:$0x16];
	[sflag:s25] =	ssyncadd.s32 $0xFFFFC000  }
0x20a: {  	[tilespmem:s22], [sflag:$0x2] =	stream.linear.gather [spmem:s9], $0x4000, $0x38;
	[tilespmem:$0x1D080] =	vst v63  }
0x20b: {  	_ =	swait.ge [sflag:s18], $0x4000  }
0x20c: {  	[sflag:s18] =	ssyncset.done $0x0  }
0x20d: {  	s7 =	rddreg [dreg:$0x1b];
	[sflag:s18] =	ssyncadd.s32 $0xFFFFC000  }
0x20e: {  	[hbm4b:s7+s3] =	stream.linear.scatter [tilespmem:s17], [sflag:$0x3], $0x4000, $0x38;
	[tilespmem:$0x1D080] =	vst v63  }
0x20f: {  	_ =	swait.ge [sflag:s23], $0x4000  }
0x210: {  	[sflag:s23] =	ssyncset.done $0x0  }
0x211: {  	s8 =	rddreg [dreg:$0x17];
	[sflag:s23] =	ssyncadd.s32 $0xFFFFC000  }
0x212: {  	[tilespmem:s17], [sflag:$0x1] =	stream.linear.gather [spmem:s8], $0x4000, $0x38;
	[tilespmem:$0x1D080] =	vst v63  }
0x213: {  	_ =	swait.ge [sflag:s24], $0x4000  }
0x214: {  	[sflag:s24] =	ssyncset.done $0x0  }
0x215: {  	s9 =	rddreg [dreg:$0x1c];
	[sflag:s24] =	ssyncadd.s32 $0xFFFFC000  }
0x216: {  	[hbm4b:s9+s3] =	stream.linear.scatter [tilespmem:s22], [sflag:$0x4], $0x4000, $0x38;
	[tilespmem:$0x1D080] =	vst v63  }
0x217: {  	_ =	swait.ge [sflag:s18], $0x4000  }
0x218: {  	[sflag:s18] =	ssyncset.done $0x0  }
0x219: {  	s7 =	rddreg [dreg:$0x1d];
	[sflag:s18] =	ssyncadd.s32 $0xFFFFC000  }
0x21a: {  	[hbm4b:s7+s3] =	stream.linear.scatter [tilespmem:s17], [sflag:$0x3], $0x4000, $0x38;
	[tilespmem:$0x1D080] =	vst v63  }
0x21b: {  	_ =	swait.ge [sflag:s25], $0x4000  }
0x21c: {  	[sflag:s25] =	ssyncset.done $0x0  }
0x21d: {  	[sflag:s25] =	ssyncadd.s32 $0xFFFFC000  }
0x21e: {  	_ =	swait.ge [sflag:s23], $0x4000  }
0x21f: {  	s8 =	rddreg [dreg:$0x1f]  }
0x220: {  	s9 =	rddreg [dreg:$0x1e];
	s7 =	sadd.s32 $0x1, s8  }
0x221: {  	p1 =	sne.s32 s7, s9  }
.Ltmp2:
0x222: {  	_ = 	snop;
	(pc) =	sbr.rel @p1 .LBB2_1-.Ltmp2, $3  }
0x223: {  	_ =	sdelay $0x1  }
0x224: {  	[sflag:s23] =	ssyncset.done $0x0  }
0x225: {  	[sflag:s23] =	ssyncadd.s32 $0xFFFFC000  }
0x226: {  	_ =	sfence.sel $0x180000  }
0x227: {  	[bflag:$0x0] =	sbarrier.arrive $0xFFFF  }
0x228: {  	_ =	strace $0x9000004A  }
0x229: {  	s0 =	stileid.u32;
	[bflag:$0x2] =	sbarrier.arrive $0xFFFF  }
0x22a: {  	p0 =	sne.s32 s0, $0x0;
	s0 =	rddreg [dreg:$0x2]  }
0x22b: {  	s0 =	sadd.s32 @!p0 $0x100000, s0  }
0x22c: {  	[sflag:s0] =	ssyncadd.tile.s32 @!p0 $0x1;
	_ =	shalt  }
.Lfunc_end2:
_tile_overlayer_lowered:
.L_overlay_start_2:
0x22d: {  	(tag) =	ssettag $0x2  }
0x22e: {  	s0 =	rddreg [dreg:$0x0];
	s2 =	stileid.u32  }
0x22f: {  	s1 =	rddreg [dreg:$0x1];
	p0 =	sne.s32 s2, $0x0  }
0x230: {  	s3 =	rddreg [dreg:$0x2];
	[bflag:$0x3] =	sbarrier.arrive $0xFFFF;
	s2 =	simm.s32 @!p0 $0x1C05  }
0x231: {  	[timem:s3], [sflag:s2] =	dma.local @!p0 [hbm:s0], s1  }
0x232: {  	s0 =	simm.s32 @!p0 $0x5  }
0x233: {  	_ =	swait.ge @!p0 [sflag:s0], s1  }
0x234: {  	s1 =	ssub.s32 @!p0 $0x0, s1;
	[sflag:s0] =	ssyncset.done @!p0 $0x0  }
0x235: {  	[sflag:s0] =	ssyncadd.s32 @!p0 s1  }
0x236: {  	[bflag:$0x3] =	sbarrier.arrive $0xFFFF  }
0x237: {  	_ =	shalt  }

</sc_bundles>
